<compile_context>
chip_gen: v7x
topology: tpu7x:2x2x1
jax: 0.10.2.dev20260603
libtpu: 0.0.44.dev20260713+nightly
codegen_flags: <defaults>
</compile_context>

<pallas_src>
import functools

import jax
import jax.numpy as jnp
from jax import lax
from jax.experimental import pallas as pl
from jax.experimental.pallas import tpu as pltpu
from jax.experimental.pallas import tpu_sc as plsc

N = 10000
D = 128
H = 128
O = 32

NC = 2
NS = 16
NW = NC * NS


NPAD = 10240


def _make_spmm(width: int, n_edges: int, chunk: int, nbuf: int):
    assert n_edges % (NW * chunk) == 0
    assert chunk % 8 == 0 and chunk <= 128
    epw = n_edges // NW
    nchunks = epw // chunk
    nring = 2 * nbuf
    assert nchunks % nring == 0
    rows_per_s = NPAD // NS

    mesh = plsc.VectorSubcoreMesh(core_axis_name="c", subcore_axis_name="s")

    @functools.partial(
        pl.kernel,
        mesh=mesh,
        out_type=jax.ShapeDtypeStruct((NC, NPAD, width), jnp.float32),
        scratch_types=[
            [pltpu.VMEM((chunk,), jnp.int32) for _ in range(nring)],
            [pltpu.VMEM((chunk,), jnp.int32) for _ in range(nring)],
            [pltpu.VMEM((chunk, width), jnp.float32) for _ in range(nbuf)],
            pltpu.VMEM_SHARED((NPAD, width), jnp.float32),
            pltpu.SemaphoreType.DMA,
            pltpu.SemaphoreType.DMA,
        ],
    )
    def spmm(sup_hbm, eidx_hbm, zero_hbm, out_hbm,
             rcol, rrow, bufs, acc_sh, sem_i, sem_g):
        c = lax.axis_index("c")
        s = lax.axis_index("s")
        wid = s * NC + c
        base = pl.multiple_of(wid * epw, chunk)
        rbase = pl.multiple_of(s * rows_per_s, rows_per_s)

        def idx_fetch(k, u):
            off = pl.multiple_of(
                base + jnp.minimum(k, nchunks - 1) * chunk, chunk)
            pltpu.async_copy(eidx_hbm.at[pl.ds(n_edges + off, chunk)],
                             rcol[u], sem_i)
            pltpu.async_copy(eidx_hbm.at[pl.ds(off, chunk)], rrow[u], sem_i)

        def idx_wait(u):
            pltpu.make_async_copy(eidx_hbm.at[pl.ds(0, chunk)],
                                  rcol[u], sem_i).wait()
            pltpu.make_async_copy(eidx_hbm.at[pl.ds(0, chunk)],
                                  rrow[u], sem_i).wait()

        def gather(k, b, u):
            pltpu.async_copy(sup_hbm.at[rcol[u]], bufs[b], sem_g)

        def gwait(b):
            pltpu.make_async_copy(sup_hbm.at[rcol[0]], bufs[b], sem_g).wait()

        pltpu.sync_copy(zero_hbm, acc_sh.at[pl.ds(rbase, rows_per_s)])

        for u in range(nring):
            idx_fetch(u, u)
        for u in range(nbuf):
            idx_wait(u)
        plsc.subcore_barrier()
        for b in range(nbuf):
            gather(b, b, b)

        def body(g, carry):
            for j in range(nring):
                i = g * nring + j
                b = j % nbuf
                gwait(b)
                pltpu.sync_copy(bufs[b], acc_sh.at[rrow[j]], add=True)
                idx_fetch(i + nring, j)
                idx_wait(j)
                gather(i + nbuf, b, (j + nbuf) % nring)
            return carry

        lax.fori_loop(0, nchunks // nring, body, 0)
        for b in range(nbuf):
            gwait(b)
            idx_wait(b)
        plsc.subcore_barrier()

        pltpu.sync_copy(acc_sh.at[pl.ds(rbase, rows_per_s)],
                        out_hbm.at[c, pl.ds(rbase, rows_per_s)])

    return spmm


_BN = 1000


def _tc1_body(x_ref, w_ref, b_ref, w2_ref, b2_ref, sup_ref, mlp_ref):
    sup = jnp.dot(x_ref[...], w_ref[...], preferred_element_type=jnp.float32)
    sup_ref[...] = sup
    h = jnp.maximum(sup + b_ref[...], 0.0)
    mlp_ref[...] = (
        jnp.dot(h, w2_ref[...], preferred_element_type=jnp.float32) + b2_ref[...]
    )


def _tc2_body(p_ref, b_ref, out_ref):
    out_ref[...] = jnp.maximum(p_ref[0] + p_ref[1] + b_ref[...], 0.0)


def _tc3_body(q_ref, w2_ref, mlp_ref, mw_ref, mean_ref, std_ref):
    g = jnp.dot(q_ref[0] + q_ref[1], w2_ref[...],
                preferred_element_type=jnp.float32)
    mw = mw_ref[0, 0]
    ratio = jax.nn.sigmoid(mw)
    mlp = mlp_ref[...]
    mean_ref[...] = g[:, :O] * mw + mlp[:, :O] * (1.0 - mw)
    std_ref[...] = g[:, O:] * ratio + mlp[:, O:] * (1.0 - ratio)


def _row_block(bn, cols):
    return pl.BlockSpec((bn, cols), lambda i: (i, 0))


def _full(shape):
    return pl.BlockSpec(shape, lambda i: tuple(0 for _ in shape))


def kernel(x, edge_index, mixture_weight, hidden_weight, hidden_bias,
           mean_weight, mean_bias, log_std_weight, log_std_bias):
    n, d = x.shape
    h = hidden_weight.shape[1]
    o = mean_weight.shape[1]
    e = edge_index.shape[1]
    assert n == N and d == D and h == H and o == O

    w2 = jnp.concatenate([mean_weight, log_std_weight], axis=1)
    b2 = jnp.concatenate([mean_bias, log_std_bias])[None, :]
    bias = hidden_bias[None, :]

    grid = (N // _BN,)

    support, mlp_cat = pl.pallas_call(
        _tc1_body,
        grid=grid,
        in_specs=[
            _row_block(_BN, D),
            _full((D, H)),
            _full((1, H)),
            _full((H, 2 * O)),
            _full((1, 2 * O)),
        ],
        out_specs=[_row_block(_BN, H), _row_block(_BN, 2 * O)],
        out_shape=[
            jax.ShapeDtypeStruct((N, H), jnp.float32),
            jax.ShapeDtypeStruct((N, 2 * O), jnp.float32),
        ],
    )(x, hidden_weight, bias, w2, b2)

    chunk, nbuf = 40, 5
    quantum = chunk * 2 * nbuf
    epw = -(-e // (NW * quantum)) * quantum
    epad = NW * epw
    pad = epad - e
    ei = edge_index.astype(jnp.int32)
    if pad == 0:
        eidx = ei.reshape(2 * e)
    else:
        pad_iota = jax.lax.iota(jnp.int32, pad)
        eidx = jnp.concatenate([
            ei[0], N + pad_iota % (NPAD - N),
            ei[1], (pad_iota * 37) % N])

    spmm_h = _make_spmm(H, epad, chunk, nbuf)
    zeros_h = jnp.zeros((NPAD // NS, H), jnp.float32)

    p = spmm_h(support, eidx, zeros_h)

    hidden_gcn = pl.pallas_call(
        _tc2_body,
        grid=grid,
        in_specs=[
            pl.BlockSpec((2, _BN, H), lambda i: (0, i, 0)),
            _full((1, H)),
        ],
        out_specs=_row_block(_BN, H),
        out_shape=jax.ShapeDtypeStruct((N, H), jnp.float32),
    )(p, bias)

    q = spmm_h(hidden_gcn, eidx, zeros_h)

    z_mean, z_log_std = pl.pallas_call(
        _tc3_body,
        grid=grid,
        in_specs=[
            pl.BlockSpec((2, _BN, H), lambda i: (0, i, 0)),
            _full((H, 2 * O)),
            _row_block(_BN, 2 * O),
            _full((1, 1)),
        ],
        out_specs=[_row_block(_BN, O), _row_block(_BN, O)],
        out_shape=[
            jax.ShapeDtypeStruct((N, O), jnp.float32),
            jax.ShapeDtypeStruct((N, O), jnp.float32),
        ],
    )(q, w2, mlp_cat, mixture_weight.reshape(1, 1))

    return (z_mean, z_log_std)

# --- scband reference (transcript-rebuilt; emitter-appended) ---
"""Pipeline reference for scband-graph-fuse-90726889161220 (READ-ONLY COPY).

The authoritative reference and input builder live on the scoring server;
editing this copy changes nothing except your own understanding.
"""

import jax, jax.numpy as jnp
import numpy as np

N = 10000
E = 320000
D = 128
H = 128
O = 32


def setup_inputs(seed: int = 0) -> dict:
    key = jax.random.key(seed)
    ks = jax.random.split(key, 10)
    stdv = 1.0 / np.sqrt(H)
    x = jax.random.normal(ks[0], (N, D), dtype=jnp.float32)
    edge_index = jax.random.randint(ks[1], (2, E), 0, N, dtype=jnp.int64 if jax.config.read('jax_enable_x64') else jnp.int32)
    mixture_weight = jax.random.uniform(ks[2], (1,), minval=-stdv, maxval=stdv, dtype=jnp.float32)
    hidden_weight = jax.random.uniform(ks[3], (D, H), minval=-stdv, maxval=stdv, dtype=jnp.float32)
    hidden_bias = jax.random.uniform(ks[4], (H,), minval=-stdv, maxval=stdv, dtype=jnp.float32)
    mean_weight = jax.random.uniform(ks[5], (H, O), minval=-stdv, maxval=stdv, dtype=jnp.float32)
    mean_bias = jax.random.uniform(ks[6], (O,), minval=-stdv, maxval=stdv, dtype=jnp.float32)
    log_std_weight = jax.random.uniform(ks[7], (H, O), minval=-stdv, maxval=stdv, dtype=jnp.float32)
    log_std_bias = jax.random.uniform(ks[8], (O,), minval=-stdv, maxval=stdv, dtype=jnp.float32)
    return {
        'x': x, 'edge_index': edge_index,
        'mixture_weight': mixture_weight,
        'hidden_weight': hidden_weight, 'hidden_bias': hidden_bias,
        'mean_weight': mean_weight, 'mean_bias': mean_bias,
        'log_std_weight': log_std_weight, 'log_std_bias': log_std_bias,
    }


def reference(x, edge_index, mixture_weight, hidden_weight, hidden_bias,
              mean_weight, mean_bias, log_std_weight, log_std_bias):
    # eval mode: dropout is identity
    row = edge_index[0]
    col = edge_index[1]
    n = x.shape[0]

    def spmm(support):
        # adj @ support where adj[row, col] = 1 (binary COO adjacency)
        return jax.ops.segment_sum(jnp.take(support, col, axis=0), row, num_segments=n)

    # convo_ops
    support = x @ hidden_weight
    hidden_gcn = jax.nn.relu(spmm(support) + hidden_bias)
    support_mean = hidden_gcn @ mean_weight
    z_mean_gcn = spmm(support_mean)
    support_std = hidden_gcn @ log_std_weight
    z_log_std_gcn = spmm(support_std)

    # mlp_ops
    hidden_mlp = jax.nn.relu(x @ hidden_weight + hidden_bias)
    z_mean_mlp = hidden_mlp @ mean_weight + mean_bias
    z_log_std_mlp = hidden_mlp @ log_std_weight + log_std_bias

    mixture_ratio = jax.nn.sigmoid(mixture_weight)
    z_mean = z_mean_gcn * mixture_weight + z_mean_mlp * (1.0 - mixture_weight)
    z_log_std = z_log_std_gcn * mixture_ratio + z_log_std_mlp * (1.0 - mixture_ratio)
    return (z_mean, z_log_std)

if __name__ == "__main__":
    import jax
    _d = setup_inputs()
    print(jax.jit(kernel)(*tuple(_d.values())))

</pallas_src>

<mosaic_0001>
#map = affine_map<(d0, d1) -> (0, 0)>
#map1 = affine_map<(d0, d1) -> (0)>
#map2 = affine_map<(d0, d1) -> (0, 0, 0)>
module attributes {stable_mosaic.version = 14 : i64} {
  func.func @spmm(%arg0: i32, %arg1: i32, %arg2: memref<10000x128xf32, #tpu.memory_space<hbm>>, %arg3: memref<640000xi32, #tpu.memory_space<hbm>>, %arg4: memref<640x128xf32, #tpu.memory_space<hbm>>, %arg5: memref<2x10240x128xf32, #tpu.memory_space<hbm>>, %arg6: memref<40xi32, #tpu.memory_space<vmem>>, %arg7: memref<40xi32, #tpu.memory_space<vmem>>, %arg8: memref<40xi32, #tpu.memory_space<vmem>>, %arg9: memref<40xi32, #tpu.memory_space<vmem>>, %arg10: memref<40xi32, #tpu.memory_space<vmem>>, %arg11: memref<40xi32, #tpu.memory_space<vmem>>, %arg12: memref<40xi32, #tpu.memory_space<vmem>>, %arg13: memref<40xi32, #tpu.memory_space<vmem>>, %arg14: memref<40xi32, #tpu.memory_space<vmem>>, %arg15: memref<40xi32, #tpu.memory_space<vmem>>, %arg16: memref<40xi32, #tpu.memory_space<vmem>>, %arg17: memref<40xi32, #tpu.memory_space<vmem>>, %arg18: memref<40xi32, #tpu.memory_space<vmem>>, %arg19: memref<40xi32, #tpu.memory_space<vmem>>, %arg20: memref<40xi32, #tpu.memory_space<vmem>>, %arg21: memref<40xi32, #tpu.memory_space<vmem>>, %arg22: memref<40xi32, #tpu.memory_space<vmem>>, %arg23: memref<40xi32, #tpu.memory_space<vmem>>, %arg24: memref<40xi32, #tpu.memory_space<vmem>>, %arg25: memref<40xi32, #tpu.memory_space<vmem>>, %arg26: memref<40x128xf32, #tpu.memory_space<vmem>>, %arg27: memref<40x128xf32, #tpu.memory_space<vmem>>, %arg28: memref<40x128xf32, #tpu.memory_space<vmem>>, %arg29: memref<40x128xf32, #tpu.memory_space<vmem>>, %arg30: memref<40x128xf32, #tpu.memory_space<vmem>>, %arg31: memref<10240x128xf32, #tpu.memory_space<vmem_shared>>, %arg32: memref<!tpu.dma_semaphore, #tpu.memory_space<semaphore_mem>>, %arg33: memref<!tpu.dma_semaphore, #tpu.memory_space<semaphore_mem>>) attributes {dimension_semantics = [#tpu.dimension_semantics<core_parallel>, #tpu.dimension_semantics<subcore_parallel>], iteration_bounds = array<i64: 2, 16>, scalar_prefetch = 0 : i64, scratch_operands = 28 : i64, tpu.core_type = #tpu.core_type<sc_vector_subcore>, window_params = [{transform_indices = #map}, {transform_indices = #map1}, {transform_indices = #map}, {transform_indices = #map2}]} {
    %mul3A = arith.constant 2 : i32
    %mul3A_0 = arith.muli %arg1, %mul3A : i32
    %add3A = arith.addi %mul3A_0, %arg0 : i32
    %mul3A_1 = arith.constant 10000 : i32
    %mul3A_2 = arith.muli %add3A, %mul3A_1 : i32
    %multiple_of3A = tpu.assume_multiple %mul3A_2, 40 : i32
    %mul3A_3 = arith.constant 640 : i32
    %mul3A_4 = arith.muli %arg1, %mul3A_3 : i32
    %multiple_of3A_5 = tpu.assume_multiple %mul3A_4, 640 : i32
    "tpu.region"() ({
      %run_scoped3A = tpu.sem_alloc : memref<!tpu.dma_semaphore, #tpu.memory_space<semaphore_mem>>
      %dma_start3A_249 = arith.constant 0 : i32
      %dma_start3A_250 = tpu.memref_slice %arg31[%multiple_of3A_5, %dma_start3A_249] : memref<10240x128xf32, #tpu.memory_space<vmem_shared>> -> memref<640x128xf32, #tpu.memory_space<vmem_shared>>
      tpu.enqueue_dma source(%arg4 : memref<640x128xf32, #tpu.memory_space<hbm>>) target(%dma_start3A_250 : memref<640x128xf32, #tpu.memory_space<vmem_shared>>) target_semaphore(%run_scoped3A : memref<!tpu.dma_semaphore, #tpu.memory_space<semaphore_mem>>)
      %dma_wait3A_251 = arith.constant 0 : i32
      %dma_wait3A_252 = tpu.memref_slice %arg31[%multiple_of3A_5, %dma_wait3A_251] : memref<10240x128xf32, #tpu.memory_space<vmem_shared>> -> memref<640x128xf32, #tpu.memory_space<vmem_shared>>
      tpu.wait_dma2 semaphore(%run_scoped3A : memref<!tpu.dma_semaphore, #tpu.memory_space<semaphore_mem>>) src(%arg4 : memref<640x128xf32, #tpu.memory_space<hbm>>) dst(%dma_wait3A_252 : memref<640x128xf32, #tpu.memory_space<vmem_shared>>)
      tpu.yield
    }) : () -> ()
    %min3A = arith.constant 0 : i32
    %min3A_6 = arith.constant 249 : i32
    %min3A_7 = arith.minsi %min3A, %min3A_6 : i32
    %mul3A_8 = arith.constant 40 : i32
    %mul3A_9 = arith.muli %min3A_7, %mul3A_8 : i32
    %add3A_10 = arith.addi %multiple_of3A, %mul3A_9 : i32
    %multiple_of3A_11 = tpu.assume_multiple %add3A_10, 40 : i32
    %add3A_12 = arith.constant 320000 : i32
    %add3A_13 = arith.addi %add3A_12, %multiple_of3A_11 : i32
    %dma_start3A = tpu.memref_slice %arg3[%add3A_13] : memref<640000xi32, #tpu.memory_space<hbm>> -> memref<40xi32, #tpu.memory_space<hbm>>
    %dma_start3A_14 = tpu.memref_slice %arg3[%add3A_13] : memref<640000xi32, #tpu.memory_space<hbm>> -> memref<40xi32, #tpu.memory_space<hbm>>
    tpu.enqueue_dma source(%dma_start3A_14 : memref<40xi32, #tpu.memory_space<hbm>>) target(%arg6 : memref<40xi32, #tpu.memory_space<vmem>>) target_semaphore(%arg32 : memref<!tpu.dma_semaphore, #tpu.memory_space<semaphore_mem>>)
    %dma_start3A_15 = tpu.memref_slice %arg3[%multiple_of3A_11] : memref<640000xi32, #tpu.memory_space<hbm>> -> memref<40xi32, #tpu.memory_space<hbm>>
    %dma_start3A_16 = tpu.memref_slice %arg3[%multiple_of3A_11] : memref<640000xi32, #tpu.memory_space<hbm>> -> memref<40xi32, #tpu.memory_space<hbm>>
    tpu.enqueue_dma source(%dma_start3A_16 : memref<40xi32, #tpu.memory_space<hbm>>) target(%arg16 : memref<40xi32, #tpu.memory_space<vmem>>) target_semaphore(%arg32 : memref<!tpu.dma_semaphore, #tpu.memory_space<semaphore_mem>>)
    %min3A_17 = arith.constant 1 : i32
    %min3A_18 = arith.constant 249 : i32
    %min3A_19 = arith.minsi %min3A_17, %min3A_18 : i32
    %mul3A_20 = arith.constant 40 : i32
    %mul3A_21 = arith.muli %min3A_19, %mul3A_20 : i32
    %add3A_22 = arith.addi %multiple_of3A, %mul3A_21 : i32
    %multiple_of3A_23 = tpu.assume_multiple %add3A_22, 40 : i32
    %add3A_24 = arith.constant 320000 : i32
    %add3A_25 = arith.addi %add3A_24, %multiple_of3A_23 : i32
    %dma_start3A_26 = tpu.memref_slice %arg3[%add3A_25] : memref<640000xi32, #tpu.memory_space<hbm>> -> memref<40xi32, #tpu.memory_space<hbm>>
    %dma_start3A_27 = tpu.memref_slice %arg3[%add3A_25] : memref<640000xi32, #tpu.memory_space<hbm>> -> memref<40xi32, #tpu.memory_space<hbm>>
    tpu.enqueue_dma source(%dma_start3A_27 : memref<40xi32, #tpu.memory_space<hbm>>) target(%arg7 : memref<40xi32, #tpu.memory_space<vmem>>) target_semaphore(%arg32 : memref<!tpu.dma_semaphore, #tpu.memory_space<semaphore_mem>>)
    %dma_start3A_28 = tpu.memref_slice %arg3[%multiple_of3A_23] : memref<640000xi32, #tpu.memory_space<hbm>> -> memref<40xi32, #tpu.memory_space<hbm>>
    %dma_start3A_29 = tpu.memref_slice %arg3[%multiple_of3A_23] : memref<640000xi32, #tpu.memory_space<hbm>> -> memref<40xi32, #tpu.memory_space<hbm>>
    tpu.enqueue_dma source(%dma_start3A_29 : memref<40xi32, #tpu.memory_space<hbm>>) target(%arg17 : memref<40xi32, #tpu.memory_space<vmem>>) target_semaphore(%arg32 : memref<!tpu.dma_semaphore, #tpu.memory_space<semaphore_mem>>)
    %min3A_30 = arith.constant 2 : i32
    %min3A_31 = arith.constant 249 : i32
    %min3A_32 = arith.minsi %min3A_30, %min3A_31 : i32
    %mul3A_33 = arith.constant 40 : i32
    %mul3A_34 = arith.muli %min3A_32, %mul3A_33 : i32
    %add3A_35 = arith.addi %multiple_of3A, %mul3A_34 : i32
    %multiple_of3A_36 = tpu.assume_multiple %add3A_35, 40 : i32
    %add3A_37 = arith.constant 320000 : i32
    %add3A_38 = arith.addi %add3A_37, %multiple_of3A_36 : i32
    %dma_start3A_39 = tpu.memref_slice %arg3[%add3A_38] : memref<640000xi32, #tpu.memory_space<hbm>> -> memref<40xi32, #tpu.memory_space<hbm>>
    %dma_start3A_40 = tpu.memref_slice %arg3[%add3A_38] : memref<640000xi32, #tpu.memory_space<hbm>> -> memref<40xi32, #tpu.memory_space<hbm>>
    tpu.enqueue_dma source(%dma_start3A_40 : memref<40xi32, #tpu.memory_space<hbm>>) target(%arg8 : memref<40xi32, #tpu.memory_space<vmem>>) target_semaphore(%arg32 : memref<!tpu.dma_semaphore, #tpu.memory_space<semaphore_mem>>)
    %dma_start3A_41 = tpu.memref_slice %arg3[%multiple_of3A_36] : memref<640000xi32, #tpu.memory_space<hbm>> -> memref<40xi32, #tpu.memory_space<hbm>>
    %dma_start3A_42 = tpu.memref_slice %arg3[%multiple_of3A_36] : memref<640000xi32, #tpu.memory_space<hbm>> -> memref<40xi32, #tpu.memory_space<hbm>>
    tpu.enqueue_dma source(%dma_start3A_42 : memref<40xi32, #tpu.memory_space<hbm>>) target(%arg18 : memref<40xi32, #tpu.memory_space<vmem>>) target_semaphore(%arg32 : memref<!tpu.dma_semaphore, #tpu.memory_space<semaphore_mem>>)
    %min3A_43 = arith.constant 3 : i32
    %min3A_44 = arith.constant 249 : i32
    %min3A_45 = arith.minsi %min3A_43, %min3A_44 : i32
    %mul3A_46 = arith.constant 40 : i32
    %mul3A_47 = arith.muli %min3A_45, %mul3A_46 : i32
    %add3A_48 = arith.addi %multiple_of3A, %mul3A_47 : i32
    %multiple_of3A_49 = tpu.assume_multiple %add3A_48, 40 : i32
    %add3A_50 = arith.constant 320000 : i32
    %add3A_51 = arith.addi %add3A_50, %multiple_of3A_49 : i32
    %dma_start3A_52 = tpu.memref_slice %arg3[%add3A_51] : memref<640000xi32, #tpu.memory_space<hbm>> -> memref<40xi32, #tpu.memory_space<hbm>>
    %dma_start3A_53 = tpu.memref_slice %arg3[%add3A_51] : memref<640000xi32, #tpu.memory_space<hbm>> -> memref<40xi32, #tpu.memory_space<hbm>>
    tpu.enqueue_dma source(%dma_start3A_53 : memref<40xi32, #tpu.memory_space<hbm>>) target(%arg9 : memref<40xi32, #tpu.memory_space<vmem>>) target_semaphore(%arg32 : memref<!tpu.dma_semaphore, #tpu.memory_space<semaphore_mem>>)
    %dma_start3A_54 = tpu.memref_slice %arg3[%multiple_of3A_49] : memref<640000xi32, #tpu.memory_space<hbm>> -> memref<40xi32, #tpu.memory_space<hbm>>
    %dma_start3A_55 = tpu.memref_slice %arg3[%multiple_of3A_49] : memref<640000xi32, #tpu.memory_space<hbm>> -> memref<40xi32, #tpu.memory_space<hbm>>
    tpu.enqueue_dma source(%dma_start3A_55 : memref<40xi32, #tpu.memory_space<hbm>>) target(%arg19 : memref<40xi32, #tpu.memory_space<vmem>>) target_semaphore(%arg32 : memref<!tpu.dma_semaphore, #tpu.memory_space<semaphore_mem>>)
    %min3A_56 = arith.constant 4 : i32
    %min3A_57 = arith.constant 249 : i32
    %min3A_58 = arith.minsi %min3A_56, %min3A_57 : i32
    %mul3A_59 = arith.constant 40 : i32
    %mul3A_60 = arith.muli %min3A_58, %mul3A_59 : i32
    %add3A_61 = arith.addi %multiple_of3A, %mul3A_60 : i32
    %multiple_of3A_62 = tpu.assume_multiple %add3A_61, 40 : i32
    %add3A_63 = arith.constant 320000 : i32
    %add3A_64 = arith.addi %add3A_63, %multiple_of3A_62 : i32
    %dma_start3A_65 = tpu.memref_slice %arg3[%add3A_64] : memref<640000xi32, #tpu.memory_space<hbm>> -> memref<40xi32, #tpu.memory_space<hbm>>
    %dma_start3A_66 = tpu.memref_slice %arg3[%add3A_64] : memref<640000xi32, #tpu.memory_space<hbm>> -> memref<40xi32, #tpu.memory_space<hbm>>
    tpu.enqueue_dma source(%dma_start3A_66 : memref<40xi32, #tpu.memory_space<hbm>>) target(%arg10 : memref<40xi32, #tpu.memory_space<vmem>>) target_semaphore(%arg32 : memref<!tpu.dma_semaphore, #tpu.memory_space<semaphore_mem>>)
    %dma_start3A_67 = tpu.memref_slice %arg3[%multiple_of3A_62] : memref<640000xi32, #tpu.memory_space<hbm>> -> memref<40xi32, #tpu.memory_space<hbm>>
    %dma_start3A_68 = tpu.memref_slice %arg3[%multiple_of3A_62] : memref<640000xi32, #tpu.memory_space<hbm>> -> memref<40xi32, #tpu.memory_space<hbm>>
    tpu.enqueue_dma source(%dma_start3A_68 : memref<40xi32, #tpu.memory_space<hbm>>) target(%arg20 : memref<40xi32, #tpu.memory_space<vmem>>) target_semaphore(%arg32 : memref<!tpu.dma_semaphore, #tpu.memory_space<semaphore_mem>>)
    %min3A_69 = arith.constant 5 : i32
    %min3A_70 = arith.constant 249 : i32
    %min3A_71 = arith.minsi %min3A_69, %min3A_70 : i32
    %mul3A_72 = arith.constant 40 : i32
    %mul3A_73 = arith.muli %min3A_71, %mul3A_72 : i32
    %add3A_74 = arith.addi %multiple_of3A, %mul3A_73 : i32
    %multiple_of3A_75 = tpu.assume_multiple %add3A_74, 40 : i32
    %add3A_76 = arith.constant 320000 : i32
    %add3A_77 = arith.addi %add3A_76, %multiple_of3A_75 : i32
    %dma_start3A_78 = tpu.memref_slice %arg3[%add3A_77] : memref<640000xi32, #tpu.memory_space<hbm>> -> memref<40xi32, #tpu.memory_space<hbm>>
    %dma_start3A_79 = tpu.memref_slice %arg3[%add3A_77] : memref<640000xi32, #tpu.memory_space<hbm>> -> memref<40xi32, #tpu.memory_space<hbm>>
    tpu.enqueue_dma source(%dma_start3A_79 : memref<40xi32, #tpu.memory_space<hbm>>) target(%arg11 : memref<40xi32, #tpu.memory_space<vmem>>) target_semaphore(%arg32 : memref<!tpu.dma_semaphore, #tpu.memory_space<semaphore_mem>>)
    %dma_start3A_80 = tpu.memref_slice %arg3[%multiple_of3A_75] : memref<640000xi32, #tpu.memory_space<hbm>> -> memref<40xi32, #tpu.memory_space<hbm>>
    %dma_start3A_81 = tpu.memref_slice %arg3[%multiple_of3A_75] : memref<640000xi32, #tpu.memory_space<hbm>> -> memref<40xi32, #tpu.memory_space<hbm>>
    tpu.enqueue_dma source(%dma_start3A_81 : memref<40xi32, #tpu.memory_space<hbm>>) target(%arg21 : memref<40xi32, #tpu.memory_space<vmem>>) target_semaphore(%arg32 : memref<!tpu.dma_semaphore, #tpu.memory_space<semaphore_mem>>)
    %min3A_82 = arith.constant 6 : i32
    %min3A_83 = arith.constant 249 : i32
    %min3A_84 = arith.minsi %min3A_82, %min3A_83 : i32
    %mul3A_85 = arith.constant 40 : i32
    %mul3A_86 = arith.muli %min3A_84, %mul3A_85 : i32
    %add3A_87 = arith.addi %multiple_of3A, %mul3A_86 : i32
    %multiple_of3A_88 = tpu.assume_multiple %add3A_87, 40 : i32
    %add3A_89 = arith.constant 320000 : i32
    %add3A_90 = arith.addi %add3A_89, %multiple_of3A_88 : i32
    %dma_start3A_91 = tpu.memref_slice %arg3[%add3A_90] : memref<640000xi32, #tpu.memory_space<hbm>> -> memref<40xi32, #tpu.memory_space<hbm>>
    %dma_start3A_92 = tpu.memref_slice %arg3[%add3A_90] : memref<640000xi32, #tpu.memory_space<hbm>> -> memref<40xi32, #tpu.memory_space<hbm>>
    tpu.enqueue_dma source(%dma_start3A_92 : memref<40xi32, #tpu.memory_space<hbm>>) target(%arg12 : memref<40xi32, #tpu.memory_space<vmem>>) target_semaphore(%arg32 : memref<!tpu.dma_semaphore, #tpu.memory_space<semaphore_mem>>)
    %dma_start3A_93 = tpu.memref_slice %arg3[%multiple_of3A_88] : memref<640000xi32, #tpu.memory_space<hbm>> -> memref<40xi32, #tpu.memory_space<hbm>>
    %dma_start3A_94 = tpu.memref_slice %arg3[%multiple_of3A_88] : memref<640000xi32, #tpu.memory_space<hbm>> -> memref<40xi32, #tpu.memory_space<hbm>>
    tpu.enqueue_dma source(%dma_start3A_94 : memref<40xi32, #tpu.memory_space<hbm>>) target(%arg22 : memref<40xi32, #tpu.memory_space<vmem>>) target_semaphore(%arg32 : memref<!tpu.dma_semaphore, #tpu.memory_space<semaphore_mem>>)
    %min3A_95 = arith.constant 7 : i32
    %min3A_96 = arith.constant 249 : i32
    %min3A_97 = arith.minsi %min3A_95, %min3A_96 : i32
    %mul3A_98 = arith.constant 40 : i32
    %mul3A_99 = arith.muli %min3A_97, %mul3A_98 : i32
    %add3A_100 = arith.addi %multiple_of3A, %mul3A_99 : i32
    %multiple_of3A_101 = tpu.assume_multiple %add3A_100, 40 : i32
    %add3A_102 = arith.constant 320000 : i32
    %add3A_103 = arith.addi %add3A_102, %multiple_of3A_101 : i32
    %dma_start3A_104 = tpu.memref_slice %arg3[%add3A_103] : memref<640000xi32, #tpu.memory_space<hbm>> -> memref<40xi32, #tpu.memory_space<hbm>>
    %dma_start3A_105 = tpu.memref_slice %arg3[%add3A_103] : memref<640000xi32, #tpu.memory_space<hbm>> -> memref<40xi32, #tpu.memory_space<hbm>>
    tpu.enqueue_dma source(%dma_start3A_105 : memref<40xi32, #tpu.memory_space<hbm>>) target(%arg13 : memref<40xi32, #tpu.memory_space<vmem>>) target_semaphore(%arg32 : memref<!tpu.dma_semaphore, #tpu.memory_space<semaphore_mem>>)
    %dma_start3A_106 = tpu.memref_slice %arg3[%multiple_of3A_101] : memref<640000xi32, #tpu.memory_space<hbm>> -> memref<40xi32, #tpu.memory_space<hbm>>
    %dma_start3A_107 = tpu.memref_slice %arg3[%multiple_of3A_101] : memref<640000xi32, #tpu.memory_space<hbm>> -> memref<40xi32, #tpu.memory_space<hbm>>
    tpu.enqueue_dma source(%dma_start3A_107 : memref<40xi32, #tpu.memory_space<hbm>>) target(%arg23 : memref<40xi32, #tpu.memory_space<vmem>>) target_semaphore(%arg32 : memref<!tpu.dma_semaphore, #tpu.memory_space<semaphore_mem>>)
    %min3A_108 = arith.constant 8 : i32
    %min3A_109 = arith.constant 249 : i32
    %min3A_110 = arith.minsi %min3A_108, %min3A_109 : i32
    %mul3A_111 = arith.constant 40 : i32
    %mul3A_112 = arith.muli %min3A_110, %mul3A_111 : i32
    %add3A_113 = arith.addi %multiple_of3A, %mul3A_112 : i32
    %multiple_of3A_114 = tpu.assume_multiple %add3A_113, 40 : i32
    %add3A_115 = arith.constant 320000 : i32
    %add3A_116 = arith.addi %add3A_115, %multiple_of3A_114 : i32
    %dma_start3A_117 = tpu.memref_slice %arg3[%add3A_116] : memref<640000xi32, #tpu.memory_space<hbm>> -> memref<40xi32, #tpu.memory_space<hbm>>
    %dma_start3A_118 = tpu.memref_slice %arg3[%add3A_116] : memref<640000xi32, #tpu.memory_space<hbm>> -> memref<40xi32, #tpu.memory_space<hbm>>
    tpu.enqueue_dma source(%dma_start3A_118 : memref<40xi32, #tpu.memory_space<hbm>>) target(%arg14 : memref<40xi32, #tpu.memory_space<vmem>>) target_semaphore(%arg32 : memref<!tpu.dma_semaphore, #tpu.memory_space<semaphore_mem>>)
    %dma_start3A_119 = tpu.memref_slice %arg3[%multiple_of3A_114] : memref<640000xi32, #tpu.memory_space<hbm>> -> memref<40xi32, #tpu.memory_space<hbm>>
    %dma_start3A_120 = tpu.memref_slice %arg3[%multiple_of3A_114] : memref<640000xi32, #tpu.memory_space<hbm>> -> memref<40xi32, #tpu.memory_space<hbm>>
    tpu.enqueue_dma source(%dma_start3A_120 : memref<40xi32, #tpu.memory_space<hbm>>) target(%arg24 : memref<40xi32, #tpu.memory_space<vmem>>) target_semaphore(%arg32 : memref<!tpu.dma_semaphore, #tpu.memory_space<semaphore_mem>>)
    %min3A_121 = arith.constant 9 : i32
    %min3A_122 = arith.constant 249 : i32
    %min3A_123 = arith.minsi %min3A_121, %min3A_122 : i32
    %mul3A_124 = arith.constant 40 : i32
    %mul3A_125 = arith.muli %min3A_123, %mul3A_124 : i32
    %add3A_126 = arith.addi %multiple_of3A, %mul3A_125 : i32
    %multiple_of3A_127 = tpu.assume_multiple %add3A_126, 40 : i32
    %add3A_128 = arith.constant 320000 : i32
    %add3A_129 = arith.addi %add3A_128, %multiple_of3A_127 : i32
    %dma_start3A_130 = tpu.memref_slice %arg3[%add3A_129] : memref<640000xi32, #tpu.memory_space<hbm>> -> memref<40xi32, #tpu.memory_space<hbm>>
    %dma_start3A_131 = tpu.memref_slice %arg3[%add3A_129] : memref<640000xi32, #tpu.memory_space<hbm>> -> memref<40xi32, #tpu.memory_space<hbm>>
    tpu.enqueue_dma source(%dma_start3A_131 : memref<40xi32, #tpu.memory_space<hbm>>) target(%arg15 : memref<40xi32, #tpu.memory_space<vmem>>) target_semaphore(%arg32 : memref<!tpu.dma_semaphore, #tpu.memory_space<semaphore_mem>>)
    %dma_start3A_132 = tpu.memref_slice %arg3[%multiple_of3A_127] : memref<640000xi32, #tpu.memory_space<hbm>> -> memref<40xi32, #tpu.memory_space<hbm>>
    %dma_start3A_133 = tpu.memref_slice %arg3[%multiple_of3A_127] : memref<640000xi32, #tpu.memory_space<hbm>> -> memref<40xi32, #tpu.memory_space<hbm>>
    tpu.enqueue_dma source(%dma_start3A_133 : memref<40xi32, #tpu.memory_space<hbm>>) target(%arg25 : memref<40xi32, #tpu.memory_space<vmem>>) target_semaphore(%arg32 : memref<!tpu.dma_semaphore, #tpu.memory_space<semaphore_mem>>)
    %dma_wait3A = arith.constant 0 : i32
    %dma_wait3A_134 = tpu.memref_slice %arg3[%dma_wait3A] : memref<640000xi32, #tpu.memory_space<hbm>> -> memref<40xi32, #tpu.memory_space<hbm>>
    %dma_wait3A_135 = arith.constant 0 : i32
    %dma_wait3A_136 = tpu.memref_slice %arg3[%dma_wait3A_135] : memref<640000xi32, #tpu.memory_space<hbm>> -> memref<40xi32, #tpu.memory_space<hbm>>
    tpu.wait_dma2 semaphore(%arg32 : memref<!tpu.dma_semaphore, #tpu.memory_space<semaphore_mem>>) src(%dma_wait3A_136 : memref<40xi32, #tpu.memory_space<hbm>>) dst(%arg6 : memref<40xi32, #tpu.memory_space<vmem>>)
    %dma_wait3A_137 = arith.constant 0 : i32
    %dma_wait3A_138 = tpu.memref_slice %arg3[%dma_wait3A_137] : memref<640000xi32, #tpu.memory_space<hbm>> -> memref<40xi32, #tpu.memory_space<hbm>>
    %dma_wait3A_139 = arith.constant 0 : i32
    %dma_wait3A_140 = tpu.memref_slice %arg3[%dma_wait3A_139] : memref<640000xi32, #tpu.memory_space<hbm>> -> memref<40xi32, #tpu.memory_space<hbm>>
    tpu.wait_dma2 semaphore(%arg32 : memref<!tpu.dma_semaphore, #tpu.memory_space<semaphore_mem>>) src(%dma_wait3A_140 : memref<40xi32, #tpu.memory_space<hbm>>) dst(%arg16 : memref<40xi32, #tpu.memory_space<vmem>>)
    %dma_wait3A_141 = arith.constant 0 : i32
    %dma_wait3A_142 = tpu.memref_slice %arg3[%dma_wait3A_141] : memref<640000xi32, #tpu.memory_space<hbm>> -> memref<40xi32, #tpu.memory_space<hbm>>
    %dma_wait3A_143 = arith.constant 0 : i32
    %dma_wait3A_144 = tpu.memref_slice %arg3[%dma_wait3A_143] : memref<640000xi32, #tpu.memory_space<hbm>> -> memref<40xi32, #tpu.memory_space<hbm>>
    tpu.wait_dma2 semaphore(%arg32 : memref<!tpu.dma_semaphore, #tpu.memory_space<semaphore_mem>>) src(%dma_wait3A_144 : memref<40xi32, #tpu.memory_space<hbm>>) dst(%arg7 : memref<40xi32, #tpu.memory_space<vmem>>)
    %dma_wait3A_145 = arith.constant 0 : i32
    %dma_wait3A_146 = tpu.memref_slice %arg3[%dma_wait3A_145] : memref<640000xi32, #tpu.memory_space<hbm>> -> memref<40xi32, #tpu.memory_space<hbm>>
    %dma_wait3A_147 = arith.constant 0 : i32
    %dma_wait3A_148 = tpu.memref_slice %arg3[%dma_wait3A_147] : memref<640000xi32, #tpu.memory_space<hbm>> -> memref<40xi32, #tpu.memory_space<hbm>>
    tpu.wait_dma2 semaphore(%arg32 : memref<!tpu.dma_semaphore, #tpu.memory_space<semaphore_mem>>) src(%dma_wait3A_148 : memref<40xi32, #tpu.memory_space<hbm>>) dst(%arg17 : memref<40xi32, #tpu.memory_space<vmem>>)
    %dma_wait3A_149 = arith.constant 0 : i32
    %dma_wait3A_150 = tpu.memref_slice %arg3[%dma_wait3A_149] : memref<640000xi32, #tpu.memory_space<hbm>> -> memref<40xi32, #tpu.memory_space<hbm>>
    %dma_wait3A_151 = arith.constant 0 : i32
    %dma_wait3A_152 = tpu.memref_slice %arg3[%dma_wait3A_151] : memref<640000xi32, #tpu.memory_space<hbm>> -> memref<40xi32, #tpu.memory_space<hbm>>
    tpu.wait_dma2 semaphore(%arg32 : memref<!tpu.dma_semaphore, #tpu.memory_space<semaphore_mem>>) src(%dma_wait3A_152 : memref<40xi32, #tpu.memory_space<hbm>>) dst(%arg8 : memref<40xi32, #tpu.memory_space<vmem>>)
    %dma_wait3A_153 = arith.constant 0 : i32
    %dma_wait3A_154 = tpu.memref_slice %arg3[%dma_wait3A_153] : memref<640000xi32, #tpu.memory_space<hbm>> -> memref<40xi32, #tpu.memory_space<hbm>>
    %dma_wait3A_155 = arith.constant 0 : i32
    %dma_wait3A_156 = tpu.memref_slice %arg3[%dma_wait3A_155] : memref<640000xi32, #tpu.memory_space<hbm>> -> memref<40xi32, #tpu.memory_space<hbm>>
    tpu.wait_dma2 semaphore(%arg32 : memref<!tpu.dma_semaphore, #tpu.memory_space<semaphore_mem>>) src(%dma_wait3A_156 : memref<40xi32, #tpu.memory_space<hbm>>) dst(%arg18 : memref<40xi32, #tpu.memory_space<vmem>>)
    %dma_wait3A_157 = arith.constant 0 : i32
    %dma_wait3A_158 = tpu.memref_slice %arg3[%dma_wait3A_157] : memref<640000xi32, #tpu.memory_space<hbm>> -> memref<40xi32, #tpu.memory_space<hbm>>
    %dma_wait3A_159 = arith.constant 0 : i32
    %dma_wait3A_160 = tpu.memref_slice %arg3[%dma_wait3A_159] : memref<640000xi32, #tpu.memory_space<hbm>> -> memref<40xi32, #tpu.memory_space<hbm>>
    tpu.wait_dma2 semaphore(%arg32 : memref<!tpu.dma_semaphore, #tpu.memory_space<semaphore_mem>>) src(%dma_wait3A_160 : memref<40xi32, #tpu.memory_space<hbm>>) dst(%arg9 : memref<40xi32, #tpu.memory_space<vmem>>)
    %dma_wait3A_161 = arith.constant 0 : i32
    %dma_wait3A_162 = tpu.memref_slice %arg3[%dma_wait3A_161] : memref<640000xi32, #tpu.memory_space<hbm>> -> memref<40xi32, #tpu.memory_space<hbm>>
    %dma_wait3A_163 = arith.constant 0 : i32
    %dma_wait3A_164 = tpu.memref_slice %arg3[%dma_wait3A_163] : memref<640000xi32, #tpu.memory_space<hbm>> -> memref<40xi32, #tpu.memory_space<hbm>>
    tpu.wait_dma2 semaphore(%arg32 : memref<!tpu.dma_semaphore, #tpu.memory_space<semaphore_mem>>) src(%dma_wait3A_164 : memref<40xi32, #tpu.memory_space<hbm>>) dst(%arg19 : memref<40xi32, #tpu.memory_space<vmem>>)
    %dma_wait3A_165 = arith.constant 0 : i32
    %dma_wait3A_166 = tpu.memref_slice %arg3[%dma_wait3A_165] : memref<640000xi32, #tpu.memory_space<hbm>> -> memref<40xi32, #tpu.memory_space<hbm>>
    %dma_wait3A_167 = arith.constant 0 : i32
    %dma_wait3A_168 = tpu.memref_slice %arg3[%dma_wait3A_167] : memref<640000xi32, #tpu.memory_space<hbm>> -> memref<40xi32, #tpu.memory_space<hbm>>
    tpu.wait_dma2 semaphore(%arg32 : memref<!tpu.dma_semaphore, #tpu.memory_space<semaphore_mem>>) src(%dma_wait3A_168 : memref<40xi32, #tpu.memory_space<hbm>>) dst(%arg10 : memref<40xi32, #tpu.memory_space<vmem>>)
    %dma_wait3A_169 = arith.constant 0 : i32
    %dma_wait3A_170 = tpu.memref_slice %arg3[%dma_wait3A_169] : memref<640000xi32, #tpu.memory_space<hbm>> -> memref<40xi32, #tpu.memory_space<hbm>>
    %dma_wait3A_171 = arith.constant 0 : i32
    %dma_wait3A_172 = tpu.memref_slice %arg3[%dma_wait3A_171] : memref<640000xi32, #tpu.memory_space<hbm>> -> memref<40xi32, #tpu.memory_space<hbm>>
    tpu.wait_dma2 semaphore(%arg32 : memref<!tpu.dma_semaphore, #tpu.memory_space<semaphore_mem>>) src(%dma_wait3A_172 : memref<40xi32, #tpu.memory_space<hbm>>) dst(%arg20 : memref<40xi32, #tpu.memory_space<vmem>>)
    %barrier3A = arith.constant 0 : index
    tpu.barrier barrier_id(%barrier3A)
    %dma_start3A_173 = arith.constant 0 : i32
    %dma_start3A_174 = arith.constant 0 : i32
    %dma_start3A_175 = tpu.memref_slice %arg2[%dma_start3A_173, %dma_start3A_174] : memref<10000x128xf32, #tpu.memory_space<hbm>> -> memref<10000x128xf32, #tpu.memory_space<hbm>>
    tpu.enqueue_indirect_dma source(%dma_start3A_175 : memref<10000x128xf32, #tpu.memory_space<hbm>>) target(%arg26 : memref<40x128xf32, #tpu.memory_space<vmem>>) offsets(%arg6 : memref<40xi32, #tpu.memory_space<vmem>>) semaphore(%arg33 : memref<!tpu.dma_semaphore, #tpu.memory_space<semaphore_mem>>)
    %dma_start3A_176 = arith.constant 0 : i32
    %dma_start3A_177 = arith.constant 0 : i32
    %dma_start3A_178 = tpu.memref_slice %arg2[%dma_start3A_176, %dma_start3A_177] : memref<10000x128xf32, #tpu.memory_space<hbm>> -> memref<10000x128xf32, #tpu.memory_space<hbm>>
    tpu.enqueue_indirect_dma source(%dma_start3A_178 : memref<10000x128xf32, #tpu.memory_space<hbm>>) target(%arg27 : memref<40x128xf32, #tpu.memory_space<vmem>>) offsets(%arg7 : memref<40xi32, #tpu.memory_space<vmem>>) semaphore(%arg33 : memref<!tpu.dma_semaphore, #tpu.memory_space<semaphore_mem>>)
    %dma_start3A_179 = arith.constant 0 : i32
    %dma_start3A_180 = arith.constant 0 : i32
    %dma_start3A_181 = tpu.memref_slice %arg2[%dma_start3A_179, %dma_start3A_180] : memref<10000x128xf32, #tpu.memory_space<hbm>> -> memref<10000x128xf32, #tpu.memory_space<hbm>>
    tpu.enqueue_indirect_dma source(%dma_start3A_181 : memref<10000x128xf32, #tpu.memory_space<hbm>>) target(%arg28 : memref<40x128xf32, #tpu.memory_space<vmem>>) offsets(%arg8 : memref<40xi32, #tpu.memory_space<vmem>>) semaphore(%arg33 : memref<!tpu.dma_semaphore, #tpu.memory_space<semaphore_mem>>)
    %dma_start3A_182 = arith.constant 0 : i32
    %dma_start3A_183 = arith.constant 0 : i32
    %dma_start3A_184 = tpu.memref_slice %arg2[%dma_start3A_182, %dma_start3A_183] : memref<10000x128xf32, #tpu.memory_space<hbm>> -> memref<10000x128xf32, #tpu.memory_space<hbm>>
    tpu.enqueue_indirect_dma source(%dma_start3A_184 : memref<10000x128xf32, #tpu.memory_space<hbm>>) target(%arg29 : memref<40x128xf32, #tpu.memory_space<vmem>>) offsets(%arg9 : memref<40xi32, #tpu.memory_space<vmem>>) semaphore(%arg33 : memref<!tpu.dma_semaphore, #tpu.memory_space<semaphore_mem>>)
    %dma_start3A_185 = arith.constant 0 : i32
    %dma_start3A_186 = arith.constant 0 : i32
    %dma_start3A_187 = tpu.memref_slice %arg2[%dma_start3A_185, %dma_start3A_186] : memref<10000x128xf32, #tpu.memory_space<hbm>> -> memref<10000x128xf32, #tpu.memory_space<hbm>>
    tpu.enqueue_indirect_dma source(%dma_start3A_187 : memref<10000x128xf32, #tpu.memory_space<hbm>>) target(%arg30 : memref<40x128xf32, #tpu.memory_space<vmem>>) offsets(%arg10 : memref<40xi32, #tpu.memory_space<vmem>>) semaphore(%arg33 : memref<!tpu.dma_semaphore, #tpu.memory_space<semaphore_mem>>)
    %scan3A = arith.constant 0 : i32
    %scan3A_188 = arith.constant 0 : i32
    %scan3A_189 = arith.constant 25 : i32
    %scan3A_190 = arith.addi %scan3A_188, %scan3A_189 : i32
    %scan3A_191 = arith.constant 1 : i32
    scf.for %scan3A_249 = %scan3A_188 to %scan3A_190 step %scan3A_191  : i32 {
      %mul3A_250 = arith.constant 10 : i32
      %mul3A_251 = arith.muli %scan3A_249, %mul3A_250 : i32
      %add3A_252 = arith.constant 0 : i32
      %add3A_253 = arith.addi %mul3A_251, %add3A_252 : i32
      %dma_wait3A_254 = arith.constant 0 : i32
      %dma_wait3A_255 = arith.constant 0 : i32
      %dma_wait3A_256 = tpu.memref_slice %arg2[%dma_wait3A_254, %dma_wait3A_255] : memref<10000x128xf32, #tpu.memory_space<hbm>> -> memref<10000x128xf32, #tpu.memory_space<hbm>>
      tpu.wait_indirect_dma semaphore(%arg33 : memref<!tpu.dma_semaphore, #tpu.memory_space<semaphore_mem>>) src(%dma_wait3A_256 : memref<10000x128xf32, #tpu.memory_space<hbm>>) dst(%arg26 : memref<40x128xf32, #tpu.memory_space<vmem>>)
      "tpu.region"() ({
        %run_scoped3A = tpu.sem_alloc : memref<!tpu.dma_semaphore, #tpu.memory_space<semaphore_mem>>
        %dma_start3A_590 = arith.constant 0 : i32
        %dma_start3A_591 = arith.constant 0 : i32
        %dma_start3A_592 = tpu.memref_slice %arg31[%dma_start3A_590, %dma_start3A_591] : memref<10240x128xf32, #tpu.memory_space<vmem_shared>> -> memref<10240x128xf32, #tpu.memory_space<vmem_shared>>
        tpu.enqueue_indirect_dma source(%arg26 : memref<40x128xf32, #tpu.memory_space<vmem>>) target(%dma_start3A_592 : memref<10240x128xf32, #tpu.memory_space<vmem_shared>>) offsets(%arg16 : memref<40xi32, #tpu.memory_space<vmem>>) semaphore(%run_scoped3A : memref<!tpu.dma_semaphore, #tpu.memory_space<semaphore_mem>>) {add = true}
        %dma_wait3A_593 = arith.constant 0 : i32
        %dma_wait3A_594 = arith.constant 0 : i32
        %dma_wait3A_595 = tpu.memref_slice %arg31[%dma_wait3A_593, %dma_wait3A_594] : memref<10240x128xf32, #tpu.memory_space<vmem_shared>> -> memref<10240x128xf32, #tpu.memory_space<vmem_shared>>
        tpu.wait_indirect_dma semaphore(%run_scoped3A : memref<!tpu.dma_semaphore, #tpu.memory_space<semaphore_mem>>) src(%arg26 : memref<40x128xf32, #tpu.memory_space<vmem>>) dst(%dma_wait3A_595 : memref<10240x128xf32, #tpu.memory_space<vmem_shared>>)
        tpu.yield
      }) : () -> ()
      %add3A_257 = arith.constant 10 : i32
      %add3A_258 = arith.addi %add3A_253, %add3A_257 : i32
      %min3A_259 = arith.constant 249 : i32
      %min3A_260 = arith.minsi %add3A_258, %min3A_259 : i32
      %mul3A_261 = arith.constant 40 : i32
      %mul3A_262 = arith.muli %min3A_260, %mul3A_261 : i32
      %add3A_263 = arith.addi %multiple_of3A, %mul3A_262 : i32
      %multiple_of3A_264 = tpu.assume_multiple %add3A_263, 40 : i32
      %add3A_265 = arith.constant 320000 : i32
      %add3A_266 = arith.addi %add3A_265, %multiple_of3A_264 : i32
      %dma_start3A_267 = tpu.memref_slice %arg3[%add3A_266] : memref<640000xi32, #tpu.memory_space<hbm>> -> memref<40xi32, #tpu.memory_space<hbm>>
      %dma_start3A_268 = tpu.memref_slice %arg3[%add3A_266] : memref<640000xi32, #tpu.memory_space<hbm>> -> memref<40xi32, #tpu.memory_space<hbm>>
      tpu.enqueue_dma source(%dma_start3A_268 : memref<40xi32, #tpu.memory_space<hbm>>) target(%arg6 : memref<40xi32, #tpu.memory_space<vmem>>) target_semaphore(%arg32 : memref<!tpu.dma_semaphore, #tpu.memory_space<semaphore_mem>>)
      %dma_start3A_269 = tpu.memref_slice %arg3[%multiple_of3A_264] : memref<640000xi32, #tpu.memory_space<hbm>> -> memref<40xi32, #tpu.memory_space<hbm>>
      %dma_start3A_270 = tpu.memref_slice %arg3[%multiple_of3A_264] : memref<640000xi32, #tpu.memory_space<hbm>> -> memref<40xi32, #tpu.memory_space<hbm>>
      tpu.enqueue_dma source(%dma_start3A_270 : memref<40xi32, #tpu.memory_space<hbm>>) target(%arg16 : memref<40xi32, #tpu.memory_space<vmem>>) target_semaphore(%arg32 : memref<!tpu.dma_semaphore, #tpu.memory_space<semaphore_mem>>)
      %dma_wait3A_271 = arith.constant 0 : i32
      %dma_wait3A_272 = tpu.memref_slice %arg3[%dma_wait3A_271] : memref<640000xi32, #tpu.memory_space<hbm>> -> memref<40xi32, #tpu.memory_space<hbm>>
      %dma_wait3A_273 = arith.constant 0 : i32
      %dma_wait3A_274 = tpu.memref_slice %arg3[%dma_wait3A_273] : memref<640000xi32, #tpu.memory_space<hbm>> -> memref<40xi32, #tpu.memory_space<hbm>>
      tpu.wait_dma2 semaphore(%arg32 : memref<!tpu.dma_semaphore, #tpu.memory_space<semaphore_mem>>) src(%dma_wait3A_274 : memref<40xi32, #tpu.memory_space<hbm>>) dst(%arg6 : memref<40xi32, #tpu.memory_space<vmem>>)
      %dma_wait3A_275 = arith.constant 0 : i32
      %dma_wait3A_276 = tpu.memref_slice %arg3[%dma_wait3A_275] : memref<640000xi32, #tpu.memory_space<hbm>> -> memref<40xi32, #tpu.memory_space<hbm>>
      %dma_wait3A_277 = arith.constant 0 : i32
      %dma_wait3A_278 = tpu.memref_slice %arg3[%dma_wait3A_277] : memref<640000xi32, #tpu.memory_space<hbm>> -> memref<40xi32, #tpu.memory_space<hbm>>
      tpu.wait_dma2 semaphore(%arg32 : memref<!tpu.dma_semaphore, #tpu.memory_space<semaphore_mem>>) src(%dma_wait3A_278 : memref<40xi32, #tpu.memory_space<hbm>>) dst(%arg16 : memref<40xi32, #tpu.memory_space<vmem>>)
      %add3A_279 = arith.constant 5 : i32
      %add3A_280 = arith.addi %add3A_253, %add3A_279 : i32
      %dma_start3A_281 = arith.constant 0 : i32
      %dma_start3A_282 = arith.constant 0 : i32
      %dma_start3A_283 = tpu.memref_slice %arg2[%dma_start3A_281, %dma_start3A_282] : memref<10000x128xf32, #tpu.memory_space<hbm>> -> memref<10000x128xf32, #tpu.memory_space<hbm>>
      tpu.enqueue_indirect_dma source(%dma_start3A_283 : memref<10000x128xf32, #tpu.memory_space<hbm>>) target(%arg26 : memref<40x128xf32, #tpu.memory_space<vmem>>) offsets(%arg11 : memref<40xi32, #tpu.memory_space<vmem>>) semaphore(%arg33 : memref<!tpu.dma_semaphore, #tpu.memory_space<semaphore_mem>>)
      %mul3A_284 = arith.constant 10 : i32
      %mul3A_285 = arith.muli %scan3A_249, %mul3A_284 : i32
      %add3A_286 = arith.constant 1 : i32
      %add3A_287 = arith.addi %mul3A_285, %add3A_286 : i32
      %dma_wait3A_288 = arith.constant 0 : i32
      %dma_wait3A_289 = arith.constant 0 : i32
      %dma_wait3A_290 = tpu.memref_slice %arg2[%dma_wait3A_288, %dma_wait3A_289] : memref<10000x128xf32, #tpu.memory_space<hbm>> -> memref<10000x128xf32, #tpu.memory_space<hbm>>
      tpu.wait_indirect_dma semaphore(%arg33 : memref<!tpu.dma_semaphore, #tpu.memory_space<semaphore_mem>>) src(%dma_wait3A_290 : memref<10000x128xf32, #tpu.memory_space<hbm>>) dst(%arg27 : memref<40x128xf32, #tpu.memory_space<vmem>>)
      "tpu.region"() ({
        %run_scoped3A = tpu.sem_alloc : memref<!tpu.dma_semaphore, #tpu.memory_space<semaphore_mem>>
        %dma_start3A_590 = arith.constant 0 : i32
        %dma_start3A_591 = arith.constant 0 : i32
        %dma_start3A_592 = tpu.memref_slice %arg31[%dma_start3A_590, %dma_start3A_591] : memref<10240x128xf32, #tpu.memory_space<vmem_shared>> -> memref<10240x128xf32, #tpu.memory_space<vmem_shared>>
        tpu.enqueue_indirect_dma source(%arg27 : memref<40x128xf32, #tpu.memory_space<vmem>>) target(%dma_start3A_592 : memref<10240x128xf32, #tpu.memory_space<vmem_shared>>) offsets(%arg17 : memref<40xi32, #tpu.memory_space<vmem>>) semaphore(%run_scoped3A : memref<!tpu.dma_semaphore, #tpu.memory_space<semaphore_mem>>) {add = true}
        %dma_wait3A_593 = arith.constant 0 : i32
        %dma_wait3A_594 = arith.constant 0 : i32
        %dma_wait3A_595 = tpu.memref_slice %arg31[%dma_wait3A_593, %dma_wait3A_594] : memref<10240x128xf32, #tpu.memory_space<vmem_shared>> -> memref<10240x128xf32, #tpu.memory_space<vmem_shared>>
        tpu.wait_indirect_dma semaphore(%run_scoped3A : memref<!tpu.dma_semaphore, #tpu.memory_space<semaphore_mem>>) src(%arg27 : memref<40x128xf32, #tpu.memory_space<vmem>>) dst(%dma_wait3A_595 : memref<10240x128xf32, #tpu.memory_space<vmem_shared>>)
        tpu.yield
      }) : () -> ()
      %add3A_291 = arith.constant 10 : i32
      %add3A_292 = arith.addi %add3A_287, %add3A_291 : i32
      %min3A_293 = arith.constant 249 : i32
      %min3A_294 = arith.minsi %add3A_292, %min3A_293 : i32
      %mul3A_295 = arith.constant 40 : i32
      %mul3A_296 = arith.muli %min3A_294, %mul3A_295 : i32
      %add3A_297 = arith.addi %multiple_of3A, %mul3A_296 : i32
      %multiple_of3A_298 = tpu.assume_multiple %add3A_297, 40 : i32
      %add3A_299 = arith.constant 320000 : i32
      %add3A_300 = arith.addi %add3A_299, %multiple_of3A_298 : i32
      %dma_start3A_301 = tpu.memref_slice %arg3[%add3A_300] : memref<640000xi32, #tpu.memory_space<hbm>> -> memref<40xi32, #tpu.memory_space<hbm>>
      %dma_start3A_302 = tpu.memref_slice %arg3[%add3A_300] : memref<640000xi32, #tpu.memory_space<hbm>> -> memref<40xi32, #tpu.memory_space<hbm>>
      tpu.enqueue_dma source(%dma_start3A_302 : memref<40xi32, #tpu.memory_space<hbm>>) target(%arg7 : memref<40xi32, #tpu.memory_space<vmem>>) target_semaphore(%arg32 : memref<!tpu.dma_semaphore, #tpu.memory_space<semaphore_mem>>)
      %dma_start3A_303 = tpu.memref_slice %arg3[%multiple_of3A_298] : memref<640000xi32, #tpu.memory_space<hbm>> -> memref<40xi32, #tpu.memory_space<hbm>>
      %dma_start3A_304 = tpu.memref_slice %arg3[%multiple_of3A_298] : memref<640000xi32, #tpu.memory_space<hbm>> -> memref<40xi32, #tpu.memory_space<hbm>>
      tpu.enqueue_dma source(%dma_start3A_304 : memref<40xi32, #tpu.memory_space<hbm>>) target(%arg17 : memref<40xi32, #tpu.memory_space<vmem>>) target_semaphore(%arg32 : memref<!tpu.dma_semaphore, #tpu.memory_space<semaphore_mem>>)
      %dma_wait3A_305 = arith.constant 0 : i32
      %dma_wait3A_306 = tpu.memref_slice %arg3[%dma_wait3A_305] : memref<640000xi32, #tpu.memory_space<hbm>> -> memref<40xi32, #tpu.memory_space<hbm>>
      %dma_wait3A_307 = arith.constant 0 : i32
      %dma_wait3A_308 = tpu.memref_slice %arg3[%dma_wait3A_307] : memref<640000xi32, #tpu.memory_space<hbm>> -> memref<40xi32, #tpu.memory_space<hbm>>
      tpu.wait_dma2 semaphore(%arg32 : memref<!tpu.dma_semaphore, #tpu.memory_space<semaphore_mem>>) src(%dma_wait3A_308 : memref<40xi32, #tpu.memory_space<hbm>>) dst(%arg7 : memref<40xi32, #tpu.memory_space<vmem>>)
      %dma_wait3A_309 = arith.constant 0 : i32
      %dma_wait3A_310 = tpu.memref_slice %arg3[%dma_wait3A_309] : memref<640000xi32, #tpu.memory_space<hbm>> -> memref<40xi32, #tpu.memory_space<hbm>>
      %dma_wait3A_311 = arith.constant 0 : i32
      %dma_wait3A_312 = tpu.memref_slice %arg3[%dma_wait3A_311] : memref<640000xi32, #tpu.memory_space<hbm>> -> memref<40xi32, #tpu.memory_space<hbm>>
      tpu.wait_dma2 semaphore(%arg32 : memref<!tpu.dma_semaphore, #tpu.memory_space<semaphore_mem>>) src(%dma_wait3A_312 : memref<40xi32, #tpu.memory_space<hbm>>) dst(%arg17 : memref<40xi32, #tpu.memory_space<vmem>>)
      %add3A_313 = arith.constant 5 : i32
      %add3A_314 = arith.addi %add3A_287, %add3A_313 : i32
      %dma_start3A_315 = arith.constant 0 : i32
      %dma_start3A_316 = arith.constant 0 : i32
      %dma_start3A_317 = tpu.memref_slice %arg2[%dma_start3A_315, %dma_start3A_316] : memref<10000x128xf32, #tpu.memory_space<hbm>> -> memref<10000x128xf32, #tpu.memory_space<hbm>>
      tpu.enqueue_indirect_dma source(%dma_start3A_317 : memref<10000x128xf32, #tpu.memory_space<hbm>>) target(%arg27 : memref<40x128xf32, #tpu.memory_space<vmem>>) offsets(%arg12 : memref<40xi32, #tpu.memory_space<vmem>>) semaphore(%arg33 : memref<!tpu.dma_semaphore, #tpu.memory_space<semaphore_mem>>)
      %mul3A_318 = arith.constant 10 : i32
      %mul3A_319 = arith.muli %scan3A_249, %mul3A_318 : i32
      %add3A_320 = arith.constant 2 : i32
      %add3A_321 = arith.addi %mul3A_319, %add3A_320 : i32
      %dma_wait3A_322 = arith.constant 0 : i32
      %dma_wait3A_323 = arith.constant 0 : i32
      %dma_wait3A_324 = tpu.memref_slice %arg2[%dma_wait3A_322, %dma_wait3A_323] : memref<10000x128xf32, #tpu.memory_space<hbm>> -> memref<10000x128xf32, #tpu.memory_space<hbm>>
      tpu.wait_indirect_dma semaphore(%arg33 : memref<!tpu.dma_semaphore, #tpu.memory_space<semaphore_mem>>) src(%dma_wait3A_324 : memref<10000x128xf32, #tpu.memory_space<hbm>>) dst(%arg28 : memref<40x128xf32, #tpu.memory_space<vmem>>)
      "tpu.region"() ({
        %run_scoped3A = tpu.sem_alloc : memref<!tpu.dma_semaphore, #tpu.memory_space<semaphore_mem>>
        %dma_start3A_590 = arith.constant 0 : i32
        %dma_start3A_591 = arith.constant 0 : i32
        %dma_start3A_592 = tpu.memref_slice %arg31[%dma_start3A_590, %dma_start3A_591] : memref<10240x128xf32, #tpu.memory_space<vmem_shared>> -> memref<10240x128xf32, #tpu.memory_space<vmem_shared>>
        tpu.enqueue_indirect_dma source(%arg28 : memref<40x128xf32, #tpu.memory_space<vmem>>) target(%dma_start3A_592 : memref<10240x128xf32, #tpu.memory_space<vmem_shared>>) offsets(%arg18 : memref<40xi32, #tpu.memory_space<vmem>>) semaphore(%run_scoped3A : memref<!tpu.dma_semaphore, #tpu.memory_space<semaphore_mem>>) {add = true}
        %dma_wait3A_593 = arith.constant 0 : i32
        %dma_wait3A_594 = arith.constant 0 : i32
        %dma_wait3A_595 = tpu.memref_slice %arg31[%dma_wait3A_593, %dma_wait3A_594] : memref<10240x128xf32, #tpu.memory_space<vmem_shared>> -> memref<10240x128xf32, #tpu.memory_space<vmem_shared>>
        tpu.wait_indirect_dma semaphore(%run_scoped3A : memref<!tpu.dma_semaphore, #tpu.memory_space<semaphore_mem>>) src(%arg28 : memref<40x128xf32, #tpu.memory_space<vmem>>) dst(%dma_wait3A_595 : memref<10240x128xf32, #tpu.memory_space<vmem_shared>>)
        tpu.yield
      }) : () -> ()
      %add3A_325 = arith.constant 10 : i32
      %add3A_326 = arith.addi %add3A_321, %add3A_325 : i32
      %min3A_327 = arith.constant 249 : i32
      %min3A_328 = arith.minsi %add3A_326, %min3A_327 : i32
      %mul3A_329 = arith.constant 40 : i32
      %mul3A_330 = arith.muli %min3A_328, %mul3A_329 : i32
      %add3A_331 = arith.addi %multiple_of3A, %mul3A_330 : i32
      %multiple_of3A_332 = tpu.assume_multiple %add3A_331, 40 : i32
      %add3A_333 = arith.constant 320000 : i32
      %add3A_334 = arith.addi %add3A_333, %multiple_of3A_332 : i32
      %dma_start3A_335 = tpu.memref_slice %arg3[%add3A_334] : memref<640000xi32, #tpu.memory_space<hbm>> -> memref<40xi32, #tpu.memory_space<hbm>>
      %dma_start3A_336 = tpu.memref_slice %arg3[%add3A_334] : memref<640000xi32, #tpu.memory_space<hbm>> -> memref<40xi32, #tpu.memory_space<hbm>>
      tpu.enqueue_dma source(%dma_start3A_336 : memref<40xi32, #tpu.memory_space<hbm>>) target(%arg8 : memref<40xi32, #tpu.memory_space<vmem>>) target_semaphore(%arg32 : memref<!tpu.dma_semaphore, #tpu.memory_space<semaphore_mem>>)
      %dma_start3A_337 = tpu.memref_slice %arg3[%multiple_of3A_332] : memref<640000xi32, #tpu.memory_space<hbm>> -> memref<40xi32, #tpu.memory_space<hbm>>
      %dma_start3A_338 = tpu.memref_slice %arg3[%multiple_of3A_332] : memref<640000xi32, #tpu.memory_space<hbm>> -> memref<40xi32, #tpu.memory_space<hbm>>
      tpu.enqueue_dma source(%dma_start3A_338 : memref<40xi32, #tpu.memory_space<hbm>>) target(%arg18 : memref<40xi32, #tpu.memory_space<vmem>>) target_semaphore(%arg32 : memref<!tpu.dma_semaphore, #tpu.memory_space<semaphore_mem>>)
      %dma_wait3A_339 = arith.constant 0 : i32
      %dma_wait3A_340 = tpu.memref_slice %arg3[%dma_wait3A_339] : memref<640000xi32, #tpu.memory_space<hbm>> -> memref<40xi32, #tpu.memory_space<hbm>>
      %dma_wait3A_341 = arith.constant 0 : i32
      %dma_wait3A_342 = tpu.memref_slice %arg3[%dma_wait3A_341] : memref<640000xi32, #tpu.memory_space<hbm>> -> memref<40xi32, #tpu.memory_space<hbm>>
      tpu.wait_dma2 semaphore(%arg32 : memref<!tpu.dma_semaphore, #tpu.memory_space<semaphore_mem>>) src(%dma_wait3A_342 : memref<40xi32, #tpu.memory_space<hbm>>) dst(%arg8 : memref<40xi32, #tpu.memory_space<vmem>>)
      %dma_wait3A_343 = arith.constant 0 : i32
      %dma_wait3A_344 = tpu.memref_slice %arg3[%dma_wait3A_343] : memref<640000xi32, #tpu.memory_space<hbm>> -> memref<40xi32, #tpu.memory_space<hbm>>
      %dma_wait3A_345 = arith.constant 0 : i32
      %dma_wait3A_346 = tpu.memref_slice %arg3[%dma_wait3A_345] : memref<640000xi32, #tpu.memory_space<hbm>> -> memref<40xi32, #tpu.memory_space<hbm>>
      tpu.wait_dma2 semaphore(%arg32 : memref<!tpu.dma_semaphore, #tpu.memory_space<semaphore_mem>>) src(%dma_wait3A_346 : memref<40xi32, #tpu.memory_space<hbm>>) dst(%arg18 : memref<40xi32, #tpu.memory_space<vmem>>)
      %add3A_347 = arith.constant 5 : i32
      %add3A_348 = arith.addi %add3A_321, %add3A_347 : i32
      %dma_start3A_349 = arith.constant 0 : i32
      %dma_start3A_350 = arith.constant 0 : i32
      %dma_start3A_351 = tpu.memref_slice %arg2[%dma_start3A_349, %dma_start3A_350] : memref<10000x128xf32, #tpu.memory_space<hbm>> -> memref<10000x128xf32, #tpu.memory_space<hbm>>
      tpu.enqueue_indirect_dma source(%dma_start3A_351 : memref<10000x128xf32, #tpu.memory_space<hbm>>) target(%arg28 : memref<40x128xf32, #tpu.memory_space<vmem>>) offsets(%arg13 : memref<40xi32, #tpu.memory_space<vmem>>) semaphore(%arg33 : memref<!tpu.dma_semaphore, #tpu.memory_space<semaphore_mem>>)
      %mul3A_352 = arith.constant 10 : i32
      %mul3A_353 = arith.muli %scan3A_249, %mul3A_352 : i32
      %add3A_354 = arith.constant 3 : i32
      %add3A_355 = arith.addi %mul3A_353, %add3A_354 : i32
      %dma_wait3A_356 = arith.constant 0 : i32
      %dma_wait3A_357 = arith.constant 0 : i32
      %dma_wait3A_358 = tpu.memref_slice %arg2[%dma_wait3A_356, %dma_wait3A_357] : memref<10000x128xf32, #tpu.memory_space<hbm>> -> memref<10000x128xf32, #tpu.memory_space<hbm>>
      tpu.wait_indirect_dma semaphore(%arg33 : memref<!tpu.dma_semaphore, #tpu.memory_space<semaphore_mem>>) src(%dma_wait3A_358 : memref<10000x128xf32, #tpu.memory_space<hbm>>) dst(%arg29 : memref<40x128xf32, #tpu.memory_space<vmem>>)
      "tpu.region"() ({
        %run_scoped3A = tpu.sem_alloc : memref<!tpu.dma_semaphore, #tpu.memory_space<semaphore_mem>>
        %dma_start3A_590 = arith.constant 0 : i32
        %dma_start3A_591 = arith.constant 0 : i32
        %dma_start3A_592 = tpu.memref_slice %arg31[%dma_start3A_590, %dma_start3A_591] : memref<10240x128xf32, #tpu.memory_space<vmem_shared>> -> memref<10240x128xf32, #tpu.memory_space<vmem_shared>>
        tpu.enqueue_indirect_dma source(%arg29 : memref<40x128xf32, #tpu.memory_space<vmem>>) target(%dma_start3A_592 : memref<10240x128xf32, #tpu.memory_space<vmem_shared>>) offsets(%arg19 : memref<40xi32, #tpu.memory_space<vmem>>) semaphore(%run_scoped3A : memref<!tpu.dma_semaphore, #tpu.memory_space<semaphore_mem>>) {add = true}
        %dma_wait3A_593 = arith.constant 0 : i32
        %dma_wait3A_594 = arith.constant 0 : i32
        %dma_wait3A_595 = tpu.memref_slice %arg31[%dma_wait3A_593, %dma_wait3A_594] : memref<10240x128xf32, #tpu.memory_space<vmem_shared>> -> memref<10240x128xf32, #tpu.memory_space<vmem_shared>>
        tpu.wait_indirect_dma semaphore(%run_scoped3A : memref<!tpu.dma_semaphore, #tpu.memory_space<semaphore_mem>>) src(%arg29 : memref<40x128xf32, #tpu.memory_space<vmem>>) dst(%dma_wait3A_595 : memref<10240x128xf32, #tpu.memory_space<vmem_shared>>)
        tpu.yield
      }) : () -> ()
      %add3A_359 = arith.constant 10 : i32
      %add3A_360 = arith.addi %add3A_355, %add3A_359 : i32
      %min3A_361 = arith.constant 249 : i32
      %min3A_362 = arith.minsi %add3A_360, %min3A_361 : i32
      %mul3A_363 = arith.constant 40 : i32
      %mul3A_364 = arith.muli %min3A_362, %mul3A_363 : i32
      %add3A_365 = arith.addi %multiple_of3A, %mul3A_364 : i32
      %multiple_of3A_366 = tpu.assume_multiple %add3A_365, 40 : i32
      %add3A_367 = arith.constant 320000 : i32
      %add3A_368 = arith.addi %add3A_367, %multiple_of3A_366 : i32
      %dma_start3A_369 = tpu.memref_slice %arg3[%add3A_368] : memref<640000xi32, #tpu.memory_space<hbm>> -> memref<40xi32, #tpu.memory_space<hbm>>
      %dma_start3A_370 = tpu.memref_slice %arg3[%add3A_368] : memref<640000xi32, #tpu.memory_space<hbm>> -> memref<40xi32, #tpu.memory_space<hbm>>
      tpu.enqueue_dma source(%dma_start3A_370 : memref<40xi32, #tpu.memory_space<hbm>>) target(%arg9 : memref<40xi32, #tpu.memory_space<vmem>>) target_semaphore(%arg32 : memref<!tpu.dma_semaphore, #tpu.memory_space<semaphore_mem>>)
      %dma_start3A_371 = tpu.memref_slice %arg3[%multiple_of3A_366] : memref<640000xi32, #tpu.memory_space<hbm>> -> memref<40xi32, #tpu.memory_space<hbm>>
      %dma_start3A_372 = tpu.memref_slice %arg3[%multiple_of3A_366] : memref<640000xi32, #tpu.memory_space<hbm>> -> memref<40xi32, #tpu.memory_space<hbm>>
      tpu.enqueue_dma source(%dma_start3A_372 : memref<40xi32, #tpu.memory_space<hbm>>) target(%arg19 : memref<40xi32, #tpu.memory_space<vmem>>) target_semaphore(%arg32 : memref<!tpu.dma_semaphore, #tpu.memory_space<semaphore_mem>>)
      %dma_wait3A_373 = arith.constant 0 : i32
      %dma_wait3A_374 = tpu.memref_slice %arg3[%dma_wait3A_373] : memref<640000xi32, #tpu.memory_space<hbm>> -> memref<40xi32, #tpu.memory_space<hbm>>
      %dma_wait3A_375 = arith.constant 0 : i32
      %dma_wait3A_376 = tpu.memref_slice %arg3[%dma_wait3A_375] : memref<640000xi32, #tpu.memory_space<hbm>> -> memref<40xi32, #tpu.memory_space<hbm>>
      tpu.wait_dma2 semaphore(%arg32 : memref<!tpu.dma_semaphore, #tpu.memory_space<semaphore_mem>>) src(%dma_wait3A_376 : memref<40xi32, #tpu.memory_space<hbm>>) dst(%arg9 : memref<40xi32, #tpu.memory_space<vmem>>)
      %dma_wait3A_377 = arith.constant 0 : i32
      %dma_wait3A_378 = tpu.memref_slice %arg3[%dma_wait3A_377] : memref<640000xi32, #tpu.memory_space<hbm>> -> memref<40xi32, #tpu.memory_space<hbm>>
      %dma_wait3A_379 = arith.constant 0 : i32
      %dma_wait3A_380 = tpu.memref_slice %arg3[%dma_wait3A_379] : memref<640000xi32, #tpu.memory_space<hbm>> -> memref<40xi32, #tpu.memory_space<hbm>>
      tpu.wait_dma2 semaphore(%arg32 : memref<!tpu.dma_semaphore, #tpu.memory_space<semaphore_mem>>) src(%dma_wait3A_380 : memref<40xi32, #tpu.memory_space<hbm>>) dst(%arg19 : memref<40xi32, #tpu.memory_space<vmem>>)
      %add3A_381 = arith.constant 5 : i32
      %add3A_382 = arith.addi %add3A_355, %add3A_381 : i32
      %dma_start3A_383 = arith.constant 0 : i32
      %dma_start3A_384 = arith.constant 0 : i32
      %dma_start3A_385 = tpu.memref_slice %arg2[%dma_start3A_383, %dma_start3A_384] : memref<10000x128xf32, #tpu.memory_space<hbm>> -> memref<10000x128xf32, #tpu.memory_space<hbm>>
      tpu.enqueue_indirect_dma source(%dma_start3A_385 : memref<10000x128xf32, #tpu.memory_space<hbm>>) target(%arg29 : memref<40x128xf32, #tpu.memory_space<vmem>>) offsets(%arg14 : memref<40xi32, #tpu.memory_space<vmem>>) semaphore(%arg33 : memref<!tpu.dma_semaphore, #tpu.memory_space<semaphore_mem>>)
      %mul3A_386 = arith.constant 10 : i32
      %mul3A_387 = arith.muli %scan3A_249, %mul3A_386 : i32
      %add3A_388 = arith.constant 4 : i32
      %add3A_389 = arith.addi %mul3A_387, %add3A_388 : i32
      %dma_wait3A_390 = arith.constant 0 : i32
      %dma_wait3A_391 = arith.constant 0 : i32
      %dma_wait3A_392 = tpu.memref_slice %arg2[%dma_wait3A_390, %dma_wait3A_391] : memref<10000x128xf32, #tpu.memory_space<hbm>> -> memref<10000x128xf32, #tpu.memory_space<hbm>>
      tpu.wait_indirect_dma semaphore(%arg33 : memref<!tpu.dma_semaphore, #tpu.memory_space<semaphore_mem>>) src(%dma_wait3A_392 : memref<10000x128xf32, #tpu.memory_space<hbm>>) dst(%arg30 : memref<40x128xf32, #tpu.memory_space<vmem>>)
      "tpu.region"() ({
        %run_scoped3A = tpu.sem_alloc : memref<!tpu.dma_semaphore, #tpu.memory_space<semaphore_mem>>
        %dma_start3A_590 = arith.constant 0 : i32
        %dma_start3A_591 = arith.constant 0 : i32
        %dma_start3A_592 = tpu.memref_slice %arg31[%dma_start3A_590, %dma_start3A_591] : memref<10240x128xf32, #tpu.memory_space<vmem_shared>> -> memref<10240x128xf32, #tpu.memory_space<vmem_shared>>
        tpu.enqueue_indirect_dma source(%arg30 : memref<40x128xf32, #tpu.memory_space<vmem>>) target(%dma_start3A_592 : memref<10240x128xf32, #tpu.memory_space<vmem_shared>>) offsets(%arg20 : memref<40xi32, #tpu.memory_space<vmem>>) semaphore(%run_scoped3A : memref<!tpu.dma_semaphore, #tpu.memory_space<semaphore_mem>>) {add = true}
        %dma_wait3A_593 = arith.constant 0 : i32
        %dma_wait3A_594 = arith.constant 0 : i32
        %dma_wait3A_595 = tpu.memref_slice %arg31[%dma_wait3A_593, %dma_wait3A_594] : memref<10240x128xf32, #tpu.memory_space<vmem_shared>> -> memref<10240x128xf32, #tpu.memory_space<vmem_shared>>
        tpu.wait_indirect_dma semaphore(%run_scoped3A : memref<!tpu.dma_semaphore, #tpu.memory_space<semaphore_mem>>) src(%arg30 : memref<40x128xf32, #tpu.memory_space<vmem>>) dst(%dma_wait3A_595 : memref<10240x128xf32, #tpu.memory_space<vmem_shared>>)
        tpu.yield
      }) : () -> ()
      %add3A_393 = arith.constant 10 : i32
      %add3A_394 = arith.addi %add3A_389, %add3A_393 : i32
      %min3A_395 = arith.constant 249 : i32
      %min3A_396 = arith.minsi %add3A_394, %min3A_395 : i32
      %mul3A_397 = arith.constant 40 : i32
      %mul3A_398 = arith.muli %min3A_396, %mul3A_397 : i32
      %add3A_399 = arith.addi %multiple_of3A, %mul3A_398 : i32
      %multiple_of3A_400 = tpu.assume_multiple %add3A_399, 40 : i32
      %add3A_401 = arith.constant 320000 : i32
      %add3A_402 = arith.addi %add3A_401, %multiple_of3A_400 : i32
      %dma_start3A_403 = tpu.memref_slice %arg3[%add3A_402] : memref<640000xi32, #tpu.memory_space<hbm>> -> memref<40xi32, #tpu.memory_space<hbm>>
      %dma_start3A_404 = tpu.memref_slice %arg3[%add3A_402] : memref<640000xi32, #tpu.memory_space<hbm>> -> memref<40xi32, #tpu.memory_space<hbm>>
      tpu.enqueue_dma source(%dma_start3A_404 : memref<40xi32, #tpu.memory_space<hbm>>) target(%arg10 : memref<40xi32, #tpu.memory_space<vmem>>) target_semaphore(%arg32 : memref<!tpu.dma_semaphore, #tpu.memory_space<semaphore_mem>>)
      %dma_start3A_405 = tpu.memref_slice %arg3[%multiple_of3A_400] : memref<640000xi32, #tpu.memory_space<hbm>> -> memref<40xi32, #tpu.memory_space<hbm>>
      %dma_start3A_406 = tpu.memref_slice %arg3[%multiple_of3A_400] : memref<640000xi32, #tpu.memory_space<hbm>> -> memref<40xi32, #tpu.memory_space<hbm>>
      tpu.enqueue_dma source(%dma_start3A_406 : memref<40xi32, #tpu.memory_space<hbm>>) target(%arg20 : memref<40xi32, #tpu.memory_space<vmem>>) target_semaphore(%arg32 : memref<!tpu.dma_semaphore, #tpu.memory_space<semaphore_mem>>)
      %dma_wait3A_407 = arith.constant 0 : i32
      %dma_wait3A_408 = tpu.memref_slice %arg3[%dma_wait3A_407] : memref<640000xi32, #tpu.memory_space<hbm>> -> memref<40xi32, #tpu.memory_space<hbm>>
      %dma_wait3A_409 = arith.constant 0 : i32
      %dma_wait3A_410 = tpu.memref_slice %arg3[%dma_wait3A_409] : memref<640000xi32, #tpu.memory_space<hbm>> -> memref<40xi32, #tpu.memory_space<hbm>>
      tpu.wait_dma2 semaphore(%arg32 : memref<!tpu.dma_semaphore, #tpu.memory_space<semaphore_mem>>) src(%dma_wait3A_410 : memref<40xi32, #tpu.memory_space<hbm>>) dst(%arg10 : memref<40xi32, #tpu.memory_space<vmem>>)
      %dma_wait3A_411 = arith.constant 0 : i32
      %dma_wait3A_412 = tpu.memref_slice %arg3[%dma_wait3A_411] : memref<640000xi32, #tpu.memory_space<hbm>> -> memref<40xi32, #tpu.memory_space<hbm>>
      %dma_wait3A_413 = arith.constant 0 : i32
      %dma_wait3A_414 = tpu.memref_slice %arg3[%dma_wait3A_413] : memref<640000xi32, #tpu.memory_space<hbm>> -> memref<40xi32, #tpu.memory_space<hbm>>
      tpu.wait_dma2 semaphore(%arg32 : memref<!tpu.dma_semaphore, #tpu.memory_space<semaphore_mem>>) src(%dma_wait3A_414 : memref<40xi32, #tpu.memory_space<hbm>>) dst(%arg20 : memref<40xi32, #tpu.memory_space<vmem>>)
      %add3A_415 = arith.constant 5 : i32
      %add3A_416 = arith.addi %add3A_389, %add3A_415 : i32
      %dma_start3A_417 = arith.constant 0 : i32
      %dma_start3A_418 = arith.constant 0 : i32
      %dma_start3A_419 = tpu.memref_slice %arg2[%dma_start3A_417, %dma_start3A_418] : memref<10000x128xf32, #tpu.memory_space<hbm>> -> memref<10000x128xf32, #tpu.memory_space<hbm>>
      tpu.enqueue_indirect_dma source(%dma_start3A_419 : memref<10000x128xf32, #tpu.memory_space<hbm>>) target(%arg30 : memref<40x128xf32, #tpu.memory_space<vmem>>) offsets(%arg15 : memref<40xi32, #tpu.memory_space<vmem>>) semaphore(%arg33 : memref<!tpu.dma_semaphore, #tpu.memory_space<semaphore_mem>>)
      %mul3A_420 = arith.constant 10 : i32
      %mul3A_421 = arith.muli %scan3A_249, %mul3A_420 : i32
      %add3A_422 = arith.constant 5 : i32
      %add3A_423 = arith.addi %mul3A_421, %add3A_422 : i32
      %dma_wait3A_424 = arith.constant 0 : i32
      %dma_wait3A_425 = arith.constant 0 : i32
      %dma_wait3A_426 = tpu.memref_slice %arg2[%dma_wait3A_424, %dma_wait3A_425] : memref<10000x128xf32, #tpu.memory_space<hbm>> -> memref<10000x128xf32, #tpu.memory_space<hbm>>
      tpu.wait_indirect_dma semaphore(%arg33 : memref<!tpu.dma_semaphore, #tpu.memory_space<semaphore_mem>>) src(%dma_wait3A_426 : memref<10000x128xf32, #tpu.memory_space<hbm>>) dst(%arg26 : memref<40x128xf32, #tpu.memory_space<vmem>>)
      "tpu.region"() ({
        %run_scoped3A = tpu.sem_alloc : memref<!tpu.dma_semaphore, #tpu.memory_space<semaphore_mem>>
        %dma_start3A_590 = arith.constant 0 : i32
        %dma_start3A_591 = arith.constant 0 : i32
        %dma_start3A_592 = tpu.memref_slice %arg31[%dma_start3A_590, %dma_start3A_591] : memref<10240x128xf32, #tpu.memory_space<vmem_shared>> -> memref<10240x128xf32, #tpu.memory_space<vmem_shared>>
        tpu.enqueue_indirect_dma source(%arg26 : memref<40x128xf32, #tpu.memory_space<vmem>>) target(%dma_start3A_592 : memref<10240x128xf32, #tpu.memory_space<vmem_shared>>) offsets(%arg21 : memref<40xi32, #tpu.memory_space<vmem>>) semaphore(%run_scoped3A : memref<!tpu.dma_semaphore, #tpu.memory_space<semaphore_mem>>) {add = true}
        %dma_wait3A_593 = arith.constant 0 : i32
        %dma_wait3A_594 = arith.constant 0 : i32
        %dma_wait3A_595 = tpu.memref_slice %arg31[%dma_wait3A_593, %dma_wait3A_594] : memref<10240x128xf32, #tpu.memory_space<vmem_shared>> -> memref<10240x128xf32, #tpu.memory_space<vmem_shared>>
        tpu.wait_indirect_dma semaphore(%run_scoped3A : memref<!tpu.dma_semaphore, #tpu.memory_space<semaphore_mem>>) src(%arg26 : memref<40x128xf32, #tpu.memory_space<vmem>>) dst(%dma_wait3A_595 : memref<10240x128xf32, #tpu.memory_space<vmem_shared>>)
        tpu.yield
      }) : () -> ()
      %add3A_427 = arith.constant 10 : i32
      %add3A_428 = arith.addi %add3A_423, %add3A_427 : i32
      %min3A_429 = arith.constant 249 : i32
      %min3A_430 = arith.minsi %add3A_428, %min3A_429 : i32
      %mul3A_431 = arith.constant 40 : i32
      %mul3A_432 = arith.muli %min3A_430, %mul3A_431 : i32
      %add3A_433 = arith.addi %multiple_of3A, %mul3A_432 : i32
      %multiple_of3A_434 = tpu.assume_multiple %add3A_433, 40 : i32
      %add3A_435 = arith.constant 320000 : i32
      %add3A_436 = arith.addi %add3A_435, %multiple_of3A_434 : i32
      %dma_start3A_437 = tpu.memref_slice %arg3[%add3A_436] : memref<640000xi32, #tpu.memory_space<hbm>> -> memref<40xi32, #tpu.memory_space<hbm>>
      %dma_start3A_438 = tpu.memref_slice %arg3[%add3A_436] : memref<640000xi32, #tpu.memory_space<hbm>> -> memref<40xi32, #tpu.memory_space<hbm>>
      tpu.enqueue_dma source(%dma_start3A_438 : memref<40xi32, #tpu.memory_space<hbm>>) target(%arg11 : memref<40xi32, #tpu.memory_space<vmem>>) target_semaphore(%arg32 : memref<!tpu.dma_semaphore, #tpu.memory_space<semaphore_mem>>)
      %dma_start3A_439 = tpu.memref_slice %arg3[%multiple_of3A_434] : memref<640000xi32, #tpu.memory_space<hbm>> -> memref<40xi32, #tpu.memory_space<hbm>>
      %dma_start3A_440 = tpu.memref_slice %arg3[%multiple_of3A_434] : memref<640000xi32, #tpu.memory_space<hbm>> -> memref<40xi32, #tpu.memory_space<hbm>>
      tpu.enqueue_dma source(%dma_start3A_440 : memref<40xi32, #tpu.memory_space<hbm>>) target(%arg21 : memref<40xi32, #tpu.memory_space<vmem>>) target_semaphore(%arg32 : memref<!tpu.dma_semaphore, #tpu.memory_space<semaphore_mem>>)
      %dma_wait3A_441 = arith.constant 0 : i32
      %dma_wait3A_442 = tpu.memref_slice %arg3[%dma_wait3A_441] : memref<640000xi32, #tpu.memory_space<hbm>> -> memref<40xi32, #tpu.memory_space<hbm>>
      %dma_wait3A_443 = arith.constant 0 : i32
      %dma_wait3A_444 = tpu.memref_slice %arg3[%dma_wait3A_443] : memref<640000xi32, #tpu.memory_space<hbm>> -> memref<40xi32, #tpu.memory_space<hbm>>
      tpu.wait_dma2 semaphore(%arg32 : memref<!tpu.dma_semaphore, #tpu.memory_space<semaphore_mem>>) src(%dma_wait3A_444 : memref<40xi32, #tpu.memory_space<hbm>>) dst(%arg11 : memref<40xi32, #tpu.memory_space<vmem>>)
      %dma_wait3A_445 = arith.constant 0 : i32
      %dma_wait3A_446 = tpu.memref_slice %arg3[%dma_wait3A_445] : memref<640000xi32, #tpu.memory_space<hbm>> -> memref<40xi32, #tpu.memory_space<hbm>>
      %dma_wait3A_447 = arith.constant 0 : i32
      %dma_wait3A_448 = tpu.memref_slice %arg3[%dma_wait3A_447] : memref<640000xi32, #tpu.memory_space<hbm>> -> memref<40xi32, #tpu.memory_space<hbm>>
      tpu.wait_dma2 semaphore(%arg32 : memref<!tpu.dma_semaphore, #tpu.memory_space<semaphore_mem>>) src(%dma_wait3A_448 : memref<40xi32, #tpu.memory_space<hbm>>) dst(%arg21 : memref<40xi32, #tpu.memory_space<vmem>>)
      %add3A_449 = arith.constant 5 : i32
      %add3A_450 = arith.addi %add3A_423, %add3A_449 : i32
      %dma_start3A_451 = arith.constant 0 : i32
      %dma_start3A_452 = arith.constant 0 : i32
      %dma_start3A_453 = tpu.memref_slice %arg2[%dma_start3A_451, %dma_start3A_452] : memref<10000x128xf32, #tpu.memory_space<hbm>> -> memref<10000x128xf32, #tpu.memory_space<hbm>>
      tpu.enqueue_indirect_dma source(%dma_start3A_453 : memref<10000x128xf32, #tpu.memory_space<hbm>>) target(%arg26 : memref<40x128xf32, #tpu.memory_space<vmem>>) offsets(%arg6 : memref<40xi32, #tpu.memory_space<vmem>>) semaphore(%arg33 : memref<!tpu.dma_semaphore, #tpu.memory_space<semaphore_mem>>)
      %mul3A_454 = arith.constant 10 : i32
      %mul3A_455 = arith.muli %scan3A_249, %mul3A_454 : i32
      %add3A_456 = arith.constant 6 : i32
      %add3A_457 = arith.addi %mul3A_455, %add3A_456 : i32
      %dma_wait3A_458 = arith.constant 0 : i32
      %dma_wait3A_459 = arith.constant 0 : i32
      %dma_wait3A_460 = tpu.memref_slice %arg2[%dma_wait3A_458, %dma_wait3A_459] : memref<10000x128xf32, #tpu.memory_space<hbm>> -> memref<10000x128xf32, #tpu.memory_space<hbm>>
      tpu.wait_indirect_dma semaphore(%arg33 : memref<!tpu.dma_semaphore, #tpu.memory_space<semaphore_mem>>) src(%dma_wait3A_460 : memref<10000x128xf32, #tpu.memory_space<hbm>>) dst(%arg27 : memref<40x128xf32, #tpu.memory_space<vmem>>)
      "tpu.region"() ({
        %run_scoped3A = tpu.sem_alloc : memref<!tpu.dma_semaphore, #tpu.memory_space<semaphore_mem>>
        %dma_start3A_590 = arith.constant 0 : i32
        %dma_start3A_591 = arith.constant 0 : i32
        %dma_start3A_592 = tpu.memref_slice %arg31[%dma_start3A_590, %dma_start3A_591] : memref<10240x128xf32, #tpu.memory_space<vmem_shared>> -> memref<10240x128xf32, #tpu.memory_space<vmem_shared>>
        tpu.enqueue_indirect_dma source(%arg27 : memref<40x128xf32, #tpu.memory_space<vmem>>) target(%dma_start3A_592 : memref<10240x128xf32, #tpu.memory_space<vmem_shared>>) offsets(%arg22 : memref<40xi32, #tpu.memory_space<vmem>>) semaphore(%run_scoped3A : memref<!tpu.dma_semaphore, #tpu.memory_space<semaphore_mem>>) {add = true}
        %dma_wait3A_593 = arith.constant 0 : i32
        %dma_wait3A_594 = arith.constant 0 : i32
        %dma_wait3A_595 = tpu.memref_slice %arg31[%dma_wait3A_593, %dma_wait3A_594] : memref<10240x128xf32, #tpu.memory_space<vmem_shared>> -> memref<10240x128xf32, #tpu.memory_space<vmem_shared>>
        tpu.wait_indirect_dma semaphore(%run_scoped3A : memref<!tpu.dma_semaphore, #tpu.memory_space<semaphore_mem>>) src(%arg27 : memref<40x128xf32, #tpu.memory_space<vmem>>) dst(%dma_wait3A_595 : memref<10240x128xf32, #tpu.memory_space<vmem_shared>>)
        tpu.yield
      }) : () -> ()
      %add3A_461 = arith.constant 10 : i32
      %add3A_462 = arith.addi %add3A_457, %add3A_461 : i32
      %min3A_463 = arith.constant 249 : i32
      %min3A_464 = arith.minsi %add3A_462, %min3A_463 : i32
      %mul3A_465 = arith.constant 40 : i32
      %mul3A_466 = arith.muli %min3A_464, %mul3A_465 : i32
      %add3A_467 = arith.addi %multiple_of3A, %mul3A_466 : i32
      %multiple_of3A_468 = tpu.assume_multiple %add3A_467, 40 : i32
      %add3A_469 = arith.constant 320000 : i32
      %add3A_470 = arith.addi %add3A_469, %multiple_of3A_468 : i32
      %dma_start3A_471 = tpu.memref_slice %arg3[%add3A_470] : memref<640000xi32, #tpu.memory_space<hbm>> -> memref<40xi32, #tpu.memory_space<hbm>>
      %dma_start3A_472 = tpu.memref_slice %arg3[%add3A_470] : memref<640000xi32, #tpu.memory_space<hbm>> -> memref<40xi32, #tpu.memory_space<hbm>>
      tpu.enqueue_dma source(%dma_start3A_472 : memref<40xi32, #tpu.memory_space<hbm>>) target(%arg12 : memref<40xi32, #tpu.memory_space<vmem>>) target_semaphore(%arg32 : memref<!tpu.dma_semaphore, #tpu.memory_space<semaphore_mem>>)
      %dma_start3A_473 = tpu.memref_slice %arg3[%multiple_of3A_468] : memref<640000xi32, #tpu.memory_space<hbm>> -> memref<40xi32, #tpu.memory_space<hbm>>
      %dma_start3A_474 = tpu.memref_slice %arg3[%multiple_of3A_468] : memref<640000xi32, #tpu.memory_space<hbm>> -> memref<40xi32, #tpu.memory_space<hbm>>
      tpu.enqueue_dma source(%dma_start3A_474 : memref<40xi32, #tpu.memory_space<hbm>>) target(%arg22 : memref<40xi32, #tpu.memory_space<vmem>>) target_semaphore(%arg32 : memref<!tpu.dma_semaphore, #tpu.memory_space<semaphore_mem>>)
      %dma_wait3A_475 = arith.constant 0 : i32
      %dma_wait3A_476 = tpu.memref_slice %arg3[%dma_wait3A_475] : memref<640000xi32, #tpu.memory_space<hbm>> -> memref<40xi32, #tpu.memory_space<hbm>>
      %dma_wait3A_477 = arith.constant 0 : i32
      %dma_wait3A_478 = tpu.memref_slice %arg3[%dma_wait3A_477] : memref<640000xi32, #tpu.memory_space<hbm>> -> memref<40xi32, #tpu.memory_space<hbm>>
      tpu.wait_dma2 semaphore(%arg32 : memref<!tpu.dma_semaphore, #tpu.memory_space<semaphore_mem>>) src(%dma_wait3A_478 : memref<40xi32, #tpu.memory_space<hbm>>) dst(%arg12 : memref<40xi32, #tpu.memory_space<vmem>>)
      %dma_wait3A_479 = arith.constant 0 : i32
      %dma_wait3A_480 = tpu.memref_slice %arg3[%dma_wait3A_479] : memref<640000xi32, #tpu.memory_space<hbm>> -> memref<40xi32, #tpu.memory_space<hbm>>
      %dma_wait3A_481 = arith.constant 0 : i32
      %dma_wait3A_482 = tpu.memref_slice %arg3[%dma_wait3A_481] : memref<640000xi32, #tpu.memory_space<hbm>> -> memref<40xi32, #tpu.memory_space<hbm>>
      tpu.wait_dma2 semaphore(%arg32 : memref<!tpu.dma_semaphore, #tpu.memory_space<semaphore_mem>>) src(%dma_wait3A_482 : memref<40xi32, #tpu.memory_space<hbm>>) dst(%arg22 : memref<40xi32, #tpu.memory_space<vmem>>)
      %add3A_483 = arith.constant 5 : i32
      %add3A_484 = arith.addi %add3A_457, %add3A_483 : i32
      %dma_start3A_485 = arith.constant 0 : i32
      %dma_start3A_486 = arith.constant 0 : i32
      %dma_start3A_487 = tpu.memref_slice %arg2[%dma_start3A_485, %dma_start3A_486] : memref<10000x128xf32, #tpu.memory_space<hbm>> -> memref<10000x128xf32, #tpu.memory_space<hbm>>
      tpu.enqueue_indirect_dma source(%dma_start3A_487 : memref<10000x128xf32, #tpu.memory_space<hbm>>) target(%arg27 : memref<40x128xf32, #tpu.memory_space<vmem>>) offsets(%arg7 : memref<40xi32, #tpu.memory_space<vmem>>) semaphore(%arg33 : memref<!tpu.dma_semaphore, #tpu.memory_space<semaphore_mem>>)
      %mul3A_488 = arith.constant 10 : i32
      %mul3A_489 = arith.muli %scan3A_249, %mul3A_488 : i32
      %add3A_490 = arith.constant 7 : i32
      %add3A_491 = arith.addi %mul3A_489, %add3A_490 : i32
      %dma_wait3A_492 = arith.constant 0 : i32
      %dma_wait3A_493 = arith.constant 0 : i32
      %dma_wait3A_494 = tpu.memref_slice %arg2[%dma_wait3A_492, %dma_wait3A_493] : memref<10000x128xf32, #tpu.memory_space<hbm>> -> memref<10000x128xf32, #tpu.memory_space<hbm>>
      tpu.wait_indirect_dma semaphore(%arg33 : memref<!tpu.dma_semaphore, #tpu.memory_space<semaphore_mem>>) src(%dma_wait3A_494 : memref<10000x128xf32, #tpu.memory_space<hbm>>) dst(%arg28 : memref<40x128xf32, #tpu.memory_space<vmem>>)
      "tpu.region"() ({
        %run_scoped3A = tpu.sem_alloc : memref<!tpu.dma_semaphore, #tpu.memory_space<semaphore_mem>>
        %dma_start3A_590 = arith.constant 0 : i32
        %dma_start3A_591 = arith.constant 0 : i32
        %dma_start3A_592 = tpu.memref_slice %arg31[%dma_start3A_590, %dma_start3A_591] : memref<10240x128xf32, #tpu.memory_space<vmem_shared>> -> memref<10240x128xf32, #tpu.memory_space<vmem_shared>>
        tpu.enqueue_indirect_dma source(%arg28 : memref<40x128xf32, #tpu.memory_space<vmem>>) target(%dma_start3A_592 : memref<10240x128xf32, #tpu.memory_space<vmem_shared>>) offsets(%arg23 : memref<40xi32, #tpu.memory_space<vmem>>) semaphore(%run_scoped3A : memref<!tpu.dma_semaphore, #tpu.memory_space<semaphore_mem>>) {add = true}
        %dma_wait3A_593 = arith.constant 0 : i32
        %dma_wait3A_594 = arith.constant 0 : i32
        %dma_wait3A_595 = tpu.memref_slice %arg31[%dma_wait3A_593, %dma_wait3A_594] : memref<10240x128xf32, #tpu.memory_space<vmem_shared>> -> memref<10240x128xf32, #tpu.memory_space<vmem_shared>>
        tpu.wait_indirect_dma semaphore(%run_scoped3A : memref<!tpu.dma_semaphore, #tpu.memory_space<semaphore_mem>>) src(%arg28 : memref<40x128xf32, #tpu.memory_space<vmem>>) dst(%dma_wait3A_595 : memref<10240x128xf32, #tpu.memory_space<vmem_shared>>)
        tpu.yield
      }) : () -> ()
      %add3A_495 = arith.constant 10 : i32
      %add3A_496 = arith.addi %add3A_491, %add3A_495 : i32
      %min3A_497 = arith.constant 249 : i32
      %min3A_498 = arith.minsi %add3A_496, %min3A_497 : i32
      %mul3A_499 = arith.constant 40 : i32
      %mul3A_500 = arith.muli %min3A_498, %mul3A_499 : i32
      %add3A_501 = arith.addi %multiple_of3A, %mul3A_500 : i32
      %multiple_of3A_502 = tpu.assume_multiple %add3A_501, 40 : i32
      %add3A_503 = arith.constant 320000 : i32
      %add3A_504 = arith.addi %add3A_503, %multiple_of3A_502 : i32
      %dma_start3A_505 = tpu.memref_slice %arg3[%add3A_504] : memref<640000xi32, #tpu.memory_space<hbm>> -> memref<40xi32, #tpu.memory_space<hbm>>
      %dma_start3A_506 = tpu.memref_slice %arg3[%add3A_504] : memref<640000xi32, #tpu.memory_space<hbm>> -> memref<40xi32, #tpu.memory_space<hbm>>
      tpu.enqueue_dma source(%dma_start3A_506 : memref<40xi32, #tpu.memory_space<hbm>>) target(%arg13 : memref<40xi32, #tpu.memory_space<vmem>>) target_semaphore(%arg32 : memref<!tpu.dma_semaphore, #tpu.memory_space<semaphore_mem>>)
      %dma_start3A_507 = tpu.memref_slice %arg3[%multiple_of3A_502] : memref<640000xi32, #tpu.memory_space<hbm>> -> memref<40xi32, #tpu.memory_space<hbm>>
      %dma_start3A_508 = tpu.memref_slice %arg3[%multiple_of3A_502] : memref<640000xi32, #tpu.memory_space<hbm>> -> memref<40xi32, #tpu.memory_space<hbm>>
      tpu.enqueue_dma source(%dma_start3A_508 : memref<40xi32, #tpu.memory_space<hbm>>) target(%arg23 : memref<40xi32, #tpu.memory_space<vmem>>) target_semaphore(%arg32 : memref<!tpu.dma_semaphore, #tpu.memory_space<semaphore_mem>>)
      %dma_wait3A_509 = arith.constant 0 : i32
      %dma_wait3A_510 = tpu.memref_slice %arg3[%dma_wait3A_509] : memref<640000xi32, #tpu.memory_space<hbm>> -> memref<40xi32, #tpu.memory_space<hbm>>
      %dma_wait3A_511 = arith.constant 0 : i32
      %dma_wait3A_512 = tpu.memref_slice %arg3[%dma_wait3A_511] : memref<640000xi32, #tpu.memory_space<hbm>> -> memref<40xi32, #tpu.memory_space<hbm>>
      tpu.wait_dma2 semaphore(%arg32 : memref<!tpu.dma_semaphore, #tpu.memory_space<semaphore_mem>>) src(%dma_wait3A_512 : memref<40xi32, #tpu.memory_space<hbm>>) dst(%arg13 : memref<40xi32, #tpu.memory_space<vmem>>)
      %dma_wait3A_513 = arith.constant 0 : i32
      %dma_wait3A_514 = tpu.memref_slice %arg3[%dma_wait3A_513] : memref<640000xi32, #tpu.memory_space<hbm>> -> memref<40xi32, #tpu.memory_space<hbm>>
      %dma_wait3A_515 = arith.constant 0 : i32
      %dma_wait3A_516 = tpu.memref_slice %arg3[%dma_wait3A_515] : memref<640000xi32, #tpu.memory_space<hbm>> -> memref<40xi32, #tpu.memory_space<hbm>>
      tpu.wait_dma2 semaphore(%arg32 : memref<!tpu.dma_semaphore, #tpu.memory_space<semaphore_mem>>) src(%dma_wait3A_516 : memref<40xi32, #tpu.memory_space<hbm>>) dst(%arg23 : memref<40xi32, #tpu.memory_space<vmem>>)
      %add3A_517 = arith.constant 5 : i32
      %add3A_518 = arith.addi %add3A_491, %add3A_517 : i32
      %dma_start3A_519 = arith.constant 0 : i32
      %dma_start3A_520 = arith.constant 0 : i32
      %dma_start3A_521 = tpu.memref_slice %arg2[%dma_start3A_519, %dma_start3A_520] : memref<10000x128xf32, #tpu.memory_space<hbm>> -> memref<10000x128xf32, #tpu.memory_space<hbm>>
      tpu.enqueue_indirect_dma source(%dma_start3A_521 : memref<10000x128xf32, #tpu.memory_space<hbm>>) target(%arg28 : memref<40x128xf32, #tpu.memory_space<vmem>>) offsets(%arg8 : memref<40xi32, #tpu.memory_space<vmem>>) semaphore(%arg33 : memref<!tpu.dma_semaphore, #tpu.memory_space<semaphore_mem>>)
      %mul3A_522 = arith.constant 10 : i32
      %mul3A_523 = arith.muli %scan3A_249, %mul3A_522 : i32
      %add3A_524 = arith.constant 8 : i32
      %add3A_525 = arith.addi %mul3A_523, %add3A_524 : i32
      %dma_wait3A_526 = arith.constant 0 : i32
      %dma_wait3A_527 = arith.constant 0 : i32
      %dma_wait3A_528 = tpu.memref_slice %arg2[%dma_wait3A_526, %dma_wait3A_527] : memref<10000x128xf32, #tpu.memory_space<hbm>> -> memref<10000x128xf32, #tpu.memory_space<hbm>>
      tpu.wait_indirect_dma semaphore(%arg33 : memref<!tpu.dma_semaphore, #tpu.memory_space<semaphore_mem>>) src(%dma_wait3A_528 : memref<10000x128xf32, #tpu.memory_space<hbm>>) dst(%arg29 : memref<40x128xf32, #tpu.memory_space<vmem>>)
      "tpu.region"() ({
        %run_scoped3A = tpu.sem_alloc : memref<!tpu.dma_semaphore, #tpu.memory_space<semaphore_mem>>
        %dma_start3A_590 = arith.constant 0 : i32
        %dma_start3A_591 = arith.constant 0 : i32
        %dma_start3A_592 = tpu.memref_slice %arg31[%dma_start3A_590, %dma_start3A_591] : memref<10240x128xf32, #tpu.memory_space<vmem_shared>> -> memref<10240x128xf32, #tpu.memory_space<vmem_shared>>
        tpu.enqueue_indirect_dma source(%arg29 : memref<40x128xf32, #tpu.memory_space<vmem>>) target(%dma_start3A_592 : memref<10240x128xf32, #tpu.memory_space<vmem_shared>>) offsets(%arg24 : memref<40xi32, #tpu.memory_space<vmem>>) semaphore(%run_scoped3A : memref<!tpu.dma_semaphore, #tpu.memory_space<semaphore_mem>>) {add = true}
        %dma_wait3A_593 = arith.constant 0 : i32
        %dma_wait3A_594 = arith.constant 0 : i32
        %dma_wait3A_595 = tpu.memref_slice %arg31[%dma_wait3A_593, %dma_wait3A_594] : memref<10240x128xf32, #tpu.memory_space<vmem_shared>> -> memref<10240x128xf32, #tpu.memory_space<vmem_shared>>
        tpu.wait_indirect_dma semaphore(%run_scoped3A : memref<!tpu.dma_semaphore, #tpu.memory_space<semaphore_mem>>) src(%arg29 : memref<40x128xf32, #tpu.memory_space<vmem>>) dst(%dma_wait3A_595 : memref<10240x128xf32, #tpu.memory_space<vmem_shared>>)
        tpu.yield
      }) : () -> ()
      %add3A_529 = arith.constant 10 : i32
      %add3A_530 = arith.addi %add3A_525, %add3A_529 : i32
      %min3A_531 = arith.constant 249 : i32
      %min3A_532 = arith.minsi %add3A_530, %min3A_531 : i32
      %mul3A_533 = arith.constant 40 : i32
      %mul3A_534 = arith.muli %min3A_532, %mul3A_533 : i32
      %add3A_535 = arith.addi %multiple_of3A, %mul3A_534 : i32
      %multiple_of3A_536 = tpu.assume_multiple %add3A_535, 40 : i32
      %add3A_537 = arith.constant 320000 : i32
      %add3A_538 = arith.addi %add3A_537, %multiple_of3A_536 : i32
      %dma_start3A_539 = tpu.memref_slice %arg3[%add3A_538] : memref<640000xi32, #tpu.memory_space<hbm>> -> memref<40xi32, #tpu.memory_space<hbm>>
      %dma_start3A_540 = tpu.memref_slice %arg3[%add3A_538] : memref<640000xi32, #tpu.memory_space<hbm>> -> memref<40xi32, #tpu.memory_space<hbm>>
      tpu.enqueue_dma source(%dma_start3A_540 : memref<40xi32, #tpu.memory_space<hbm>>) target(%arg14 : memref<40xi32, #tpu.memory_space<vmem>>) target_semaphore(%arg32 : memref<!tpu.dma_semaphore, #tpu.memory_space<semaphore_mem>>)
      %dma_start3A_541 = tpu.memref_slice %arg3[%multiple_of3A_536] : memref<640000xi32, #tpu.memory_space<hbm>> -> memref<40xi32, #tpu.memory_space<hbm>>
      %dma_start3A_542 = tpu.memref_slice %arg3[%multiple_of3A_536] : memref<640000xi32, #tpu.memory_space<hbm>> -> memref<40xi32, #tpu.memory_space<hbm>>
      tpu.enqueue_dma source(%dma_start3A_542 : memref<40xi32, #tpu.memory_space<hbm>>) target(%arg24 : memref<40xi32, #tpu.memory_space<vmem>>) target_semaphore(%arg32 : memref<!tpu.dma_semaphore, #tpu.memory_space<semaphore_mem>>)
      %dma_wait3A_543 = arith.constant 0 : i32
      %dma_wait3A_544 = tpu.memref_slice %arg3[%dma_wait3A_543] : memref<640000xi32, #tpu.memory_space<hbm>> -> memref<40xi32, #tpu.memory_space<hbm>>
      %dma_wait3A_545 = arith.constant 0 : i32
      %dma_wait3A_546 = tpu.memref_slice %arg3[%dma_wait3A_545] : memref<640000xi32, #tpu.memory_space<hbm>> -> memref<40xi32, #tpu.memory_space<hbm>>
      tpu.wait_dma2 semaphore(%arg32 : memref<!tpu.dma_semaphore, #tpu.memory_space<semaphore_mem>>) src(%dma_wait3A_546 : memref<40xi32, #tpu.memory_space<hbm>>) dst(%arg14 : memref<40xi32, #tpu.memory_space<vmem>>)
      %dma_wait3A_547 = arith.constant 0 : i32
      %dma_wait3A_548 = tpu.memref_slice %arg3[%dma_wait3A_547] : memref<640000xi32, #tpu.memory_space<hbm>> -> memref<40xi32, #tpu.memory_space<hbm>>
      %dma_wait3A_549 = arith.constant 0 : i32
      %dma_wait3A_550 = tpu.memref_slice %arg3[%dma_wait3A_549] : memref<640000xi32, #tpu.memory_space<hbm>> -> memref<40xi32, #tpu.memory_space<hbm>>
      tpu.wait_dma2 semaphore(%arg32 : memref<!tpu.dma_semaphore, #tpu.memory_space<semaphore_mem>>) src(%dma_wait3A_550 : memref<40xi32, #tpu.memory_space<hbm>>) dst(%arg24 : memref<40xi32, #tpu.memory_space<vmem>>)
      %add3A_551 = arith.constant 5 : i32
      %add3A_552 = arith.addi %add3A_525, %add3A_551 : i32
      %dma_start3A_553 = arith.constant 0 : i32
      %dma_start3A_554 = arith.constant 0 : i32
      %dma_start3A_555 = tpu.memref_slice %arg2[%dma_start3A_553, %dma_start3A_554] : memref<10000x128xf32, #tpu.memory_space<hbm>> -> memref<10000x128xf32, #tpu.memory_space<hbm>>
      tpu.enqueue_indirect_dma source(%dma_start3A_555 : memref<10000x128xf32, #tpu.memory_space<hbm>>) target(%arg29 : memref<40x128xf32, #tpu.memory_space<vmem>>) offsets(%arg9 : memref<40xi32, #tpu.memory_space<vmem>>) semaphore(%arg33 : memref<!tpu.dma_semaphore, #tpu.memory_space<semaphore_mem>>)
      %mul3A_556 = arith.constant 10 : i32
      %mul3A_557 = arith.muli %scan3A_249, %mul3A_556 : i32
      %add3A_558 = arith.constant 9 : i32
      %add3A_559 = arith.addi %mul3A_557, %add3A_558 : i32
      %dma_wait3A_560 = arith.constant 0 : i32
      %dma_wait3A_561 = arith.constant 0 : i32
      %dma_wait3A_562 = tpu.memref_slice %arg2[%dma_wait3A_560, %dma_wait3A_561] : memref<10000x128xf32, #tpu.memory_space<hbm>> -> memref<10000x128xf32, #tpu.memory_space<hbm>>
      tpu.wait_indirect_dma semaphore(%arg33 : memref<!tpu.dma_semaphore, #tpu.memory_space<semaphore_mem>>) src(%dma_wait3A_562 : memref<10000x128xf32, #tpu.memory_space<hbm>>) dst(%arg30 : memref<40x128xf32, #tpu.memory_space<vmem>>)
      "tpu.region"() ({
        %run_scoped3A = tpu.sem_alloc : memref<!tpu.dma_semaphore, #tpu.memory_space<semaphore_mem>>
        %dma_start3A_590 = arith.constant 0 : i32
        %dma_start3A_591 = arith.constant 0 : i32
        %dma_start3A_592 = tpu.memref_slice %arg31[%dma_start3A_590, %dma_start3A_591] : memref<10240x128xf32, #tpu.memory_space<vmem_shared>> -> memref<10240x128xf32, #tpu.memory_space<vmem_shared>>
        tpu.enqueue_indirect_dma source(%arg30 : memref<40x128xf32, #tpu.memory_space<vmem>>) target(%dma_start3A_592 : memref<10240x128xf32, #tpu.memory_space<vmem_shared>>) offsets(%arg25 : memref<40xi32, #tpu.memory_space<vmem>>) semaphore(%run_scoped3A : memref<!tpu.dma_semaphore, #tpu.memory_space<semaphore_mem>>) {add = true}
        %dma_wait3A_593 = arith.constant 0 : i32
        %dma_wait3A_594 = arith.constant 0 : i32
        %dma_wait3A_595 = tpu.memref_slice %arg31[%dma_wait3A_593, %dma_wait3A_594] : memref<10240x128xf32, #tpu.memory_space<vmem_shared>> -> memref<10240x128xf32, #tpu.memory_space<vmem_shared>>
        tpu.wait_indirect_dma semaphore(%run_scoped3A : memref<!tpu.dma_semaphore, #tpu.memory_space<semaphore_mem>>) src(%arg30 : memref<40x128xf32, #tpu.memory_space<vmem>>) dst(%dma_wait3A_595 : memref<10240x128xf32, #tpu.memory_space<vmem_shared>>)
        tpu.yield
      }) : () -> ()
      %add3A_563 = arith.constant 10 : i32
      %add3A_564 = arith.addi %add3A_559, %add3A_563 : i32
      %min3A_565 = arith.constant 249 : i32
      %min3A_566 = arith.minsi %add3A_564, %min3A_565 : i32
      %mul3A_567 = arith.constant 40 : i32
      %mul3A_568 = arith.muli %min3A_566, %mul3A_567 : i32
      %add3A_569 = arith.addi %multiple_of3A, %mul3A_568 : i32
      %multiple_of3A_570 = tpu.assume_multiple %add3A_569, 40 : i32
      %add3A_571 = arith.constant 320000 : i32
      %add3A_572 = arith.addi %add3A_571, %multiple_of3A_570 : i32
      %dma_start3A_573 = tpu.memref_slice %arg3[%add3A_572] : memref<640000xi32, #tpu.memory_space<hbm>> -> memref<40xi32, #tpu.memory_space<hbm>>
      %dma_start3A_574 = tpu.memref_slice %arg3[%add3A_572] : memref<640000xi32, #tpu.memory_space<hbm>> -> memref<40xi32, #tpu.memory_space<hbm>>
      tpu.enqueue_dma source(%dma_start3A_574 : memref<40xi32, #tpu.memory_space<hbm>>) target(%arg15 : memref<40xi32, #tpu.memory_space<vmem>>) target_semaphore(%arg32 : memref<!tpu.dma_semaphore, #tpu.memory_space<semaphore_mem>>)
      %dma_start3A_575 = tpu.memref_slice %arg3[%multiple_of3A_570] : memref<640000xi32, #tpu.memory_space<hbm>> -> memref<40xi32, #tpu.memory_space<hbm>>
      %dma_start3A_576 = tpu.memref_slice %arg3[%multiple_of3A_570] : memref<640000xi32, #tpu.memory_space<hbm>> -> memref<40xi32, #tpu.memory_space<hbm>>
      tpu.enqueue_dma source(%dma_start3A_576 : memref<40xi32, #tpu.memory_space<hbm>>) target(%arg25 : memref<40xi32, #tpu.memory_space<vmem>>) target_semaphore(%arg32 : memref<!tpu.dma_semaphore, #tpu.memory_space<semaphore_mem>>)
      %dma_wait3A_577 = arith.constant 0 : i32
      %dma_wait3A_578 = tpu.memref_slice %arg3[%dma_wait3A_577] : memref<640000xi32, #tpu.memory_space<hbm>> -> memref<40xi32, #tpu.memory_space<hbm>>
      %dma_wait3A_579 = arith.constant 0 : i32
      %dma_wait3A_580 = tpu.memref_slice %arg3[%dma_wait3A_579] : memref<640000xi32, #tpu.memory_space<hbm>> -> memref<40xi32, #tpu.memory_space<hbm>>
      tpu.wait_dma2 semaphore(%arg32 : memref<!tpu.dma_semaphore, #tpu.memory_space<semaphore_mem>>) src(%dma_wait3A_580 : memref<40xi32, #tpu.memory_space<hbm>>) dst(%arg15 : memref<40xi32, #tpu.memory_space<vmem>>)
      %dma_wait3A_581 = arith.constant 0 : i32
      %dma_wait3A_582 = tpu.memref_slice %arg3[%dma_wait3A_581] : memref<640000xi32, #tpu.memory_space<hbm>> -> memref<40xi32, #tpu.memory_space<hbm>>
      %dma_wait3A_583 = arith.constant 0 : i32
      %dma_wait3A_584 = tpu.memref_slice %arg3[%dma_wait3A_583] : memref<640000xi32, #tpu.memory_space<hbm>> -> memref<40xi32, #tpu.memory_space<hbm>>
      tpu.wait_dma2 semaphore(%arg32 : memref<!tpu.dma_semaphore, #tpu.memory_space<semaphore_mem>>) src(%dma_wait3A_584 : memref<40xi32, #tpu.memory_space<hbm>>) dst(%arg25 : memref<40xi32, #tpu.memory_space<vmem>>)
      %add3A_585 = arith.constant 5 : i32
      %add3A_586 = arith.addi %add3A_559, %add3A_585 : i32
      %dma_start3A_587 = arith.constant 0 : i32
      %dma_start3A_588 = arith.constant 0 : i32
      %dma_start3A_589 = tpu.memref_slice %arg2[%dma_start3A_587, %dma_start3A_588] : memref<10000x128xf32, #tpu.memory_space<hbm>> -> memref<10000x128xf32, #tpu.memory_space<hbm>>
      tpu.enqueue_indirect_dma source(%dma_start3A_589 : memref<10000x128xf32, #tpu.memory_space<hbm>>) target(%arg30 : memref<40x128xf32, #tpu.memory_space<vmem>>) offsets(%arg10 : memref<40xi32, #tpu.memory_space<vmem>>) semaphore(%arg33 : memref<!tpu.dma_semaphore, #tpu.memory_space<semaphore_mem>>)
    }
    %scan3A_192 = arith.constant 25 : i32
    %dma_wait3A_193 = arith.constant 0 : i32
    %dma_wait3A_194 = arith.constant 0 : i32
    %dma_wait3A_195 = tpu.memref_slice %arg2[%dma_wait3A_193, %dma_wait3A_194] : memref<10000x128xf32, #tpu.memory_space<hbm>> -> memref<10000x128xf32, #tpu.memory_space<hbm>>
    tpu.wait_indirect_dma semaphore(%arg33 : memref<!tpu.dma_semaphore, #tpu.memory_space<semaphore_mem>>) src(%dma_wait3A_195 : memref<10000x128xf32, #tpu.memory_space<hbm>>) dst(%arg26 : memref<40x128xf32, #tpu.memory_space<vmem>>)
    %dma_wait3A_196 = arith.constant 0 : i32
    %dma_wait3A_197 = tpu.memref_slice %arg3[%dma_wait3A_196] : memref<640000xi32, #tpu.memory_space<hbm>> -> memref<40xi32, #tpu.memory_space<hbm>>
    %dma_wait3A_198 = arith.constant 0 : i32
    %dma_wait3A_199 = tpu.memref_slice %arg3[%dma_wait3A_198] : memref<640000xi32, #tpu.memory_space<hbm>> -> memref<40xi32, #tpu.memory_space<hbm>>
    tpu.wait_dma2 semaphore(%arg32 : memref<!tpu.dma_semaphore, #tpu.memory_space<semaphore_mem>>) src(%dma_wait3A_199 : memref<40xi32, #tpu.memory_space<hbm>>) dst(%arg6 : memref<40xi32, #tpu.memory_space<vmem>>)
    %dma_wait3A_200 = arith.constant 0 : i32
    %dma_wait3A_201 = tpu.memref_slice %arg3[%dma_wait3A_200] : memref<640000xi32, #tpu.memory_space<hbm>> -> memref<40xi32, #tpu.memory_space<hbm>>
    %dma_wait3A_202 = arith.constant 0 : i32
    %dma_wait3A_203 = tpu.memref_slice %arg3[%dma_wait3A_202] : memref<640000xi32, #tpu.memory_space<hbm>> -> memref<40xi32, #tpu.memory_space<hbm>>
    tpu.wait_dma2 semaphore(%arg32 : memref<!tpu.dma_semaphore, #tpu.memory_space<semaphore_mem>>) src(%dma_wait3A_203 : memref<40xi32, #tpu.memory_space<hbm>>) dst(%arg16 : memref<40xi32, #tpu.memory_space<vmem>>)
    %dma_wait3A_204 = arith.constant 0 : i32
    %dma_wait3A_205 = arith.constant 0 : i32
    %dma_wait3A_206 = tpu.memref_slice %arg2[%dma_wait3A_204, %dma_wait3A_205] : memref<10000x128xf32, #tpu.memory_space<hbm>> -> memref<10000x128xf32, #tpu.memory_space<hbm>>
    tpu.wait_indirect_dma semaphore(%arg33 : memref<!tpu.dma_semaphore, #tpu.memory_space<semaphore_mem>>) src(%dma_wait3A_206 : memref<10000x128xf32, #tpu.memory_space<hbm>>) dst(%arg27 : memref<40x128xf32, #tpu.memory_space<vmem>>)
    %dma_wait3A_207 = arith.constant 0 : i32
    %dma_wait3A_208 = tpu.memref_slice %arg3[%dma_wait3A_207] : memref<640000xi32, #tpu.memory_space<hbm>> -> memref<40xi32, #tpu.memory_space<hbm>>
    %dma_wait3A_209 = arith.constant 0 : i32
    %dma_wait3A_210 = tpu.memref_slice %arg3[%dma_wait3A_209] : memref<640000xi32, #tpu.memory_space<hbm>> -> memref<40xi32, #tpu.memory_space<hbm>>
    tpu.wait_dma2 semaphore(%arg32 : memref<!tpu.dma_semaphore, #tpu.memory_space<semaphore_mem>>) src(%dma_wait3A_210 : memref<40xi32, #tpu.memory_space<hbm>>) dst(%arg7 : memref<40xi32, #tpu.memory_space<vmem>>)
    %dma_wait3A_211 = arith.constant 0 : i32
    %dma_wait3A_212 = tpu.memref_slice %arg3[%dma_wait3A_211] : memref<640000xi32, #tpu.memory_space<hbm>> -> memref<40xi32, #tpu.memory_space<hbm>>
    %dma_wait3A_213 = arith.constant 0 : i32
    %dma_wait3A_214 = tpu.memref_slice %arg3[%dma_wait3A_213] : memref<640000xi32, #tpu.memory_space<hbm>> -> memref<40xi32, #tpu.memory_space<hbm>>
    tpu.wait_dma2 semaphore(%arg32 : memref<!tpu.dma_semaphore, #tpu.memory_space<semaphore_mem>>) src(%dma_wait3A_214 : memref<40xi32, #tpu.memory_space<hbm>>) dst(%arg17 : memref<40xi32, #tpu.memory_space<vmem>>)
    %dma_wait3A_215 = arith.constant 0 : i32
    %dma_wait3A_216 = arith.constant 0 : i32
    %dma_wait3A_217 = tpu.memref_slice %arg2[%dma_wait3A_215, %dma_wait3A_216] : memref<10000x128xf32, #tpu.memory_space<hbm>> -> memref<10000x128xf32, #tpu.memory_space<hbm>>
    tpu.wait_indirect_dma semaphore(%arg33 : memref<!tpu.dma_semaphore, #tpu.memory_space<semaphore_mem>>) src(%dma_wait3A_217 : memref<10000x128xf32, #tpu.memory_space<hbm>>) dst(%arg28 : memref<40x128xf32, #tpu.memory_space<vmem>>)
    %dma_wait3A_218 = arith.constant 0 : i32
    %dma_wait3A_219 = tpu.memref_slice %arg3[%dma_wait3A_218] : memref<640000xi32, #tpu.memory_space<hbm>> -> memref<40xi32, #tpu.memory_space<hbm>>
    %dma_wait3A_220 = arith.constant 0 : i32
    %dma_wait3A_221 = tpu.memref_slice %arg3[%dma_wait3A_220] : memref<640000xi32, #tpu.memory_space<hbm>> -> memref<40xi32, #tpu.memory_space<hbm>>
    tpu.wait_dma2 semaphore(%arg32 : memref<!tpu.dma_semaphore, #tpu.memory_space<semaphore_mem>>) src(%dma_wait3A_221 : memref<40xi32, #tpu.memory_space<hbm>>) dst(%arg8 : memref<40xi32, #tpu.memory_space<vmem>>)
    %dma_wait3A_222 = arith.constant 0 : i32
    %dma_wait3A_223 = tpu.memref_slice %arg3[%dma_wait3A_222] : memref<640000xi32, #tpu.memory_space<hbm>> -> memref<40xi32, #tpu.memory_space<hbm>>
    %dma_wait3A_224 = arith.constant 0 : i32
    %dma_wait3A_225 = tpu.memref_slice %arg3[%dma_wait3A_224] : memref<640000xi32, #tpu.memory_space<hbm>> -> memref<40xi32, #tpu.memory_space<hbm>>
    tpu.wait_dma2 semaphore(%arg32 : memref<!tpu.dma_semaphore, #tpu.memory_space<semaphore_mem>>) src(%dma_wait3A_225 : memref<40xi32, #tpu.memory_space<hbm>>) dst(%arg18 : memref<40xi32, #tpu.memory_space<vmem>>)
    %dma_wait3A_226 = arith.constant 0 : i32
    %dma_wait3A_227 = arith.constant 0 : i32
    %dma_wait3A_228 = tpu.memref_slice %arg2[%dma_wait3A_226, %dma_wait3A_227] : memref<10000x128xf32, #tpu.memory_space<hbm>> -> memref<10000x128xf32, #tpu.memory_space<hbm>>
    tpu.wait_indirect_dma semaphore(%arg33 : memref<!tpu.dma_semaphore, #tpu.memory_space<semaphore_mem>>) src(%dma_wait3A_228 : memref<10000x128xf32, #tpu.memory_space<hbm>>) dst(%arg29 : memref<40x128xf32, #tpu.memory_space<vmem>>)
    %dma_wait3A_229 = arith.constant 0 : i32
    %dma_wait3A_230 = tpu.memref_slice %arg3[%dma_wait3A_229] : memref<640000xi32, #tpu.memory_space<hbm>> -> memref<40xi32, #tpu.memory_space<hbm>>
    %dma_wait3A_231 = arith.constant 0 : i32
    %dma_wait3A_232 = tpu.memref_slice %arg3[%dma_wait3A_231] : memref<640000xi32, #tpu.memory_space<hbm>> -> memref<40xi32, #tpu.memory_space<hbm>>
    tpu.wait_dma2 semaphore(%arg32 : memref<!tpu.dma_semaphore, #tpu.memory_space<semaphore_mem>>) src(%dma_wait3A_232 : memref<40xi32, #tpu.memory_space<hbm>>) dst(%arg9 : memref<40xi32, #tpu.memory_space<vmem>>)
    %dma_wait3A_233 = arith.constant 0 : i32
    %dma_wait3A_234 = tpu.memref_slice %arg3[%dma_wait3A_233] : memref<640000xi32, #tpu.memory_space<hbm>> -> memref<40xi32, #tpu.memory_space<hbm>>
    %dma_wait3A_235 = arith.constant 0 : i32
    %dma_wait3A_236 = tpu.memref_slice %arg3[%dma_wait3A_235] : memref<640000xi32, #tpu.memory_space<hbm>> -> memref<40xi32, #tpu.memory_space<hbm>>
    tpu.wait_dma2 semaphore(%arg32 : memref<!tpu.dma_semaphore, #tpu.memory_space<semaphore_mem>>) src(%dma_wait3A_236 : memref<40xi32, #tpu.memory_space<hbm>>) dst(%arg19 : memref<40xi32, #tpu.memory_space<vmem>>)
    %dma_wait3A_237 = arith.constant 0 : i32
    %dma_wait3A_238 = arith.constant 0 : i32
    %dma_wait3A_239 = tpu.memref_slice %arg2[%dma_wait3A_237, %dma_wait3A_238] : memref<10000x128xf32, #tpu.memory_space<hbm>> -> memref<10000x128xf32, #tpu.memory_space<hbm>>
    tpu.wait_indirect_dma semaphore(%arg33 : memref<!tpu.dma_semaphore, #tpu.memory_space<semaphore_mem>>) src(%dma_wait3A_239 : memref<10000x128xf32, #tpu.memory_space<hbm>>) dst(%arg30 : memref<40x128xf32, #tpu.memory_space<vmem>>)
    %dma_wait3A_240 = arith.constant 0 : i32
    %dma_wait3A_241 = tpu.memref_slice %arg3[%dma_wait3A_240] : memref<640000xi32, #tpu.memory_space<hbm>> -> memref<40xi32, #tpu.memory_space<hbm>>
    %dma_wait3A_242 = arith.constant 0 : i32
    %dma_wait3A_243 = tpu.memref_slice %arg3[%dma_wait3A_242] : memref<640000xi32, #tpu.memory_space<hbm>> -> memref<40xi32, #tpu.memory_space<hbm>>
    tpu.wait_dma2 semaphore(%arg32 : memref<!tpu.dma_semaphore, #tpu.memory_space<semaphore_mem>>) src(%dma_wait3A_243 : memref<40xi32, #tpu.memory_space<hbm>>) dst(%arg10 : memref<40xi32, #tpu.memory_space<vmem>>)
    %dma_wait3A_244 = arith.constant 0 : i32
    %dma_wait3A_245 = tpu.memref_slice %arg3[%dma_wait3A_244] : memref<640000xi32, #tpu.memory_space<hbm>> -> memref<40xi32, #tpu.memory_space<hbm>>
    %dma_wait3A_246 = arith.constant 0 : i32
    %dma_wait3A_247 = tpu.memref_slice %arg3[%dma_wait3A_246] : memref<640000xi32, #tpu.memory_space<hbm>> -> memref<40xi32, #tpu.memory_space<hbm>>
    tpu.wait_dma2 semaphore(%arg32 : memref<!tpu.dma_semaphore, #tpu.memory_space<semaphore_mem>>) src(%dma_wait3A_247 : memref<40xi32, #tpu.memory_space<hbm>>) dst(%arg20 : memref<40xi32, #tpu.memory_space<vmem>>)
    %barrier3A_248 = arith.constant 0 : index
    tpu.barrier barrier_id(%barrier3A_248)
    "tpu.region"() ({
      %run_scoped3A = tpu.sem_alloc : memref<!tpu.dma_semaphore, #tpu.memory_space<semaphore_mem>>
      %dma_start3A_249 = arith.constant 0 : i32
      %dma_start3A_250 = tpu.memref_slice %arg5[%arg0, %multiple_of3A_5, %dma_start3A_249] : memref<2x10240x128xf32, #tpu.memory_space<hbm>> -> memref<1x640x128xf32, #tpu.memory_space<hbm>>
      %dma_start3A_251 = tpu.memref_squeeze %dma_start3A_250 : memref<1x640x128xf32, #tpu.memory_space<hbm>> -> memref<640x128xf32, #tpu.memory_space<hbm>>
      %dma_start3A_252 = arith.constant 0 : i32
      %dma_start3A_253 = tpu.memref_slice %arg31[%multiple_of3A_5, %dma_start3A_252] : memref<10240x128xf32, #tpu.memory_space<vmem_shared>> -> memref<640x128xf32, #tpu.memory_space<vmem_shared>>
      tpu.enqueue_dma source(%dma_start3A_253 : memref<640x128xf32, #tpu.memory_space<vmem_shared>>) target(%dma_start3A_251 : memref<640x128xf32, #tpu.memory_space<hbm>>) target_semaphore(%run_scoped3A : memref<!tpu.dma_semaphore, #tpu.memory_space<semaphore_mem>>)
      %dma_wait3A_254 = arith.constant 0 : i32
      %dma_wait3A_255 = tpu.memref_slice %arg5[%arg0, %multiple_of3A_5, %dma_wait3A_254] : memref<2x10240x128xf32, #tpu.memory_space<hbm>> -> memref<1x640x128xf32, #tpu.memory_space<hbm>>
      %dma_wait3A_256 = tpu.memref_squeeze %dma_wait3A_255 : memref<1x640x128xf32, #tpu.memory_space<hbm>> -> memref<640x128xf32, #tpu.memory_space<hbm>>
      %dma_wait3A_257 = arith.constant 0 : i32
      %dma_wait3A_258 = tpu.memref_slice %arg31[%multiple_of3A_5, %dma_wait3A_257] : memref<10240x128xf32, #tpu.memory_space<vmem_shared>> -> memref<640x128xf32, #tpu.memory_space<vmem_shared>>
      tpu.wait_dma2 semaphore(%run_scoped3A : memref<!tpu.dma_semaphore, #tpu.memory_space<semaphore_mem>>) src(%dma_wait3A_258 : memref<640x128xf32, #tpu.memory_space<vmem_shared>>) dst(%dma_wait3A_256 : memref<640x128xf32, #tpu.memory_space<hbm>>)
      tpu.yield
    }) : () -> ()
    return
  }
}

#map = affine_map<(d0, d1) -> (0, 0)>
#map1 = affine_map<(d0, d1) -> (0)>
#map2 = affine_map<(d0, d1) -> (0, 0, 0)>
module attributes {stable_mosaic.version = 14 : i64} {
  func.func @spmm(%arg0: i32, %arg1: i32, %arg2: memref<10000x128xf32, #tpu.memory_space<hbm>>, %arg3: memref<640000xi32, #tpu.memory_space<hbm>>, %arg4: memref<640x128xf32, #tpu.memory_space<hbm>>, %arg5: memref<2x10240x128xf32, #tpu.memory_space<hbm>>, %arg6: memref<40xi32, #tpu.memory_space<vmem>>, %arg7: memref<40xi32, #tpu.memory_space<vmem>>, %arg8: memref<40xi32, #tpu.memory_space<vmem>>, %arg9: memref<40xi32, #tpu.memory_space<vmem>>, %arg10: memref<40xi32, #tpu.memory_space<vmem>>, %arg11: memref<40xi32, #tpu.memory_space<vmem>>, %arg12: memref<40xi32, #tpu.memory_space<vmem>>, %arg13: memref<40xi32, #tpu.memory_space<vmem>>, %arg14: memref<40xi32, #tpu.memory_space<vmem>>, %arg15: memref<40xi32, #tpu.memory_space<vmem>>, %arg16: memref<40xi32, #tpu.memory_space<vmem>>, %arg17: memref<40xi32, #tpu.memory_space<vmem>>, %arg18: memref<40xi32, #tpu.memory_space<vmem>>, %arg19: memref<40xi32, #tpu.memory_space<vmem>>, %arg20: memref<40xi32, #tpu.memory_space<vmem>>, %arg21: memref<40xi32, #tpu.memory_space<vmem>>, %arg22: memref<40xi32, #tpu.memory_space<vmem>>, %arg23: memref<40xi32, #tpu.memory_space<vmem>>, %arg24: memref<40xi32, #tpu.memory_space<vmem>>, %arg25: memref<40xi32, #tpu.memory_space<vmem>>, %arg26: memref<40x128xf32, #tpu.memory_space<vmem>>, %arg27: memref<40x128xf32, #tpu.memory_space<vmem>>, %arg28: memref<40x128xf32, #tpu.memory_space<vmem>>, %arg29: memref<40x128xf32, #tpu.memory_space<vmem>>, %arg30: memref<40x128xf32, #tpu.memory_space<vmem>>, %arg31: memref<10240x128xf32, #tpu.memory_space<vmem_shared>>, %arg32: memref<!tpu.dma_semaphore, #tpu.memory_space<semaphore_mem>>, %arg33: memref<!tpu.dma_semaphore, #tpu.memory_space<semaphore_mem>>) attributes {dimension_semantics = [#tpu.dimension_semantics<core_parallel>, #tpu.dimension_semantics<subcore_parallel>], iteration_bounds = array<i64: 2, 16>, scalar_prefetch = 0 : i64, scratch_operands = 28 : i64, tpu.core_type = #tpu.core_type<sc_vector_subcore>, window_params = [{transform_indices = #map}, {transform_indices = #map1}, {transform_indices = #map}, {transform_indices = #map2}]} {
    %mul3A = arith.constant 2 : i32
    %mul3A_0 = arith.muli %arg1, %mul3A : i32
    %add3A = arith.addi %mul3A_0, %arg0 : i32
    %mul3A_1 = arith.constant 10000 : i32
    %mul3A_2 = arith.muli %add3A, %mul3A_1 : i32
    %multiple_of3A = tpu.assume_multiple %mul3A_2, 40 : i32
    %mul3A_3 = arith.constant 640 : i32
    %mul3A_4 = arith.muli %arg1, %mul3A_3 : i32
    %multiple_of3A_5 = tpu.assume_multiple %mul3A_4, 640 : i32
    "tpu.region"() ({
      %run_scoped3A = tpu.sem_alloc : memref<!tpu.dma_semaphore, #tpu.memory_space<semaphore_mem>>
      %dma_start3A_249 = arith.constant 0 : i32
      %dma_start3A_250 = tpu.memref_slice %arg31[%multiple_of3A_5, %dma_start3A_249] : memref<10240x128xf32, #tpu.memory_space<vmem_shared>> -> memref<640x128xf32, #tpu.memory_space<vmem_shared>>
      tpu.enqueue_dma source(%arg4 : memref<640x128xf32, #tpu.memory_space<hbm>>) target(%dma_start3A_250 : memref<640x128xf32, #tpu.memory_space<vmem_shared>>) target_semaphore(%run_scoped3A : memref<!tpu.dma_semaphore, #tpu.memory_space<semaphore_mem>>)
      %dma_wait3A_251 = arith.constant 0 : i32
      %dma_wait3A_252 = tpu.memref_slice %arg31[%multiple_of3A_5, %dma_wait3A_251] : memref<10240x128xf32, #tpu.memory_space<vmem_shared>> -> memref<640x128xf32, #tpu.memory_space<vmem_shared>>
      tpu.wait_dma2 semaphore(%run_scoped3A : memref<!tpu.dma_semaphore, #tpu.memory_space<semaphore_mem>>) src(%arg4 : memref<640x128xf32, #tpu.memory_space<hbm>>) dst(%dma_wait3A_252 : memref<640x128xf32, #tpu.memory_space<vmem_shared>>)
      tpu.yield
    }) : () -> ()
    %min3A = arith.constant 0 : i32
    %min3A_6 = arith.constant 249 : i32
    %min3A_7 = arith.minsi %min3A, %min3A_6 : i32
    %mul3A_8 = arith.constant 40 : i32
    %mul3A_9 = arith.muli %min3A_7, %mul3A_8 : i32
    %add3A_10 = arith.addi %multiple_of3A, %mul3A_9 : i32
    %multiple_of3A_11 = tpu.assume_multiple %add3A_10, 40 : i32
    %add3A_12 = arith.constant 320000 : i32
    %add3A_13 = arith.addi %add3A_12, %multiple_of3A_11 : i32
    %dma_start3A = tpu.memref_slice %arg3[%add3A_13] : memref<640000xi32, #tpu.memory_space<hbm>> -> memref<40xi32, #tpu.memory_space<hbm>>
    %dma_start3A_14 = tpu.memref_slice %arg3[%add3A_13] : memref<640000xi32, #tpu.memory_space<hbm>> -> memref<40xi32, #tpu.memory_space<hbm>>
    tpu.enqueue_dma source(%dma_start3A_14 : memref<40xi32, #tpu.memory_space<hbm>>) target(%arg6 : memref<40xi32, #tpu.memory_space<vmem>>) target_semaphore(%arg32 : memref<!tpu.dma_semaphore, #tpu.memory_space<semaphore_mem>>)
    %dma_start3A_15 = tpu.memref_slice %arg3[%multiple_of3A_11] : memref<640000xi32, #tpu.memory_space<hbm>> -> memref<40xi32, #tpu.memory_space<hbm>>
    %dma_start3A_16 = tpu.memref_slice %arg3[%multiple_of3A_11] : memref<640000xi32, #tpu.memory_space<hbm>> -> memref<40xi32, #tpu.memory_space<hbm>>
    tpu.enqueue_dma source(%dma_start3A_16 : memref<40xi32, #tpu.memory_space<hbm>>) target(%arg16 : memref<40xi32, #tpu.memory_space<vmem>>) target_semaphore(%arg32 : memref<!tpu.dma_semaphore, #tpu.memory_space<semaphore_mem>>)
    %min3A_17 = arith.constant 1 : i32
    %min3A_18 = arith.constant 249 : i32
    %min3A_19 = arith.minsi %min3A_17, %min3A_18 : i32
    %mul3A_20 = arith.constant 40 : i32
    %mul3A_21 = arith.muli %min3A_19, %mul3A_20 : i32
    %add3A_22 = arith.addi %multiple_of3A, %mul3A_21 : i32
    %multiple_of3A_23 = tpu.assume_multiple %add3A_22, 40 : i32
    %add3A_24 = arith.constant 320000 : i32
    %add3A_25 = arith.addi %add3A_24, %multiple_of3A_23 : i32
    %dma_start3A_26 = tpu.memref_slice %arg3[%add3A_25] : memref<640000xi32, #tpu.memory_space<hbm>> -> memref<40xi32, #tpu.memory_space<hbm>>
    %dma_start3A_27 = tpu.memref_slice %arg3[%add3A_25] : memref<640000xi32, #tpu.memory_space<hbm>> -> memref<40xi32, #tpu.memory_space<hbm>>
    tpu.enqueue_dma source(%dma_start3A_27 : memref<40xi32, #tpu.memory_space<hbm>>) target(%arg7 : memref<40xi32, #tpu.memory_space<vmem>>) target_semaphore(%arg32 : memref<!tpu.dma_semaphore, #tpu.memory_space<semaphore_mem>>)
    %dma_start3A_28 = tpu.memref_slice %arg3[%multiple_of3A_23] : memref<640000xi32, #tpu.memory_space<hbm>> -> memref<40xi32, #tpu.memory_space<hbm>>
    %dma_start3A_29 = tpu.memref_slice %arg3[%multiple_of3A_23] : memref<640000xi32, #tpu.memory_space<hbm>> -> memref<40xi32, #tpu.memory_space<hbm>>
    tpu.enqueue_dma source(%dma_start3A_29 : memref<40xi32, #tpu.memory_space<hbm>>) target(%arg17 : memref<40xi32, #tpu.memory_space<vmem>>) target_semaphore(%arg32 : memref<!tpu.dma_semaphore, #tpu.memory_space<semaphore_mem>>)
    %min3A_30 = arith.constant 2 : i32
    %min3A_31 = arith.constant 249 : i32
    %min3A_32 = arith.minsi %min3A_30, %min3A_31 : i32
    %mul3A_33 = arith.constant 40 : i32
    %mul3A_34 = arith.muli %min3A_32, %mul3A_33 : i32
    %add3A_35 = arith.addi %multiple_of3A, %mul3A_34 : i32
    %multiple_of3A_36 = tpu.assume_multiple %add3A_35, 40 : i32
    %add3A_37 = arith.constant 320000 : i32
    %add3A_38 = arith.addi %add3A_37, %multiple_of3A_36 : i32
    %dma_start3A_39 = tpu.memref_slice %arg3[%add3A_38] : memref<640000xi32, #tpu.memory_space<hbm>> -> memref<40xi32, #tpu.memory_space<hbm>>
    %dma_start3A_40 = tpu.memref_slice %arg3[%add3A_38] : memref<640000xi32, #tpu.memory_space<hbm>> -> memref<40xi32, #tpu.memory_space<hbm>>
    tpu.enqueue_dma source(%dma_start3A_40 : memref<40xi32, #tpu.memory_space<hbm>>) target(%arg8 : memref<40xi32, #tpu.memory_space<vmem>>) target_semaphore(%arg32 : memref<!tpu.dma_semaphore, #tpu.memory_space<semaphore_mem>>)
    %dma_start3A_41 = tpu.memref_slice %arg3[%multiple_of3A_36] : memref<640000xi32, #tpu.memory_space<hbm>> -> memref<40xi32, #tpu.memory_space<hbm>>
    %dma_start3A_42 = tpu.memref_slice %arg3[%multiple_of3A_36] : memref<640000xi32, #tpu.memory_space<hbm>> -> memref<40xi32, #tpu.memory_space<hbm>>
    tpu.enqueue_dma source(%dma_start3A_42 : memref<40xi32, #tpu.memory_space<hbm>>) target(%arg18 : memref<40xi32, #tpu.memory_space<vmem>>) target_semaphore(%arg32 : memref<!tpu.dma_semaphore, #tpu.memory_space<semaphore_mem>>)
    %min3A_43 = arith.constant 3 : i32
    %min3A_44 = arith.constant 249 : i32
    %min3A_45 = arith.minsi %min3A_43, %min3A_44 : i32
    %mul3A_46 = arith.constant 40 : i32
    %mul3A_47 = arith.muli %min3A_45, %mul3A_46 : i32
    %add3A_48 = arith.addi %multiple_of3A, %mul3A_47 : i32
    %multiple_of3A_49 = tpu.assume_multiple %add3A_48, 40 : i32
    %add3A_50 = arith.constant 320000 : i32
    %add3A_51 = arith.addi %add3A_50, %multiple_of3A_49 : i32
    %dma_start3A_52 = tpu.memref_slice %arg3[%add3A_51] : memref<640000xi32, #tpu.memory_space<hbm>> -> memref<40xi32, #tpu.memory_space<hbm>>
    %dma_start3A_53 = tpu.memref_slice %arg3[%add3A_51] : memref<640000xi32, #tpu.memory_space<hbm>> -> memref<40xi32, #tpu.memory_space<hbm>>
    tpu.enqueue_dma source(%dma_start3A_53 : memref<40xi32, #tpu.memory_space<hbm>>) target(%arg9 : memref<40xi32, #tpu.memory_space<vmem>>) target_semaphore(%arg32 : memref<!tpu.dma_semaphore, #tpu.memory_space<semaphore_mem>>)
    %dma_start3A_54 = tpu.memref_slice %arg3[%multiple_of3A_49] : memref<640000xi32, #tpu.memory_space<hbm>> -> memref<40xi32, #tpu.memory_space<hbm>>
    %dma_start3A_55 = tpu.memref_slice %arg3[%multiple_of3A_49] : memref<640000xi32, #tpu.memory_space<hbm>> -> memref<40xi32, #tpu.memory_space<hbm>>
    tpu.enqueue_dma source(%dma_start3A_55 : memref<40xi32, #tpu.memory_space<hbm>>) target(%arg19 : memref<40xi32, #tpu.memory_space<vmem>>) target_semaphore(%arg32 : memref<!tpu.dma_semaphore, #tpu.memory_space<semaphore_mem>>)
    %min3A_56 = arith.constant 4 : i32
    %min3A_57 = arith.constant 249 : i32
    %min3A_58 = arith.minsi %min3A_56, %min3A_57 : i32
    %mul3A_59 = arith.constant 40 : i32
    %mul3A_60 = arith.muli %min3A_58, %mul3A_59 : i32
    %add3A_61 = arith.addi %multiple_of3A, %mul3A_60 : i32
    %multiple_of3A_62 = tpu.assume_multiple %add3A_61, 40 : i32
    %add3A_63 = arith.constant 320000 : i32
    %add3A_64 = arith.addi %add3A_63, %multiple_of3A_62 : i32
    %dma_start3A_65 = tpu.memref_slice %arg3[%add3A_64] : memref<640000xi32, #tpu.memory_space<hbm>> -> memref<40xi32, #tpu.memory_space<hbm>>
    %dma_start3A_66 = tpu.memref_slice %arg3[%add3A_64] : memref<640000xi32, #tpu.memory_space<hbm>> -> memref<40xi32, #tpu.memory_space<hbm>>
    tpu.enqueue_dma source(%dma_start3A_66 : memref<40xi32, #tpu.memory_space<hbm>>) target(%arg10 : memref<40xi32, #tpu.memory_space<vmem>>) target_semaphore(%arg32 : memref<!tpu.dma_semaphore, #tpu.memory_space<semaphore_mem>>)
    %dma_start3A_67 = tpu.memref_slice %arg3[%multiple_of3A_62] : memref<640000xi32, #tpu.memory_space<hbm>> -> memref<40xi32, #tpu.memory_space<hbm>>
    %dma_start3A_68 = tpu.memref_slice %arg3[%multiple_of3A_62] : memref<640000xi32, #tpu.memory_space<hbm>> -> memref<40xi32, #tpu.memory_space<hbm>>
    tpu.enqueue_dma source(%dma_start3A_68 : memref<40xi32, #tpu.memory_space<hbm>>) target(%arg20 : memref<40xi32, #tpu.memory_space<vmem>>) target_semaphore(%arg32 : memref<!tpu.dma_semaphore, #tpu.memory_space<semaphore_mem>>)
    %min3A_69 = arith.constant 5 : i32
    %min3A_70 = arith.constant 249 : i32
    %min3A_71 = arith.minsi %min3A_69, %min3A_70 : i32
    %mul3A_72 = arith.constant 40 : i32
    %mul3A_73 = arith.muli %min3A_71, %mul3A_72 : i32
    %add3A_74 = arith.addi %multiple_of3A, %mul3A_73 : i32
    %multiple_of3A_75 = tpu.assume_multiple %add3A_74, 40 : i32
    %add3A_76 = arith.constant 320000 : i32
    %add3A_77 = arith.addi %add3A_76, %multiple_of3A_75 : i32
    %dma_start3A_78 = tpu.memref_slice %arg3[%add3A_77] : memref<640000xi32, #tpu.memory_space<hbm>> -> memref<40xi32, #tpu.memory_space<hbm>>
    %dma_start3A_79 = tpu.memref_slice %arg3[%add3A_77] : memref<640000xi32, #tpu.memory_space<hbm>> -> memref<40xi32, #tpu.memory_space<hbm>>
    tpu.enqueue_dma source(%dma_start3A_79 : memref<40xi32, #tpu.memory_space<hbm>>) target(%arg11 : memref<40xi32, #tpu.memory_space<vmem>>) target_semaphore(%arg32 : memref<!tpu.dma_semaphore, #tpu.memory_space<semaphore_mem>>)
    %dma_start3A_80 = tpu.memref_slice %arg3[%multiple_of3A_75] : memref<640000xi32, #tpu.memory_space<hbm>> -> memref<40xi32, #tpu.memory_space<hbm>>
    %dma_start3A_81 = tpu.memref_slice %arg3[%multiple_of3A_75] : memref<640000xi32, #tpu.memory_space<hbm>> -> memref<40xi32, #tpu.memory_space<hbm>>
    tpu.enqueue_dma source(%dma_start3A_81 : memref<40xi32, #tpu.memory_space<hbm>>) target(%arg21 : memref<40xi32, #tpu.memory_space<vmem>>) target_semaphore(%arg32 : memref<!tpu.dma_semaphore, #tpu.memory_space<semaphore_mem>>)
    %min3A_82 = arith.constant 6 : i32
    %min3A_83 = arith.constant 249 : i32
    %min3A_84 = arith.minsi %min3A_82, %min3A_83 : i32
    %mul3A_85 = arith.constant 40 : i32
    %mul3A_86 = arith.muli %min3A_84, %mul3A_85 : i32
    %add3A_87 = arith.addi %multiple_of3A, %mul3A_86 : i32
    %multiple_of3A_88 = tpu.assume_multiple %add3A_87, 40 : i32
    %add3A_89 = arith.constant 320000 : i32
    %add3A_90 = arith.addi %add3A_89, %multiple_of3A_88 : i32
    %dma_start3A_91 = tpu.memref_slice %arg3[%add3A_90] : memref<640000xi32, #tpu.memory_space<hbm>> -> memref<40xi32, #tpu.memory_space<hbm>>
    %dma_start3A_92 = tpu.memref_slice %arg3[%add3A_90] : memref<640000xi32, #tpu.memory_space<hbm>> -> memref<40xi32, #tpu.memory_space<hbm>>
    tpu.enqueue_dma source(%dma_start3A_92 : memref<40xi32, #tpu.memory_space<hbm>>) target(%arg12 : memref<40xi32, #tpu.memory_space<vmem>>) target_semaphore(%arg32 : memref<!tpu.dma_semaphore, #tpu.memory_space<semaphore_mem>>)
    %dma_start3A_93 = tpu.memref_slice %arg3[%multiple_of3A_88] : memref<640000xi32, #tpu.memory_space<hbm>> -> memref<40xi32, #tpu.memory_space<hbm>>
    %dma_start3A_94 = tpu.memref_slice %arg3[%multiple_of3A_88] : memref<640000xi32, #tpu.memory_space<hbm>> -> memref<40xi32, #tpu.memory_space<hbm>>
    tpu.enqueue_dma source(%dma_start3A_94 : memref<40xi32, #tpu.memory_space<hbm>>) target(%arg22 : memref<40xi32, #tpu.memory_space<vmem>>) target_semaphore(%arg32 : memref<!tpu.dma_semaphore, #tpu.memory_space<semaphore_mem>>)
    %min3A_95 = arith.constant 7 : i32
    %min3A_96 = arith.constant 249 : i32
    %min3A_97 = arith.minsi %min3A_95, %min3A_96 : i32
    %mul3A_98 = arith.constant 40 : i32
    %mul3A_99 = arith.muli %min3A_97, %mul3A_98 : i32
    %add3A_100 = arith.addi %multiple_of3A, %mul3A_99 : i32
    %multiple_of3A_101 = tpu.assume_multiple %add3A_100, 40 : i32
    %add3A_102 = arith.constant 320000 : i32
    %add3A_103 = arith.addi %add3A_102, %multiple_of3A_101 : i32
    %dma_start3A_104 = tpu.memref_slice %arg3[%add3A_103] : memref<640000xi32, #tpu.memory_space<hbm>> -> memref<40xi32, #tpu.memory_space<hbm>>
    %dma_start3A_105 = tpu.memref_slice %arg3[%add3A_103] : memref<640000xi32, #tpu.memory_space<hbm>> -> memref<40xi32, #tpu.memory_space<hbm>>
    tpu.enqueue_dma source(%dma_start3A_105 : memref<40xi32, #tpu.memory_space<hbm>>) target(%arg13 : memref<40xi32, #tpu.memory_space<vmem>>) target_semaphore(%arg32 : memref<!tpu.dma_semaphore, #tpu.memory_space<semaphore_mem>>)
    %dma_start3A_106 = tpu.memref_slice %arg3[%multiple_of3A_101] : memref<640000xi32, #tpu.memory_space<hbm>> -> memref<40xi32, #tpu.memory_space<hbm>>
    %dma_start3A_107 = tpu.memref_slice %arg3[%multiple_of3A_101] : memref<640000xi32, #tpu.memory_space<hbm>> -> memref<40xi32, #tpu.memory_space<hbm>>
    tpu.enqueue_dma source(%dma_start3A_107 : memref<40xi32, #tpu.memory_space<hbm>>) target(%arg23 : memref<40xi32, #tpu.memory_space<vmem>>) target_semaphore(%arg32 : memref<!tpu.dma_semaphore, #tpu.memory_space<semaphore_mem>>)
    %min3A_108 = arith.constant 8 : i32
    %min3A_109 = arith.constant 249 : i32
    %min3A_110 = arith.minsi %min3A_108, %min3A_109 : i32
    %mul3A_111 = arith.constant 40 : i32
    %mul3A_112 = arith.muli %min3A_110, %mul3A_111 : i32
    %add3A_113 = arith.addi %multiple_of3A, %mul3A_112 : i32
    %multiple_of3A_114 = tpu.assume_multiple %add3A_113, 40 : i32
    %add3A_115 = arith.constant 320000 : i32
    %add3A_116 = arith.addi %add3A_115, %multiple_of3A_114 : i32
    %dma_start3A_117 = tpu.memref_slice %arg3[%add3A_116] : memref<640000xi32, #tpu.memory_space<hbm>> -> memref<40xi32, #tpu.memory_space<hbm>>
    %dma_start3A_118 = tpu.memref_slice %arg3[%add3A_116] : memref<640000xi32, #tpu.memory_space<hbm>> -> memref<40xi32, #tpu.memory_space<hbm>>
    tpu.enqueue_dma source(%dma_start3A_118 : memref<40xi32, #tpu.memory_space<hbm>>) target(%arg14 : memref<40xi32, #tpu.memory_space<vmem>>) target_semaphore(%arg32 : memref<!tpu.dma_semaphore, #tpu.memory_space<semaphore_mem>>)
    %dma_start3A_119 = tpu.memref_slice %arg3[%multiple_of3A_114] : memref<640000xi32, #tpu.memory_space<hbm>> -> memref<40xi32, #tpu.memory_space<hbm>>
    %dma_start3A_120 = tpu.memref_slice %arg3[%multiple_of3A_114] : memref<640000xi32, #tpu.memory_space<hbm>> -> memref<40xi32, #tpu.memory_space<hbm>>
    tpu.enqueue_dma source(%dma_start3A_120 : memref<40xi32, #tpu.memory_space<hbm>>) target(%arg24 : memref<40xi32, #tpu.memory_space<vmem>>) target_semaphore(%arg32 : memref<!tpu.dma_semaphore, #tpu.memory_space<semaphore_mem>>)
    %min3A_121 = arith.constant 9 : i32
    %min3A_122 = arith.constant 249 : i32
    %min3A_123 = arith.minsi %min3A_121, %min3A_122 : i32
    %mul3A_124 = arith.constant 40 : i32
    %mul3A_125 = arith.muli %min3A_123, %mul3A_124 : i32
    %add3A_126 = arith.addi %multiple_of3A, %mul3A_125 : i32
    %multiple_of3A_127 = tpu.assume_multiple %add3A_126, 40 : i32
    %add3A_128 = arith.constant 320000 : i32
    %add3A_129 = arith.addi %add3A_128, %multiple_of3A_127 : i32
    %dma_start3A_130 = tpu.memref_slice %arg3[%add3A_129] : memref<640000xi32, #tpu.memory_space<hbm>> -> memref<40xi32, #tpu.memory_space<hbm>>
    %dma_start3A_131 = tpu.memref_slice %arg3[%add3A_129] : memref<640000xi32, #tpu.memory_space<hbm>> -> memref<40xi32, #tpu.memory_space<hbm>>
    tpu.enqueue_dma source(%dma_start3A_131 : memref<40xi32, #tpu.memory_space<hbm>>) target(%arg15 : memref<40xi32, #tpu.memory_space<vmem>>) target_semaphore(%arg32 : memref<!tpu.dma_semaphore, #tpu.memory_space<semaphore_mem>>)
    %dma_start3A_132 = tpu.memref_slice %arg3[%multiple_of3A_127] : memref<640000xi32, #tpu.memory_space<hbm>> -> memref<40xi32, #tpu.memory_space<hbm>>
    %dma_start3A_133 = tpu.memref_slice %arg3[%multiple_of3A_127] : memref<640000xi32, #tpu.memory_space<hbm>> -> memref<40xi32, #tpu.memory_space<hbm>>
    tpu.enqueue_dma source(%dma_start3A_133 : memref<40xi32, #tpu.memory_space<hbm>>) target(%arg25 : memref<40xi32, #tpu.memory_space<vmem>>) target_semaphore(%arg32 : memref<!tpu.dma_semaphore, #tpu.memory_space<semaphore_mem>>)
    %dma_wait3A = arith.constant 0 : i32
    %dma_wait3A_134 = tpu.memref_slice %arg3[%dma_wait3A] : memref<640000xi32, #tpu.memory_space<hbm>> -> memref<40xi32, #tpu.memory_space<hbm>>
    %dma_wait3A_135 = arith.constant 0 : i32
    %dma_wait3A_136 = tpu.memref_slice %arg3[%dma_wait3A_135] : memref<640000xi32, #tpu.memory_space<hbm>> -> memref<40xi32, #tpu.memory_space<hbm>>
    tpu.wait_dma2 semaphore(%arg32 : memref<!tpu.dma_semaphore, #tpu.memory_space<semaphore_mem>>) src(%dma_wait3A_136 : memref<40xi32, #tpu.memory_space<hbm>>) dst(%arg6 : memref<40xi32, #tpu.memory_space<vmem>>)
    %dma_wait3A_137 = arith.constant 0 : i32
    %dma_wait3A_138 = tpu.memref_slice %arg3[%dma_wait3A_137] : memref<640000xi32, #tpu.memory_space<hbm>> -> memref<40xi32, #tpu.memory_space<hbm>>
    %dma_wait3A_139 = arith.constant 0 : i32
    %dma_wait3A_140 = tpu.memref_slice %arg3[%dma_wait3A_139] : memref<640000xi32, #tpu.memory_space<hbm>> -> memref<40xi32, #tpu.memory_space<hbm>>
    tpu.wait_dma2 semaphore(%arg32 : memref<!tpu.dma_semaphore, #tpu.memory_space<semaphore_mem>>) src(%dma_wait3A_140 : memref<40xi32, #tpu.memory_space<hbm>>) dst(%arg16 : memref<40xi32, #tpu.memory_space<vmem>>)
    %dma_wait3A_141 = arith.constant 0 : i32
    %dma_wait3A_142 = tpu.memref_slice %arg3[%dma_wait3A_141] : memref<640000xi32, #tpu.memory_space<hbm>> -> memref<40xi32, #tpu.memory_space<hbm>>
    %dma_wait3A_143 = arith.constant 0 : i32
    %dma_wait3A_144 = tpu.memref_slice %arg3[%dma_wait3A_143] : memref<640000xi32, #tpu.memory_space<hbm>> -> memref<40xi32, #tpu.memory_space<hbm>>
    tpu.wait_dma2 semaphore(%arg32 : memref<!tpu.dma_semaphore, #tpu.memory_space<semaphore_mem>>) src(%dma_wait3A_144 : memref<40xi32, #tpu.memory_space<hbm>>) dst(%arg7 : memref<40xi32, #tpu.memory_space<vmem>>)
    %dma_wait3A_145 = arith.constant 0 : i32
    %dma_wait3A_146 = tpu.memref_slice %arg3[%dma_wait3A_145] : memref<640000xi32, #tpu.memory_space<hbm>> -> memref<40xi32, #tpu.memory_space<hbm>>
    %dma_wait3A_147 = arith.constant 0 : i32
    %dma_wait3A_148 = tpu.memref_slice %arg3[%dma_wait3A_147] : memref<640000xi32, #tpu.memory_space<hbm>> -> memref<40xi32, #tpu.memory_space<hbm>>
    tpu.wait_dma2 semaphore(%arg32 : memref<!tpu.dma_semaphore, #tpu.memory_space<semaphore_mem>>) src(%dma_wait3A_148 : memref<40xi32, #tpu.memory_space<hbm>>) dst(%arg17 : memref<40xi32, #tpu.memory_space<vmem>>)
    %dma_wait3A_149 = arith.constant 0 : i32
    %dma_wait3A_150 = tpu.memref_slice %arg3[%dma_wait3A_149] : memref<640000xi32, #tpu.memory_space<hbm>> -> memref<40xi32, #tpu.memory_space<hbm>>
    %dma_wait3A_151 = arith.constant 0 : i32
    %dma_wait3A_152 = tpu.memref_slice %arg3[%dma_wait3A_151] : memref<640000xi32, #tpu.memory_space<hbm>> -> memref<40xi32, #tpu.memory_space<hbm>>
    tpu.wait_dma2 semaphore(%arg32 : memref<!tpu.dma_semaphore, #tpu.memory_space<semaphore_mem>>) src(%dma_wait3A_152 : memref<40xi32, #tpu.memory_space<hbm>>) dst(%arg8 : memref<40xi32, #tpu.memory_space<vmem>>)
    %dma_wait3A_153 = arith.constant 0 : i32
    %dma_wait3A_154 = tpu.memref_slice %arg3[%dma_wait3A_153] : memref<640000xi32, #tpu.memory_space<hbm>> -> memref<40xi32, #tpu.memory_space<hbm>>
    %dma_wait3A_155 = arith.constant 0 : i32
    %dma_wait3A_156 = tpu.memref_slice %arg3[%dma_wait3A_155] : memref<640000xi32, #tpu.memory_space<hbm>> -> memref<40xi32, #tpu.memory_space<hbm>>
    tpu.wait_dma2 semaphore(%arg32 : memref<!tpu.dma_semaphore, #tpu.memory_space<semaphore_mem>>) src(%dma_wait3A_156 : memref<40xi32, #tpu.memory_space<hbm>>) dst(%arg18 : memref<40xi32, #tpu.memory_space<vmem>>)
    %dma_wait3A_157 = arith.constant 0 : i32
    %dma_wait3A_158 = tpu.memref_slice %arg3[%dma_wait3A_157] : memref<640000xi32, #tpu.memory_space<hbm>> -> memref<40xi32, #tpu.memory_space<hbm>>
    %dma_wait3A_159 = arith.constant 0 : i32
    %dma_wait3A_160 = tpu.memref_slice %arg3[%dma_wait3A_159] : memref<640000xi32, #tpu.memory_space<hbm>> -> memref<40xi32, #tpu.memory_space<hbm>>
    tpu.wait_dma2 semaphore(%arg32 : memref<!tpu.dma_semaphore, #tpu.memory_space<semaphore_mem>>) src(%dma_wait3A_160 : memref<40xi32, #tpu.memory_space<hbm>>) dst(%arg9 : memref<40xi32, #tpu.memory_space<vmem>>)
    %dma_wait3A_161 = arith.constant 0 : i32
    %dma_wait3A_162 = tpu.memref_slice %arg3[%dma_wait3A_161] : memref<640000xi32, #tpu.memory_space<hbm>> -> memref<40xi32, #tpu.memory_space<hbm>>
    %dma_wait3A_163 = arith.constant 0 : i32
    %dma_wait3A_164 = tpu.memref_slice %arg3[%dma_wait3A_163] : memref<640000xi32, #tpu.memory_space<hbm>> -> memref<40xi32, #tpu.memory_space<hbm>>
    tpu.wait_dma2 semaphore(%arg32 : memref<!tpu.dma_semaphore, #tpu.memory_space<semaphore_mem>>) src(%dma_wait3A_164 : memref<40xi32, #tpu.memory_space<hbm>>) dst(%arg19 : memref<40xi32, #tpu.memory_space<vmem>>)
    %dma_wait3A_165 = arith.constant 0 : i32
    %dma_wait3A_166 = tpu.memref_slice %arg3[%dma_wait3A_165] : memref<640000xi32, #tpu.memory_space<hbm>> -> memref<40xi32, #tpu.memory_space<hbm>>
    %dma_wait3A_167 = arith.constant 0 : i32
    %dma_wait3A_168 = tpu.memref_slice %arg3[%dma_wait3A_167] : memref<640000xi32, #tpu.memory_space<hbm>> -> memref<40xi32, #tpu.memory_space<hbm>>
    tpu.wait_dma2 semaphore(%arg32 : memref<!tpu.dma_semaphore, #tpu.memory_space<semaphore_mem>>) src(%dma_wait3A_168 : memref<40xi32, #tpu.memory_space<hbm>>) dst(%arg10 : memref<40xi32, #tpu.memory_space<vmem>>)
    %dma_wait3A_169 = arith.constant 0 : i32
    %dma_wait3A_170 = tpu.memref_slice %arg3[%dma_wait3A_169] : memref<640000xi32, #tpu.memory_space<hbm>> -> memref<40xi32, #tpu.memory_space<hbm>>
    %dma_wait3A_171 = arith.constant 0 : i32
    %dma_wait3A_172 = tpu.memref_slice %arg3[%dma_wait3A_171] : memref<640000xi32, #tpu.memory_space<hbm>> -> memref<40xi32, #tpu.memory_space<hbm>>
    tpu.wait_dma2 semaphore(%arg32 : memref<!tpu.dma_semaphore, #tpu.memory_space<semaphore_mem>>) src(%dma_wait3A_172 : memref<40xi32, #tpu.memory_space<hbm>>) dst(%arg20 : memref<40xi32, #tpu.memory_space<vmem>>)
    %barrier3A = arith.constant 0 : index
    tpu.barrier barrier_id(%barrier3A)
    %dma_start3A_173 = arith.constant 0 : i32
    %dma_start3A_174 = arith.constant 0 : i32
    %dma_start3A_175 = tpu.memref_slice %arg2[%dma_start3A_173, %dma_start3A_174] : memref<10000x128xf32, #tpu.memory_space<hbm>> -> memref<10000x128xf32, #tpu.memory_space<hbm>>
    tpu.enqueue_indirect_dma source(%dma_start3A_175 : memref<10000x128xf32, #tpu.memory_space<hbm>>) target(%arg26 : memref<40x128xf32, #tpu.memory_space<vmem>>) offsets(%arg6 : memref<40xi32, #tpu.memory_space<vmem>>) semaphore(%arg33 : memref<!tpu.dma_semaphore, #tpu.memory_space<semaphore_mem>>)
    %dma_start3A_176 = arith.constant 0 : i32
    %dma_start3A_177 = arith.constant 0 : i32
    %dma_start3A_178 = tpu.memref_slice %arg2[%dma_start3A_176, %dma_start3A_177] : memref<10000x128xf32, #tpu.memory_space<hbm>> -> memref<10000x128xf32, #tpu.memory_space<hbm>>
    tpu.enqueue_indirect_dma source(%dma_start3A_178 : memref<10000x128xf32, #tpu.memory_space<hbm>>) target(%arg27 : memref<40x128xf32, #tpu.memory_space<vmem>>) offsets(%arg7 : memref<40xi32, #tpu.memory_space<vmem>>) semaphore(%arg33 : memref<!tpu.dma_semaphore, #tpu.memory_space<semaphore_mem>>)
    %dma_start3A_179 = arith.constant 0 : i32
    %dma_start3A_180 = arith.constant 0 : i32
    %dma_start3A_181 = tpu.memref_slice %arg2[%dma_start3A_179, %dma_start3A_180] : memref<10000x128xf32, #tpu.memory_space<hbm>> -> memref<10000x128xf32, #tpu.memory_space<hbm>>
    tpu.enqueue_indirect_dma source(%dma_start3A_181 : memref<10000x128xf32, #tpu.memory_space<hbm>>) target(%arg28 : memref<40x128xf32, #tpu.memory_space<vmem>>) offsets(%arg8 : memref<40xi32, #tpu.memory_space<vmem>>) semaphore(%arg33 : memref<!tpu.dma_semaphore, #tpu.memory_space<semaphore_mem>>)
    %dma_start3A_182 = arith.constant 0 : i32
    %dma_start3A_183 = arith.constant 0 : i32
    %dma_start3A_184 = tpu.memref_slice %arg2[%dma_start3A_182, %dma_start3A_183] : memref<10000x128xf32, #tpu.memory_space<hbm>> -> memref<10000x128xf32, #tpu.memory_space<hbm>>
    tpu.enqueue_indirect_dma source(%dma_start3A_184 : memref<10000x128xf32, #tpu.memory_space<hbm>>) target(%arg29 : memref<40x128xf32, #tpu.memory_space<vmem>>) offsets(%arg9 : memref<40xi32, #tpu.memory_space<vmem>>) semaphore(%arg33 : memref<!tpu.dma_semaphore, #tpu.memory_space<semaphore_mem>>)
    %dma_start3A_185 = arith.constant 0 : i32
    %dma_start3A_186 = arith.constant 0 : i32
    %dma_start3A_187 = tpu.memref_slice %arg2[%dma_start3A_185, %dma_start3A_186] : memref<10000x128xf32, #tpu.memory_space<hbm>> -> memref<10000x128xf32, #tpu.memory_space<hbm>>
    tpu.enqueue_indirect_dma source(%dma_start3A_187 : memref<10000x128xf32, #tpu.memory_space<hbm>>) target(%arg30 : memref<40x128xf32, #tpu.memory_space<vmem>>) offsets(%arg10 : memref<40xi32, #tpu.memory_space<vmem>>) semaphore(%arg33 : memref<!tpu.dma_semaphore, #tpu.memory_space<semaphore_mem>>)
    %scan3A = arith.constant 0 : i32
    %scan3A_188 = arith.constant 0 : i32
    %scan3A_189 = arith.constant 25 : i32
    %scan3A_190 = arith.addi %scan3A_188, %scan3A_189 : i32
    %scan3A_191 = arith.constant 1 : i32
    scf.for %scan3A_249 = %scan3A_188 to %scan3A_190 step %scan3A_191  : i32 {
      %mul3A_250 = arith.constant 10 : i32
      %mul3A_251 = arith.muli %scan3A_249, %mul3A_250 : i32
      %add3A_252 = arith.constant 0 : i32
      %add3A_253 = arith.addi %mul3A_251, %add3A_252 : i32
      %dma_wait3A_254 = arith.constant 0 : i32
      %dma_wait3A_255 = arith.constant 0 : i32
      %dma_wait3A_256 = tpu.memref_slice %arg2[%dma_wait3A_254, %dma_wait3A_255] : memref<10000x128xf32, #tpu.memory_space<hbm>> -> memref<10000x128xf32, #tpu.memory_space<hbm>>
      tpu.wait_indirect_dma semaphore(%arg33 : memref<!tpu.dma_semaphore, #tpu.memory_space<semaphore_mem>>) src(%dma_wait3A_256 : memref<10000x128xf32, #tpu.memory_space<hbm>>) dst(%arg26 : memref<40x128xf32, #tpu.memory_space<vmem>>)
      "tpu.region"() ({
        %run_scoped3A = tpu.sem_alloc : memref<!tpu.dma_semaphore, #tpu.memory_space<semaphore_mem>>
        %dma_start3A_590 = arith.constant 0 : i32
        %dma_start3A_591 = arith.constant 0 : i32
        %dma_start3A_592 = tpu.memref_slice %arg31[%dma_start3A_590, %dma_start3A_591] : memref<10240x128xf32, #tpu.memory_space<vmem_shared>> -> memref<10240x128xf32, #tpu.memory_space<vmem_shared>>
        tpu.enqueue_indirect_dma source(%arg26 : memref<40x128xf32, #tpu.memory_space<vmem>>) target(%dma_start3A_592 : memref<10240x128xf32, #tpu.memory_space<vmem_shared>>) offsets(%arg16 : memref<40xi32, #tpu.memory_space<vmem>>) semaphore(%run_scoped3A : memref<!tpu.dma_semaphore, #tpu.memory_space<semaphore_mem>>) {add = true}
        %dma_wait3A_593 = arith.constant 0 : i32
        %dma_wait3A_594 = arith.constant 0 : i32
        %dma_wait3A_595 = tpu.memref_slice %arg31[%dma_wait3A_593, %dma_wait3A_594] : memref<10240x128xf32, #tpu.memory_space<vmem_shared>> -> memref<10240x128xf32, #tpu.memory_space<vmem_shared>>
        tpu.wait_indirect_dma semaphore(%run_scoped3A : memref<!tpu.dma_semaphore, #tpu.memory_space<semaphore_mem>>) src(%arg26 : memref<40x128xf32, #tpu.memory_space<vmem>>) dst(%dma_wait3A_595 : memref<10240x128xf32, #tpu.memory_space<vmem_shared>>)
        tpu.yield
      }) : () -> ()
      %add3A_257 = arith.constant 10 : i32
      %add3A_258 = arith.addi %add3A_253, %add3A_257 : i32
      %min3A_259 = arith.constant 249 : i32
      %min3A_260 = arith.minsi %add3A_258, %min3A_259 : i32
      %mul3A_261 = arith.constant 40 : i32
      %mul3A_262 = arith.muli %min3A_260, %mul3A_261 : i32
      %add3A_263 = arith.addi %multiple_of3A, %mul3A_262 : i32
      %multiple_of3A_264 = tpu.assume_multiple %add3A_263, 40 : i32
      %add3A_265 = arith.constant 320000 : i32
      %add3A_266 = arith.addi %add3A_265, %multiple_of3A_264 : i32
      %dma_start3A_267 = tpu.memref_slice %arg3[%add3A_266] : memref<640000xi32, #tpu.memory_space<hbm>> -> memref<40xi32, #tpu.memory_space<hbm>>
      %dma_start3A_268 = tpu.memref_slice %arg3[%add3A_266] : memref<640000xi32, #tpu.memory_space<hbm>> -> memref<40xi32, #tpu.memory_space<hbm>>
      tpu.enqueue_dma source(%dma_start3A_268 : memref<40xi32, #tpu.memory_space<hbm>>) target(%arg6 : memref<40xi32, #tpu.memory_space<vmem>>) target_semaphore(%arg32 : memref<!tpu.dma_semaphore, #tpu.memory_space<semaphore_mem>>)
      %dma_start3A_269 = tpu.memref_slice %arg3[%multiple_of3A_264] : memref<640000xi32, #tpu.memory_space<hbm>> -> memref<40xi32, #tpu.memory_space<hbm>>
      %dma_start3A_270 = tpu.memref_slice %arg3[%multiple_of3A_264] : memref<640000xi32, #tpu.memory_space<hbm>> -> memref<40xi32, #tpu.memory_space<hbm>>
      tpu.enqueue_dma source(%dma_start3A_270 : memref<40xi32, #tpu.memory_space<hbm>>) target(%arg16 : memref<40xi32, #tpu.memory_space<vmem>>) target_semaphore(%arg32 : memref<!tpu.dma_semaphore, #tpu.memory_space<semaphore_mem>>)
      %dma_wait3A_271 = arith.constant 0 : i32
      %dma_wait3A_272 = tpu.memref_slice %arg3[%dma_wait3A_271] : memref<640000xi32, #tpu.memory_space<hbm>> -> memref<40xi32, #tpu.memory_space<hbm>>
      %dma_wait3A_273 = arith.constant 0 : i32
      %dma_wait3A_274 = tpu.memref_slice %arg3[%dma_wait3A_273] : memref<640000xi32, #tpu.memory_space<hbm>> -> memref<40xi32, #tpu.memory_space<hbm>>
      tpu.wait_dma2 semaphore(%arg32 : memref<!tpu.dma_semaphore, #tpu.memory_space<semaphore_mem>>) src(%dma_wait3A_274 : memref<40xi32, #tpu.memory_space<hbm>>) dst(%arg6 : memref<40xi32, #tpu.memory_space<vmem>>)
      %dma_wait3A_275 = arith.constant 0 : i32
      %dma_wait3A_276 = tpu.memref_slice %arg3[%dma_wait3A_275] : memref<640000xi32, #tpu.memory_space<hbm>> -> memref<40xi32, #tpu.memory_space<hbm>>
      %dma_wait3A_277 = arith.constant 0 : i32
      %dma_wait3A_278 = tpu.memref_slice %arg3[%dma_wait3A_277] : memref<640000xi32, #tpu.memory_space<hbm>> -> memref<40xi32, #tpu.memory_space<hbm>>
      tpu.wait_dma2 semaphore(%arg32 : memref<!tpu.dma_semaphore, #tpu.memory_space<semaphore_mem>>) src(%dma_wait3A_278 : memref<40xi32, #tpu.memory_space<hbm>>) dst(%arg16 : memref<40xi32, #tpu.memory_space<vmem>>)
      %add3A_279 = arith.constant 5 : i32
      %add3A_280 = arith.addi %add3A_253, %add3A_279 : i32
      %dma_start3A_281 = arith.constant 0 : i32
      %dma_start3A_282 = arith.constant 0 : i32
      %dma_start3A_283 = tpu.memref_slice %arg2[%dma_start3A_281, %dma_start3A_282] : memref<10000x128xf32, #tpu.memory_space<hbm>> -> memref<10000x128xf32, #tpu.memory_space<hbm>>
      tpu.enqueue_indirect_dma source(%dma_start3A_283 : memref<10000x128xf32, #tpu.memory_space<hbm>>) target(%arg26 : memref<40x128xf32, #tpu.memory_space<vmem>>) offsets(%arg11 : memref<40xi32, #tpu.memory_space<vmem>>) semaphore(%arg33 : memref<!tpu.dma_semaphore, #tpu.memory_space<semaphore_mem>>)
      %mul3A_284 = arith.constant 10 : i32
      %mul3A_285 = arith.muli %scan3A_249, %mul3A_284 : i32
      %add3A_286 = arith.constant 1 : i32
      %add3A_287 = arith.addi %mul3A_285, %add3A_286 : i32
      %dma_wait3A_288 = arith.constant 0 : i32
      %dma_wait3A_289 = arith.constant 0 : i32
      %dma_wait3A_290 = tpu.memref_slice %arg2[%dma_wait3A_288, %dma_wait3A_289] : memref<10000x128xf32, #tpu.memory_space<hbm>> -> memref<10000x128xf32, #tpu.memory_space<hbm>>
      tpu.wait_indirect_dma semaphore(%arg33 : memref<!tpu.dma_semaphore, #tpu.memory_space<semaphore_mem>>) src(%dma_wait3A_290 : memref<10000x128xf32, #tpu.memory_space<hbm>>) dst(%arg27 : memref<40x128xf32, #tpu.memory_space<vmem>>)
      "tpu.region"() ({
        %run_scoped3A = tpu.sem_alloc : memref<!tpu.dma_semaphore, #tpu.memory_space<semaphore_mem>>
        %dma_start3A_590 = arith.constant 0 : i32
        %dma_start3A_591 = arith.constant 0 : i32
        %dma_start3A_592 = tpu.memref_slice %arg31[%dma_start3A_590, %dma_start3A_591] : memref<10240x128xf32, #tpu.memory_space<vmem_shared>> -> memref<10240x128xf32, #tpu.memory_space<vmem_shared>>
        tpu.enqueue_indirect_dma source(%arg27 : memref<40x128xf32, #tpu.memory_space<vmem>>) target(%dma_start3A_592 : memref<10240x128xf32, #tpu.memory_space<vmem_shared>>) offsets(%arg17 : memref<40xi32, #tpu.memory_space<vmem>>) semaphore(%run_scoped3A : memref<!tpu.dma_semaphore, #tpu.memory_space<semaphore_mem>>) {add = true}
        %dma_wait3A_593 = arith.constant 0 : i32
        %dma_wait3A_594 = arith.constant 0 : i32
        %dma_wait3A_595 = tpu.memref_slice %arg31[%dma_wait3A_593, %dma_wait3A_594] : memref<10240x128xf32, #tpu.memory_space<vmem_shared>> -> memref<10240x128xf32, #tpu.memory_space<vmem_shared>>
        tpu.wait_indirect_dma semaphore(%run_scoped3A : memref<!tpu.dma_semaphore, #tpu.memory_space<semaphore_mem>>) src(%arg27 : memref<40x128xf32, #tpu.memory_space<vmem>>) dst(%dma_wait3A_595 : memref<10240x128xf32, #tpu.memory_space<vmem_shared>>)
        tpu.yield
      }) : () -> ()
      %add3A_291 = arith.constant 10 : i32
      %add3A_292 = arith.addi %add3A_287, %add3A_291 : i32
      %min3A_293 = arith.constant 249 : i32
      %min3A_294 = arith.minsi %add3A_292, %min3A_293 : i32
      %mul3A_295 = arith.constant 40 : i32
      %mul3A_296 = arith.muli %min3A_294, %mul3A_295 : i32
      %add3A_297 = arith.addi %multiple_of3A, %mul3A_296 : i32
      %multiple_of3A_298 = tpu.assume_multiple %add3A_297, 40 : i32
      %add3A_299 = arith.constant 320000 : i32
      %add3A_300 = arith.addi %add3A_299, %multiple_of3A_298 : i32
      %dma_start3A_301 = tpu.memref_slice %arg3[%add3A_300] : memref<640000xi32, #tpu.memory_space<hbm>> -> memref<40xi32, #tpu.memory_space<hbm>>
      %dma_start3A_302 = tpu.memref_slice %arg3[%add3A_300] : memref<640000xi32, #tpu.memory_space<hbm>> -> memref<40xi32, #tpu.memory_space<hbm>>
      tpu.enqueue_dma source(%dma_start3A_302 : memref<40xi32, #tpu.memory_space<hbm>>) target(%arg7 : memref<40xi32, #tpu.memory_space<vmem>>) target_semaphore(%arg32 : memref<!tpu.dma_semaphore, #tpu.memory_space<semaphore_mem>>)
      %dma_start3A_303 = tpu.memref_slice %arg3[%multiple_of3A_298] : memref<640000xi32, #tpu.memory_space<hbm>> -> memref<40xi32, #tpu.memory_space<hbm>>
      %dma_start3A_304 = tpu.memref_slice %arg3[%multiple_of3A_298] : memref<640000xi32, #tpu.memory_space<hbm>> -> memref<40xi32, #tpu.memory_space<hbm>>
      tpu.enqueue_dma source(%dma_start3A_304 : memref<40xi32, #tpu.memory_space<hbm>>) target(%arg17 : memref<40xi32, #tpu.memory_space<vmem>>) target_semaphore(%arg32 : memref<!tpu.dma_semaphore, #tpu.memory_space<semaphore_mem>>)
      %dma_wait3A_305 = arith.constant 0 : i32
      %dma_wait3A_306 = tpu.memref_slice %arg3[%dma_wait3A_305] : memref<640000xi32, #tpu.memory_space<hbm>> -> memref<40xi32, #tpu.memory_space<hbm>>
      %dma_wait3A_307 = arith.constant 0 : i32
      %dma_wait3A_308 = tpu.memref_slice %arg3[%dma_wait3A_307] : memref<640000xi32, #tpu.memory_space<hbm>> -> memref<40xi32, #tpu.memory_space<hbm>>
      tpu.wait_dma2 semaphore(%arg32 : memref<!tpu.dma_semaphore, #tpu.memory_space<semaphore_mem>>) src(%dma_wait3A_308 : memref<40xi32, #tpu.memory_space<hbm>>) dst(%arg7 : memref<40xi32, #tpu.memory_space<vmem>>)
      %dma_wait3A_309 = arith.constant 0 : i32
      %dma_wait3A_310 = tpu.memref_slice %arg3[%dma_wait3A_309] : memref<640000xi32, #tpu.memory_space<hbm>> -> memref<40xi32, #tpu.memory_space<hbm>>
      %dma_wait3A_311 = arith.constant 0 : i32
      %dma_wait3A_312 = tpu.memref_slice %arg3[%dma_wait3A_311] : memref<640000xi32, #tpu.memory_space<hbm>> -> memref<40xi32, #tpu.memory_space<hbm>>
      tpu.wait_dma2 semaphore(%arg32 : memref<!tpu.dma_semaphore, #tpu.memory_space<semaphore_mem>>) src(%dma_wait3A_312 : memref<40xi32, #tpu.memory_space<hbm>>) dst(%arg17 : memref<40xi32, #tpu.memory_space<vmem>>)
      %add3A_313 = arith.constant 5 : i32
      %add3A_314 = arith.addi %add3A_287, %add3A_313 : i32
      %dma_start3A_315 = arith.constant 0 : i32
      %dma_start3A_316 = arith.constant 0 : i32
      %dma_start3A_317 = tpu.memref_slice %arg2[%dma_start3A_315, %dma_start3A_316] : memref<10000x128xf32, #tpu.memory_space<hbm>> -> memref<10000x128xf32, #tpu.memory_space<hbm>>
      tpu.enqueue_indirect_dma source(%dma_start3A_317 : memref<10000x128xf32, #tpu.memory_space<hbm>>) target(%arg27 : memref<40x128xf32, #tpu.memory_space<vmem>>) offsets(%arg12 : memref<40xi32, #tpu.memory_space<vmem>>) semaphore(%arg33 : memref<!tpu.dma_semaphore, #tpu.memory_space<semaphore_mem>>)
      %mul3A_318 = arith.constant 10 : i32
      %mul3A_319 = arith.muli %scan3A_249, %mul3A_318 : i32
      %add3A_320 = arith.constant 2 : i32
      %add3A_321 = arith.addi %mul3A_319, %add3A_320 : i32
      %dma_wait3A_322 = arith.constant 0 : i32
      %dma_wait3A_323 = arith.constant 0 : i32
      %dma_wait3A_324 = tpu.memref_slice %arg2[%dma_wait3A_322, %dma_wait3A_323] : memref<10000x128xf32, #tpu.memory_space<hbm>> -> memref<10000x128xf32, #tpu.memory_space<hbm>>
      tpu.wait_indirect_dma semaphore(%arg33 : memref<!tpu.dma_semaphore, #tpu.memory_space<semaphore_mem>>) src(%dma_wait3A_324 : memref<10000x128xf32, #tpu.memory_space<hbm>>) dst(%arg28 : memref<40x128xf32, #tpu.memory_space<vmem>>)
      "tpu.region"() ({
        %run_scoped3A = tpu.sem_alloc : memref<!tpu.dma_semaphore, #tpu.memory_space<semaphore_mem>>
        %dma_start3A_590 = arith.constant 0 : i32
        %dma_start3A_591 = arith.constant 0 : i32
        %dma_start3A_592 = tpu.memref_slice %arg31[%dma_start3A_590, %dma_start3A_591] : memref<10240x128xf32, #tpu.memory_space<vmem_shared>> -> memref<10240x128xf32, #tpu.memory_space<vmem_shared>>
        tpu.enqueue_indirect_dma source(%arg28 : memref<40x128xf32, #tpu.memory_space<vmem>>) target(%dma_start3A_592 : memref<10240x128xf32, #tpu.memory_space<vmem_shared>>) offsets(%arg18 : memref<40xi32, #tpu.memory_space<vmem>>) semaphore(%run_scoped3A : memref<!tpu.dma_semaphore, #tpu.memory_space<semaphore_mem>>) {add = true}
        %dma_wait3A_593 = arith.constant 0 : i32
        %dma_wait3A_594 = arith.constant 0 : i32
        %dma_wait3A_595 = tpu.memref_slice %arg31[%dma_wait3A_593, %dma_wait3A_594] : memref<10240x128xf32, #tpu.memory_space<vmem_shared>> -> memref<10240x128xf32, #tpu.memory_space<vmem_shared>>
        tpu.wait_indirect_dma semaphore(%run_scoped3A : memref<!tpu.dma_semaphore, #tpu.memory_space<semaphore_mem>>) src(%arg28 : memref<40x128xf32, #tpu.memory_space<vmem>>) dst(%dma_wait3A_595 : memref<10240x128xf32, #tpu.memory_space<vmem_shared>>)
        tpu.yield
      }) : () -> ()
      %add3A_325 = arith.constant 10 : i32
      %add3A_326 = arith.addi %add3A_321, %add3A_325 : i32
      %min3A_327 = arith.constant 249 : i32
      %min3A_328 = arith.minsi %add3A_326, %min3A_327 : i32
      %mul3A_329 = arith.constant 40 : i32
      %mul3A_330 = arith.muli %min3A_328, %mul3A_329 : i32
      %add3A_331 = arith.addi %multiple_of3A, %mul3A_330 : i32
      %multiple_of3A_332 = tpu.assume_multiple %add3A_331, 40 : i32
      %add3A_333 = arith.constant 320000 : i32
      %add3A_334 = arith.addi %add3A_333, %multiple_of3A_332 : i32
      %dma_start3A_335 = tpu.memref_slice %arg3[%add3A_334] : memref<640000xi32, #tpu.memory_space<hbm>> -> memref<40xi32, #tpu.memory_space<hbm>>
      %dma_start3A_336 = tpu.memref_slice %arg3[%add3A_334] : memref<640000xi32, #tpu.memory_space<hbm>> -> memref<40xi32, #tpu.memory_space<hbm>>
      tpu.enqueue_dma source(%dma_start3A_336 : memref<40xi32, #tpu.memory_space<hbm>>) target(%arg8 : memref<40xi32, #tpu.memory_space<vmem>>) target_semaphore(%arg32 : memref<!tpu.dma_semaphore, #tpu.memory_space<semaphore_mem>>)
      %dma_start3A_337 = tpu.memref_slice %arg3[%multiple_of3A_332] : memref<640000xi32, #tpu.memory_space<hbm>> -> memref<40xi32, #tpu.memory_space<hbm>>
      %dma_start3A_338 = tpu.memref_slice %arg3[%multiple_of3A_332] : memref<640000xi32, #tpu.memory_space<hbm>> -> memref<40xi32, #tpu.memory_space<hbm>>
      tpu.enqueue_dma source(%dma_start3A_338 : memref<40xi32, #tpu.memory_space<hbm>>) target(%arg18 : memref<40xi32, #tpu.memory_space<vmem>>) target_semaphore(%arg32 : memref<!tpu.dma_semaphore, #tpu.memory_space<semaphore_mem>>)
      %dma_wait3A_339 = arith.constant 0 : i32
      %dma_wait3A_340 = tpu.memref_slice %arg3[%dma_wait3A_339] : memref<640000xi32, #tpu.memory_space<hbm>> -> memref<40xi32, #tpu.memory_space<hbm>>
      %dma_wait3A_341 = arith.constant 0 : i32
      %dma_wait3A_342 = tpu.memref_slice %arg3[%dma_wait3A_341] : memref<640000xi32, #tpu.memory_space<hbm>> -> memref<40xi32, #tpu.memory_space<hbm>>
      tpu.wait_dma2 semaphore(%arg32 : memref<!tpu.dma_semaphore, #tpu.memory_space<semaphore_mem>>) src(%dma_wait3A_342 : memref<40xi32, #tpu.memory_space<hbm>>) dst(%arg8 : memref<40xi32, #tpu.memory_space<vmem>>)
      %dma_wait3A_343 = arith.constant 0 : i32
      %dma_wait3A_344 = tpu.memref_slice %arg3[%dma_wait3A_343] : memref<640000xi32, #tpu.memory_space<hbm>> -> memref<40xi32, #tpu.memory_space<hbm>>
      %dma_wait3A_345 = arith.constant 0 : i32
      %dma_wait3A_346 = tpu.memref_slice %arg3[%dma_wait3A_345] : memref<640000xi32, #tpu.memory_space<hbm>> -> memref<40xi32, #tpu.memory_space<hbm>>
      tpu.wait_dma2 semaphore(%arg32 : memref<!tpu.dma_semaphore, #tpu.memory_space<semaphore_mem>>) src(%dma_wait3A_346 : memref<40xi32, #tpu.memory_space<hbm>>) dst(%arg18 : memref<40xi32, #tpu.memory_space<vmem>>)
      %add3A_347 = arith.constant 5 : i32
      %add3A_348 = arith.addi %add3A_321, %add3A_347 : i32
      %dma_start3A_349 = arith.constant 0 : i32
      %dma_start3A_350 = arith.constant 0 : i32
      %dma_start3A_351 = tpu.memref_slice %arg2[%dma_start3A_349, %dma_start3A_350] : memref<10000x128xf32, #tpu.memory_space<hbm>> -> memref<10000x128xf32, #tpu.memory_space<hbm>>
      tpu.enqueue_indirect_dma source(%dma_start3A_351 : memref<10000x128xf32, #tpu.memory_space<hbm>>) target(%arg28 : memref<40x128xf32, #tpu.memory_space<vmem>>) offsets(%arg13 : memref<40xi32, #tpu.memory_space<vmem>>) semaphore(%arg33 : memref<!tpu.dma_semaphore, #tpu.memory_space<semaphore_mem>>)
      %mul3A_352 = arith.constant 10 : i32
      %mul3A_353 = arith.muli %scan3A_249, %mul3A_352 : i32
      %add3A_354 = arith.constant 3 : i32
      %add3A_355 = arith.addi %mul3A_353, %add3A_354 : i32
      %dma_wait3A_356 = arith.constant 0 : i32
      %dma_wait3A_357 = arith.constant 0 : i32
      %dma_wait3A_358 = tpu.memref_slice %arg2[%dma_wait3A_356, %dma_wait3A_357] : memref<10000x128xf32, #tpu.memory_space<hbm>> -> memref<10000x128xf32, #tpu.memory_space<hbm>>
      tpu.wait_indirect_dma semaphore(%arg33 : memref<!tpu.dma_semaphore, #tpu.memory_space<semaphore_mem>>) src(%dma_wait3A_358 : memref<10000x128xf32, #tpu.memory_space<hbm>>) dst(%arg29 : memref<40x128xf32, #tpu.memory_space<vmem>>)
      "tpu.region"() ({
        %run_scoped3A = tpu.sem_alloc : memref<!tpu.dma_semaphore, #tpu.memory_space<semaphore_mem>>
        %dma_start3A_590 = arith.constant 0 : i32
        %dma_start3A_591 = arith.constant 0 : i32
        %dma_start3A_592 = tpu.memref_slice %arg31[%dma_start3A_590, %dma_start3A_591] : memref<10240x128xf32, #tpu.memory_space<vmem_shared>> -> memref<10240x128xf32, #tpu.memory_space<vmem_shared>>
        tpu.enqueue_indirect_dma source(%arg29 : memref<40x128xf32, #tpu.memory_space<vmem>>) target(%dma_start3A_592 : memref<10240x128xf32, #tpu.memory_space<vmem_shared>>) offsets(%arg19 : memref<40xi32, #tpu.memory_space<vmem>>) semaphore(%run_scoped3A : memref<!tpu.dma_semaphore, #tpu.memory_space<semaphore_mem>>) {add = true}
        %dma_wait3A_593 = arith.constant 0 : i32
        %dma_wait3A_594 = arith.constant 0 : i32
        %dma_wait3A_595 = tpu.memref_slice %arg31[%dma_wait3A_593, %dma_wait3A_594] : memref<10240x128xf32, #tpu.memory_space<vmem_shared>> -> memref<10240x128xf32, #tpu.memory_space<vmem_shared>>
        tpu.wait_indirect_dma semaphore(%run_scoped3A : memref<!tpu.dma_semaphore, #tpu.memory_space<semaphore_mem>>) src(%arg29 : memref<40x128xf32, #tpu.memory_space<vmem>>) dst(%dma_wait3A_595 : memref<10240x128xf32, #tpu.memory_space<vmem_shared>>)
        tpu.yield
      }) : () -> ()
      %add3A_359 = arith.constant 10 : i32
      %add3A_360 = arith.addi %add3A_355, %add3A_359 : i32
      %min3A_361 = arith.constant 249 : i32
      %min3A_362 = arith.minsi %add3A_360, %min3A_361 : i32
      %mul3A_363 = arith.constant 40 : i32
      %mul3A_364 = arith.muli %min3A_362, %mul3A_363 : i32
      %add3A_365 = arith.addi %multiple_of3A, %mul3A_364 : i32
      %multiple_of3A_366 = tpu.assume_multiple %add3A_365, 40 : i32
      %add3A_367 = arith.constant 320000 : i32
      %add3A_368 = arith.addi %add3A_367, %multiple_of3A_366 : i32
      %dma_start3A_369 = tpu.memref_slice %arg3[%add3A_368] : memref<640000xi32, #tpu.memory_space<hbm>> -> memref<40xi32, #tpu.memory_space<hbm>>
      %dma_start3A_370 = tpu.memref_slice %arg3[%add3A_368] : memref<640000xi32, #tpu.memory_space<hbm>> -> memref<40xi32, #tpu.memory_space<hbm>>
      tpu.enqueue_dma source(%dma_start3A_370 : memref<40xi32, #tpu.memory_space<hbm>>) target(%arg9 : memref<40xi32, #tpu.memory_space<vmem>>) target_semaphore(%arg32 : memref<!tpu.dma_semaphore, #tpu.memory_space<semaphore_mem>>)
      %dma_start3A_371 = tpu.memref_slice %arg3[%multiple_of3A_366] : memref<640000xi32, #tpu.memory_space<hbm>> -> memref<40xi32, #tpu.memory_space<hbm>>
      %dma_start3A_372 = tpu.memref_slice %arg3[%multiple_of3A_366] : memref<640000xi32, #tpu.memory_space<hbm>> -> memref<40xi32, #tpu.memory_space<hbm>>
      tpu.enqueue_dma source(%dma_start3A_372 : memref<40xi32, #tpu.memory_space<hbm>>) target(%arg19 : memref<40xi32, #tpu.memory_space<vmem>>) target_semaphore(%arg32 : memref<!tpu.dma_semaphore, #tpu.memory_space<semaphore_mem>>)
      %dma_wait3A_373 = arith.constant 0 : i32
      %dma_wait3A_374 = tpu.memref_slice %arg3[%dma_wait3A_373] : memref<640000xi32, #tpu.memory_space<hbm>> -> memref<40xi32, #tpu.memory_space<hbm>>
      %dma_wait3A_375 = arith.constant 0 : i32
      %dma_wait3A_376 = tpu.memref_slice %arg3[%dma_wait3A_375] : memref<640000xi32, #tpu.memory_space<hbm>> -> memref<40xi32, #tpu.memory_space<hbm>>
      tpu.wait_dma2 semaphore(%arg32 : memref<!tpu.dma_semaphore, #tpu.memory_space<semaphore_mem>>) src(%dma_wait3A_376 : memref<40xi32, #tpu.memory_space<hbm>>) dst(%arg9 : memref<40xi32, #tpu.memory_space<vmem>>)
      %dma_wait3A_377 = arith.constant 0 : i32
      %dma_wait3A_378 = tpu.memref_slice %arg3[%dma_wait3A_377] : memref<640000xi32, #tpu.memory_space<hbm>> -> memref<40xi32, #tpu.memory_space<hbm>>
      %dma_wait3A_379 = arith.constant 0 : i32
      %dma_wait3A_380 = tpu.memref_slice %arg3[%dma_wait3A_379] : memref<640000xi32, #tpu.memory_space<hbm>> -> memref<40xi32, #tpu.memory_space<hbm>>
      tpu.wait_dma2 semaphore(%arg32 : memref<!tpu.dma_semaphore, #tpu.memory_space<semaphore_mem>>) src(%dma_wait3A_380 : memref<40xi32, #tpu.memory_space<hbm>>) dst(%arg19 : memref<40xi32, #tpu.memory_space<vmem>>)
      %add3A_381 = arith.constant 5 : i32
      %add3A_382 = arith.addi %add3A_355, %add3A_381 : i32
      %dma_start3A_383 = arith.constant 0 : i32
      %dma_start3A_384 = arith.constant 0 : i32
      %dma_start3A_385 = tpu.memref_slice %arg2[%dma_start3A_383, %dma_start3A_384] : memref<10000x128xf32, #tpu.memory_space<hbm>> -> memref<10000x128xf32, #tpu.memory_space<hbm>>
      tpu.enqueue_indirect_dma source(%dma_start3A_385 : memref<10000x128xf32, #tpu.memory_space<hbm>>) target(%arg29 : memref<40x128xf32, #tpu.memory_space<vmem>>) offsets(%arg14 : memref<40xi32, #tpu.memory_space<vmem>>) semaphore(%arg33 : memref<!tpu.dma_semaphore, #tpu.memory_space<semaphore_mem>>)
      %mul3A_386 = arith.constant 10 : i32
      %mul3A_387 = arith.muli %scan3A_249, %mul3A_386 : i32
      %add3A_388 = arith.constant 4 : i32
      %add3A_389 = arith.addi %mul3A_387, %add3A_388 : i32
      %dma_wait3A_390 = arith.constant 0 : i32
      %dma_wait3A_391 = arith.constant 0 : i32
      %dma_wait3A_392 = tpu.memref_slice %arg2[%dma_wait3A_390, %dma_wait3A_391] : memref<10000x128xf32, #tpu.memory_space<hbm>> -> memref<10000x128xf32, #tpu.memory_space<hbm>>
      tpu.wait_indirect_dma semaphore(%arg33 : memref<!tpu.dma_semaphore, #tpu.memory_space<semaphore_mem>>) src(%dma_wait3A_392 : memref<10000x128xf32, #tpu.memory_space<hbm>>) dst(%arg30 : memref<40x128xf32, #tpu.memory_space<vmem>>)
      "tpu.region"() ({
        %run_scoped3A = tpu.sem_alloc : memref<!tpu.dma_semaphore, #tpu.memory_space<semaphore_mem>>
        %dma_start3A_590 = arith.constant 0 : i32
        %dma_start3A_591 = arith.constant 0 : i32
        %dma_start3A_592 = tpu.memref_slice %arg31[%dma_start3A_590, %dma_start3A_591] : memref<10240x128xf32, #tpu.memory_space<vmem_shared>> -> memref<10240x128xf32, #tpu.memory_space<vmem_shared>>
        tpu.enqueue_indirect_dma source(%arg30 : memref<40x128xf32, #tpu.memory_space<vmem>>) target(%dma_start3A_592 : memref<10240x128xf32, #tpu.memory_space<vmem_shared>>) offsets(%arg20 : memref<40xi32, #tpu.memory_space<vmem>>) semaphore(%run_scoped3A : memref<!tpu.dma_semaphore, #tpu.memory_space<semaphore_mem>>) {add = true}
        %dma_wait3A_593 = arith.constant 0 : i32
        %dma_wait3A_594 = arith.constant 0 : i32
        %dma_wait3A_595 = tpu.memref_slice %arg31[%dma_wait3A_593, %dma_wait3A_594] : memref<10240x128xf32, #tpu.memory_space<vmem_shared>> -> memref<10240x128xf32, #tpu.memory_space<vmem_shared>>
        tpu.wait_indirect_dma semaphore(%run_scoped3A : memref<!tpu.dma_semaphore, #tpu.memory_space<semaphore_mem>>) src(%arg30 : memref<40x128xf32, #tpu.memory_space<vmem>>) dst(%dma_wait3A_595 : memref<10240x128xf32, #tpu.memory_space<vmem_shared>>)
        tpu.yield
      }) : () -> ()
      %add3A_393 = arith.constant 10 : i32
      %add3A_394 = arith.addi %add3A_389, %add3A_393 : i32
      %min3A_395 = arith.constant 249 : i32
      %min3A_396 = arith.minsi %add3A_394, %min3A_395 : i32
      %mul3A_397 = arith.constant 40 : i32
      %mul3A_398 = arith.muli %min3A_396, %mul3A_397 : i32
      %add3A_399 = arith.addi %multiple_of3A, %mul3A_398 : i32
      %multiple_of3A_400 = tpu.assume_multiple %add3A_399, 40 : i32
      %add3A_401 = arith.constant 320000 : i32
      %add3A_402 = arith.addi %add3A_401, %multiple_of3A_400 : i32
      %dma_start3A_403 = tpu.memref_slice %arg3[%add3A_402] : memref<640000xi32, #tpu.memory_space<hbm>> -> memref<40xi32, #tpu.memory_space<hbm>>
      %dma_start3A_404 = tpu.memref_slice %arg3[%add3A_402] : memref<640000xi32, #tpu.memory_space<hbm>> -> memref<40xi32, #tpu.memory_space<hbm>>
      tpu.enqueue_dma source(%dma_start3A_404 : memref<40xi32, #tpu.memory_space<hbm>>) target(%arg10 : memref<40xi32, #tpu.memory_space<vmem>>) target_semaphore(%arg32 : memref<!tpu.dma_semaphore, #tpu.memory_space<semaphore_mem>>)
      %dma_start3A_405 = tpu.memref_slice %arg3[%multiple_of3A_400] : memref<640000xi32, #tpu.memory_space<hbm>> -> memref<40xi32, #tpu.memory_space<hbm>>
      %dma_start3A_406 = tpu.memref_slice %arg3[%multiple_of3A_400] : memref<640000xi32, #tpu.memory_space<hbm>> -> memref<40xi32, #tpu.memory_space<hbm>>
      tpu.enqueue_dma source(%dma_start3A_406 : memref<40xi32, #tpu.memory_space<hbm>>) target(%arg20 : memref<40xi32, #tpu.memory_space<vmem>>) target_semaphore(%arg32 : memref<!tpu.dma_semaphore, #tpu.memory_space<semaphore_mem>>)
      %dma_wait3A_407 = arith.constant 0 : i32
      %dma_wait3A_408 = tpu.memref_slice %arg3[%dma_wait3A_407] : memref<640000xi32, #tpu.memory_space<hbm>> -> memref<40xi32, #tpu.memory_space<hbm>>
      %dma_wait3A_409 = arith.constant 0 : i32
      %dma_wait3A_410 = tpu.memref_slice %arg3[%dma_wait3A_409] : memref<640000xi32, #tpu.memory_space<hbm>> -> memref<40xi32, #tpu.memory_space<hbm>>
      tpu.wait_dma2 semaphore(%arg32 : memref<!tpu.dma_semaphore, #tpu.memory_space<semaphore_mem>>) src(%dma_wait3A_410 : memref<40xi32, #tpu.memory_space<hbm>>) dst(%arg10 : memref<40xi32, #tpu.memory_space<vmem>>)
      %dma_wait3A_411 = arith.constant 0 : i32
      %dma_wait3A_412 = tpu.memref_slice %arg3[%dma_wait3A_411] : memref<640000xi32, #tpu.memory_space<hbm>> -> memref<40xi32, #tpu.memory_space<hbm>>
      %dma_wait3A_413 = arith.constant 0 : i32
      %dma_wait3A_414 = tpu.memref_slice %arg3[%dma_wait3A_413] : memref<640000xi32, #tpu.memory_space<hbm>> -> memref<40xi32, #tpu.memory_space<hbm>>
      tpu.wait_dma2 semaphore(%arg32 : memref<!tpu.dma_semaphore, #tpu.memory_space<semaphore_mem>>) src(%dma_wait3A_414 : memref<40xi32, #tpu.memory_space<hbm>>) dst(%arg20 : memref<40xi32, #tpu.memory_space<vmem>>)
      %add3A_415 = arith.constant 5 : i32
      %add3A_416 = arith.addi %add3A_389, %add3A_415 : i32
      %dma_start3A_417 = arith.constant 0 : i32
      %dma_start3A_418 = arith.constant 0 : i32
      %dma_start3A_419 = tpu.memref_slice %arg2[%dma_start3A_417, %dma_start3A_418] : memref<10000x128xf32, #tpu.memory_space<hbm>> -> memref<10000x128xf32, #tpu.memory_space<hbm>>
      tpu.enqueue_indirect_dma source(%dma_start3A_419 : memref<10000x128xf32, #tpu.memory_space<hbm>>) target(%arg30 : memref<40x128xf32, #tpu.memory_space<vmem>>) offsets(%arg15 : memref<40xi32, #tpu.memory_space<vmem>>) semaphore(%arg33 : memref<!tpu.dma_semaphore, #tpu.memory_space<semaphore_mem>>)
      %mul3A_420 = arith.constant 10 : i32
      %mul3A_421 = arith.muli %scan3A_249, %mul3A_420 : i32
      %add3A_422 = arith.constant 5 : i32
      %add3A_423 = arith.addi %mul3A_421, %add3A_422 : i32
      %dma_wait3A_424 = arith.constant 0 : i32
      %dma_wait3A_425 = arith.constant 0 : i32
      %dma_wait3A_426 = tpu.memref_slice %arg2[%dma_wait3A_424, %dma_wait3A_425] : memref<10000x128xf32, #tpu.memory_space<hbm>> -> memref<10000x128xf32, #tpu.memory_space<hbm>>
      tpu.wait_indirect_dma semaphore(%arg33 : memref<!tpu.dma_semaphore, #tpu.memory_space<semaphore_mem>>) src(%dma_wait3A_426 : memref<10000x128xf32, #tpu.memory_space<hbm>>) dst(%arg26 : memref<40x128xf32, #tpu.memory_space<vmem>>)
      "tpu.region"() ({
        %run_scoped3A = tpu.sem_alloc : memref<!tpu.dma_semaphore, #tpu.memory_space<semaphore_mem>>
        %dma_start3A_590 = arith.constant 0 : i32
        %dma_start3A_591 = arith.constant 0 : i32
        %dma_start3A_592 = tpu.memref_slice %arg31[%dma_start3A_590, %dma_start3A_591] : memref<10240x128xf32, #tpu.memory_space<vmem_shared>> -> memref<10240x128xf32, #tpu.memory_space<vmem_shared>>
        tpu.enqueue_indirect_dma source(%arg26 : memref<40x128xf32, #tpu.memory_space<vmem>>) target(%dma_start3A_592 : memref<10240x128xf32, #tpu.memory_space<vmem_shared>>) offsets(%arg21 : memref<40xi32, #tpu.memory_space<vmem>>) semaphore(%run_scoped3A : memref<!tpu.dma_semaphore, #tpu.memory_space<semaphore_mem>>) {add = true}
        %dma_wait3A_593 = arith.constant 0 : i32
        %dma_wait3A_594 = arith.constant 0 : i32
        %dma_wait3A_595 = tpu.memref_slice %arg31[%dma_wait3A_593, %dma_wait3A_594] : memref<10240x128xf32, #tpu.memory_space<vmem_shared>> -> memref<10240x128xf32, #tpu.memory_space<vmem_shared>>
        tpu.wait_indirect_dma semaphore(%run_scoped3A : memref<!tpu.dma_semaphore, #tpu.memory_space<semaphore_mem>>) src(%arg26 : memref<40x128xf32, #tpu.memory_space<vmem>>) dst(%dma_wait3A_595 : memref<10240x128xf32, #tpu.memory_space<vmem_shared>>)
        tpu.yield
      }) : () -> ()
      %add3A_427 = arith.constant 10 : i32
      %add3A_428 = arith.addi %add3A_423, %add3A_427 : i32
      %min3A_429 = arith.constant 249 : i32
      %min3A_430 = arith.minsi %add3A_428, %min3A_429 : i32
      %mul3A_431 = arith.constant 40 : i32
      %mul3A_432 = arith.muli %min3A_430, %mul3A_431 : i32
      %add3A_433 = arith.addi %multiple_of3A, %mul3A_432 : i32
      %multiple_of3A_434 = tpu.assume_multiple %add3A_433, 40 : i32
      %add3A_435 = arith.constant 320000 : i32
      %add3A_436 = arith.addi %add3A_435, %multiple_of3A_434 : i32
      %dma_start3A_437 = tpu.memref_slice %arg3[%add3A_436] : memref<640000xi32, #tpu.memory_space<hbm>> -> memref<40xi32, #tpu.memory_space<hbm>>
      %dma_start3A_438 = tpu.memref_slice %arg3[%add3A_436] : memref<640000xi32, #tpu.memory_space<hbm>> -> memref<40xi32, #tpu.memory_space<hbm>>
      tpu.enqueue_dma source(%dma_start3A_438 : memref<40xi32, #tpu.memory_space<hbm>>) target(%arg11 : memref<40xi32, #tpu.memory_space<vmem>>) target_semaphore(%arg32 : memref<!tpu.dma_semaphore, #tpu.memory_space<semaphore_mem>>)
      %dma_start3A_439 = tpu.memref_slice %arg3[%multiple_of3A_434] : memref<640000xi32, #tpu.memory_space<hbm>> -> memref<40xi32, #tpu.memory_space<hbm>>
      %dma_start3A_440 = tpu.memref_slice %arg3[%multiple_of3A_434] : memref<640000xi32, #tpu.memory_space<hbm>> -> memref<40xi32, #tpu.memory_space<hbm>>
      tpu.enqueue_dma source(%dma_start3A_440 : memref<40xi32, #tpu.memory_space<hbm>>) target(%arg21 : memref<40xi32, #tpu.memory_space<vmem>>) target_semaphore(%arg32 : memref<!tpu.dma_semaphore, #tpu.memory_space<semaphore_mem>>)
      %dma_wait3A_441 = arith.constant 0 : i32
      %dma_wait3A_442 = tpu.memref_slice %arg3[%dma_wait3A_441] : memref<640000xi32, #tpu.memory_space<hbm>> -> memref<40xi32, #tpu.memory_space<hbm>>
      %dma_wait3A_443 = arith.constant 0 : i32
      %dma_wait3A_444 = tpu.memref_slice %arg3[%dma_wait3A_443] : memref<640000xi32, #tpu.memory_space<hbm>> -> memref<40xi32, #tpu.memory_space<hbm>>
      tpu.wait_dma2 semaphore(%arg32 : memref<!tpu.dma_semaphore, #tpu.memory_space<semaphore_mem>>) src(%dma_wait3A_444 : memref<40xi32, #tpu.memory_space<hbm>>) dst(%arg11 : memref<40xi32, #tpu.memory_space<vmem>>)
      %dma_wait3A_445 = arith.constant 0 : i32
      %dma_wait3A_446 = tpu.memref_slice %arg3[%dma_wait3A_445] : memref<640000xi32, #tpu.memory_space<hbm>> -> memref<40xi32, #tpu.memory_space<hbm>>
      %dma_wait3A_447 = arith.constant 0 : i32
      %dma_wait3A_448 = tpu.memref_slice %arg3[%dma_wait3A_447] : memref<640000xi32, #tpu.memory_space<hbm>> -> memref<40xi32, #tpu.memory_space<hbm>>
      tpu.wait_dma2 semaphore(%arg32 : memref<!tpu.dma_semaphore, #tpu.memory_space<semaphore_mem>>) src(%dma_wait3A_448 : memref<40xi32, #tpu.memory_space<hbm>>) dst(%arg21 : memref<40xi32, #tpu.memory_space<vmem>>)
      %add3A_449 = arith.constant 5 : i32
      %add3A_450 = arith.addi %add3A_423, %add3A_449 : i32
      %dma_start3A_451 = arith.constant 0 : i32
      %dma_start3A_452 = arith.constant 0 : i32
      %dma_start3A_453 = tpu.memref_slice %arg2[%dma_start3A_451, %dma_start3A_452] : memref<10000x128xf32, #tpu.memory_space<hbm>> -> memref<10000x128xf32, #tpu.memory_space<hbm>>
      tpu.enqueue_indirect_dma source(%dma_start3A_453 : memref<10000x128xf32, #tpu.memory_space<hbm>>) target(%arg26 : memref<40x128xf32, #tpu.memory_space<vmem>>) offsets(%arg6 : memref<40xi32, #tpu.memory_space<vmem>>) semaphore(%arg33 : memref<!tpu.dma_semaphore, #tpu.memory_space<semaphore_mem>>)
      %mul3A_454 = arith.constant 10 : i32
      %mul3A_455 = arith.muli %scan3A_249, %mul3A_454 : i32
      %add3A_456 = arith.constant 6 : i32
      %add3A_457 = arith.addi %mul3A_455, %add3A_456 : i32
      %dma_wait3A_458 = arith.constant 0 : i32
      %dma_wait3A_459 = arith.constant 0 : i32
      %dma_wait3A_460 = tpu.memref_slice %arg2[%dma_wait3A_458, %dma_wait3A_459] : memref<10000x128xf32, #tpu.memory_space<hbm>> -> memref<10000x128xf32, #tpu.memory_space<hbm>>
      tpu.wait_indirect_dma semaphore(%arg33 : memref<!tpu.dma_semaphore, #tpu.memory_space<semaphore_mem>>) src(%dma_wait3A_460 : memref<10000x128xf32, #tpu.memory_space<hbm>>) dst(%arg27 : memref<40x128xf32, #tpu.memory_space<vmem>>)
      "tpu.region"() ({
        %run_scoped3A = tpu.sem_alloc : memref<!tpu.dma_semaphore, #tpu.memory_space<semaphore_mem>>
        %dma_start3A_590 = arith.constant 0 : i32
        %dma_start3A_591 = arith.constant 0 : i32
        %dma_start3A_592 = tpu.memref_slice %arg31[%dma_start3A_590, %dma_start3A_591] : memref<10240x128xf32, #tpu.memory_space<vmem_shared>> -> memref<10240x128xf32, #tpu.memory_space<vmem_shared>>
        tpu.enqueue_indirect_dma source(%arg27 : memref<40x128xf32, #tpu.memory_space<vmem>>) target(%dma_start3A_592 : memref<10240x128xf32, #tpu.memory_space<vmem_shared>>) offsets(%arg22 : memref<40xi32, #tpu.memory_space<vmem>>) semaphore(%run_scoped3A : memref<!tpu.dma_semaphore, #tpu.memory_space<semaphore_mem>>) {add = true}
        %dma_wait3A_593 = arith.constant 0 : i32
        %dma_wait3A_594 = arith.constant 0 : i32
        %dma_wait3A_595 = tpu.memref_slice %arg31[%dma_wait3A_593, %dma_wait3A_594] : memref<10240x128xf32, #tpu.memory_space<vmem_shared>> -> memref<10240x128xf32, #tpu.memory_space<vmem_shared>>
        tpu.wait_indirect_dma semaphore(%run_scoped3A : memref<!tpu.dma_semaphore, #tpu.memory_space<semaphore_mem>>) src(%arg27 : memref<40x128xf32, #tpu.memory_space<vmem>>) dst(%dma_wait3A_595 : memref<10240x128xf32, #tpu.memory_space<vmem_shared>>)
        tpu.yield
      }) : () -> ()
      %add3A_461 = arith.constant 10 : i32
      %add3A_462 = arith.addi %add3A_457, %add3A_461 : i32
      %min3A_463 = arith.constant 249 : i32
      %min3A_464 = arith.minsi %add3A_462, %min3A_463 : i32
      %mul3A_465 = arith.constant 40 : i32
      %mul3A_466 = arith.muli %min3A_464, %mul3A_465 : i32
      %add3A_467 = arith.addi %multiple_of3A, %mul3A_466 : i32
      %multiple_of3A_468 = tpu.assume_multiple %add3A_467, 40 : i32
      %add3A_469 = arith.constant 320000 : i32
      %add3A_470 = arith.addi %add3A_469, %multiple_of3A_468 : i32
      %dma_start3A_471 = tpu.memref_slice %arg3[%add3A_470] : memref<640000xi32, #tpu.memory_space<hbm>> -> memref<40xi32, #tpu.memory_space<hbm>>
      %dma_start3A_472 = tpu.memref_slice %arg3[%add3A_470] : memref<640000xi32, #tpu.memory_space<hbm>> -> memref<40xi32, #tpu.memory_space<hbm>>
      tpu.enqueue_dma source(%dma_start3A_472 : memref<40xi32, #tpu.memory_space<hbm>>) target(%arg12 : memref<40xi32, #tpu.memory_space<vmem>>) target_semaphore(%arg32 : memref<!tpu.dma_semaphore, #tpu.memory_space<semaphore_mem>>)
      %dma_start3A_473 = tpu.memref_slice %arg3[%multiple_of3A_468] : memref<640000xi32, #tpu.memory_space<hbm>> -> memref<40xi32, #tpu.memory_space<hbm>>
      %dma_start3A_474 = tpu.memref_slice %arg3[%multiple_of3A_468] : memref<640000xi32, #tpu.memory_space<hbm>> -> memref<40xi32, #tpu.memory_space<hbm>>
      tpu.enqueue_dma source(%dma_start3A_474 : memref<40xi32, #tpu.memory_space<hbm>>) target(%arg22 : memref<40xi32, #tpu.memory_space<vmem>>) target_semaphore(%arg32 : memref<!tpu.dma_semaphore, #tpu.memory_space<semaphore_mem>>)
      %dma_wait3A_475 = arith.constant 0 : i32
      %dma_wait3A_476 = tpu.memref_slice %arg3[%dma_wait3A_475] : memref<640000xi32, #tpu.memory_space<hbm>> -> memref<40xi32, #tpu.memory_space<hbm>>
      %dma_wait3A_477 = arith.constant 0 : i32
      %dma_wait3A_478 = tpu.memref_slice %arg3[%dma_wait3A_477] : memref<640000xi32, #tpu.memory_space<hbm>> -> memref<40xi32, #tpu.memory_space<hbm>>
      tpu.wait_dma2 semaphore(%arg32 : memref<!tpu.dma_semaphore, #tpu.memory_space<semaphore_mem>>) src(%dma_wait3A_478 : memref<40xi32, #tpu.memory_space<hbm>>) dst(%arg12 : memref<40xi32, #tpu.memory_space<vmem>>)
      %dma_wait3A_479 = arith.constant 0 : i32
      %dma_wait3A_480 = tpu.memref_slice %arg3[%dma_wait3A_479] : memref<640000xi32, #tpu.memory_space<hbm>> -> memref<40xi32, #tpu.memory_space<hbm>>
      %dma_wait3A_481 = arith.constant 0 : i32
      %dma_wait3A_482 = tpu.memref_slice %arg3[%dma_wait3A_481] : memref<640000xi32, #tpu.memory_space<hbm>> -> memref<40xi32, #tpu.memory_space<hbm>>
      tpu.wait_dma2 semaphore(%arg32 : memref<!tpu.dma_semaphore, #tpu.memory_space<semaphore_mem>>) src(%dma_wait3A_482 : memref<40xi32, #tpu.memory_space<hbm>>) dst(%arg22 : memref<40xi32, #tpu.memory_space<vmem>>)
      %add3A_483 = arith.constant 5 : i32
      %add3A_484 = arith.addi %add3A_457, %add3A_483 : i32
      %dma_start3A_485 = arith.constant 0 : i32
      %dma_start3A_486 = arith.constant 0 : i32
      %dma_start3A_487 = tpu.memref_slice %arg2[%dma_start3A_485, %dma_start3A_486] : memref<10000x128xf32, #tpu.memory_space<hbm>> -> memref<10000x128xf32, #tpu.memory_space<hbm>>
      tpu.enqueue_indirect_dma source(%dma_start3A_487 : memref<10000x128xf32, #tpu.memory_space<hbm>>) target(%arg27 : memref<40x128xf32, #tpu.memory_space<vmem>>) offsets(%arg7 : memref<40xi32, #tpu.memory_space<vmem>>) semaphore(%arg33 : memref<!tpu.dma_semaphore, #tpu.memory_space<semaphore_mem>>)
      %mul3A_488 = arith.constant 10 : i32
      %mul3A_489 = arith.muli %scan3A_249, %mul3A_488 : i32
      %add3A_490 = arith.constant 7 : i32
      %add3A_491 = arith.addi %mul3A_489, %add3A_490 : i32
      %dma_wait3A_492 = arith.constant 0 : i32
      %dma_wait3A_493 = arith.constant 0 : i32
      %dma_wait3A_494 = tpu.memref_slice %arg2[%dma_wait3A_492, %dma_wait3A_493] : memref<10000x128xf32, #tpu.memory_space<hbm>> -> memref<10000x128xf32, #tpu.memory_space<hbm>>
      tpu.wait_indirect_dma semaphore(%arg33 : memref<!tpu.dma_semaphore, #tpu.memory_space<semaphore_mem>>) src(%dma_wait3A_494 : memref<10000x128xf32, #tpu.memory_space<hbm>>) dst(%arg28 : memref<40x128xf32, #tpu.memory_space<vmem>>)
      "tpu.region"() ({
        %run_scoped3A = tpu.sem_alloc : memref<!tpu.dma_semaphore, #tpu.memory_space<semaphore_mem>>
        %dma_start3A_590 = arith.constant 0 : i32
        %dma_start3A_591 = arith.constant 0 : i32
        %dma_start3A_592 = tpu.memref_slice %arg31[%dma_start3A_590, %dma_start3A_591] : memref<10240x128xf32, #tpu.memory_space<vmem_shared>> -> memref<10240x128xf32, #tpu.memory_space<vmem_shared>>
        tpu.enqueue_indirect_dma source(%arg28 : memref<40x128xf32, #tpu.memory_space<vmem>>) target(%dma_start3A_592 : memref<10240x128xf32, #tpu.memory_space<vmem_shared>>) offsets(%arg23 : memref<40xi32, #tpu.memory_space<vmem>>) semaphore(%run_scoped3A : memref<!tpu.dma_semaphore, #tpu.memory_space<semaphore_mem>>) {add = true}
        %dma_wait3A_593 = arith.constant 0 : i32
        %dma_wait3A_594 = arith.constant 0 : i32
        %dma_wait3A_595 = tpu.memref_slice %arg31[%dma_wait3A_593, %dma_wait3A_594] : memref<10240x128xf32, #tpu.memory_space<vmem_shared>> -> memref<10240x128xf32, #tpu.memory_space<vmem_shared>>
        tpu.wait_indirect_dma semaphore(%run_scoped3A : memref<!tpu.dma_semaphore, #tpu.memory_space<semaphore_mem>>) src(%arg28 : memref<40x128xf32, #tpu.memory_space<vmem>>) dst(%dma_wait3A_595 : memref<10240x128xf32, #tpu.memory_space<vmem_shared>>)
        tpu.yield
      }) : () -> ()
      %add3A_495 = arith.constant 10 : i32
      %add3A_496 = arith.addi %add3A_491, %add3A_495 : i32
      %min3A_497 = arith.constant 249 : i32
      %min3A_498 = arith.minsi %add3A_496, %min3A_497 : i32
      %mul3A_499 = arith.constant 40 : i32
      %mul3A_500 = arith.muli %min3A_498, %mul3A_499 : i32
      %add3A_501 = arith.addi %multiple_of3A, %mul3A_500 : i32
      %multiple_of3A_502 = tpu.assume_multiple %add3A_501, 40 : i32
      %add3A_503 = arith.constant 320000 : i32
      %add3A_504 = arith.addi %add3A_503, %multiple_of3A_502 : i32
      %dma_start3A_505 = tpu.memref_slice %arg3[%add3A_504] : memref<640000xi32, #tpu.memory_space<hbm>> -> memref<40xi32, #tpu.memory_space<hbm>>
      %dma_start3A_506 = tpu.memref_slice %arg3[%add3A_504] : memref<640000xi32, #tpu.memory_space<hbm>> -> memref<40xi32, #tpu.memory_space<hbm>>
      tpu.enqueue_dma source(%dma_start3A_506 : memref<40xi32, #tpu.memory_space<hbm>>) target(%arg13 : memref<40xi32, #tpu.memory_space<vmem>>) target_semaphore(%arg32 : memref<!tpu.dma_semaphore, #tpu.memory_space<semaphore_mem>>)
      %dma_start3A_507 = tpu.memref_slice %arg3[%multiple_of3A_502] : memref<640000xi32, #tpu.memory_space<hbm>> -> memref<40xi32, #tpu.memory_space<hbm>>
      %dma_start3A_508 = tpu.memref_slice %arg3[%multiple_of3A_502] : memref<640000xi32, #tpu.memory_space<hbm>> -> memref<40xi32, #tpu.memory_space<hbm>>
      tpu.enqueue_dma source(%dma_start3A_508 : memref<40xi32, #tpu.memory_space<hbm>>) target(%arg23 : memref<40xi32, #tpu.memory_space<vmem>>) target_semaphore(%arg32 : memref<!tpu.dma_semaphore, #tpu.memory_space<semaphore_mem>>)
      %dma_wait3A_509 = arith.constant 0 : i32
      %dma_wait3A_510 = tpu.memref_slice %arg3[%dma_wait3A_509] : memref<640000xi32, #tpu.memory_space<hbm>> -> memref<40xi32, #tpu.memory_space<hbm>>
      %dma_wait3A_511 = arith.constant 0 : i32
      %dma_wait3A_512 = tpu.memref_slice %arg3[%dma_wait3A_511] : memref<640000xi32, #tpu.memory_space<hbm>> -> memref<40xi32, #tpu.memory_space<hbm>>
      tpu.wait_dma2 semaphore(%arg32 : memref<!tpu.dma_semaphore, #tpu.memory_space<semaphore_mem>>) src(%dma_wait3A_512 : memref<40xi32, #tpu.memory_space<hbm>>) dst(%arg13 : memref<40xi32, #tpu.memory_space<vmem>>)
      %dma_wait3A_513 = arith.constant 0 : i32
      %dma_wait3A_514 = tpu.memref_slice %arg3[%dma_wait3A_513] : memref<640000xi32, #tpu.memory_space<hbm>> -> memref<40xi32, #tpu.memory_space<hbm>>
      %dma_wait3A_515 = arith.constant 0 : i32
      %dma_wait3A_516 = tpu.memref_slice %arg3[%dma_wait3A_515] : memref<640000xi32, #tpu.memory_space<hbm>> -> memref<40xi32, #tpu.memory_space<hbm>>
      tpu.wait_dma2 semaphore(%arg32 : memref<!tpu.dma_semaphore, #tpu.memory_space<semaphore_mem>>) src(%dma_wait3A_516 : memref<40xi32, #tpu.memory_space<hbm>>) dst(%arg23 : memref<40xi32, #tpu.memory_space<vmem>>)
      %add3A_517 = arith.constant 5 : i32
      %add3A_518 = arith.addi %add3A_491, %add3A_517 : i32
      %dma_start3A_519 = arith.constant 0 : i32
      %dma_start3A_520 = arith.constant 0 : i32
      %dma_start3A_521 = tpu.memref_slice %arg2[%dma_start3A_519, %dma_start3A_520] : memref<10000x128xf32, #tpu.memory_space<hbm>> -> memref<10000x128xf32, #tpu.memory_space<hbm>>
      tpu.enqueue_indirect_dma source(%dma_start3A_521 : memref<10000x128xf32, #tpu.memory_space<hbm>>) target(%arg28 : memref<40x128xf32, #tpu.memory_space<vmem>>) offsets(%arg8 : memref<40xi32, #tpu.memory_space<vmem>>) semaphore(%arg33 : memref<!tpu.dma_semaphore, #tpu.memory_space<semaphore_mem>>)
      %mul3A_522 = arith.constant 10 : i32
      %mul3A_523 = arith.muli %scan3A_249, %mul3A_522 : i32
      %add3A_524 = arith.constant 8 : i32
      %add3A_525 = arith.addi %mul3A_523, %add3A_524 : i32
      %dma_wait3A_526 = arith.constant 0 : i32
      %dma_wait3A_527 = arith.constant 0 : i32
      %dma_wait3A_528 = tpu.memref_slice %arg2[%dma_wait3A_526, %dma_wait3A_527] : memref<10000x128xf32, #tpu.memory_space<hbm>> -> memref<10000x128xf32, #tpu.memory_space<hbm>>
      tpu.wait_indirect_dma semaphore(%arg33 : memref<!tpu.dma_semaphore, #tpu.memory_space<semaphore_mem>>) src(%dma_wait3A_528 : memref<10000x128xf32, #tpu.memory_space<hbm>>) dst(%arg29 : memref<40x128xf32, #tpu.memory_space<vmem>>)
      "tpu.region"() ({
        %run_scoped3A = tpu.sem_alloc : memref<!tpu.dma_semaphore, #tpu.memory_space<semaphore_mem>>
        %dma_start3A_590 = arith.constant 0 : i32
        %dma_start3A_591 = arith.constant 0 : i32
        %dma_start3A_592 = tpu.memref_slice %arg31[%dma_start3A_590, %dma_start3A_591] : memref<10240x128xf32, #tpu.memory_space<vmem_shared>> -> memref<10240x128xf32, #tpu.memory_space<vmem_shared>>
        tpu.enqueue_indirect_dma source(%arg29 : memref<40x128xf32, #tpu.memory_space<vmem>>) target(%dma_start3A_592 : memref<10240x128xf32, #tpu.memory_space<vmem_shared>>) offsets(%arg24 : memref<40xi32, #tpu.memory_space<vmem>>) semaphore(%run_scoped3A : memref<!tpu.dma_semaphore, #tpu.memory_space<semaphore_mem>>) {add = true}
        %dma_wait3A_593 = arith.constant 0 : i32
        %dma_wait3A_594 = arith.constant 0 : i32
        %dma_wait3A_595 = tpu.memref_slice %arg31[%dma_wait3A_593, %dma_wait3A_594] : memref<10240x128xf32, #tpu.memory_space<vmem_shared>> -> memref<10240x128xf32, #tpu.memory_space<vmem_shared>>
        tpu.wait_indirect_dma semaphore(%run_scoped3A : memref<!tpu.dma_semaphore, #tpu.memory_space<semaphore_mem>>) src(%arg29 : memref<40x128xf32, #tpu.memory_space<vmem>>) dst(%dma_wait3A_595 : memref<10240x128xf32, #tpu.memory_space<vmem_shared>>)
        tpu.yield
      }) : () -> ()
      %add3A_529 = arith.constant 10 : i32
      %add3A_530 = arith.addi %add3A_525, %add3A_529 : i32
      %min3A_531 = arith.constant 249 : i32
      %min3A_532 = arith.minsi %add3A_530, %min3A_531 : i32
      %mul3A_533 = arith.constant 40 : i32
      %mul3A_534 = arith.muli %min3A_532, %mul3A_533 : i32
      %add3A_535 = arith.addi %multiple_of3A, %mul3A_534 : i32
      %multiple_of3A_536 = tpu.assume_multiple %add3A_535, 40 : i32
      %add3A_537 = arith.constant 320000 : i32
      %add3A_538 = arith.addi %add3A_537, %multiple_of3A_536 : i32
      %dma_start3A_539 = tpu.memref_slice %arg3[%add3A_538] : memref<640000xi32, #tpu.memory_space<hbm>> -> memref<40xi32, #tpu.memory_space<hbm>>
      %dma_start3A_540 = tpu.memref_slice %arg3[%add3A_538] : memref<640000xi32, #tpu.memory_space<hbm>> -> memref<40xi32, #tpu.memory_space<hbm>>
      tpu.enqueue_dma source(%dma_start3A_540 : memref<40xi32, #tpu.memory_space<hbm>>) target(%arg14 : memref<40xi32, #tpu.memory_space<vmem>>) target_semaphore(%arg32 : memref<!tpu.dma_semaphore, #tpu.memory_space<semaphore_mem>>)
      %dma_start3A_541 = tpu.memref_slice %arg3[%multiple_of3A_536] : memref<640000xi32, #tpu.memory_space<hbm>> -> memref<40xi32, #tpu.memory_space<hbm>>
      %dma_start3A_542 = tpu.memref_slice %arg3[%multiple_of3A_536] : memref<640000xi32, #tpu.memory_space<hbm>> -> memref<40xi32, #tpu.memory_space<hbm>>
      tpu.enqueue_dma source(%dma_start3A_542 : memref<40xi32, #tpu.memory_space<hbm>>) target(%arg24 : memref<40xi32, #tpu.memory_space<vmem>>) target_semaphore(%arg32 : memref<!tpu.dma_semaphore, #tpu.memory_space<semaphore_mem>>)
      %dma_wait3A_543 = arith.constant 0 : i32
      %dma_wait3A_544 = tpu.memref_slice %arg3[%dma_wait3A_543] : memref<640000xi32, #tpu.memory_space<hbm>> -> memref<40xi32, #tpu.memory_space<hbm>>
      %dma_wait3A_545 = arith.constant 0 : i32
      %dma_wait3A_546 = tpu.memref_slice %arg3[%dma_wait3A_545] : memref<640000xi32, #tpu.memory_space<hbm>> -> memref<40xi32, #tpu.memory_space<hbm>>
      tpu.wait_dma2 semaphore(%arg32 : memref<!tpu.dma_semaphore, #tpu.memory_space<semaphore_mem>>) src(%dma_wait3A_546 : memref<40xi32, #tpu.memory_space<hbm>>) dst(%arg14 : memref<40xi32, #tpu.memory_space<vmem>>)
      %dma_wait3A_547 = arith.constant 0 : i32
      %dma_wait3A_548 = tpu.memref_slice %arg3[%dma_wait3A_547] : memref<640000xi32, #tpu.memory_space<hbm>> -> memref<40xi32, #tpu.memory_space<hbm>>
      %dma_wait3A_549 = arith.constant 0 : i32
      %dma_wait3A_550 = tpu.memref_slice %arg3[%dma_wait3A_549] : memref<640000xi32, #tpu.memory_space<hbm>> -> memref<40xi32, #tpu.memory_space<hbm>>
      tpu.wait_dma2 semaphore(%arg32 : memref<!tpu.dma_semaphore, #tpu.memory_space<semaphore_mem>>) src(%dma_wait3A_550 : memref<40xi32, #tpu.memory_space<hbm>>) dst(%arg24 : memref<40xi32, #tpu.memory_space<vmem>>)
      %add3A_551 = arith.constant 5 : i32
      %add3A_552 = arith.addi %add3A_525, %add3A_551 : i32
      %dma_start3A_553 = arith.constant 0 : i32
      %dma_start3A_554 = arith.constant 0 : i32
      %dma_start3A_555 = tpu.memref_slice %arg2[%dma_start3A_553, %dma_start3A_554] : memref<10000x128xf32, #tpu.memory_space<hbm>> -> memref<10000x128xf32, #tpu.memory_space<hbm>>
      tpu.enqueue_indirect_dma source(%dma_start3A_555 : memref<10000x128xf32, #tpu.memory_space<hbm>>) target(%arg29 : memref<40x128xf32, #tpu.memory_space<vmem>>) offsets(%arg9 : memref<40xi32, #tpu.memory_space<vmem>>) semaphore(%arg33 : memref<!tpu.dma_semaphore, #tpu.memory_space<semaphore_mem>>)
      %mul3A_556 = arith.constant 10 : i32
      %mul3A_557 = arith.muli %scan3A_249, %mul3A_556 : i32
      %add3A_558 = arith.constant 9 : i32
      %add3A_559 = arith.addi %mul3A_557, %add3A_558 : i32
      %dma_wait3A_560 = arith.constant 0 : i32
      %dma_wait3A_561 = arith.constant 0 : i32
      %dma_wait3A_562 = tpu.memref_slice %arg2[%dma_wait3A_560, %dma_wait3A_561] : memref<10000x128xf32, #tpu.memory_space<hbm>> -> memref<10000x128xf32, #tpu.memory_space<hbm>>
      tpu.wait_indirect_dma semaphore(%arg33 : memref<!tpu.dma_semaphore, #tpu.memory_space<semaphore_mem>>) src(%dma_wait3A_562 : memref<10000x128xf32, #tpu.memory_space<hbm>>) dst(%arg30 : memref<40x128xf32, #tpu.memory_space<vmem>>)
      "tpu.region"() ({
        %run_scoped3A = tpu.sem_alloc : memref<!tpu.dma_semaphore, #tpu.memory_space<semaphore_mem>>
        %dma_start3A_590 = arith.constant 0 : i32
        %dma_start3A_591 = arith.constant 0 : i32
        %dma_start3A_592 = tpu.memref_slice %arg31[%dma_start3A_590, %dma_start3A_591] : memref<10240x128xf32, #tpu.memory_space<vmem_shared>> -> memref<10240x128xf32, #tpu.memory_space<vmem_shared>>
        tpu.enqueue_indirect_dma source(%arg30 : memref<40x128xf32, #tpu.memory_space<vmem>>) target(%dma_start3A_592 : memref<10240x128xf32, #tpu.memory_space<vmem_shared>>) offsets(%arg25 : memref<40xi32, #tpu.memory_space<vmem>>) semaphore(%run_scoped3A : memref<!tpu.dma_semaphore, #tpu.memory_space<semaphore_mem>>) {add = true}
        %dma_wait3A_593 = arith.constant 0 : i32
        %dma_wait3A_594 = arith.constant 0 : i32
        %dma_wait3A_595 = tpu.memref_slice %arg31[%dma_wait3A_593, %dma_wait3A_594] : memref<10240x128xf32, #tpu.memory_space<vmem_shared>> -> memref<10240x128xf32, #tpu.memory_space<vmem_shared>>
        tpu.wait_indirect_dma semaphore(%run_scoped3A : memref<!tpu.dma_semaphore, #tpu.memory_space<semaphore_mem>>) src(%arg30 : memref<40x128xf32, #tpu.memory_space<vmem>>) dst(%dma_wait3A_595 : memref<10240x128xf32, #tpu.memory_space<vmem_shared>>)
        tpu.yield
      }) : () -> ()
      %add3A_563 = arith.constant 10 : i32
      %add3A_564 = arith.addi %add3A_559, %add3A_563 : i32
      %min3A_565 = arith.constant 249 : i32
      %min3A_566 = arith.minsi %add3A_564, %min3A_565 : i32
      %mul3A_567 = arith.constant 40 : i32
      %mul3A_568 = arith.muli %min3A_566, %mul3A_567 : i32
      %add3A_569 = arith.addi %multiple_of3A, %mul3A_568 : i32
      %multiple_of3A_570 = tpu.assume_multiple %add3A_569, 40 : i32
      %add3A_571 = arith.constant 320000 : i32
      %add3A_572 = arith.addi %add3A_571, %multiple_of3A_570 : i32
      %dma_start3A_573 = tpu.memref_slice %arg3[%add3A_572] : memref<640000xi32, #tpu.memory_space<hbm>> -> memref<40xi32, #tpu.memory_space<hbm>>
      %dma_start3A_574 = tpu.memref_slice %arg3[%add3A_572] : memref<640000xi32, #tpu.memory_space<hbm>> -> memref<40xi32, #tpu.memory_space<hbm>>
      tpu.enqueue_dma source(%dma_start3A_574 : memref<40xi32, #tpu.memory_space<hbm>>) target(%arg15 : memref<40xi32, #tpu.memory_space<vmem>>) target_semaphore(%arg32 : memref<!tpu.dma_semaphore, #tpu.memory_space<semaphore_mem>>)
      %dma_start3A_575 = tpu.memref_slice %arg3[%multiple_of3A_570] : memref<640000xi32, #tpu.memory_space<hbm>> -> memref<40xi32, #tpu.memory_space<hbm>>
      %dma_start3A_576 = tpu.memref_slice %arg3[%multiple_of3A_570] : memref<640000xi32, #tpu.memory_space<hbm>> -> memref<40xi32, #tpu.memory_space<hbm>>
      tpu.enqueue_dma source(%dma_start3A_576 : memref<40xi32, #tpu.memory_space<hbm>>) target(%arg25 : memref<40xi32, #tpu.memory_space<vmem>>) target_semaphore(%arg32 : memref<!tpu.dma_semaphore, #tpu.memory_space<semaphore_mem>>)
      %dma_wait3A_577 = arith.constant 0 : i32
      %dma_wait3A_578 = tpu.memref_slice %arg3[%dma_wait3A_577] : memref<640000xi32, #tpu.memory_space<hbm>> -> memref<40xi32, #tpu.memory_space<hbm>>
      %dma_wait3A_579 = arith.constant 0 : i32
      %dma_wait3A_580 = tpu.memref_slice %arg3[%dma_wait3A_579] : memref<640000xi32, #tpu.memory_space<hbm>> -> memref<40xi32, #tpu.memory_space<hbm>>
      tpu.wait_dma2 semaphore(%arg32 : memref<!tpu.dma_semaphore, #tpu.memory_space<semaphore_mem>>) src(%dma_wait3A_580 : memref<40xi32, #tpu.memory_space<hbm>>) dst(%arg15 : memref<40xi32, #tpu.memory_space<vmem>>)
      %dma_wait3A_581 = arith.constant 0 : i32
      %dma_wait3A_582 = tpu.memref_slice %arg3[%dma_wait3A_581] : memref<640000xi32, #tpu.memory_space<hbm>> -> memref<40xi32, #tpu.memory_space<hbm>>
      %dma_wait3A_583 = arith.constant 0 : i32
      %dma_wait3A_584 = tpu.memref_slice %arg3[%dma_wait3A_583] : memref<640000xi32, #tpu.memory_space<hbm>> -> memref<40xi32, #tpu.memory_space<hbm>>
      tpu.wait_dma2 semaphore(%arg32 : memref<!tpu.dma_semaphore, #tpu.memory_space<semaphore_mem>>) src(%dma_wait3A_584 : memref<40xi32, #tpu.memory_space<hbm>>) dst(%arg25 : memref<40xi32, #tpu.memory_space<vmem>>)
      %add3A_585 = arith.constant 5 : i32
      %add3A_586 = arith.addi %add3A_559, %add3A_585 : i32
      %dma_start3A_587 = arith.constant 0 : i32
      %dma_start3A_588 = arith.constant 0 : i32
      %dma_start3A_589 = tpu.memref_slice %arg2[%dma_start3A_587, %dma_start3A_588] : memref<10000x128xf32, #tpu.memory_space<hbm>> -> memref<10000x128xf32, #tpu.memory_space<hbm>>
      tpu.enqueue_indirect_dma source(%dma_start3A_589 : memref<10000x128xf32, #tpu.memory_space<hbm>>) target(%arg30 : memref<40x128xf32, #tpu.memory_space<vmem>>) offsets(%arg10 : memref<40xi32, #tpu.memory_space<vmem>>) semaphore(%arg33 : memref<!tpu.dma_semaphore, #tpu.memory_space<semaphore_mem>>)
    }
    %scan3A_192 = arith.constant 25 : i32
    %dma_wait3A_193 = arith.constant 0 : i32
    %dma_wait3A_194 = arith.constant 0 : i32
    %dma_wait3A_195 = tpu.memref_slice %arg2[%dma_wait3A_193, %dma_wait3A_194] : memref<10000x128xf32, #tpu.memory_space<hbm>> -> memref<10000x128xf32, #tpu.memory_space<hbm>>
    tpu.wait_indirect_dma semaphore(%arg33 : memref<!tpu.dma_semaphore, #tpu.memory_space<semaphore_mem>>) src(%dma_wait3A_195 : memref<10000x128xf32, #tpu.memory_space<hbm>>) dst(%arg26 : memref<40x128xf32, #tpu.memory_space<vmem>>)
    %dma_wait3A_196 = arith.constant 0 : i32
    %dma_wait3A_197 = tpu.memref_slice %arg3[%dma_wait3A_196] : memref<640000xi32, #tpu.memory_space<hbm>> -> memref<40xi32, #tpu.memory_space<hbm>>
    %dma_wait3A_198 = arith.constant 0 : i32
    %dma_wait3A_199 = tpu.memref_slice %arg3[%dma_wait3A_198] : memref<640000xi32, #tpu.memory_space<hbm>> -> memref<40xi32, #tpu.memory_space<hbm>>
    tpu.wait_dma2 semaphore(%arg32 : memref<!tpu.dma_semaphore, #tpu.memory_space<semaphore_mem>>) src(%dma_wait3A_199 : memref<40xi32, #tpu.memory_space<hbm>>) dst(%arg6 : memref<40xi32, #tpu.memory_space<vmem>>)
    %dma_wait3A_200 = arith.constant 0 : i32
    %dma_wait3A_201 = tpu.memref_slice %arg3[%dma_wait3A_200] : memref<640000xi32, #tpu.memory_space<hbm>> -> memref<40xi32, #tpu.memory_space<hbm>>
    %dma_wait3A_202 = arith.constant 0 : i32
    %dma_wait3A_203 = tpu.memref_slice %arg3[%dma_wait3A_202] : memref<640000xi32, #tpu.memory_space<hbm>> -> memref<40xi32, #tpu.memory_space<hbm>>
    tpu.wait_dma2 semaphore(%arg32 : memref<!tpu.dma_semaphore, #tpu.memory_space<semaphore_mem>>) src(%dma_wait3A_203 : memref<40xi32, #tpu.memory_space<hbm>>) dst(%arg16 : memref<40xi32, #tpu.memory_space<vmem>>)
    %dma_wait3A_204 = arith.constant 0 : i32
    %dma_wait3A_205 = arith.constant 0 : i32
    %dma_wait3A_206 = tpu.memref_slice %arg2[%dma_wait3A_204, %dma_wait3A_205] : memref<10000x128xf32, #tpu.memory_space<hbm>> -> memref<10000x128xf32, #tpu.memory_space<hbm>>
    tpu.wait_indirect_dma semaphore(%arg33 : memref<!tpu.dma_semaphore, #tpu.memory_space<semaphore_mem>>) src(%dma_wait3A_206 : memref<10000x128xf32, #tpu.memory_space<hbm>>) dst(%arg27 : memref<40x128xf32, #tpu.memory_space<vmem>>)
    %dma_wait3A_207 = arith.constant 0 : i32
    %dma_wait3A_208 = tpu.memref_slice %arg3[%dma_wait3A_207] : memref<640000xi32, #tpu.memory_space<hbm>> -> memref<40xi32, #tpu.memory_space<hbm>>
    %dma_wait3A_209 = arith.constant 0 : i32
    %dma_wait3A_210 = tpu.memref_slice %arg3[%dma_wait3A_209] : memref<640000xi32, #tpu.memory_space<hbm>> -> memref<40xi32, #tpu.memory_space<hbm>>
    tpu.wait_dma2 semaphore(%arg32 : memref<!tpu.dma_semaphore, #tpu.memory_space<semaphore_mem>>) src(%dma_wait3A_210 : memref<40xi32, #tpu.memory_space<hbm>>) dst(%arg7 : memref<40xi32, #tpu.memory_space<vmem>>)
    %dma_wait3A_211 = arith.constant 0 : i32
    %dma_wait3A_212 = tpu.memref_slice %arg3[%dma_wait3A_211] : memref<640000xi32, #tpu.memory_space<hbm>> -> memref<40xi32, #tpu.memory_space<hbm>>
    %dma_wait3A_213 = arith.constant 0 : i32
    %dma_wait3A_214 = tpu.memref_slice %arg3[%dma_wait3A_213] : memref<640000xi32, #tpu.memory_space<hbm>> -> memref<40xi32, #tpu.memory_space<hbm>>
    tpu.wait_dma2 semaphore(%arg32 : memref<!tpu.dma_semaphore, #tpu.memory_space<semaphore_mem>>) src(%dma_wait3A_214 : memref<40xi32, #tpu.memory_space<hbm>>) dst(%arg17 : memref<40xi32, #tpu.memory_space<vmem>>)
    %dma_wait3A_215 = arith.constant 0 : i32
    %dma_wait3A_216 = arith.constant 0 : i32
    %dma_wait3A_217 = tpu.memref_slice %arg2[%dma_wait3A_215, %dma_wait3A_216] : memref<10000x128xf32, #tpu.memory_space<hbm>> -> memref<10000x128xf32, #tpu.memory_space<hbm>>
    tpu.wait_indirect_dma semaphore(%arg33 : memref<!tpu.dma_semaphore, #tpu.memory_space<semaphore_mem>>) src(%dma_wait3A_217 : memref<10000x128xf32, #tpu.memory_space<hbm>>) dst(%arg28 : memref<40x128xf32, #tpu.memory_space<vmem>>)
    %dma_wait3A_218 = arith.constant 0 : i32
    %dma_wait3A_219 = tpu.memref_slice %arg3[%dma_wait3A_218] : memref<640000xi32, #tpu.memory_space<hbm>> -> memref<40xi32, #tpu.memory_space<hbm>>
    %dma_wait3A_220 = arith.constant 0 : i32
    %dma_wait3A_221 = tpu.memref_slice %arg3[%dma_wait3A_220] : memref<640000xi32, #tpu.memory_space<hbm>> -> memref<40xi32, #tpu.memory_space<hbm>>
    tpu.wait_dma2 semaphore(%arg32 : memref<!tpu.dma_semaphore, #tpu.memory_space<semaphore_mem>>) src(%dma_wait3A_221 : memref<40xi32, #tpu.memory_space<hbm>>) dst(%arg8 : memref<40xi32, #tpu.memory_space<vmem>>)
    %dma_wait3A_222 = arith.constant 0 : i32
    %dma_wait3A_223 = tpu.memref_slice %arg3[%dma_wait3A_222] : memref<640000xi32, #tpu.memory_space<hbm>> -> memref<40xi32, #tpu.memory_space<hbm>>
    %dma_wait3A_224 = arith.constant 0 : i32
    %dma_wait3A_225 = tpu.memref_slice %arg3[%dma_wait3A_224] : memref<640000xi32, #tpu.memory_space<hbm>> -> memref<40xi32, #tpu.memory_space<hbm>>
    tpu.wait_dma2 semaphore(%arg32 : memref<!tpu.dma_semaphore, #tpu.memory_space<semaphore_mem>>) src(%dma_wait3A_225 : memref<40xi32, #tpu.memory_space<hbm>>) dst(%arg18 : memref<40xi32, #tpu.memory_space<vmem>>)
    %dma_wait3A_226 = arith.constant 0 : i32
    %dma_wait3A_227 = arith.constant 0 : i32
    %dma_wait3A_228 = tpu.memref_slice %arg2[%dma_wait3A_226, %dma_wait3A_227] : memref<10000x128xf32, #tpu.memory_space<hbm>> -> memref<10000x128xf32, #tpu.memory_space<hbm>>
    tpu.wait_indirect_dma semaphore(%arg33 : memref<!tpu.dma_semaphore, #tpu.memory_space<semaphore_mem>>) src(%dma_wait3A_228 : memref<10000x128xf32, #tpu.memory_space<hbm>>) dst(%arg29 : memref<40x128xf32, #tpu.memory_space<vmem>>)
    %dma_wait3A_229 = arith.constant 0 : i32
    %dma_wait3A_230 = tpu.memref_slice %arg3[%dma_wait3A_229] : memref<640000xi32, #tpu.memory_space<hbm>> -> memref<40xi32, #tpu.memory_space<hbm>>
    %dma_wait3A_231 = arith.constant 0 : i32
    %dma_wait3A_232 = tpu.memref_slice %arg3[%dma_wait3A_231] : memref<640000xi32, #tpu.memory_space<hbm>> -> memref<40xi32, #tpu.memory_space<hbm>>
    tpu.wait_dma2 semaphore(%arg32 : memref<!tpu.dma_semaphore, #tpu.memory_space<semaphore_mem>>) src(%dma_wait3A_232 : memref<40xi32, #tpu.memory_space<hbm>>) dst(%arg9 : memref<40xi32, #tpu.memory_space<vmem>>)
    %dma_wait3A_233 = arith.constant 0 : i32
    %dma_wait3A_234 = tpu.memref_slice %arg3[%dma_wait3A_233] : memref<640000xi32, #tpu.memory_space<hbm>> -> memref<40xi32, #tpu.memory_space<hbm>>
    %dma_wait3A_235 = arith.constant 0 : i32
    %dma_wait3A_236 = tpu.memref_slice %arg3[%dma_wait3A_235] : memref<640000xi32, #tpu.memory_space<hbm>> -> memref<40xi32, #tpu.memory_space<hbm>>
    tpu.wait_dma2 semaphore(%arg32 : memref<!tpu.dma_semaphore, #tpu.memory_space<semaphore_mem>>) src(%dma_wait3A_236 : memref<40xi32, #tpu.memory_space<hbm>>) dst(%arg19 : memref<40xi32, #tpu.memory_space<vmem>>)
    %dma_wait3A_237 = arith.constant 0 : i32
    %dma_wait3A_238 = arith.constant 0 : i32
    %dma_wait3A_239 = tpu.memref_slice %arg2[%dma_wait3A_237, %dma_wait3A_238] : memref<10000x128xf32, #tpu.memory_space<hbm>> -> memref<10000x128xf32, #tpu.memory_space<hbm>>
    tpu.wait_indirect_dma semaphore(%arg33 : memref<!tpu.dma_semaphore, #tpu.memory_space<semaphore_mem>>) src(%dma_wait3A_239 : memref<10000x128xf32, #tpu.memory_space<hbm>>) dst(%arg30 : memref<40x128xf32, #tpu.memory_space<vmem>>)
    %dma_wait3A_240 = arith.constant 0 : i32
    %dma_wait3A_241 = tpu.memref_slice %arg3[%dma_wait3A_240] : memref<640000xi32, #tpu.memory_space<hbm>> -> memref<40xi32, #tpu.memory_space<hbm>>
    %dma_wait3A_242 = arith.constant 0 : i32
    %dma_wait3A_243 = tpu.memref_slice %arg3[%dma_wait3A_242] : memref<640000xi32, #tpu.memory_space<hbm>> -> memref<40xi32, #tpu.memory_space<hbm>>
    tpu.wait_dma2 semaphore(%arg32 : memref<!tpu.dma_semaphore, #tpu.memory_space<semaphore_mem>>) src(%dma_wait3A_243 : memref<40xi32, #tpu.memory_space<hbm>>) dst(%arg10 : memref<40xi32, #tpu.memory_space<vmem>>)
    %dma_wait3A_244 = arith.constant 0 : i32
    %dma_wait3A_245 = tpu.memref_slice %arg3[%dma_wait3A_244] : memref<640000xi32, #tpu.memory_space<hbm>> -> memref<40xi32, #tpu.memory_space<hbm>>
    %dma_wait3A_246 = arith.constant 0 : i32
    %dma_wait3A_247 = tpu.memref_slice %arg3[%dma_wait3A_246] : memref<640000xi32, #tpu.memory_space<hbm>> -> memref<40xi32, #tpu.memory_space<hbm>>
    tpu.wait_dma2 semaphore(%arg32 : memref<!tpu.dma_semaphore, #tpu.memory_space<semaphore_mem>>) src(%dma_wait3A_247 : memref<40xi32, #tpu.memory_space<hbm>>) dst(%arg20 : memref<40xi32, #tpu.memory_space<vmem>>)
    %barrier3A_248 = arith.constant 0 : index
    tpu.barrier barrier_id(%barrier3A_248)
    "tpu.region"() ({
      %run_scoped3A = tpu.sem_alloc : memref<!tpu.dma_semaphore, #tpu.memory_space<semaphore_mem>>
      %dma_start3A_249 = arith.constant 0 : i32
      %dma_start3A_250 = tpu.memref_slice %arg5[%arg0, %multiple_of3A_5, %dma_start3A_249] : memref<2x10240x128xf32, #tpu.memory_space<hbm>> -> memref<1x640x128xf32, #tpu.memory_space<hbm>>
      %dma_start3A_251 = tpu.memref_squeeze %dma_start3A_250 : memref<1x640x128xf32, #tpu.memory_space<hbm>> -> memref<640x128xf32, #tpu.memory_space<hbm>>
      %dma_start3A_252 = arith.constant 0 : i32
      %dma_start3A_253 = tpu.memref_slice %arg31[%multiple_of3A_5, %dma_start3A_252] : memref<10240x128xf32, #tpu.memory_space<vmem_shared>> -> memref<640x128xf32, #tpu.memory_space<vmem_shared>>
      tpu.enqueue_dma source(%dma_start3A_253 : memref<640x128xf32, #tpu.memory_space<vmem_shared>>) target(%dma_start3A_251 : memref<640x128xf32, #tpu.memory_space<hbm>>) target_semaphore(%run_scoped3A : memref<!tpu.dma_semaphore, #tpu.memory_space<semaphore_mem>>)
      %dma_wait3A_254 = arith.constant 0 : i32
      %dma_wait3A_255 = tpu.memref_slice %arg5[%arg0, %multiple_of3A_5, %dma_wait3A_254] : memref<2x10240x128xf32, #tpu.memory_space<hbm>> -> memref<1x640x128xf32, #tpu.memory_space<hbm>>
      %dma_wait3A_256 = tpu.memref_squeeze %dma_wait3A_255 : memref<1x640x128xf32, #tpu.memory_space<hbm>> -> memref<640x128xf32, #tpu.memory_space<hbm>>
      %dma_wait3A_257 = arith.constant 0 : i32
      %dma_wait3A_258 = tpu.memref_slice %arg31[%multiple_of3A_5, %dma_wait3A_257] : memref<10240x128xf32, #tpu.memory_space<vmem_shared>> -> memref<640x128xf32, #tpu.memory_space<vmem_shared>>
      tpu.wait_dma2 semaphore(%run_scoped3A : memref<!tpu.dma_semaphore, #tpu.memory_space<semaphore_mem>>) src(%dma_wait3A_258 : memref<640x128xf32, #tpu.memory_space<vmem_shared>>) dst(%dma_wait3A_256 : memref<640x128xf32, #tpu.memory_space<hbm>>)
      tpu.yield
    }) : () -> ()
    return
  }
}

module attributes {stable_mosaic.version = 14 : i64} {
  func.func @_tc1_body(%arg0: i32, %arg1: memref<1000x128xf32, #tpu.memory_space<vmem>>, %arg2: memref<128x128xf32, #tpu.memory_space<vmem>>, %arg3: memref<1x128xf32, #tpu.memory_space<vmem>>, %arg4: memref<128x64xf32, #tpu.memory_space<vmem>>, %arg5: memref<1x64xf32, #tpu.memory_space<vmem>>, %arg6: memref<1000x128xf32, #tpu.memory_space<vmem>>, %arg7: memref<1000x64xf32, #tpu.memory_space<vmem>>) attributes {dimension_semantics = [#tpu.dimension_semantics<arbitrary>], iteration_bounds = array<i64: 10>, scalar_prefetch = 0 : i64, scratch_operands = 0 : i64, tpu.core_type = #tpu.core_type<tc>, window_params = [{transform_indices = @transform_0, window_bounds = array<i64: 1000, 128>}, {pipeline_mode = #tpu.pipeline_mode<synchronous>, transform_indices = @transform_1, window_bounds = array<i64: 128, 128>}, {pipeline_mode = #tpu.pipeline_mode<synchronous>, transform_indices = @transform_2, window_bounds = array<i64: 1, 128>}, {pipeline_mode = #tpu.pipeline_mode<synchronous>, transform_indices = @transform_3, window_bounds = array<i64: 128, 64>}, {pipeline_mode = #tpu.pipeline_mode<synchronous>, transform_indices = @transform_4, window_bounds = array<i64: 1, 64>}, {transform_indices = @transform_5, window_bounds = array<i64: 1000, 128>}, {transform_indices = @transform_6, window_bounds = array<i64: 1000, 64>}]} {
    %get3A = arith.constant 0 : index
    %get3A_0 = arith.constant 0 : index
    %get3A_1 = vector.load %arg1[%get3A, %get3A_0] : memref<1000x128xf32, #tpu.memory_space<vmem>>, vector<1000x128xf32>
    %get3A_2 = arith.constant 0 : index
    %get3A_3 = arith.constant 0 : index
    %get3A_4 = vector.load %arg2[%get3A_2, %get3A_3] : memref<128x128xf32, #tpu.memory_space<vmem>>, vector<128x128xf32>
    %dot_general3A = arith.constant dense<0.000000e+00> : vector<1000x128xf32>
    %dot_general3A_5 = tpu.matmul %get3A_1, %get3A_4, %dot_general3A {dimension_numbers = #tpu.dot_dimension_numbers<[1], [0], [0], [1], [0, 0, 1, 1], [], []>, transpose_lhs_hint = false} : vector<1000x128xf32>, vector<128x128xf32>, vector<1000x128xf32> -> vector<1000x128xf32>
    %swap3A = arith.constant 0 : index
    %swap3A_6 = arith.constant 0 : index
    %swap3A_7 = vector.load %arg6[%swap3A, %swap3A_6] : memref<1000x128xf32, #tpu.memory_space<vmem>>, vector<1000x128xf32>
    tpu.vector_store %arg6[%swap3A, %swap3A_6], %dot_general3A_5 {strides = array<i32>} : memref<1000x128xf32, #tpu.memory_space<vmem>>, vector<1000x128xf32>,
    %get3A_8 = arith.constant 0 : index
    %get3A_9 = arith.constant 0 : index
    %get3A_10 = vector.load %arg3[%get3A_8, %get3A_9] : memref<1x128xf32, #tpu.memory_space<vmem>>, vector<1x128xf32>
    %add3A = vector.broadcast %get3A_10 : vector<1x128xf32> to vector<1000x128xf32>
    %add3A_11 = arith.addf %dot_general3A_5, %add3A : vector<1000x128xf32>
    %max3A = arith.constant 0.000000e+00 : f32
    %max3A_12 = vector.broadcast %max3A : f32 to vector<1000x128xf32>
    %max3A_13 = arith.maximumf %add3A_11, %max3A_12 : vector<1000x128xf32>
    %get3A_14 = arith.constant 0 : index
    %get3A_15 = arith.constant 0 : index
    %get3A_16 = vector.load %arg4[%get3A_14, %get3A_15] : memref<128x64xf32, #tpu.memory_space<vmem>>, vector<128x64xf32>
    %dot_general3A_17 = arith.constant dense<0.000000e+00> : vector<1000x64xf32>
    %dot_general3A_18 = tpu.matmul %max3A_13, %get3A_16, %dot_general3A_17 {dimension_numbers = #tpu.dot_dimension_numbers<[1], [0], [0], [1], [0, 0, 1, 1], [], []>, transpose_lhs_hint = false} : vector<1000x128xf32>, vector<128x64xf32>, vector<1000x64xf32> -> vector<1000x64xf32>
    %get3A_19 = arith.constant 0 : index
    %get3A_20 = arith.constant 0 : index
    %get3A_21 = vector.load %arg5[%get3A_19, %get3A_20] : memref<1x64xf32, #tpu.memory_space<vmem>>, vector<1x64xf32>
    %add3A_22 = vector.broadcast %get3A_21 : vector<1x64xf32> to vector<1000x64xf32>
    %add3A_23 = arith.addf %dot_general3A_18, %add3A_22 : vector<1000x64xf32>
    %swap3A_24 = arith.constant 0 : index
    %swap3A_25 = arith.constant 0 : index
    %swap3A_26 = vector.load %arg7[%swap3A_24, %swap3A_25] : memref<1000x64xf32, #tpu.memory_space<vmem>>, vector<1000x64xf32>
    tpu.vector_store %arg7[%swap3A_24, %swap3A_25], %add3A_23 {strides = array<i32>} : memref<1000x64xf32, #tpu.memory_space<vmem>>, vector<1000x64xf32>,
    return
  }
  func.func @transform_0(%arg0: i32) -> (i32, i32) {
    %c0_i32 = arith.constant 0 : i32
    %c0_i32_0 = arith.constant 0 : i32
    return %arg0, %c0_i32 : i32, i32
  }
  func.func @transform_1(%arg0: i32) -> (i32, i32) {
    %c0_i32 = arith.constant 0 : i32
    %c0_i32_0 = arith.constant 0 : i32
    %c0_i32_1 = arith.constant 0 : i32
    return %c0_i32, %c0_i32_0 : i32, i32
  }
  func.func @transform_2(%arg0: i32) -> (i32, i32) {
    %c0_i32 = arith.constant 0 : i32
    %c0_i32_0 = arith.constant 0 : i32
    %c0_i32_1 = arith.constant 0 : i32
    return %c0_i32, %c0_i32_0 : i32, i32
  }
  func.func @transform_3(%arg0: i32) -> (i32, i32) {
    %c0_i32 = arith.constant 0 : i32
    %c0_i32_0 = arith.constant 0 : i32
    %c0_i32_1 = arith.constant 0 : i32
    return %c0_i32, %c0_i32_0 : i32, i32
  }
  func.func @transform_4(%arg0: i32) -> (i32, i32) {
    %c0_i32 = arith.constant 0 : i32
    %c0_i32_0 = arith.constant 0 : i32
    %c0_i32_1 = arith.constant 0 : i32
    return %c0_i32, %c0_i32_0 : i32, i32
  }
  func.func @transform_5(%arg0: i32) -> (i32, i32) {
    %c0_i32 = arith.constant 0 : i32
    %c0_i32_0 = arith.constant 0 : i32
    return %arg0, %c0_i32 : i32, i32
  }
  func.func @transform_6(%arg0: i32) -> (i32, i32) {
    %c0_i32 = arith.constant 0 : i32
    %c0_i32_0 = arith.constant 0 : i32
    return %arg0, %c0_i32 : i32, i32
  }
}

module attributes {stable_mosaic.version = 14 : i64} {
  func.func @_tc3_body(%arg0: i32, %arg1: memref<2x1000x128xf32, #tpu.memory_space<vmem>>, %arg2: memref<128x64xf32, #tpu.memory_space<vmem>>, %arg3: memref<1000x64xf32, #tpu.memory_space<vmem>>, %arg4: memref<1x1xf32, #tpu.memory_space<vmem>>, %arg5: memref<1000x32xf32, #tpu.memory_space<vmem>>, %arg6: memref<1000x32xf32, #tpu.memory_space<vmem>>) attributes {dimension_semantics = [#tpu.dimension_semantics<arbitrary>], iteration_bounds = array<i64: 10>, scalar_prefetch = 0 : i64, scratch_operands = 0 : i64, tpu.core_type = #tpu.core_type<tc>, window_params = [{transform_indices = @transform_0, window_bounds = array<i64: 2, 1000, 128>}, {pipeline_mode = #tpu.pipeline_mode<synchronous>, transform_indices = @transform_1, window_bounds = array<i64: 128, 64>}, {transform_indices = @transform_2, window_bounds = array<i64: 1000, 64>}, {pipeline_mode = #tpu.pipeline_mode<synchronous>, transform_indices = @transform_3, window_bounds = array<i64: 1, 1>}, {transform_indices = @transform_4, window_bounds = array<i64: 1000, 32>}, {transform_indices = @transform_5, window_bounds = array<i64: 1000, 32>}]} {
    %get3A = arith.constant 0 : index
    %get3A_0 = arith.constant 0 : index
    %get3A_1 = arith.constant 0 : index
    %get3A_2 = vector.load %arg1[%get3A, %get3A_0, %get3A_1] : memref<2x1000x128xf32, #tpu.memory_space<vmem>>, vector<1x1000x128xf32>
    %get3A_3 = vector.shape_cast %get3A_2 : vector<1x1000x128xf32> to vector<1000x128xf32>
    %get3A_4 = arith.constant 1 : index
    %get3A_5 = arith.constant 0 : index
    %get3A_6 = arith.constant 0 : index
    %get3A_7 = vector.load %arg1[%get3A_4, %get3A_5, %get3A_6] : memref<2x1000x128xf32, #tpu.memory_space<vmem>>, vector<1x1000x128xf32>
    %get3A_8 = vector.shape_cast %get3A_7 : vector<1x1000x128xf32> to vector<1000x128xf32>
    %add3A = arith.addf %get3A_3, %get3A_8 : vector<1000x128xf32>
    %get3A_9 = arith.constant 0 : index
    %get3A_10 = arith.constant 0 : index
    %get3A_11 = vector.load %arg2[%get3A_9, %get3A_10] : memref<128x64xf32, #tpu.memory_space<vmem>>, vector<128x64xf32>
    %dot_general3A = arith.constant dense<0.000000e+00> : vector<1000x64xf32>
    %dot_general3A_12 = tpu.matmul %add3A, %get3A_11, %dot_general3A {dimension_numbers = #tpu.dot_dimension_numbers<[1], [0], [0], [1], [0, 0, 1, 1], [], []>, transpose_lhs_hint = false} : vector<1000x128xf32>, vector<128x64xf32>, vector<1000x64xf32> -> vector<1000x64xf32>
    %get3A_13 = arith.constant 0 : index
    %get3A_14 = arith.constant 0 : index
    %get3A_15 = vector.load %arg4[%get3A_13, %get3A_14] : memref<1x1xf32, #tpu.memory_space<vmem>>, vector<1x1xf32>
    %get3A_16 = vector.extract %get3A_15[0, 0] : f32 from vector<1x1xf32>
    %logistic3A = arith.negf %get3A_16 : f32
    %logistic3A_17 = math.exp %logistic3A : f32
    %logistic3A_18 = arith.constant 1.000000e+00 : f32
    %logistic3A_19 = arith.addf %logistic3A_18, %logistic3A_17 : f32
    %logistic3A_20 = arith.divf %logistic3A_18, %logistic3A_19 : f32
    %get3A_21 = arith.constant 0 : index
    %get3A_22 = arith.constant 0 : index
    %get3A_23 = vector.load %arg3[%get3A_21, %get3A_22] : memref<1000x64xf32, #tpu.memory_space<vmem>>, vector<1000x64xf32>
    %slice3A = vector.extract_strided_slice %dot_general3A_12 {offsets = [0, 0], sizes = [1000, 32], strides = [1, 1]} : vector<1000x64xf32> to vector<1000x32xf32>
    %mul3A = vector.broadcast %get3A_16 : f32 to vector<1000x32xf32>
    %mul3A_24 = arith.mulf %slice3A, %mul3A : vector<1000x32xf32>
    %slice3A_25 = vector.extract_strided_slice %get3A_23 {offsets = [0, 0], sizes = [1000, 32], strides = [1, 1]} : vector<1000x64xf32> to vector<1000x32xf32>
    %sub3A = arith.constant 1.000000e+00 : f32
    %sub3A_26 = arith.subf %sub3A, %get3A_16 : f32
    %mul3A_27 = vector.broadcast %sub3A_26 : f32 to vector<1000x32xf32>
    %mul3A_28 = arith.mulf %slice3A_25, %mul3A_27 : vector<1000x32xf32>
    %add3A_29 = arith.addf %mul3A_24, %mul3A_28 : vector<1000x32xf32>
    %swap3A = arith.constant 0 : index
    %swap3A_30 = arith.constant 0 : index
    %swap3A_31 = vector.load %arg5[%swap3A, %swap3A_30] : memref<1000x32xf32, #tpu.memory_space<vmem>>, vector<1000x32xf32>
    tpu.vector_store %arg5[%swap3A, %swap3A_30], %add3A_29 {strides = array<i32>} : memref<1000x32xf32, #tpu.memory_space<vmem>>, vector<1000x32xf32>,
    %slice3A_32 = vector.extract_strided_slice %dot_general3A_12 {offsets = [0, 32], sizes = [1000, 32], strides = [1, 1]} : vector<1000x64xf32> to vector<1000x32xf32>
    %mul3A_33 = vector.broadcast %logistic3A_20 : f32 to vector<1000x32xf32>
    %mul3A_34 = arith.mulf %slice3A_32, %mul3A_33 : vector<1000x32xf32>
    %slice3A_35 = vector.extract_strided_slice %get3A_23 {offsets = [0, 32], sizes = [1000, 32], strides = [1, 1]} : vector<1000x64xf32> to vector<1000x32xf32>
    %sub3A_36 = arith.constant 1.000000e+00 : f32
    %sub3A_37 = arith.subf %sub3A_36, %logistic3A_20 : f32
    %mul3A_38 = vector.broadcast %sub3A_37 : f32 to vector<1000x32xf32>
    %mul3A_39 = arith.mulf %slice3A_35, %mul3A_38 : vector<1000x32xf32>
    %add3A_40 = arith.addf %mul3A_34, %mul3A_39 : vector<1000x32xf32>
    %swap3A_41 = arith.constant 0 : index
    %swap3A_42 = arith.constant 0 : index
    %swap3A_43 = vector.load %arg6[%swap3A_41, %swap3A_42] : memref<1000x32xf32, #tpu.memory_space<vmem>>, vector<1000x32xf32>
    tpu.vector_store %arg6[%swap3A_41, %swap3A_42], %add3A_40 {strides = array<i32>} : memref<1000x32xf32, #tpu.memory_space<vmem>>, vector<1000x32xf32>,
    return
  }
  func.func @transform_0(%arg0: i32) -> (i32, i32, i32) {
    %c0_i32 = arith.constant 0 : i32
    %c0_i32_0 = arith.constant 0 : i32
    %c0_i32_1 = arith.constant 0 : i32
    return %c0_i32, %arg0, %c0_i32_0 : i32, i32, i32
  }
  func.func @transform_1(%arg0: i32) -> (i32, i32) {
    %c0_i32 = arith.constant 0 : i32
    %c0_i32_0 = arith.constant 0 : i32
    %c0_i32_1 = arith.constant 0 : i32
    return %c0_i32, %c0_i32_0 : i32, i32
  }
  func.func @transform_2(%arg0: i32) -> (i32, i32) {
    %c0_i32 = arith.constant 0 : i32
    %c0_i32_0 = arith.constant 0 : i32
    return %arg0, %c0_i32 : i32, i32
  }
  func.func @transform_3(%arg0: i32) -> (i32, i32) {
    %c0_i32 = arith.constant 0 : i32
    %c0_i32_0 = arith.constant 0 : i32
    %c0_i32_1 = arith.constant 0 : i32
    return %c0_i32, %c0_i32_0 : i32, i32
  }
  func.func @transform_4(%arg0: i32) -> (i32, i32) {
    %c0_i32 = arith.constant 0 : i32
    %c0_i32_0 = arith.constant 0 : i32
    return %arg0, %c0_i32 : i32, i32
  }
  func.func @transform_5(%arg0: i32) -> (i32, i32) {
    %c0_i32 = arith.constant 0 : i32
    %c0_i32_0 = arith.constant 0 : i32
    return %arg0, %c0_i32 : i32, i32
  }
}

module attributes {stable_mosaic.version = 14 : i64} {
  func.func @_tc2_body(%arg0: i32, %arg1: memref<2x1000x128xf32, #tpu.memory_space<vmem>>, %arg2: memref<1x128xf32, #tpu.memory_space<vmem>>, %arg3: memref<1000x128xf32, #tpu.memory_space<vmem>>) attributes {dimension_semantics = [#tpu.dimension_semantics<arbitrary>], iteration_bounds = array<i64: 10>, scalar_prefetch = 0 : i64, scratch_operands = 0 : i64, tpu.core_type = #tpu.core_type<tc>, window_params = [{transform_indices = @transform_0, window_bounds = array<i64: 2, 1000, 128>}, {pipeline_mode = #tpu.pipeline_mode<synchronous>, transform_indices = @transform_1, window_bounds = array<i64: 1, 128>}, {transform_indices = @transform_2, window_bounds = array<i64: 1000, 128>}]} {
    %get3A = arith.constant 0 : index
    %get3A_0 = arith.constant 0 : index
    %get3A_1 = arith.constant 0 : index
    %get3A_2 = vector.load %arg1[%get3A, %get3A_0, %get3A_1] : memref<2x1000x128xf32, #tpu.memory_space<vmem>>, vector<1x1000x128xf32>
    %get3A_3 = vector.shape_cast %get3A_2 : vector<1x1000x128xf32> to vector<1000x128xf32>
    %get3A_4 = arith.constant 1 : index
    %get3A_5 = arith.constant 0 : index
    %get3A_6 = arith.constant 0 : index
    %get3A_7 = vector.load %arg1[%get3A_4, %get3A_5, %get3A_6] : memref<2x1000x128xf32, #tpu.memory_space<vmem>>, vector<1x1000x128xf32>
    %get3A_8 = vector.shape_cast %get3A_7 : vector<1x1000x128xf32> to vector<1000x128xf32>
    %add3A = arith.addf %get3A_3, %get3A_8 : vector<1000x128xf32>
    %get3A_9 = arith.constant 0 : index
    %get3A_10 = arith.constant 0 : index
    %get3A_11 = vector.load %arg2[%get3A_9, %get3A_10] : memref<1x128xf32, #tpu.memory_space<vmem>>, vector<1x128xf32>
    %add3A_12 = vector.broadcast %get3A_11 : vector<1x128xf32> to vector<1000x128xf32>
    %add3A_13 = arith.addf %add3A, %add3A_12 : vector<1000x128xf32>
    %max3A = arith.constant 0.000000e+00 : f32
    %max3A_14 = vector.broadcast %max3A : f32 to vector<1000x128xf32>
    %max3A_15 = arith.maximumf %add3A_13, %max3A_14 : vector<1000x128xf32>
    %swap3A = arith.constant 0 : index
    %swap3A_16 = arith.constant 0 : index
    %swap3A_17 = vector.load %arg3[%swap3A, %swap3A_16] : memref<1000x128xf32, #tpu.memory_space<vmem>>, vector<1000x128xf32>
    tpu.vector_store %arg3[%swap3A, %swap3A_16], %max3A_15 {strides = array<i32>} : memref<1000x128xf32, #tpu.memory_space<vmem>>, vector<1000x128xf32>,
    return
  }
  func.func @transform_0(%arg0: i32) -> (i32, i32, i32) {
    %c0_i32 = arith.constant 0 : i32
    %c0_i32_0 = arith.constant 0 : i32
    %c0_i32_1 = arith.constant 0 : i32
    return %c0_i32, %arg0, %c0_i32_0 : i32, i32, i32
  }
  func.func @transform_1(%arg0: i32) -> (i32, i32) {
    %c0_i32 = arith.constant 0 : i32
    %c0_i32_0 = arith.constant 0 : i32
    %c0_i32_1 = arith.constant 0 : i32
    return %c0_i32, %c0_i32_0 : i32, i32
  }
  func.func @transform_2(%arg0: i32) -> (i32, i32) {
    %c0_i32 = arith.constant 0 : i32
    %c0_i32_0 = arith.constant 0 : i32
    return %arg0, %c0_i32 : i32, i32
  }
}

</mosaic_0001>

<sc_bundles>
// kernel: kernel.10.cloned.1.call-start
scs
__scs_entry_jumppad:
0x0: {  	(pc) =	sbr.rel $0x88, $3  }
0x1: {  	(tag) =	ssettag $0x0;
	lr =	simm.s32 $0x1  }
0x2: {  	[smem:$0x3F98] =	sst lr;
	_ =	strace $0xD0000000  }
0x3: {  	_ = 	snop  }
0x4: {  	_ = 	snop  }
0x5: {  	_ = 	snop  }
0x6: {  	_ = 	snop  }
0x7: {  	_ = 	snop  }
__scs_overlays_trampoline_lowered:
0x8: {  	[smem:$0x3FA7] =	sst s0  }
0x9: {  	[smem:$0x3FA8] =	sst s1  }
0xa: {  	[smem:$0x3FA9] =	sst s2  }
0xb: {  	[smem:$0x3FAA] =	sst s3  }
0xc: {  	[smem:$0x3FAB] =	sst s4  }
0xd: {  	[smem:$0x3FAC] =	sst s5  }
0xe: {  	[smem:$0x3FAD] =	sst s6  }
0xf: {  	[smem:$0x3FAE] =	sst s7  }
0x10: {  	[smem:$0x3FAF] =	sst s8  }
0x11: {  	[smem:$0x3FB0] =	sst s9;
	s0 =	simm.s32 @!p0 $0x0  }
0x12: {  	s1 =	sld [smem:$0x3F96];
	s0 =	simm.s32 @p0 $0x1  }
0x13: {  	[smem:$0x3FB1] =	sst s0;
	s0 =	simm.s32 @!p1 $0x0  }
0x14: {  	s2 =	sld [smem:$0x3F95];
	s0 =	simm.s32 @p1 $0x1  }
0x15: {  	[smem:$0x3FB2] =	sst s0;
	s0 =	simm.s32 @!p2 $0x0  }
0x16: {  	s3 =	sld [smem:$0x3FDB];
	s0 =	simm.s32 @p2 $0x1  }
0x17: {  	s4 =	simm.s32 $0x1BF5;
	[smem:$0x3FB4] =	sst s0  }
0x18: {  	s0 =	sld [smem:$0x3F97];
	_ =	swait.ge [sflag:s4], $0x0  }
0x19: {  	s7 =	sld [smem:$0x3F98]  }
0x1a: {  	s8 =	sadd.s32 $0xFFFFE003, lr  }
0x1b: {  	s9 =	sadd.s32 $0xFFFFFEF7, lr;
	s5 =	simm.s32 $0xFFFFFFFF;
	p2 =	slt.u32 s8, $0xFFFFF086  }
0x1c: {  	p1 =	slt.u32 s9, $0xF7A;
	s5 =	simm.s32 @!p2 $0x0  }
0x1d: {  	s5 =	simm.s32 @p1 $0x1;
	p0 =	seq.s32 s7, s2  }
0x1e: {  	s7 =	smul.u32 @!p0 $0xF7A, s2;
	p2 =	seq.s32 @!p0 s5, $0x0  }
0x1f: {  	s9 =	smul.u32 $0xF7A, s1;
	s8 =	simm.s32 @!p0 $0x1BF5;
	p2 =	por !p2, p0  }
0x20: {  	[sflag:s8] =	ssyncset.s32 @!p0 $0xFFFFF086;
	s6 =	sadd.s32 @!p0 s3, s7;
	s7 =	simm.s32 @!p0 $0x108  }
0x21: {  	s3 =	sadd.s32 s3, s9;
	s6 =	sadd.s32 @!p0 $0x88, s6;
	s7 =	simm.s32 @p2 $0x1082  }
0x22: {  	[simem:s7], [sflag:s8] =	dma.local @!p0 [hbm:s6], $0xF7A  }
0x23: {  	s9 =	sor.u32 $0xD0000000, s2;
	s6 =	simm.s32 $0x108;
	_ =	swait.ge @!p0 [sflag:s8], $0x0  }
0x24: {  	s3 =	sadd.s32 $0x88, s3;
	s6 =	simm.s32 @!p1 $0x1082;
	[sflag:s4] =	ssyncset.s32 $0xFFFFF086  }
0x25: {  	[simem:s6], [sflag:s4] =	dma.local [hbm:s3], $0xF7A  }
0x26: {  	[smem:$0x3F98] =	sst s1;
	(tag) =	ssettag s2;
	_ =	strace s9  }
0x27: {  	s1 =	sld [smem:$0x3FA8]  }
0x28: {  	s2 =	sld [smem:$0x3FA9]  }
0x29: {  	s4 =	sld [smem:$0x3FAB]  }
0x2a: {  	p0 =	seq.s32 s5, $0x0;
	s5 =	sld [smem:$0x3FAC]  }
0x2b: {  	s6 =	sld [smem:$0x3FAD]  }
0x2c: {  	s7 =	sld [smem:$0x3FAE]  }
0x2d: {  	s3 =	simm.s32 $0x108;
	s8 =	sld [smem:$0x3FAF]  }
0x2e: {  	s3 =	simm.s32 @!p0 $0x1082;
	s9 =	sld [smem:$0x3FB0]  }
0x2f: {  	lr =	sadd.s32 s0, s3;
	s0 =	sld [smem:$0x3FA7]  }
0x30: {  	s3 =	sld [smem:$0x3FAA]  }
0x31: {  	[smem:$0x3FB3] =	sst s10  }
0x32: {  	s10 =	sld [smem:$0x3FB1];
	_ =	sdelay $0x3  }
0x33: {  	p0 =	seq.s32 s10, $0x1;
	s10 =	sld [smem:$0x3FB3];
	_ =	sdelay $0x3  }
0x34: {  	[smem:$0x3FB3] =	sst s10  }
0x35: {  	s10 =	sld [smem:$0x3FB2];
	_ =	sdelay $0x3  }
0x36: {  	p1 =	seq.s32 s10, $0x1;
	s10 =	sld [smem:$0x3FB3];
	_ =	sdelay $0x3  }
0x37: {  	[smem:$0x3FB3] =	sst s10  }
0x38: {  	s10 =	sld [smem:$0x3FB4]  }
0x39: {  	_ = 	snop;
	(pc) =	sbr.ind lr, $3  }
0x3a: {  	_ = 	snop  }
0x3b: {  	_ = 	snop  }
0x3c: {  	p2 =	seq.s32 s10, $0x1;
	s10 =	sld [smem:$0x3FB3]  }
0x3d: {  	_ =	shalt  }
0x3e: {  	_ =	shalt  }
0x3f: {  	_ =	shalt  }
0x40: {  	_ =	shalt  }
0x41: {  	_ =	shalt  }
0x42: {  	_ =	shalt  }
0x43: {  	_ =	shalt  }
0x44: {  	_ =	shalt  }
0x45: {  	_ =	shalt  }
0x46: {  	_ =	shalt  }
0x47: {  	_ =	shalt  }
0x48: {  	_ =	shalt  }
0x49: {  	_ =	shalt  }
0x4a: {  	_ =	shalt  }
0x4b: {  	_ =	shalt  }
0x4c: {  	_ =	shalt  }
0x4d: {  	_ =	shalt  }
0x4e: {  	_ =	shalt  }
0x4f: {  	_ =	shalt  }
0x50: {  	_ =	shalt  }
0x51: {  	_ =	shalt  }
0x52: {  	_ =	shalt  }
0x53: {  	_ =	shalt  }
0x54: {  	_ =	shalt  }
0x55: {  	_ =	shalt  }
0x56: {  	_ =	shalt  }
0x57: {  	_ =	shalt  }
0x58: {  	_ =	shalt  }
0x59: {  	_ =	shalt  }
0x5a: {  	_ =	shalt  }
0x5b: {  	_ =	shalt  }
0x5c: {  	_ =	shalt  }
0x5d: {  	_ =	shalt  }
0x5e: {  	_ =	shalt  }
0x5f: {  	_ =	shalt  }
0x60: {  	_ =	shalt  }
0x61: {  	_ =	shalt  }
0x62: {  	_ =	shalt  }
0x63: {  	_ =	shalt  }
0x64: {  	_ =	shalt  }
0x65: {  	_ =	shalt  }
0x66: {  	_ =	shalt  }
0x67: {  	_ =	shalt  }
0x68: {  	_ =	shalt  }
0x69: {  	_ =	shalt  }
0x6a: {  	_ =	shalt  }
0x6b: {  	_ =	shalt  }
0x6c: {  	_ =	shalt  }
0x6d: {  	_ =	shalt  }
0x6e: {  	_ =	shalt  }
0x6f: {  	_ =	shalt  }
0x70: {  	_ =	shalt  }
0x71: {  	_ =	shalt  }
0x72: {  	_ =	shalt  }
0x73: {  	_ =	shalt  }
0x74: {  	_ =	shalt  }
0x75: {  	_ =	shalt  }
0x76: {  	_ =	shalt  }
0x77: {  	_ =	shalt  }
0x78: {  	_ =	shalt  }
0x79: {  	_ =	shalt  }
0x7a: {  	_ =	shalt  }
0x7b: {  	_ =	shalt  }
0x7c: {  	_ =	shalt  }
0x7d: {  	_ =	shalt  }
0x7e: {  	_ =	shalt  }
0x7f: {  	_ =	shalt  }
0x80: {  	_ =	shalt  }
0x81: {  	_ =	shalt  }
0x82: {  	_ =	shalt  }
0x83: {  	_ =	shalt  }
0x84: {  	_ =	shalt  }
0x85: {  	_ =	shalt  }
0x86: {  	_ =	shalt  }
0x87: {  	_ =	shalt  }
.Lfunc_end0:
.L_simem_size_0:
called_computation.1_lowered:
.L_overlay_start_0:
0x88: {  	s2 =	sld [smem:$0x3FD9]  }
0x89: {  	s3 =	sld [smem:$0x3FFE];
	_ =	sdelay $0x1  }
0x8a: {  	s1 =	srdreg.scid  }
0x8b: {  	s0 =	sand.u32 $0x1, s1  }
0x8c: {  	s14 =	sshll.u32 s0, $0xA;
	s2 =	sadd.s32 s3, s2  }
0x8d: {  	s2 =	sadd.s32 s2, s14  }
0x8e: {  	[smem:$0x3FBF] =	sst s2  }
0x8f: {  	_ = 	snop  }
0x90: {  	s2 =	sld [smem:$0x3FD0];
	_ =	sdelay $0x2  }
0x91: {  	s15 =	simm.s32 $0xA;
	s4 =	simm.s32 $0x10  }
0x92: {  	[smem:s4], [sflag:s15] =	dma.local [hbm:s2], $0x1  }
0x93: {  	_ =	swait.eq [sflag:s15], $0x1  }
0x94: {  	[sflag:s15] =	ssyncset.done $0x0  }
0x95: {  	[sflag:s15] =	ssyncadd.s32 $0xFFFFFFFF  }
0x96: {  	s16 =	sld [smem:$0x11];
	(tm) =	ssettm $0x1  }
0x97: {  	s17 =	sld [smem:$0x3FFB];
	_ =	sdelay $0x3  }
0x98: {  	_ =	strace s17  }
0x99: {  	s3 =	sld [smem:$0x3FFC];
	_ =	sdelay $0x3  }
0x9a: {  	_ =	strace s3  }
0x9b: {  	s3 =	sld [smem:$0x3FFD];
	_ =	sdelay $0x3  }
0x9c: {  	_ =	strace s3  }
0x9d: {  	_ =	strace $0x8FFFFFFF  }
0x9e: {  	s18 =	sld [smem:$0x3FDB];
	_ =	sdelay $0x1  }
0x9f: {  	s19 =	simm.s32 $_scs_section_size  }
0xa0: {  	s5 =	simm.s32 $_size__tile_overlayer_lowered;
	s6 =	simm.s32 $_tile_overlayer_lowered  }
0xa1: {  	s22 =	simm.s32 $0x1BFF;
	s21 =	sshll.u32 s6, $0x1;
	s3 =	sadd.s32 s19, s18  }
0xa2: {  	s7 =	simm.s32 $0x0;
	s20 =	sshll.u32 s5, $0x1;
	s5 =	sadd.s32 s21, s3  }
0xa3: {  	[timem:s7], [sflag:s22] =	dma.local [hbm:s5], s20  }
0xa4: {  	_ =	swait.ge [sflag:s22], s20  }
0xa5: {  	s4 =	ssub.s32 $0x0, s20;
	[sflag:s22] =	ssyncset.done $0x0  }
0xa6: {  	[sflag:s22] =	ssyncadd.s32 s4;
	_ =	sdelay $0x1  }
0xa7: {  	s23 =	simm.s32 $0x1B8B  }
0xa8: {  	_ =	swait.ge [sflag:s23], $0x1  }
0xa9: {  	[sflag:s23] =	ssyncset.done $0x0  }
0xaa: {  	s25 =	simm.s32 $0x1B8E;
	s24 =	sld [smem:$0x3FFE];
	[sflag:s23] =	ssyncadd.s32 $0xFFFFFFFF  }
0xab: {  	s26 =	simm.s32 $execute0_lowered;
	[smem:$0x3FD2] =	sst s25  }
0xac: {  	s5 =	sshll.u32 s26, $0x1;
	_ =	strace $0x80000049;
	[dreg:$0x1] =	wrdreg $0xFFFFFFFF  }
0xad: {  	s28 =	simm.s32 $_size_execute0_lowered;
	s3 =	sadd.s32 s3, s5;
	[dreg:$0x0] =	wrdreg $0x0  }
0xae: {  	s5 =	sshll.u32 s28, $0x1;
	[dreg:$0x2] =	wrdreg s3  }
0xaf: {  	[dreg:$0x3] =	wrdreg s5  }
0xb0: {  	[dreg:$0x4] =	wrdreg $0xC0  }
0xb1: {  	_ =	task [dreg:s7], $0x5FFFF  }
0xb2: {  	[dreg:$0x1] =	wrdreg $0xFFFFFFFF  }
0xb3: {  	[dreg:$0x0] =	wrdreg $0x60  }
0xb4: {  	[dreg:$0x2] =	wrdreg s24  }
0xb5: {  	[dreg:$0x3] =	wrdreg s16  }
0xb6: {  	[dreg:$0x4] =	wrdreg $0x6E000  }
0xb7: {  	[dreg:$0x5] =	wrdreg $0x9  }
0xb8: {  	_ =	task.clear_ibuf [dreg:s7], $0x6FFFF;
	_ =	strace $0x90000049  }
0xb9: {  	s29 =	simm.s32 $0x9;
	_ =	strace $0x8000004B  }
0xba: {  	_ =	swait.ge [sflag:s29], $0x1  }
0xbb: {  	[sflag:s29] =	ssyncadd.s32 $0xFFFFFFFF  }
0xbc: {  	_ =	strace $0x9000004B  }
0xbd: {  	_ =	sfence  }
0xbe: {  	s30 =	sld [smem:$0x0];
	_ =	sdelay $0x2  }
0xbf: {  	s31 =	sshll.u32 s1, $0xD;
	s1 =	sshrl.u32 s1, $0x2  }
0xc0: {  	s3 =	sand.u32 $0x4000, s31;
	s1 =	sadd.s32 s1, s30  }
0xc1: {  	s0 =	sor.u32 s3, s0;
	s1 =	sshll.u32 s1, $0x11  }
0xc2: {  	s0 =	sor.u32 s1, s0  }
0xc3: {  	s0 =	sadd.s32 $0x8F2B, s0  }
0xc4: {  	[sflag:s0] =	ssyncadd.remote.s32 $0x1  }
0xc5: {  	_ =	sfence.sel $0xFFFF  }
0xc6: {  	[dreg:$0x0] =	wrdreg $0xFFFFFFFF;
	(pc) =	sbr.abs _section_cstart, $3  }
0xc7: {  	[dreg:$0x1] =	wrdreg $0xFFFFFFFF  }
0xc8: {  	_ =	task.clear_ibuf [dreg:s7], $0x2FFFF;
	_ =	strace $0x9FFFFFFF  }
0xc9: {  	(tm) =	ssettm $0x7FFFFFFF  }
tec
execute0_lowered:
.L_overlay_start_1:
0x0: {  	(tag) =	ssettag $0x1  }
0x1: {  	s0 =	rddreg [dreg:$0x0]  }
0x2: {  	s2 =	rddreg [dreg:$0x2];
	s1 =	srdreg.scid  }
0x3: {  	s4 =	simm.s32 $0x0;
	s9 =	stileid.u32;
	s28 =	simm.s32 $0x28  }
0x4: {  	s29 =	simm.s32 $0xA00;
	s30 =	simm.s32 $0x1E00;
	s31 =	simm.s32 $0x3200  }
0x5: {  	s1 =	sand.u32 $0x1, s1;
	[smem:$0x7FF] =	sst s4;
	s7 =	smul.u32 $0x14000, s9  }
0x6: {  	s5 =	sadd.s32 $0x15600, s0;
	s6 =	sadd.s32 $0x1C00, s0;
	s8 =	smul.u32 $0x50000, s9  }
0x7: {  	s19 =	sshll.u32 s9, $0x1;
	s23 =	sshll.u32 s9, $0x6;
	s3 =	smul.u32 $0x140000, s1  }
0x8: {  	_ =	strace $0x8000004A;
	s20 =	ssub.s32 $0x2, s1;
	s1 =	sor.u32 s1, s19  }
0x9: {  	s10 =	sor.u32 $0x1C03, s23;
	s1 =	smul.u32 $0x2710, s1;
	s8 =	sshrl.u32 s8, $0x2  }
0xa: {  	[dreg:$0xf] =	wrdreg s10;
	s3 =	sadd.s32 s7, s3;
	s22 =	sadd.s32 s8, s2  }
0xb: {  	s21 =	sshrl.u32 s20, $0x1;
	s3 =	sshrl.u32 s3, $0x3;
	[dreg:$0xe] =	wrdreg s22  }
0xc: {  	s24 =	sshrl.u32 s1, $0x3;
	s25 =	sadd.s32 $0x4E228, s1;
	s19 =	sadd.s32 $0x190, s1  }
0xd: {  	s26 =	sadd.s32 $0x28, s1;
	s22 =	sadd.s32 $0x1E0, s1;
	[dreg:$0x4] =	wrdreg s19  }
0xe: {  	s23 =	sadd.s32 $0x208, s1;
	s0 =	sadd.s32 s3, s0;
	[dreg:$0x6] =	wrdreg s22  }
0xf: {  	s3 =	ssub.s32 s20, s21;
	s21 =	sadd.s32 $0x1B8, s1;
	[dreg:$0x7] =	wrdreg s23  }
0x10: {  	s11 =	sadd.s32 s6, s24;
	s24 =	sadd.s32 $0x230, s1;
	[dreg:$0x5] =	wrdreg s21  }
0x11: {  	s8 =	sshrl.u32 s25, $0x3;
	s25 =	sadd.s32 $0x258, s1;
	[dreg:$0x8] =	wrdreg s24  }
0x12: {  	s13 =	sadd.s32 $0x78, s1;
	s14 =	sadd.s32 $0x4E278, s1;
	[dreg:$0x9] =	wrdreg s25  }
0x13: {  	s18 =	sadd.s32 $0xC8, s1;
	s12 =	sadd.s32 $0x9C40, s11;
	[dreg:$0x10] =	wrdreg s11  }
0x14: {  	s7 =	sshrl.u32 s26, $0x3;
	s8 =	sadd.s32 s6, s8;
	[dreg:$0x11] =	wrdreg s12  }
0x15: {  	s20 =	sadd.s32 $0x4E2C8, s1;
	s7 =	sadd.s32 s6, s7;
	[dreg:$0x12] =	wrdreg s8  }
0x16: {  	s26 =	sadd.s32 $0x118, s1;
	s15 =	sadd.s32 $0x9C4A, s11;
	[dreg:$0x13] =	wrdreg s7  }
0x17: {  	s16 =	sadd.s32 $0xA, s11;
	s17 =	sadd.s32 $0x9C54, s11;
	[dreg:$0x14] =	wrdreg s15  }
0x18: {  	s9 =	sshrl.u32 s20, $0x3;
	s0 =	sadd.s32 $0x3C800, s0;
	[dreg:$0x15] =	wrdreg s16  }
0x19: {  	s19 =	smax.u32 s3, $0x1;
	s20 =	sadd.s32 $0x14, s11;
	[dreg:$0x18] =	wrdreg s17  }
0x1a: {  	s21 =	sadd.s32 $0x9C5E, s11;
	s22 =	sadd.s32 $0x1E, s11;
	[dreg:$0x1f] =	wrdreg s0  }
0x1b: {  	s23 =	sadd.s32 $0x9C68, s11;
	s24 =	sadd.s32 $0x28, s11;
	[smem:$0x7F7] =	sst s19  }
0x1c: {  	s11 =	simm.s32 $0x80;
	s3 =	simm.s32 $0x2;
	[smem:$0x7F8] =	sst s20  }
0x1d: {  	s25 =	simm.s32 $0x0;
	s8 =	sshrl.u32 s14, $0x3;
	[smem:$0x7F9] =	sst s21  }
0x1e: {  	s7 =	sshrl.u32 s13, $0x3;
	s9 =	sadd.s32 s6, s9;
	[smem:$0x7FA] =	sst s22  }
0x1f: {  	s12 =	sadd.s32 $0x280, s1;
	s13 =	sadd.s32 $0x4E318, s1;
	[smem:$0x7FB] =	sst s23  }
0x20: {  	s14 =	sadd.s32 $0x2A8, s1;
	s15 =	sadd.s32 $0x2D0, s1;
	[smem:$0x7FC] =	sst s24  }
0x21: {  	s16 =	sadd.s32 $0x2F8, s1;
	s17 =	sadd.s32 $0x168, s1;
	[smem:$0x7FD] =	sst s25  }
0x22: {  	s1 =	sadd.s32 $0x4E368, s1;
	s0 =	simm.s32 $0x3;
	[dreg:$0x19] =	wrdreg s9  }
0x23: {  	s19 =	simm.s32 $0x280;
	s20 =	simm.s32 $0x780;
	[dreg:$0xa] =	wrdreg s12  }
0x24: {  	s21 =	simm.s32 $0x300;
	s22 =	simm.s32 $0x800;
	[dreg:$0xb] =	wrdreg s14  }
0x25: {  	s23 =	simm.s32 $0x380;
	s8 =	sadd.s32 s6, s8;
	[dreg:$0xc] =	wrdreg s15  }
0x26: {  	s7 =	sadd.s32 s6, s7;
	s9 =	sshrl.u32 s13, $0x3;
	[dreg:$0xd] =	wrdreg s16  }
0x27: {  	s1 =	sshrl.u32 s1, $0x3;
	s13 =	simm.s32 $0x580;
	s14 =	simm.s32 $0x100  }
0x28: {  	s15 =	simm.s32 $0x600;
	s16 =	simm.s32 $0x180;
	[dreg:$0x16] =	wrdreg s8  }
0x29: {  	s12 =	simm.s32 $0x880;
	[dreg:$0x17] =	wrdreg s7;
	s9 =	sadd.s32 s6, s9  }
0x2a: {  	s7 =	sshrl.u32 s18, $0x3;
	s1 =	sadd.s32 s6, s1;
	[dreg:$0x1b] =	wrdreg s9  }
0x2b: {  	s8 =	sshrl.u32 s26, $0x3;
	s7 =	sadd.s32 s6, s7;
	[dreg:$0x1d] =	wrdreg s1  }
0x2c: {  	s26 =	simm.s32 $0x1;
	s8 =	sadd.s32 s6, s8;
	[dreg:$0x1a] =	wrdreg s7  }
0x2d: {  	s9 =	simm.s32 $0x4600;
	s7 =	sshrl.u32 s17, $0x3;
	[dreg:$0x1c] =	wrdreg s8  }
0x2e: {  	s17 =	simm.s32 $0x680;
	s8 =	simm.s32 $0x5A00;
	s18 =	sadd.s32 s6, s7  }
0x2f: {  	s7 =	simm.s32 $0x500;
	[dreg:$0x1e] =	wrdreg s18;
	s18 =	simm.s32 $0x700  }
.LBB2_1:
0x30: {  	s1 =	rddreg [dreg:$0xe]  }
0x31: {  	s25 =	sshrl.u32 s1, $0x3;
	s1 =	rddreg [dreg:$0x1]  }
0x32: {  	[smem:$0x7F6] =	sst s25  }
0x33: {  	[spmem:s25], [sflag:s10] =	dma.local [hbm:s1], $0x2800  }
0x34: {  	_ =	swait.ge [sflag:s0], $0x2800  }
0x35: {  	[sflag:s0] =	ssyncset.done $0x0  }
0x36: {  	s10 =	rddreg [dreg:$0x11];
	[sflag:s0] =	ssyncadd.s32 $0xFFFFD800  }
0x37: {  	[tilespmem:s4], [sflag:$0x1] =	stream.linear.gather [hbm4b:s10+s4], $0x28, $0x38;
	[tilespmem:$0x1AE00] =	vst v63  }
0x38: {  	s25 =	rddreg [dreg:$0x10]  }
0x39: {  	[tilespmem:s7], [sflag:$0x1] =	stream.linear.gather [hbm4b:s25+s4], $0x28, $0x38;
	[tilespmem:$0x1AE00] =	vst v63  }
0x3a: {  	s10 =	rddreg [dreg:$0x12]  }
0x3b: {  	[tilespmem:s11], [sflag:$0x1] =	stream.linear.gather [hbm4b:s10+s4], $0x28, $0x38;
	[tilespmem:$0x1AE00] =	vst v63  }
0x3c: {  	s25 =	rddreg [dreg:$0x13]  }
0x3d: {  	[tilespmem:s13], [sflag:$0x1] =	stream.linear.gather [hbm4b:s25+s4], $0x28, $0x38;
	[tilespmem:$0x1AE00] =	vst v63  }
0x3e: {  	s10 =	rddreg [dreg:$0x14]  }
0x3f: {  	[tilespmem:s14], [sflag:$0x1] =	stream.linear.gather [hbm4b:s10+s4], $0x28, $0x38;
	[tilespmem:$0x1AE00] =	vst v63  }
0x40: {  	s25 =	rddreg [dreg:$0x15]  }
0x41: {  	[tilespmem:s15], [sflag:$0x1] =	stream.linear.gather [hbm4b:s25+s4], $0x28, $0x38;
	[tilespmem:$0x1AE00] =	vst v63  }
0x42: {  	s10 =	rddreg [dreg:$0x16]  }
0x43: {  	[tilespmem:s16], [sflag:$0x1] =	stream.linear.gather [hbm4b:s10+s4], $0x28, $0x38;
	[tilespmem:$0x1AE00] =	vst v63  }
0x44: {  	s25 =	rddreg [dreg:$0x17]  }
0x45: {  	[tilespmem:s17], [sflag:$0x1] =	stream.linear.gather [hbm4b:s25+s4], $0x28, $0x38;
	[tilespmem:$0x1AE00] =	vst v63  }
0x46: {  	s10 =	rddreg [dreg:$0x18];
	s25 =	simm.s32 $0x200  }
0x47: {  	[tilespmem:s25], [sflag:$0x1] =	stream.linear.gather [hbm4b:s10+s4], $0x28, $0x38;
	[tilespmem:$0x1AE00] =	vst v63  }
0x48: {  	s10 =	sld [smem:$0x7F8];
	_ =	sdelay $0x2  }
0x49: {  	[tilespmem:s18], [sflag:$0x1] =	stream.linear.gather [hbm4b:s10+s4], $0x28, $0x38;
	[tilespmem:$0x1AE00] =	vst v63  }
0x4a: {  	s10 =	rddreg [dreg:$0x19]  }
0x4b: {  	[tilespmem:s19], [sflag:$0x1] =	stream.linear.gather [hbm4b:s10+s4], $0x28, $0x38;
	[tilespmem:$0x1AE00] =	vst v63  }
0x4c: {  	s10 =	rddreg [dreg:$0x1a]  }
0x4d: {  	[tilespmem:s20], [sflag:$0x1] =	stream.linear.gather [hbm4b:s10+s4], $0x28, $0x38;
	[tilespmem:$0x1AE00] =	vst v63  }
0x4e: {  	s10 =	sld [smem:$0x7F9];
	_ =	sdelay $0x2  }
0x4f: {  	[tilespmem:s21], [sflag:$0x1] =	stream.linear.gather [hbm4b:s10+s4], $0x28, $0x38;
	[tilespmem:$0x1AE00] =	vst v63  }
0x50: {  	s10 =	sld [smem:$0x7FA];
	_ =	sdelay $0x2  }
0x51: {  	[tilespmem:s22], [sflag:$0x1] =	stream.linear.gather [hbm4b:s10+s4], $0x28, $0x38;
	[tilespmem:$0x1AE00] =	vst v63  }
0x52: {  	s10 =	rddreg [dreg:$0x1b]  }
0x53: {  	[tilespmem:s23], [sflag:$0x1] =	stream.linear.gather [hbm4b:s10+s4], $0x28, $0x38;
	[tilespmem:$0x1AE00] =	vst v63  }
0x54: {  	s10 =	rddreg [dreg:$0x1c]  }
0x55: {  	[tilespmem:s12], [sflag:$0x1] =	stream.linear.gather [hbm4b:s10+s4], $0x28, $0x38;
	[tilespmem:$0x1AE00] =	vst v63  }
0x56: {  	s10 =	sld [smem:$0x7FB];
	_ =	sdelay $0x1  }
0x57: {  	s24 =	simm.s32 $0x400  }
0x58: {  	[tilespmem:s24], [sflag:$0x1] =	stream.linear.gather [hbm4b:s10+s4], $0x28, $0x38;
	[tilespmem:$0x1AE00] =	vst v63  }
0x59: {  	s10 =	sld [smem:$0x7FC];
	_ =	sdelay $0x1  }
0x5a: {  	s24 =	simm.s32 $0x900  }
0x5b: {  	[tilespmem:s24], [sflag:$0x1] =	stream.linear.gather [hbm4b:s10+s4], $0x28, $0x38;
	[tilespmem:$0x1AE00] =	vst v63  }
0x5c: {  	s10 =	rddreg [dreg:$0x1d];
	s24 =	simm.s32 $0x480  }
0x5d: {  	[tilespmem:s24], [sflag:$0x1] =	stream.linear.gather [hbm4b:s10+s4], $0x28, $0x38;
	[tilespmem:$0x1AE00] =	vst v63  }
0x5e: {  	s1 =	rddreg [dreg:$0x1e];
	s10 =	simm.s32 $0x980  }
0x5f: {  	[tilespmem:s10], [sflag:$0x1] =	stream.linear.gather [hbm4b:s1+s4], $0x28, $0x38;
	[tilespmem:$0x1AE00] =	vst v63  }
0x60: {  	_ =	swait.ge [sflag:s26], $0x28  }
0x61: {  	[sflag:s26] =	ssyncset.done $0x0  }
0x62: {  	[sflag:s26] =	ssyncadd.s32 $0xFFFFFFD8  }
0x63: {  	_ =	swait.ge [sflag:s26], $0x28  }
0x64: {  	[sflag:s26] =	ssyncset.done $0x0  }
0x65: {  	[sflag:s26] =	ssyncadd.s32 $0xFFFFFFD8  }
0x66: {  	_ =	swait.ge [sflag:s26], $0x28  }
0x67: {  	[sflag:s26] =	ssyncset.done $0x0  }
0x68: {  	[sflag:s26] =	ssyncadd.s32 $0xFFFFFFD8  }
0x69: {  	_ =	swait.ge [sflag:s26], $0x28  }
0x6a: {  	[sflag:s26] =	ssyncset.done $0x0  }
0x6b: {  	[sflag:s26] =	ssyncadd.s32 $0xFFFFFFD8  }
0x6c: {  	_ =	swait.ge [sflag:s26], $0x28  }
0x6d: {  	[sflag:s26] =	ssyncset.done $0x0  }
0x6e: {  	[sflag:s26] =	ssyncadd.s32 $0xFFFFFFD8  }
0x6f: {  	_ =	swait.ge [sflag:s26], $0x28  }
0x70: {  	[sflag:s26] =	ssyncset.done $0x0  }
0x71: {  	[sflag:s26] =	ssyncadd.s32 $0xFFFFFFD8  }
0x72: {  	_ =	swait.ge [sflag:s26], $0x28  }
0x73: {  	[sflag:s26] =	ssyncset.done $0x0  }
0x74: {  	[sflag:s26] =	ssyncadd.s32 $0xFFFFFFD8  }
0x75: {  	_ =	swait.ge [sflag:s26], $0x28  }
0x76: {  	[sflag:s26] =	ssyncset.done $0x0  }
0x77: {  	[sflag:s26] =	ssyncadd.s32 $0xFFFFFFD8  }
0x78: {  	_ =	swait.ge [sflag:s26], $0x28  }
0x79: {  	[sflag:s26] =	ssyncset.done $0x0  }
0x7a: {  	[sflag:s26] =	ssyncadd.s32 $0xFFFFFFD8  }
0x7b: {  	_ =	swait.ge [sflag:s26], $0x28  }
0x7c: {  	[sflag:s26] =	ssyncset.done $0x0  }
0x7d: {  	[sflag:s26] =	ssyncadd.s32 $0xFFFFFFD8  }
0x7e: {  	[bflag:$0x0] =	sbarrier.arrive $0xFFFF  }
0x7f: {  	[tilespmem:s29], [sflag:$0x2] =	stream.indirect.gather [hbm4b:s5+s28], $0x80, s4, s28, $0xb8;
	[tilespmem:$0x1AE00] =	vst v63  }
0x80: {  	_ = 	snop  }
0x81: {  	[tilespmem:s30], [sflag:$0x2] =	stream.indirect.gather [hbm4b:s5+s28], $0x80, s11, s28, $0xb8;
	[tilespmem:$0x1AE00] =	vst v63  }
0x82: {  	_ = 	snop  }
0x83: {  	[tilespmem:s31], [sflag:$0x2] =	stream.indirect.gather [hbm4b:s5+s28], $0x80, s14, s28, $0xb8;
	[tilespmem:$0x1AE00] =	vst v63  }
0x84: {  	_ = 	snop  }
0x85: {  	[tilespmem:s9], [sflag:$0x2] =	stream.indirect.gather [hbm4b:s5+s28], $0x80, s16, s28, $0xb8;
	[tilespmem:$0x1AE00] =	vst v63  }
0x86: {  	_ = 	snop  }
0x87: {  	[tilespmem:s8], [sflag:$0x2] =	stream.indirect.gather [hbm4b:s5+s28], $0x80, s25, s28, $0xb8;
	[tilespmem:$0x1AE00] =	vst v63  }
0x88: {  	_ =	swait.ge [sflag:s3], $0x1400  }
0x89: {  	[sflag:s3] =	ssyncset.done $0x0  }
0x8a: {  	s1 =	smin.u32 s4, $0xEF;
	[sflag:s3] =	ssyncadd.s32 $0xFFFFEC00  }
0x8b: {  	[spmem:s2] =	stream.indirect.scatter.add.f32 [tilespmem:s29], [sflag:$0x3], $0x80, s7, s28, $0xb8;
	[tilespmem:$0x1AE00] =	vst v63  }
0x8c: {  	s1 =	smul.u32 $0x28, s1;
	_ =	swait.ge [sflag:s0], $0x1400  }
0x8d: {  	s7 =	rddreg [dreg:$0x4]  }
0x8e: {  	s1 =	sadd.s32 s1, s7  }
0x8f: {  	s1 =	sshrl.u32 s1, $0x3  }
0x90: {  	[sflag:s0] =	ssyncset.done $0x0;
	s1 =	sadd.s32 s6, s1  }
0x91: {  	[sflag:s0] =	ssyncadd.s32 $0xFFFFEC00;
	s7 =	sadd.s32 $0x9C40, s1  }
0x92: {  	[tilespmem:s4], [sflag:$0x1] =	stream.linear.gather [hbm4b:s7+s4], $0x28, $0x38;
	[tilespmem:$0x1AE00] =	vst v63  }
0x93: {  	s10 =	simm.s32 $0x500  }
0x94: {  	[tilespmem:s10], [sflag:$0x1] =	stream.linear.gather [hbm4b:s1+s4], $0x28, $0x38;
	[tilespmem:$0x1AE00] =	vst v63  }
0x95: {  	_ =	swait.ge [sflag:s26], $0x28  }
0x96: {  	[sflag:s26] =	ssyncset.done $0x0  }
0x97: {  	[sflag:s26] =	ssyncadd.s32 $0xFFFFFFD8  }
0x98: {  	_ =	swait.ge [sflag:s26], $0x28  }
0x99: {  	[sflag:s26] =	ssyncset.done $0x0  }
0x9a: {  	[sflag:s26] =	ssyncadd.s32 $0xFFFFFFD8  }
0x9b: {  	[tilespmem:s29], [sflag:$0x2] =	stream.indirect.gather [hbm4b:s5+s28], $0x80, s19, s28, $0xb8;
	[tilespmem:$0x1AE00] =	vst v63  }
0x9c: {  	_ =	swait.ge [sflag:s3], $0x1400  }
0x9d: {  	[sflag:s3] =	ssyncset.done $0x0  }
0x9e: {  	s7 =	smin.u32 s4, $0xEE;
	[sflag:s3] =	ssyncadd.s32 $0xFFFFEC00  }
0x9f: {  	[spmem:s2] =	stream.indirect.scatter.add.f32 [tilespmem:s30], [sflag:$0x3], $0x80, s13, s28, $0xb8;
	[tilespmem:$0x1AE00] =	vst v63  }
0xa0: {  	s1 =	smul.u32 $0x28, s7;
	_ =	swait.ge [sflag:s0], $0x1400  }
0xa1: {  	s10 =	rddreg [dreg:$0x5]  }
0xa2: {  	s1 =	sadd.s32 s1, s10  }
0xa3: {  	s1 =	sshrl.u32 s1, $0x3  }
0xa4: {  	[sflag:s0] =	ssyncset.done $0x0;
	s1 =	sadd.s32 s6, s1  }
0xa5: {  	[sflag:s0] =	ssyncadd.s32 $0xFFFFEC00;
	s10 =	sadd.s32 $0x9C40, s1  }
0xa6: {  	[tilespmem:s11], [sflag:$0x1] =	stream.linear.gather [hbm4b:s10+s4], $0x28, $0x38;
	[tilespmem:$0x1AE00] =	vst v63  }
0xa7: {  	_ = 	snop  }
0xa8: {  	[tilespmem:s13], [sflag:$0x1] =	stream.linear.gather [hbm4b:s1+s4], $0x28, $0x38;
	[tilespmem:$0x1AE00] =	vst v63  }
0xa9: {  	_ =	swait.ge [sflag:s26], $0x28  }
0xaa: {  	[sflag:s26] =	ssyncset.done $0x0  }
0xab: {  	[sflag:s26] =	ssyncadd.s32 $0xFFFFFFD8  }
0xac: {  	_ =	swait.ge [sflag:s26], $0x28  }
0xad: {  	[sflag:s26] =	ssyncset.done $0x0  }
0xae: {  	[sflag:s26] =	ssyncadd.s32 $0xFFFFFFD8  }
0xaf: {  	[tilespmem:s30], [sflag:$0x2] =	stream.indirect.gather [hbm4b:s5+s28], $0x80, s21, s28, $0xb8;
	[tilespmem:$0x1AE00] =	vst v63  }
0xb0: {  	_ =	swait.ge [sflag:s3], $0x1400  }
0xb1: {  	[sflag:s3] =	ssyncset.done $0x0  }
0xb2: {  	s7 =	smin.u32 s4, $0xED;
	[sflag:s3] =	ssyncadd.s32 $0xFFFFEC00  }
0xb3: {  	[spmem:s2] =	stream.indirect.scatter.add.f32 [tilespmem:s31], [sflag:$0x3], $0x80, s15, s28, $0xb8;
	[tilespmem:$0x1AE00] =	vst v63  }
0xb4: {  	s1 =	smul.u32 $0x28, s7;
	_ =	swait.ge [sflag:s0], $0x1400  }
0xb5: {  	s10 =	rddreg [dreg:$0x6]  }
0xb6: {  	s1 =	sadd.s32 s1, s10  }
0xb7: {  	s1 =	sshrl.u32 s1, $0x3  }
0xb8: {  	[sflag:s0] =	ssyncset.done $0x0;
	s1 =	sadd.s32 s6, s1  }
0xb9: {  	[sflag:s0] =	ssyncadd.s32 $0xFFFFEC00;
	s13 =	sadd.s32 $0x9C40, s1  }
0xba: {  	[tilespmem:s14], [sflag:$0x1] =	stream.linear.gather [hbm4b:s13+s4], $0x28, $0x38;
	[tilespmem:$0x1AE00] =	vst v63  }
0xbb: {  	_ = 	snop  }
0xbc: {  	[tilespmem:s15], [sflag:$0x1] =	stream.linear.gather [hbm4b:s1+s4], $0x28, $0x38;
	[tilespmem:$0x1AE00] =	vst v63  }
0xbd: {  	_ =	swait.ge [sflag:s26], $0x28  }
0xbe: {  	[sflag:s26] =	ssyncset.done $0x0  }
0xbf: {  	[sflag:s26] =	ssyncadd.s32 $0xFFFFFFD8  }
0xc0: {  	_ =	swait.ge [sflag:s26], $0x28  }
0xc1: {  	[sflag:s26] =	ssyncset.done $0x0  }
0xc2: {  	[sflag:s26] =	ssyncadd.s32 $0xFFFFFFD8  }
0xc3: {  	[tilespmem:s31], [sflag:$0x2] =	stream.indirect.gather [hbm4b:s5+s28], $0x80, s23, s28, $0xb8;
	[tilespmem:$0x1AE00] =	vst v63  }
0xc4: {  	_ =	swait.ge [sflag:s3], $0x1400  }
0xc5: {  	[sflag:s3] =	ssyncset.done $0x0  }
0xc6: {  	s7 =	smin.u32 s4, $0xEC;
	[sflag:s3] =	ssyncadd.s32 $0xFFFFEC00  }
0xc7: {  	[spmem:s2] =	stream.indirect.scatter.add.f32 [tilespmem:s9], [sflag:$0x3], $0x80, s17, s28, $0xb8;
	[tilespmem:$0x1AE00] =	vst v63  }
0xc8: {  	s1 =	smul.u32 $0x28, s7;
	_ =	swait.ge [sflag:s0], $0x1400  }
0xc9: {  	s10 =	rddreg [dreg:$0x7]  }
0xca: {  	s1 =	sadd.s32 s1, s10  }
0xcb: {  	s1 =	sshrl.u32 s1, $0x3  }
0xcc: {  	[sflag:s0] =	ssyncset.done $0x0;
	s1 =	sadd.s32 s6, s1  }
0xcd: {  	[sflag:s0] =	ssyncadd.s32 $0xFFFFEC00;
	s13 =	sadd.s32 $0x9C40, s1  }
0xce: {  	[tilespmem:s16], [sflag:$0x1] =	stream.linear.gather [hbm4b:s13+s4], $0x28, $0x38;
	[tilespmem:$0x1AE00] =	vst v63  }
0xcf: {  	_ = 	snop  }
0xd0: {  	[tilespmem:s17], [sflag:$0x1] =	stream.linear.gather [hbm4b:s1+s4], $0x28, $0x38;
	[tilespmem:$0x1AE00] =	vst v63  }
0xd1: {  	_ =	swait.ge [sflag:s26], $0x28  }
0xd2: {  	[sflag:s26] =	ssyncset.done $0x0  }
0xd3: {  	[sflag:s26] =	ssyncadd.s32 $0xFFFFFFD8  }
0xd4: {  	_ =	swait.ge [sflag:s26], $0x28  }
0xd5: {  	[sflag:s26] =	ssyncset.done $0x0  }
0xd6: {  	s13 =	simm.s32 $0x400;
	[sflag:s26] =	ssyncadd.s32 $0xFFFFFFD8  }
0xd7: {  	[tilespmem:s9], [sflag:$0x2] =	stream.indirect.gather [hbm4b:s5+s28], $0x80, s13, s28, $0xb8;
	[tilespmem:$0x1AE00] =	vst v63  }
0xd8: {  	_ =	swait.ge [sflag:s3], $0x1400  }
0xd9: {  	[sflag:s3] =	ssyncset.done $0x0  }
0xda: {  	s15 =	smin.u32 s4, $0xEB;
	[sflag:s3] =	ssyncadd.s32 $0xFFFFEC00  }
0xdb: {  	[spmem:s2] =	stream.indirect.scatter.add.f32 [tilespmem:s8], [sflag:$0x3], $0x80, s18, s28, $0xb8;
	[tilespmem:$0x1AE00] =	vst v63  }
0xdc: {  	s1 =	smul.u32 $0x28, s15;
	_ =	swait.ge [sflag:s0], $0x1400  }
0xdd: {  	s17 =	rddreg [dreg:$0x8]  }
0xde: {  	s1 =	sadd.s32 s1, s17  }
0xdf: {  	s1 =	sshrl.u32 s1, $0x3  }
0xe0: {  	[sflag:s0] =	ssyncset.done $0x0;
	s1 =	sadd.s32 s6, s1  }
0xe1: {  	[sflag:s0] =	ssyncadd.s32 $0xFFFFEC00;
	s10 =	sadd.s32 $0x9C40, s1  }
0xe2: {  	[tilespmem:s25], [sflag:$0x1] =	stream.linear.gather [hbm4b:s10+s4], $0x28, $0x38;
	[tilespmem:$0x1AE00] =	vst v63  }
0xe3: {  	_ = 	snop  }
0xe4: {  	[tilespmem:s18], [sflag:$0x1] =	stream.linear.gather [hbm4b:s1+s4], $0x28, $0x38;
	[tilespmem:$0x1AE00] =	vst v63  }
0xe5: {  	_ =	swait.ge [sflag:s26], $0x28  }
0xe6: {  	[sflag:s26] =	ssyncset.done $0x0  }
0xe7: {  	[sflag:s26] =	ssyncadd.s32 $0xFFFFFFD8  }
0xe8: {  	_ =	swait.ge [sflag:s26], $0x28  }
0xe9: {  	[sflag:s26] =	ssyncset.done $0x0  }
0xea: {  	[sflag:s26] =	ssyncadd.s32 $0xFFFFFFD8  }
0xeb: {  	[tilespmem:s8], [sflag:$0x2] =	stream.indirect.gather [hbm4b:s5+s28], $0x80, s24, s28, $0xb8;
	[tilespmem:$0x1AE00] =	vst v63  }
0xec: {  	_ =	swait.ge [sflag:s3], $0x1400  }
0xed: {  	[sflag:s3] =	ssyncset.done $0x0  }
0xee: {  	s15 =	smin.u32 s4, $0xEA;
	[sflag:s3] =	ssyncadd.s32 $0xFFFFEC00  }
0xef: {  	[spmem:s2] =	stream.indirect.scatter.add.f32 [tilespmem:s29], [sflag:$0x3], $0x80, s20, s28, $0xb8;
	[tilespmem:$0x1AE00] =	vst v63  }
0xf0: {  	s1 =	smul.u32 $0x28, s15;
	_ =	swait.ge [sflag:s0], $0x1400  }
0xf1: {  	s17 =	rddreg [dreg:$0x9]  }
0xf2: {  	s1 =	sadd.s32 s1, s17  }
0xf3: {  	s1 =	sshrl.u32 s1, $0x3  }
0xf4: {  	[sflag:s0] =	ssyncset.done $0x0;
	s1 =	sadd.s32 s6, s1  }
0xf5: {  	[sflag:s0] =	ssyncadd.s32 $0xFFFFEC00;
	s18 =	sadd.s32 $0x9C40, s1  }
0xf6: {  	[tilespmem:s19], [sflag:$0x1] =	stream.linear.gather [hbm4b:s18+s4], $0x28, $0x38;
	[tilespmem:$0x1AE00] =	vst v63  }
0xf7: {  	_ = 	snop  }
0xf8: {  	[tilespmem:s20], [sflag:$0x1] =	stream.linear.gather [hbm4b:s1+s4], $0x28, $0x38;
	[tilespmem:$0x1AE00] =	vst v63  }
0xf9: {  	_ =	swait.ge [sflag:s26], $0x28  }
0xfa: {  	[sflag:s26] =	ssyncset.done $0x0  }
0xfb: {  	[sflag:s26] =	ssyncadd.s32 $0xFFFFFFD8  }
0xfc: {  	_ =	swait.ge [sflag:s26], $0x28  }
0xfd: {  	[sflag:s26] =	ssyncset.done $0x0  }
0xfe: {  	[sflag:s26] =	ssyncadd.s32 $0xFFFFFFD8  }
0xff: {  	[tilespmem:s29], [sflag:$0x2] =	stream.indirect.gather [hbm4b:s5+s28], $0x80, s4, s28, $0xb8;
	[tilespmem:$0x1AE00] =	vst v63  }
0x100: {  	_ =	swait.ge [sflag:s3], $0x1400  }
0x101: {  	[sflag:s3] =	ssyncset.done $0x0  }
0x102: {  	s19 =	smin.u32 s4, $0xE9;
	[sflag:s3] =	ssyncadd.s32 $0xFFFFEC00  }
0x103: {  	[spmem:s2] =	stream.indirect.scatter.add.f32 [tilespmem:s30], [sflag:$0x3], $0x80, s22, s28, $0xb8;
	[tilespmem:$0x1AE00] =	vst v63  }
0x104: {  	s1 =	smul.u32 $0x28, s19;
	_ =	swait.ge [sflag:s0], $0x1400  }
0x105: {  	s20 =	rddreg [dreg:$0xa]  }
0x106: {  	s1 =	sadd.s32 s1, s20  }
0x107: {  	s1 =	sshrl.u32 s1, $0x3  }
0x108: {  	[sflag:s0] =	ssyncset.done $0x0;
	s1 =	sadd.s32 s6, s1  }
0x109: {  	[sflag:s0] =	ssyncadd.s32 $0xFFFFEC00;
	s25 =	sadd.s32 $0x9C40, s1  }
0x10a: {  	[tilespmem:s21], [sflag:$0x1] =	stream.linear.gather [hbm4b:s25+s4], $0x28, $0x38;
	[tilespmem:$0x1AE00] =	vst v63  }
0x10b: {  	_ = 	snop  }
0x10c: {  	[tilespmem:s22], [sflag:$0x1] =	stream.linear.gather [hbm4b:s1+s4], $0x28, $0x38;
	[tilespmem:$0x1AE00] =	vst v63  }
0x10d: {  	_ =	swait.ge [sflag:s26], $0x28  }
0x10e: {  	[sflag:s26] =	ssyncset.done $0x0  }
0x10f: {  	[sflag:s26] =	ssyncadd.s32 $0xFFFFFFD8  }
0x110: {  	_ =	swait.ge [sflag:s26], $0x28  }
0x111: {  	[sflag:s26] =	ssyncset.done $0x0  }
0x112: {  	[sflag:s26] =	ssyncadd.s32 $0xFFFFFFD8  }
0x113: {  	[tilespmem:s30], [sflag:$0x2] =	stream.indirect.gather [hbm4b:s5+s28], $0x80, s11, s28, $0xb8;
	[tilespmem:$0x1AE00] =	vst v63  }
0x114: {  	_ =	swait.ge [sflag:s3], $0x1400  }
0x115: {  	[sflag:s3] =	ssyncset.done $0x0  }
0x116: {  	s10 =	smin.u32 s4, $0xE8;
	[sflag:s3] =	ssyncadd.s32 $0xFFFFEC00  }
0x117: {  	[spmem:s2] =	stream.indirect.scatter.add.f32 [tilespmem:s31], [sflag:$0x3], $0x80, s12, s28, $0xb8;
	[tilespmem:$0x1AE00] =	vst v63  }
0x118: {  	s1 =	smul.u32 $0x28, s10;
	_ =	swait.ge [sflag:s0], $0x1400  }
0x119: {  	s11 =	rddreg [dreg:$0xb]  }
0x11a: {  	s1 =	sadd.s32 s1, s11  }
0x11b: {  	s1 =	sshrl.u32 s1, $0x3  }
0x11c: {  	[sflag:s0] =	ssyncset.done $0x0;
	s1 =	sadd.s32 s6, s1  }
0x11d: {  	[sflag:s0] =	ssyncadd.s32 $0xFFFFEC00;
	s15 =	sadd.s32 $0x9C40, s1  }
0x11e: {  	[tilespmem:s23], [sflag:$0x1] =	stream.linear.gather [hbm4b:s15+s4], $0x28, $0x38;
	[tilespmem:$0x1AE00] =	vst v63  }
0x11f: {  	_ = 	snop  }
0x120: {  	[tilespmem:s12], [sflag:$0x1] =	stream.linear.gather [hbm4b:s1+s4], $0x28, $0x38;
	[tilespmem:$0x1AE00] =	vst v63  }
0x121: {  	_ =	swait.ge [sflag:s26], $0x28  }
0x122: {  	[sflag:s26] =	ssyncset.done $0x0  }
0x123: {  	[sflag:s26] =	ssyncadd.s32 $0xFFFFFFD8  }
0x124: {  	_ =	swait.ge [sflag:s26], $0x28  }
0x125: {  	[sflag:s26] =	ssyncset.done $0x0  }
0x126: {  	[sflag:s26] =	ssyncadd.s32 $0xFFFFFFD8  }
0x127: {  	[tilespmem:s31], [sflag:$0x2] =	stream.indirect.gather [hbm4b:s5+s28], $0x80, s14, s28, $0xb8;
	[tilespmem:$0x1AE00] =	vst v63  }
0x128: {  	_ =	swait.ge [sflag:s3], $0x1400  }
0x129: {  	[sflag:s3] =	ssyncset.done $0x0  }
0x12a: {  	s17 =	simm.s32 $0x900;
	s18 =	smin.u32 s4, $0xE7;
	[sflag:s3] =	ssyncadd.s32 $0xFFFFEC00  }
0x12b: {  	[spmem:s2] =	stream.indirect.scatter.add.f32 [tilespmem:s9], [sflag:$0x3], $0x80, s17, s28, $0xb8;
	[tilespmem:$0x1AE00] =	vst v63  }
0x12c: {  	s1 =	smul.u32 $0x28, s18;
	_ =	swait.ge [sflag:s0], $0x1400  }
0x12d: {  	s19 =	rddreg [dreg:$0xc]  }
0x12e: {  	s1 =	sadd.s32 s1, s19  }
0x12f: {  	s1 =	sshrl.u32 s1, $0x3  }
0x130: {  	[sflag:s0] =	ssyncset.done $0x0;
	s1 =	sadd.s32 s6, s1  }
0x131: {  	[sflag:s0] =	ssyncadd.s32 $0xFFFFEC00;
	s20 =	sadd.s32 $0x9C40, s1  }
0x132: {  	[tilespmem:s13], [sflag:$0x1] =	stream.linear.gather [hbm4b:s20+s4], $0x28, $0x38;
	[tilespmem:$0x1AE00] =	vst v63  }
0x133: {  	_ = 	snop  }
0x134: {  	[tilespmem:s17], [sflag:$0x1] =	stream.linear.gather [hbm4b:s1+s4], $0x28, $0x38;
	[tilespmem:$0x1AE00] =	vst v63  }
0x135: {  	_ =	swait.ge [sflag:s26], $0x28  }
0x136: {  	[sflag:s26] =	ssyncset.done $0x0  }
0x137: {  	[sflag:s26] =	ssyncadd.s32 $0xFFFFFFD8  }
0x138: {  	_ =	swait.ge [sflag:s26], $0x28  }
0x139: {  	[sflag:s26] =	ssyncset.done $0x0  }
0x13a: {  	[sflag:s26] =	ssyncadd.s32 $0xFFFFFFD8  }
0x13b: {  	[tilespmem:s9], [sflag:$0x2] =	stream.indirect.gather [hbm4b:s5+s28], $0x80, s16, s28, $0xb8;
	[tilespmem:$0x1AE00] =	vst v63  }
0x13c: {  	_ =	swait.ge [sflag:s3], $0x1400  }
0x13d: {  	[sflag:s3] =	ssyncset.done $0x0  }
0x13e: {  	s21 =	simm.s32 $0x980;
	s22 =	smin.u32 s4, $0xE6;
	[sflag:s3] =	ssyncadd.s32 $0xFFFFEC00  }
0x13f: {  	[spmem:s2] =	stream.indirect.scatter.add.f32 [tilespmem:s8], [sflag:$0x3], $0x80, s21, s28, $0xb8;
	[tilespmem:$0x1AE00] =	vst v63  }
0x140: {  	s1 =	smul.u32 $0x28, s22;
	_ =	swait.ge [sflag:s0], $0x1400  }
0x141: {  	s23 =	rddreg [dreg:$0xd]  }
0x142: {  	s1 =	sadd.s32 s1, s23  }
0x143: {  	s1 =	sshrl.u32 s1, $0x3  }
0x144: {  	[sflag:s0] =	ssyncset.done $0x0;
	s1 =	sadd.s32 s6, s1  }
0x145: {  	[sflag:s0] =	ssyncadd.s32 $0xFFFFEC00;
	s25 =	sadd.s32 $0x9C40, s1  }
0x146: {  	[tilespmem:s24], [sflag:$0x1] =	stream.linear.gather [hbm4b:s25+s4], $0x28, $0x38;
	[tilespmem:$0x1AE00] =	vst v63  }
0x147: {  	_ = 	snop  }
0x148: {  	[tilespmem:s21], [sflag:$0x1] =	stream.linear.gather [hbm4b:s1+s4], $0x28, $0x38;
	[tilespmem:$0x1AE00] =	vst v63  }
0x149: {  	s15 =	simm.s32 $0x100;
	_ =	swait.ge [sflag:s26], $0x28  }
0x14a: {  	s12 =	simm.s32 $0x400;
	s14 =	simm.s32 $0x900;
	[sflag:s26] =	ssyncset.done $0x0  }
0x14b: {  	s13 =	simm.s32 $0x80;
	s22 =	simm.s32 $0x280;
	[sflag:s26] =	ssyncadd.s32 $0xFFFFFFD8  }
0x14c: {  	s17 =	simm.s32 $0x180;
	s23 =	simm.s32 $0x300;
	_ =	swait.ge [sflag:s26], $0x28  }
0x14d: {  	s24 =	simm.s32 $0x800;
	s25 =	simm.s32 $0x380;
	[sflag:s26] =	ssyncset.done $0x0  }
0x14e: {  	s1 =	simm.s32 $0xA;
	s21 =	simm.s32 $0x700;
	[sflag:s26] =	ssyncadd.s32 $0xFFFFFFD8  }
.LBB2_2:
0x14f: {  	s20 =	simm.s32 $0x200  }
0x150: {  	[tilespmem:s8], [sflag:$0x2] =	stream.indirect.gather [hbm4b:s5+s28], $0x80, s20, s28, $0xb8;
	[tilespmem:$0x1AE00] =	vst v63  }
0x151: {  	_ =	swait.ge [sflag:s3], $0x1400  }
0x152: {  	s7 =	smov.u32 s1;
	[sflag:s3] =	ssyncset.done $0x0  }
0x153: {  	s16 =	simm.s32 $0x500;
	s10 =	smin.u32 s7, $0xEF;
	[sflag:s3] =	ssyncadd.s32 $0xFFFFEC00  }
0x154: {  	[spmem:s2] =	stream.indirect.scatter.add.f32 [tilespmem:s29], [sflag:$0x3], $0x80, s16, s28, $0xb8;
	[tilespmem:$0x1AE00] =	vst v63  }
0x155: {  	s10 =	smul.u32 $0x28, s10;
	_ =	swait.ge [sflag:s0], $0x1400  }
0x156: {  	s11 =	rddreg [dreg:$0x4]  }
0x157: {  	s10 =	sadd.s32 s10, s11  }
0x158: {  	s10 =	sshrl.u32 s10, $0x3  }
0x159: {  	[sflag:s0] =	ssyncset.done $0x0;
	s10 =	sadd.s32 s6, s10  }
0x15a: {  	[sflag:s0] =	ssyncadd.s32 $0xFFFFEC00;
	s19 =	sadd.s32 $0x9C40, s10  }
0x15b: {  	[tilespmem:s4], [sflag:$0x1] =	stream.linear.gather [hbm4b:s19+s4], $0x28, $0x38;
	[tilespmem:$0x1AE00] =	vst v63  }
0x15c: {  	_ = 	snop  }
0x15d: {  	[tilespmem:s16], [sflag:$0x1] =	stream.linear.gather [hbm4b:s10+s4], $0x28, $0x38;
	[tilespmem:$0x1AE00] =	vst v63  }
0x15e: {  	_ =	swait.ge [sflag:s26], $0x28  }
0x15f: {  	[sflag:s26] =	ssyncset.done $0x0  }
0x160: {  	[sflag:s26] =	ssyncadd.s32 $0xFFFFFFD8  }
0x161: {  	_ =	swait.ge [sflag:s26], $0x28  }
0x162: {  	[sflag:s26] =	ssyncset.done $0x0  }
0x163: {  	[sflag:s26] =	ssyncadd.s32 $0xFFFFFFD8  }
0x164: {  	[tilespmem:s29], [sflag:$0x2] =	stream.indirect.gather [hbm4b:s5+s28], $0x80, s22, s28, $0xb8;
	[tilespmem:$0x1AE00] =	vst v63  }
0x165: {  	_ =	swait.ge [sflag:s3], $0x1400  }
0x166: {  	[sflag:s3] =	ssyncset.done $0x0  }
0x167: {  	s11 =	smin.u32 s7, $0xEE;
	s16 =	simm.s32 $0x580;
	[sflag:s3] =	ssyncadd.s32 $0xFFFFEC00  }
0x168: {  	[spmem:s2] =	stream.indirect.scatter.add.f32 [tilespmem:s30], [sflag:$0x3], $0x80, s16, s28, $0xb8;
	[tilespmem:$0x1AE00] =	vst v63  }
0x169: {  	s10 =	smul.u32 $0x28, s11;
	_ =	swait.ge [sflag:s0], $0x1400  }
0x16a: {  	s18 =	rddreg [dreg:$0x5]  }
0x16b: {  	s10 =	sadd.s32 s10, s18  }
0x16c: {  	s10 =	sshrl.u32 s10, $0x3  }
0x16d: {  	[sflag:s0] =	ssyncset.done $0x0;
	s10 =	sadd.s32 s6, s10  }
0x16e: {  	[sflag:s0] =	ssyncadd.s32 $0xFFFFEC00;
	s19 =	sadd.s32 $0x9C40, s10  }
0x16f: {  	[tilespmem:s13], [sflag:$0x1] =	stream.linear.gather [hbm4b:s19+s4], $0x28, $0x38;
	[tilespmem:$0x1AE00] =	vst v63  }
0x170: {  	_ = 	snop  }
0x171: {  	[tilespmem:s16], [sflag:$0x1] =	stream.linear.gather [hbm4b:s10+s4], $0x28, $0x38;
	[tilespmem:$0x1AE00] =	vst v63  }
0x172: {  	_ =	swait.ge [sflag:s26], $0x28  }
0x173: {  	[sflag:s26] =	ssyncset.done $0x0  }
0x174: {  	[sflag:s26] =	ssyncadd.s32 $0xFFFFFFD8  }
0x175: {  	_ =	swait.ge [sflag:s26], $0x28  }
0x176: {  	[sflag:s26] =	ssyncset.done $0x0  }
0x177: {  	[sflag:s26] =	ssyncadd.s32 $0xFFFFFFD8  }
0x178: {  	[tilespmem:s30], [sflag:$0x2] =	stream.indirect.gather [hbm4b:s5+s28], $0x80, s23, s28, $0xb8;
	[tilespmem:$0x1AE00] =	vst v63  }
0x179: {  	_ =	swait.ge [sflag:s3], $0x1400  }
0x17a: {  	[sflag:s3] =	ssyncset.done $0x0  }
0x17b: {  	s11 =	smin.u32 s7, $0xED;
	s16 =	simm.s32 $0x600;
	[sflag:s3] =	ssyncadd.s32 $0xFFFFEC00  }
0x17c: {  	[spmem:s2] =	stream.indirect.scatter.add.f32 [tilespmem:s31], [sflag:$0x3], $0x80, s16, s28, $0xb8;
	[tilespmem:$0x1AE00] =	vst v63  }
0x17d: {  	s10 =	smul.u32 $0x28, s11;
	_ =	swait.ge [sflag:s0], $0x1400  }
0x17e: {  	s18 =	rddreg [dreg:$0x6]  }
0x17f: {  	s10 =	sadd.s32 s10, s18  }
0x180: {  	s10 =	sshrl.u32 s10, $0x3  }
0x181: {  	[sflag:s0] =	ssyncset.done $0x0;
	s10 =	sadd.s32 s6, s10  }
0x182: {  	[sflag:s0] =	ssyncadd.s32 $0xFFFFEC00;
	s19 =	sadd.s32 $0x9C40, s10  }
0x183: {  	[tilespmem:s15], [sflag:$0x1] =	stream.linear.gather [hbm4b:s19+s4], $0x28, $0x38;
	[tilespmem:$0x1AE00] =	vst v63  }
0x184: {  	_ = 	snop  }
0x185: {  	[tilespmem:s16], [sflag:$0x1] =	stream.linear.gather [hbm4b:s10+s4], $0x28, $0x38;
	[tilespmem:$0x1AE00] =	vst v63  }
0x186: {  	_ =	swait.ge [sflag:s26], $0x28  }
0x187: {  	[sflag:s26] =	ssyncset.done $0x0  }
0x188: {  	[sflag:s26] =	ssyncadd.s32 $0xFFFFFFD8  }
0x189: {  	_ =	swait.ge [sflag:s26], $0x28  }
0x18a: {  	[sflag:s26] =	ssyncset.done $0x0  }
0x18b: {  	[sflag:s26] =	ssyncadd.s32 $0xFFFFFFD8  }
0x18c: {  	[tilespmem:s31], [sflag:$0x2] =	stream.indirect.gather [hbm4b:s5+s28], $0x80, s25, s28, $0xb8;
	[tilespmem:$0x1AE00] =	vst v63  }
0x18d: {  	_ =	swait.ge [sflag:s3], $0x1400  }
0x18e: {  	[sflag:s3] =	ssyncset.done $0x0  }
0x18f: {  	s11 =	smin.u32 s7, $0xEC;
	s16 =	simm.s32 $0x680;
	[sflag:s3] =	ssyncadd.s32 $0xFFFFEC00  }
0x190: {  	[spmem:s2] =	stream.indirect.scatter.add.f32 [tilespmem:s9], [sflag:$0x3], $0x80, s16, s28, $0xb8;
	[tilespmem:$0x1AE00] =	vst v63  }
0x191: {  	s10 =	smul.u32 $0x28, s11;
	_ =	swait.ge [sflag:s0], $0x1400  }
0x192: {  	s18 =	rddreg [dreg:$0x7]  }
0x193: {  	s10 =	sadd.s32 s10, s18  }
0x194: {  	s10 =	sshrl.u32 s10, $0x3  }
0x195: {  	[sflag:s0] =	ssyncset.done $0x0;
	s10 =	sadd.s32 s6, s10  }
0x196: {  	[sflag:s0] =	ssyncadd.s32 $0xFFFFEC00;
	s19 =	sadd.s32 $0x9C40, s10  }
0x197: {  	[tilespmem:s17], [sflag:$0x1] =	stream.linear.gather [hbm4b:s19+s4], $0x28, $0x38;
	[tilespmem:$0x1AE00] =	vst v63  }
0x198: {  	_ = 	snop  }
0x199: {  	[tilespmem:s16], [sflag:$0x1] =	stream.linear.gather [hbm4b:s10+s4], $0x28, $0x38;
	[tilespmem:$0x1AE00] =	vst v63  }
0x19a: {  	_ =	swait.ge [sflag:s26], $0x28  }
0x19b: {  	[sflag:s26] =	ssyncset.done $0x0  }
0x19c: {  	[sflag:s26] =	ssyncadd.s32 $0xFFFFFFD8  }
0x19d: {  	_ =	swait.ge [sflag:s26], $0x28  }
0x19e: {  	[sflag:s26] =	ssyncset.done $0x0  }
0x19f: {  	[sflag:s26] =	ssyncadd.s32 $0xFFFFFFD8  }
0x1a0: {  	[tilespmem:s9], [sflag:$0x2] =	stream.indirect.gather [hbm4b:s5+s28], $0x80, s12, s28, $0xb8;
	[tilespmem:$0x1AE00] =	vst v63  }
0x1a1: {  	_ =	swait.ge [sflag:s3], $0x1400  }
0x1a2: {  	[sflag:s3] =	ssyncset.done $0x0  }
0x1a3: {  	s11 =	smin.u32 s7, $0xEB;
	[sflag:s3] =	ssyncadd.s32 $0xFFFFEC00  }
0x1a4: {  	[spmem:s2] =	stream.indirect.scatter.add.f32 [tilespmem:s8], [sflag:$0x3], $0x80, s21, s28, $0xb8;
	[tilespmem:$0x1AE00] =	vst v63  }
0x1a5: {  	s10 =	smul.u32 $0x28, s11;
	_ =	swait.ge [sflag:s0], $0x1400  }
0x1a6: {  	s16 =	rddreg [dreg:$0x8]  }
0x1a7: {  	s10 =	sadd.s32 s10, s16  }
0x1a8: {  	s10 =	sshrl.u32 s10, $0x3  }
0x1a9: {  	[sflag:s0] =	ssyncset.done $0x0;
	s10 =	sadd.s32 s6, s10  }
0x1aa: {  	[sflag:s0] =	ssyncadd.s32 $0xFFFFEC00;
	s18 =	sadd.s32 $0x9C40, s10  }
0x1ab: {  	[tilespmem:s20], [sflag:$0x1] =	stream.linear.gather [hbm4b:s18+s4], $0x28, $0x38;
	[tilespmem:$0x1AE00] =	vst v63  }
0x1ac: {  	_ = 	snop  }
0x1ad: {  	[tilespmem:s21], [sflag:$0x1] =	stream.linear.gather [hbm4b:s10+s4], $0x28, $0x38;
	[tilespmem:$0x1AE00] =	vst v63  }
0x1ae: {  	_ =	swait.ge [sflag:s26], $0x28  }
0x1af: {  	[sflag:s26] =	ssyncset.done $0x0  }
0x1b0: {  	[sflag:s26] =	ssyncadd.s32 $0xFFFFFFD8  }
0x1b1: {  	_ =	swait.ge [sflag:s26], $0x28  }
0x1b2: {  	[sflag:s26] =	ssyncset.done $0x0  }
0x1b3: {  	s16 =	simm.s32 $0x480;
	[sflag:s26] =	ssyncadd.s32 $0xFFFFFFD8  }
0x1b4: {  	[tilespmem:s8], [sflag:$0x2] =	stream.indirect.gather [hbm4b:s5+s28], $0x80, s16, s28, $0xb8;
	[tilespmem:$0x1AE00] =	vst v63  }
0x1b5: {  	_ =	swait.ge [sflag:s3], $0x1400  }
0x1b6: {  	[sflag:s3] =	ssyncset.done $0x0  }
0x1b7: {  	s11 =	smin.u32 s7, $0xEA;
	s20 =	simm.s32 $0x780;
	[sflag:s3] =	ssyncadd.s32 $0xFFFFEC00  }
0x1b8: {  	[spmem:s2] =	stream.indirect.scatter.add.f32 [tilespmem:s29], [sflag:$0x3], $0x80, s20, s28, $0xb8;
	[tilespmem:$0x1AE00] =	vst v63  }
0x1b9: {  	s10 =	smul.u32 $0x28, s11;
	_ =	swait.ge [sflag:s0], $0x1400  }
0x1ba: {  	s18 =	rddreg [dreg:$0x9]  }
0x1bb: {  	s10 =	sadd.s32 s10, s18  }
0x1bc: {  	s10 =	sshrl.u32 s10, $0x3  }
0x1bd: {  	[sflag:s0] =	ssyncset.done $0x0;
	s10 =	sadd.s32 s6, s10  }
0x1be: {  	[sflag:s0] =	ssyncadd.s32 $0xFFFFEC00;
	s18 =	sadd.s32 $0x9C40, s10  }
0x1bf: {  	[tilespmem:s22], [sflag:$0x1] =	stream.linear.gather [hbm4b:s18+s4], $0x28, $0x38;
	[tilespmem:$0x1AE00] =	vst v63  }
0x1c0: {  	_ = 	snop  }
0x1c1: {  	[tilespmem:s20], [sflag:$0x1] =	stream.linear.gather [hbm4b:s10+s4], $0x28, $0x38;
	[tilespmem:$0x1AE00] =	vst v63  }
0x1c2: {  	_ =	swait.ge [sflag:s26], $0x28  }
0x1c3: {  	[sflag:s26] =	ssyncset.done $0x0  }
0x1c4: {  	[sflag:s26] =	ssyncadd.s32 $0xFFFFFFD8  }
0x1c5: {  	_ =	swait.ge [sflag:s26], $0x28  }
0x1c6: {  	[sflag:s26] =	ssyncset.done $0x0  }
0x1c7: {  	[sflag:s26] =	ssyncadd.s32 $0xFFFFFFD8  }
0x1c8: {  	[tilespmem:s29], [sflag:$0x2] =	stream.indirect.gather [hbm4b:s5+s28], $0x80, s4, s28, $0xb8;
	[tilespmem:$0x1AE00] =	vst v63  }
0x1c9: {  	_ =	swait.ge [sflag:s3], $0x1400  }
0x1ca: {  	[sflag:s3] =	ssyncset.done $0x0  }
0x1cb: {  	s11 =	smin.u32 s7, $0xE9;
	[sflag:s3] =	ssyncadd.s32 $0xFFFFEC00  }
0x1cc: {  	[spmem:s2] =	stream.indirect.scatter.add.f32 [tilespmem:s30], [sflag:$0x3], $0x80, s24, s28, $0xb8;
	[tilespmem:$0x1AE00] =	vst v63  }
0x1cd: {  	s10 =	smul.u32 $0x28, s11;
	_ =	swait.ge [sflag:s0], $0x1400  }
0x1ce: {  	s18 =	rddreg [dreg:$0xa]  }
0x1cf: {  	s10 =	sadd.s32 s10, s18  }
0x1d0: {  	s10 =	sshrl.u32 s10, $0x3  }
0x1d1: {  	[sflag:s0] =	ssyncset.done $0x0;
	s10 =	sadd.s32 s6, s10  }
0x1d2: {  	[sflag:s0] =	ssyncadd.s32 $0xFFFFEC00;
	s18 =	sadd.s32 $0x9C40, s10  }
0x1d3: {  	[tilespmem:s23], [sflag:$0x1] =	stream.linear.gather [hbm4b:s18+s4], $0x28, $0x38;
	[tilespmem:$0x1AE00] =	vst v63  }
0x1d4: {  	_ = 	snop  }
0x1d5: {  	[tilespmem:s24], [sflag:$0x1] =	stream.linear.gather [hbm4b:s10+s4], $0x28, $0x38;
	[tilespmem:$0x1AE00] =	vst v63  }
0x1d6: {  	_ =	swait.ge [sflag:s26], $0x28  }
0x1d7: {  	[sflag:s26] =	ssyncset.done $0x0  }
0x1d8: {  	[sflag:s26] =	ssyncadd.s32 $0xFFFFFFD8  }
0x1d9: {  	_ =	swait.ge [sflag:s26], $0x28  }
0x1da: {  	[sflag:s26] =	ssyncset.done $0x0  }
0x1db: {  	[sflag:s26] =	ssyncadd.s32 $0xFFFFFFD8  }
0x1dc: {  	[tilespmem:s30], [sflag:$0x2] =	stream.indirect.gather [hbm4b:s5+s28], $0x80, s13, s28, $0xb8;
	[tilespmem:$0x1AE00] =	vst v63  }
0x1dd: {  	_ =	swait.ge [sflag:s3], $0x1400  }
0x1de: {  	[sflag:s3] =	ssyncset.done $0x0  }
0x1df: {  	s18 =	simm.s32 $0x880;
	s10 =	smin.u32 s7, $0xE8;
	[sflag:s3] =	ssyncadd.s32 $0xFFFFEC00  }
0x1e0: {  	[spmem:s2] =	stream.indirect.scatter.add.f32 [tilespmem:s31], [sflag:$0x3], $0x80, s18, s28, $0xb8;
	[tilespmem:$0x1AE00] =	vst v63  }
0x1e1: {  	s10 =	smul.u32 $0x28, s10;
	_ =	swait.ge [sflag:s0], $0x1400  }
0x1e2: {  	s11 =	rddreg [dreg:$0xb]  }
0x1e3: {  	s10 =	sadd.s32 s10, s11  }
0x1e4: {  	s10 =	sshrl.u32 s10, $0x3  }
0x1e5: {  	[sflag:s0] =	ssyncset.done $0x0;
	s10 =	sadd.s32 s6, s10  }
0x1e6: {  	[sflag:s0] =	ssyncadd.s32 $0xFFFFEC00;
	s11 =	sadd.s32 $0x9C40, s10  }
0x1e7: {  	[tilespmem:s25], [sflag:$0x1] =	stream.linear.gather [hbm4b:s11+s4], $0x28, $0x38;
	[tilespmem:$0x1AE00] =	vst v63  }
0x1e8: {  	_ = 	snop  }
0x1e9: {  	[tilespmem:s18], [sflag:$0x1] =	stream.linear.gather [hbm4b:s10+s4], $0x28, $0x38;
	[tilespmem:$0x1AE00] =	vst v63  }
0x1ea: {  	_ =	swait.ge [sflag:s26], $0x28  }
0x1eb: {  	[sflag:s26] =	ssyncset.done $0x0  }
0x1ec: {  	[sflag:s26] =	ssyncadd.s32 $0xFFFFFFD8  }
0x1ed: {  	_ =	swait.ge [sflag:s26], $0x28  }
0x1ee: {  	[sflag:s26] =	ssyncset.done $0x0  }
0x1ef: {  	[sflag:s26] =	ssyncadd.s32 $0xFFFFFFD8  }
0x1f0: {  	[tilespmem:s31], [sflag:$0x2] =	stream.indirect.gather [hbm4b:s5+s28], $0x80, s15, s28, $0xb8;
	[tilespmem:$0x1AE00] =	vst v63  }
0x1f1: {  	_ =	swait.ge [sflag:s3], $0x1400  }
0x1f2: {  	[sflag:s3] =	ssyncset.done $0x0  }
0x1f3: {  	s11 =	smin.u32 s7, $0xE7;
	[sflag:s3] =	ssyncadd.s32 $0xFFFFEC00  }
0x1f4: {  	[spmem:s2] =	stream.indirect.scatter.add.f32 [tilespmem:s9], [sflag:$0x3], $0x80, s14, s28, $0xb8;
	[tilespmem:$0x1AE00] =	vst v63  }
0x1f5: {  	s10 =	smul.u32 $0x28, s11;
	_ =	swait.ge [sflag:s0], $0x1400  }
0x1f6: {  	s18 =	rddreg [dreg:$0xc]  }
0x1f7: {  	s10 =	sadd.s32 s10, s18  }
0x1f8: {  	s10 =	sshrl.u32 s10, $0x3  }
0x1f9: {  	[sflag:s0] =	ssyncset.done $0x0;
	s10 =	sadd.s32 s6, s10  }
0x1fa: {  	[sflag:s0] =	ssyncadd.s32 $0xFFFFEC00;
	s18 =	sadd.s32 $0x9C40, s10  }
0x1fb: {  	[tilespmem:s12], [sflag:$0x1] =	stream.linear.gather [hbm4b:s18+s4], $0x28, $0x38;
	[tilespmem:$0x1AE00] =	vst v63  }
0x1fc: {  	_ = 	snop  }
0x1fd: {  	[tilespmem:s14], [sflag:$0x1] =	stream.linear.gather [hbm4b:s10+s4], $0x28, $0x38;
	[tilespmem:$0x1AE00] =	vst v63  }
0x1fe: {  	_ =	swait.ge [sflag:s26], $0x28  }
0x1ff: {  	[sflag:s26] =	ssyncset.done $0x0  }
0x200: {  	[sflag:s26] =	ssyncadd.s32 $0xFFFFFFD8  }
0x201: {  	_ =	swait.ge [sflag:s26], $0x28  }
0x202: {  	[sflag:s26] =	ssyncset.done $0x0  }
0x203: {  	[sflag:s26] =	ssyncadd.s32 $0xFFFFFFD8  }
0x204: {  	[tilespmem:s9], [sflag:$0x2] =	stream.indirect.gather [hbm4b:s5+s28], $0x80, s17, s28, $0xb8;
	[tilespmem:$0x1AE00] =	vst v63  }
0x205: {  	_ =	swait.ge [sflag:s3], $0x1400  }
0x206: {  	[sflag:s3] =	ssyncset.done $0x0  }
0x207: {  	s7 =	smin.u32 s7, $0xE6;
	s11 =	simm.s32 $0x980;
	[sflag:s3] =	ssyncadd.s32 $0xFFFFEC00  }
0x208: {  	[spmem:s2] =	stream.indirect.scatter.add.f32 [tilespmem:s8], [sflag:$0x3], $0x80, s11, s28, $0xb8;
	[tilespmem:$0x1AE00] =	vst v63  }
0x209: {  	s7 =	smul.u32 $0x28, s7;
	_ =	swait.ge [sflag:s0], $0x1400  }
0x20a: {  	s18 =	rddreg [dreg:$0xd]  }
0x20b: {  	s7 =	sadd.s32 s7, s18  }
0x20c: {  	s7 =	sshrl.u32 s7, $0x3  }
0x20d: {  	[sflag:s0] =	ssyncset.done $0x0;
	s7 =	sadd.s32 s6, s7  }
0x20e: {  	[sflag:s0] =	ssyncadd.s32 $0xFFFFEC00;
	s18 =	sadd.s32 $0x9C40, s7  }
0x20f: {  	[tilespmem:s16], [sflag:$0x1] =	stream.linear.gather [hbm4b:s18+s4], $0x28, $0x38;
	[tilespmem:$0x1AE00] =	vst v63  }
0x210: {  	_ = 	snop  }
0x211: {  	[tilespmem:s11], [sflag:$0x1] =	stream.linear.gather [hbm4b:s7+s4], $0x28, $0x38;
	[tilespmem:$0x1AE00] =	vst v63  }
0x212: {  	p0 =	sne.s32 s1, $0xF0;
	_ =	swait.ge [sflag:s26], $0x28  }
.Ltmp0:
0x213: {  	[sflag:s26] =	ssyncset.done $0x0;
	(pc) =	sbr.rel @p0 .LBB2_2-.Ltmp0, $4  }
0x214: {  	[sflag:s26] =	ssyncadd.s32 $0xFFFFFFD8  }
0x215: {  	_ =	swait.ge [sflag:s26], $0x28  }
0x216: {  	[sflag:s26] =	ssyncset.done $0x0  }
0x217: {  	s1 =	sadd.s32 $0xA, s1;
	s19 =	simm.s32 $0x200;
	[sflag:s26] =	ssyncadd.s32 $0xFFFFFFD8  }
0x218: {  	[tilespmem:s8], [sflag:$0x2] =	stream.indirect.gather [hbm4b:s5+s28], $0x80, s19, s28, $0xb8;
	[tilespmem:$0x1AE00] =	vst v63  }
0x219: {  	_ =	swait.ge [sflag:s3], $0x1400  }
0x21a: {  	[sflag:s3] =	ssyncset.done $0x0  }
0x21b: {  	[sflag:s3] =	ssyncadd.s32 $0xFFFFEC00  }
0x21c: {  	_ =	swait.ge [sflag:s26], $0x28  }
0x21d: {  	[sflag:s26] =	ssyncset.done $0x0  }
0x21e: {  	[sflag:s26] =	ssyncadd.s32 $0xFFFFFFD8  }
0x21f: {  	_ =	swait.ge [sflag:s26], $0x28  }
0x220: {  	[sflag:s26] =	ssyncset.done $0x0  }
0x221: {  	[sflag:s26] =	ssyncadd.s32 $0xFFFFFFD8  }
0x222: {  	_ =	swait.ge [sflag:s3], $0x1400  }
0x223: {  	[sflag:s3] =	ssyncset.done $0x0  }
0x224: {  	[sflag:s3] =	ssyncadd.s32 $0xFFFFEC00  }
0x225: {  	_ =	swait.ge [sflag:s26], $0x28  }
0x226: {  	[sflag:s26] =	ssyncset.done $0x0  }
0x227: {  	[sflag:s26] =	ssyncadd.s32 $0xFFFFFFD8  }
0x228: {  	_ =	swait.ge [sflag:s26], $0x28  }
0x229: {  	[sflag:s26] =	ssyncset.done $0x0  }
0x22a: {  	[sflag:s26] =	ssyncadd.s32 $0xFFFFFFD8  }
0x22b: {  	_ =	swait.ge [sflag:s3], $0x1400  }
0x22c: {  	[sflag:s3] =	ssyncset.done $0x0  }
0x22d: {  	[sflag:s3] =	ssyncadd.s32 $0xFFFFEC00  }
0x22e: {  	_ =	swait.ge [sflag:s26], $0x28  }
0x22f: {  	[sflag:s26] =	ssyncset.done $0x0  }
0x230: {  	[sflag:s26] =	ssyncadd.s32 $0xFFFFFFD8  }
0x231: {  	_ =	swait.ge [sflag:s26], $0x28  }
0x232: {  	[sflag:s26] =	ssyncset.done $0x0  }
0x233: {  	[sflag:s26] =	ssyncadd.s32 $0xFFFFFFD8  }
0x234: {  	_ =	swait.ge [sflag:s3], $0x1400  }
0x235: {  	[sflag:s3] =	ssyncset.done $0x0  }
0x236: {  	[sflag:s3] =	ssyncadd.s32 $0xFFFFEC00  }
0x237: {  	_ =	swait.ge [sflag:s26], $0x28  }
0x238: {  	[sflag:s26] =	ssyncset.done $0x0  }
0x239: {  	[sflag:s26] =	ssyncadd.s32 $0xFFFFFFD8  }
0x23a: {  	_ =	swait.ge [sflag:s26], $0x28  }
0x23b: {  	[sflag:s26] =	ssyncset.done $0x0  }
0x23c: {  	[sflag:s26] =	ssyncadd.s32 $0xFFFFFFD8  }
0x23d: {  	_ =	swait.ge [sflag:s3], $0x1400  }
0x23e: {  	[sflag:s3] =	ssyncset.done $0x0  }
0x23f: {  	[sflag:s3] =	ssyncadd.s32 $0xFFFFEC00  }
0x240: {  	_ =	swait.ge [sflag:s26], $0x28  }
0x241: {  	[sflag:s26] =	ssyncset.done $0x0  }
0x242: {  	[sflag:s26] =	ssyncadd.s32 $0xFFFFFFD8  }
0x243: {  	_ =	swait.ge [sflag:s26], $0x28  }
0x244: {  	[sflag:s26] =	ssyncset.done $0x0  }
0x245: {  	[sflag:s26] =	ssyncadd.s32 $0xFFFFFFD8  }
0x246: {  	[bflag:$0x0] =	sbarrier.arrive $0xFFFF  }
0x247: {  	s7 =	sld [smem:$0x7F6]  }
0x248: {  	s10 =	rddreg [dreg:$0xf]  }
0x249: {  	s1 =	rddreg [dreg:$0x1f]  }
0x24a: {  	[hbm:s1], [sflag:s10] =	dma.local [spmem:s7], $0x2800  }
0x24b: {  	_ =	swait.ge [sflag:s0], $0x2800  }
0x24c: {  	s24 =	sld [smem:$0x7FD]  }
0x24d: {  	s25 =	sld [smem:$0x7F7];
	_ =	sdelay $0x1  }
0x24e: {  	s7 =	sadd.s32 $0x1, s24  }
0x24f: {  	s11 =	simm.s32 $0x80;
	s13 =	simm.s32 $0x580;
	p0 =	sne.s32 s7, s25  }
.Ltmp1:
0x250: {  	s14 =	simm.s32 $0x100;
	s15 =	simm.s32 $0x600;
	(pc) =	sbr.rel @p0 .LBB2_1-.Ltmp1, $4  }
0x251: {  	s16 =	simm.s32 $0x180;
	s17 =	simm.s32 $0x680;
	s18 =	simm.s32 $0x700  }
0x252: {  	s19 =	simm.s32 $0x280;
	s21 =	simm.s32 $0x300;
	s22 =	simm.s32 $0x800  }
0x253: {  	s23 =	simm.s32 $0x380;
	s12 =	simm.s32 $0x880;
	[sflag:s0] =	ssyncset.done $0x0  }
0x254: {  	[sflag:s0] =	ssyncadd.s32 $0xFFFFD800;
	[smem:$0x7FD] =	sst s7;
	s7 =	simm.s32 $0x500  }
0x255: {  	_ =	sfence.sel $0x180000  }
0x256: {  	[bflag:$0x0] =	sbarrier.arrive $0xFFFF  }
0x257: {  	_ =	strace $0x9000004A  }
0x258: {  	s0 =	stileid.u32;
	[bflag:$0x2] =	sbarrier.arrive $0xFFFF  }
0x259: {  	p0 =	sne.s32 s0, $0x0;
	s0 =	rddreg [dreg:$0x3]  }
0x25a: {  	s0 =	sadd.s32 @!p0 $0x100000, s0  }
0x25b: {  	[sflag:s0] =	ssyncadd.tile.s32 @!p0 $0x1;
	_ =	shalt  }
.Lfunc_end2:
_tile_overlayer_lowered:
.L_overlay_start_2:
0x25c: {  	(tag) =	ssettag $0x2  }
0x25d: {  	s0 =	rddreg [dreg:$0x0];
	s2 =	stileid.u32  }
0x25e: {  	s1 =	rddreg [dreg:$0x1];
	p0 =	sne.s32 s2, $0x0  }
0x25f: {  	s3 =	rddreg [dreg:$0x2];
	[bflag:$0x3] =	sbarrier.arrive $0xFFFF;
	s2 =	simm.s32 @!p0 $0x1C03  }
0x260: {  	[timem:s3], [sflag:s2] =	dma.local @!p0 [hbm:s0], s1  }
0x261: {  	s0 =	simm.s32 @!p0 $0x3  }
0x262: {  	_ =	swait.ge @!p0 [sflag:s0], s1  }
0x263: {  	s1 =	ssub.s32 @!p0 $0x0, s1;
	[sflag:s0] =	ssyncset.done @!p0 $0x0  }
0x264: {  	[sflag:s0] =	ssyncadd.s32 @!p0 s1  }
0x265: {  	[bflag:$0x3] =	sbarrier.arrive $0xFFFF  }
0x266: {  	_ =	shalt  }

// kernel: kernel.7.cloned.1.call-start
scs
__scs_entry_jumppad:
0x0: {  	(pc) =	sbr.rel $0x88, $3  }
0x1: {  	(tag) =	ssettag $0x0;
	lr =	simm.s32 $0x1  }
0x2: {  	[smem:$0x3F98] =	sst lr;
	_ =	strace $0xD0000000  }
0x3: {  	_ = 	snop  }
0x4: {  	_ = 	snop  }
0x5: {  	_ = 	snop  }
0x6: {  	_ = 	snop  }
0x7: {  	_ = 	snop  }
__scs_overlays_trampoline_lowered:
0x8: {  	[smem:$0x3FA7] =	sst s0  }
0x9: {  	[smem:$0x3FA8] =	sst s1  }
0xa: {  	[smem:$0x3FA9] =	sst s2  }
0xb: {  	[smem:$0x3FAA] =	sst s3  }
0xc: {  	[smem:$0x3FAB] =	sst s4  }
0xd: {  	[smem:$0x3FAC] =	sst s5  }
0xe: {  	[smem:$0x3FAD] =	sst s6  }
0xf: {  	[smem:$0x3FAE] =	sst s7  }
0x10: {  	[smem:$0x3FAF] =	sst s8  }
0x11: {  	[smem:$0x3FB0] =	sst s9;
	s0 =	simm.s32 @!p0 $0x0  }
0x12: {  	s1 =	sld [smem:$0x3F96];
	s0 =	simm.s32 @p0 $0x1  }
0x13: {  	[smem:$0x3FB1] =	sst s0;
	s0 =	simm.s32 @!p1 $0x0  }
0x14: {  	s2 =	sld [smem:$0x3F95];
	s0 =	simm.s32 @p1 $0x1  }
0x15: {  	[smem:$0x3FB2] =	sst s0;
	s0 =	simm.s32 @!p2 $0x0  }
0x16: {  	s3 =	sld [smem:$0x3FDB];
	s0 =	simm.s32 @p2 $0x1  }
0x17: {  	s4 =	simm.s32 $0x1BF5;
	[smem:$0x3FB4] =	sst s0  }
0x18: {  	s0 =	sld [smem:$0x3F97];
	_ =	swait.ge [sflag:s4], $0x0  }
0x19: {  	s7 =	sld [smem:$0x3F98]  }
0x1a: {  	s8 =	sadd.s32 $0xFFFFE003, lr  }
0x1b: {  	s9 =	sadd.s32 $0xFFFFFEF7, lr;
	s5 =	simm.s32 $0xFFFFFFFF;
	p2 =	slt.u32 s8, $0xFFFFF086  }
0x1c: {  	p1 =	slt.u32 s9, $0xF7A;
	s5 =	simm.s32 @!p2 $0x0  }
0x1d: {  	s5 =	simm.s32 @p1 $0x1;
	p0 =	seq.s32 s7, s2  }
0x1e: {  	s7 =	smul.u32 @!p0 $0xF7A, s2;
	p2 =	seq.s32 @!p0 s5, $0x0  }
0x1f: {  	s9 =	smul.u32 $0xF7A, s1;
	s8 =	simm.s32 @!p0 $0x1BF5;
	p2 =	por !p2, p0  }
0x20: {  	[sflag:s8] =	ssyncset.s32 @!p0 $0xFFFFF086;
	s6 =	sadd.s32 @!p0 s3, s7;
	s7 =	simm.s32 @!p0 $0x108  }
0x21: {  	s3 =	sadd.s32 s3, s9;
	s6 =	sadd.s32 @!p0 $0x88, s6;
	s7 =	simm.s32 @p2 $0x1082  }
0x22: {  	[simem:s7], [sflag:s8] =	dma.local @!p0 [hbm:s6], $0xF7A  }
0x23: {  	s9 =	sor.u32 $0xD0000000, s2;
	s6 =	simm.s32 $0x108;
	_ =	swait.ge @!p0 [sflag:s8], $0x0  }
0x24: {  	s3 =	sadd.s32 $0x88, s3;
	s6 =	simm.s32 @!p1 $0x1082;
	[sflag:s4] =	ssyncset.s32 $0xFFFFF086  }
0x25: {  	[simem:s6], [sflag:s4] =	dma.local [hbm:s3], $0xF7A  }
0x26: {  	[smem:$0x3F98] =	sst s1;
	(tag) =	ssettag s2;
	_ =	strace s9  }
0x27: {  	s1 =	sld [smem:$0x3FA8]  }
0x28: {  	s2 =	sld [smem:$0x3FA9]  }
0x29: {  	s4 =	sld [smem:$0x3FAB]  }
0x2a: {  	p0 =	seq.s32 s5, $0x0;
	s5 =	sld [smem:$0x3FAC]  }
0x2b: {  	s6 =	sld [smem:$0x3FAD]  }
0x2c: {  	s7 =	sld [smem:$0x3FAE]  }
0x2d: {  	s3 =	simm.s32 $0x108;
	s8 =	sld [smem:$0x3FAF]  }
0x2e: {  	s3 =	simm.s32 @!p0 $0x1082;
	s9 =	sld [smem:$0x3FB0]  }
0x2f: {  	lr =	sadd.s32 s0, s3;
	s0 =	sld [smem:$0x3FA7]  }
0x30: {  	s3 =	sld [smem:$0x3FAA]  }
0x31: {  	[smem:$0x3FB3] =	sst s10  }
0x32: {  	s10 =	sld [smem:$0x3FB1];
	_ =	sdelay $0x3  }
0x33: {  	p0 =	seq.s32 s10, $0x1;
	s10 =	sld [smem:$0x3FB3];
	_ =	sdelay $0x3  }
0x34: {  	[smem:$0x3FB3] =	sst s10  }
0x35: {  	s10 =	sld [smem:$0x3FB2];
	_ =	sdelay $0x3  }
0x36: {  	p1 =	seq.s32 s10, $0x1;
	s10 =	sld [smem:$0x3FB3];
	_ =	sdelay $0x3  }
0x37: {  	[smem:$0x3FB3] =	sst s10  }
0x38: {  	s10 =	sld [smem:$0x3FB4]  }
0x39: {  	_ = 	snop;
	(pc) =	sbr.ind lr, $3  }
0x3a: {  	_ = 	snop  }
0x3b: {  	_ = 	snop  }
0x3c: {  	p2 =	seq.s32 s10, $0x1;
	s10 =	sld [smem:$0x3FB3]  }
0x3d: {  	_ =	shalt  }
0x3e: {  	_ =	shalt  }
0x3f: {  	_ =	shalt  }
0x40: {  	_ =	shalt  }
0x41: {  	_ =	shalt  }
0x42: {  	_ =	shalt  }
0x43: {  	_ =	shalt  }
0x44: {  	_ =	shalt  }
0x45: {  	_ =	shalt  }
0x46: {  	_ =	shalt  }
0x47: {  	_ =	shalt  }
0x48: {  	_ =	shalt  }
0x49: {  	_ =	shalt  }
0x4a: {  	_ =	shalt  }
0x4b: {  	_ =	shalt  }
0x4c: {  	_ =	shalt  }
0x4d: {  	_ =	shalt  }
0x4e: {  	_ =	shalt  }
0x4f: {  	_ =	shalt  }
0x50: {  	_ =	shalt  }
0x51: {  	_ =	shalt  }
0x52: {  	_ =	shalt  }
0x53: {  	_ =	shalt  }
0x54: {  	_ =	shalt  }
0x55: {  	_ =	shalt  }
0x56: {  	_ =	shalt  }
0x57: {  	_ =	shalt  }
0x58: {  	_ =	shalt  }
0x59: {  	_ =	shalt  }
0x5a: {  	_ =	shalt  }
0x5b: {  	_ =	shalt  }
0x5c: {  	_ =	shalt  }
0x5d: {  	_ =	shalt  }
0x5e: {  	_ =	shalt  }
0x5f: {  	_ =	shalt  }
0x60: {  	_ =	shalt  }
0x61: {  	_ =	shalt  }
0x62: {  	_ =	shalt  }
0x63: {  	_ =	shalt  }
0x64: {  	_ =	shalt  }
0x65: {  	_ =	shalt  }
0x66: {  	_ =	shalt  }
0x67: {  	_ =	shalt  }
0x68: {  	_ =	shalt  }
0x69: {  	_ =	shalt  }
0x6a: {  	_ =	shalt  }
0x6b: {  	_ =	shalt  }
0x6c: {  	_ =	shalt  }
0x6d: {  	_ =	shalt  }
0x6e: {  	_ =	shalt  }
0x6f: {  	_ =	shalt  }
0x70: {  	_ =	shalt  }
0x71: {  	_ =	shalt  }
0x72: {  	_ =	shalt  }
0x73: {  	_ =	shalt  }
0x74: {  	_ =	shalt  }
0x75: {  	_ =	shalt  }
0x76: {  	_ =	shalt  }
0x77: {  	_ =	shalt  }
0x78: {  	_ =	shalt  }
0x79: {  	_ =	shalt  }
0x7a: {  	_ =	shalt  }
0x7b: {  	_ =	shalt  }
0x7c: {  	_ =	shalt  }
0x7d: {  	_ =	shalt  }
0x7e: {  	_ =	shalt  }
0x7f: {  	_ =	shalt  }
0x80: {  	_ =	shalt  }
0x81: {  	_ =	shalt  }
0x82: {  	_ =	shalt  }
0x83: {  	_ =	shalt  }
0x84: {  	_ =	shalt  }
0x85: {  	_ =	shalt  }
0x86: {  	_ =	shalt  }
0x87: {  	_ =	shalt  }
.Lfunc_end0:
.L_simem_size_0:
called_computation_lowered:
.L_overlay_start_0:
0x88: {  	s2 =	sld [smem:$0x3FD9]  }
0x89: {  	s3 =	sld [smem:$0x3FFE];
	_ =	sdelay $0x1  }
0x8a: {  	s1 =	srdreg.scid  }
0x8b: {  	s0 =	sand.u32 $0x1, s1  }
0x8c: {  	s14 =	sshll.u32 s0, $0xA;
	s2 =	sadd.s32 s3, s2  }
0x8d: {  	s2 =	sadd.s32 s2, s14  }
0x8e: {  	[smem:$0x3FBF] =	sst s2  }
0x8f: {  	_ = 	snop  }
0x90: {  	s2 =	sld [smem:$0x3FD0];
	_ =	sdelay $0x2  }
0x91: {  	s15 =	simm.s32 $0xA;
	s4 =	simm.s32 $0x10  }
0x92: {  	[smem:s4], [sflag:s15] =	dma.local [hbm:s2], $0x1  }
0x93: {  	_ =	swait.eq [sflag:s15], $0x1  }
0x94: {  	[sflag:s15] =	ssyncset.done $0x0  }
0x95: {  	[sflag:s15] =	ssyncadd.s32 $0xFFFFFFFF  }
0x96: {  	s16 =	sld [smem:$0x11];
	(tm) =	ssettm $0x1  }
0x97: {  	s17 =	sld [smem:$0x3FFB];
	_ =	sdelay $0x3  }
0x98: {  	_ =	strace s17  }
0x99: {  	s3 =	sld [smem:$0x3FFC];
	_ =	sdelay $0x3  }
0x9a: {  	_ =	strace s3  }
0x9b: {  	s3 =	sld [smem:$0x3FFD];
	_ =	sdelay $0x3  }
0x9c: {  	_ =	strace s3  }
0x9d: {  	_ =	strace $0x8FFFFFFF  }
0x9e: {  	s18 =	sld [smem:$0x3FDB];
	_ =	sdelay $0x1  }
0x9f: {  	s19 =	simm.s32 $_scs_section_size  }
0xa0: {  	s5 =	simm.s32 $_size__tile_overlayer_lowered;
	s6 =	simm.s32 $_tile_overlayer_lowered  }
0xa1: {  	s22 =	simm.s32 $0x1BFF;
	s21 =	sshll.u32 s6, $0x1;
	s3 =	sadd.s32 s19, s18  }
0xa2: {  	s7 =	simm.s32 $0x0;
	s20 =	sshll.u32 s5, $0x1;
	s5 =	sadd.s32 s21, s3  }
0xa3: {  	[timem:s7], [sflag:s22] =	dma.local [hbm:s5], s20  }
0xa4: {  	_ =	swait.ge [sflag:s22], s20  }
0xa5: {  	s4 =	ssub.s32 $0x0, s20;
	[sflag:s22] =	ssyncset.done $0x0  }
0xa6: {  	[sflag:s22] =	ssyncadd.s32 s4;
	_ =	sdelay $0x1  }
0xa7: {  	s23 =	simm.s32 $0x1B8B  }
0xa8: {  	_ =	swait.ge [sflag:s23], $0x1  }
0xa9: {  	[sflag:s23] =	ssyncset.done $0x0  }
0xaa: {  	s25 =	simm.s32 $0x1B8E;
	s24 =	sld [smem:$0x3FFE];
	[sflag:s23] =	ssyncadd.s32 $0xFFFFFFFF  }
0xab: {  	s26 =	simm.s32 $execute0_lowered;
	[smem:$0x3FD2] =	sst s25  }
0xac: {  	s5 =	sshll.u32 s26, $0x1;
	_ =	strace $0x80000046;
	[dreg:$0x1] =	wrdreg $0xFFFFFFFF  }
0xad: {  	s28 =	simm.s32 $_size_execute0_lowered;
	s3 =	sadd.s32 s3, s5;
	[dreg:$0x0] =	wrdreg $0x0  }
0xae: {  	s5 =	sshll.u32 s28, $0x1;
	[dreg:$0x2] =	wrdreg s3  }
0xaf: {  	[dreg:$0x3] =	wrdreg s5  }
0xb0: {  	[dreg:$0x4] =	wrdreg $0xC0  }
0xb1: {  	_ =	task [dreg:s7], $0x5FFFF  }
0xb2: {  	[dreg:$0x1] =	wrdreg $0xFFFFFFFF  }
0xb3: {  	[dreg:$0x0] =	wrdreg $0x60  }
0xb4: {  	[dreg:$0x2] =	wrdreg s24  }
0xb5: {  	[dreg:$0x3] =	wrdreg s16  }
0xb6: {  	[dreg:$0x4] =	wrdreg $0x6E000  }
0xb7: {  	[dreg:$0x5] =	wrdreg $0x9  }
0xb8: {  	_ =	task.clear_ibuf [dreg:s7], $0x6FFFF;
	_ =	strace $0x90000046  }
0xb9: {  	s29 =	simm.s32 $0x9;
	_ =	strace $0x80000048  }
0xba: {  	_ =	swait.ge [sflag:s29], $0x1  }
0xbb: {  	[sflag:s29] =	ssyncadd.s32 $0xFFFFFFFF  }
0xbc: {  	_ =	strace $0x90000048  }
0xbd: {  	_ =	sfence  }
0xbe: {  	s30 =	sld [smem:$0x0];
	_ =	sdelay $0x2  }
0xbf: {  	s31 =	sshll.u32 s1, $0xD;
	s1 =	sshrl.u32 s1, $0x2  }
0xc0: {  	s3 =	sand.u32 $0x4000, s31;
	s1 =	sadd.s32 s1, s30  }
0xc1: {  	s0 =	sor.u32 s3, s0;
	s1 =	sshll.u32 s1, $0x11  }
0xc2: {  	s0 =	sor.u32 s1, s0  }
0xc3: {  	s0 =	sadd.s32 $0x8F2B, s0  }
0xc4: {  	[sflag:s0] =	ssyncadd.remote.s32 $0x1  }
0xc5: {  	_ =	sfence.sel $0xFFFF  }
0xc6: {  	[dreg:$0x0] =	wrdreg $0xFFFFFFFF;
	(pc) =	sbr.abs _section_cstart, $3  }
0xc7: {  	[dreg:$0x1] =	wrdreg $0xFFFFFFFF  }
0xc8: {  	_ =	task.clear_ibuf [dreg:s7], $0x2FFFF;
	_ =	strace $0x9FFFFFFF  }
0xc9: {  	(tm) =	ssettm $0x7FFFFFFF  }
tec
execute0_lowered:
.L_overlay_start_1:
0x0: {  	(tag) =	ssettag $0x1  }
0x1: {  	s0 =	rddreg [dreg:$0x0]  }
0x2: {  	s2 =	rddreg [dreg:$0x2];
	s1 =	srdreg.scid  }
0x3: {  	s4 =	simm.s32 $0x0;
	s9 =	stileid.u32;
	s28 =	simm.s32 $0x28  }
0x4: {  	s29 =	simm.s32 $0xA00;
	s30 =	simm.s32 $0x1E00;
	s31 =	simm.s32 $0x3200  }
0x5: {  	s1 =	sand.u32 $0x1, s1;
	[smem:$0x7FF] =	sst s4;
	s7 =	smul.u32 $0x14000, s9  }
0x6: {  	s5 =	sadd.s32 $0x15600, s0;
	s6 =	sadd.s32 $0x1C00, s0;
	s8 =	smul.u32 $0x50000, s9  }
0x7: {  	s19 =	sshll.u32 s9, $0x1;
	s23 =	sshll.u32 s9, $0x6;
	s3 =	smul.u32 $0x140000, s1  }
0x8: {  	_ =	strace $0x80000047;
	s20 =	ssub.s32 $0x2, s1;
	s1 =	sor.u32 s1, s19  }
0x9: {  	s10 =	sor.u32 $0x1C03, s23;
	s1 =	smul.u32 $0x2710, s1;
	s8 =	sshrl.u32 s8, $0x2  }
0xa: {  	[dreg:$0xf] =	wrdreg s10;
	s3 =	sadd.s32 s7, s3;
	s22 =	sadd.s32 s8, s2  }
0xb: {  	s21 =	sshrl.u32 s20, $0x1;
	s3 =	sshrl.u32 s3, $0x3;
	[dreg:$0xe] =	wrdreg s22  }
0xc: {  	s24 =	sshrl.u32 s1, $0x3;
	s25 =	sadd.s32 $0x4E228, s1;
	s19 =	sadd.s32 $0x190, s1  }
0xd: {  	s26 =	sadd.s32 $0x28, s1;
	s22 =	sadd.s32 $0x1E0, s1;
	[dreg:$0x4] =	wrdreg s19  }
0xe: {  	s23 =	sadd.s32 $0x208, s1;
	s0 =	sadd.s32 s3, s0;
	[dreg:$0x6] =	wrdreg s22  }
0xf: {  	s3 =	ssub.s32 s20, s21;
	s21 =	sadd.s32 $0x1B8, s1;
	[dreg:$0x7] =	wrdreg s23  }
0x10: {  	s11 =	sadd.s32 s6, s24;
	s24 =	sadd.s32 $0x230, s1;
	[dreg:$0x5] =	wrdreg s21  }
0x11: {  	s8 =	sshrl.u32 s25, $0x3;
	s25 =	sadd.s32 $0x258, s1;
	[dreg:$0x8] =	wrdreg s24  }
0x12: {  	s13 =	sadd.s32 $0x78, s1;
	s14 =	sadd.s32 $0x4E278, s1;
	[dreg:$0x9] =	wrdreg s25  }
0x13: {  	s18 =	sadd.s32 $0xC8, s1;
	s12 =	sadd.s32 $0x9C40, s11;
	[dreg:$0x10] =	wrdreg s11  }
0x14: {  	s7 =	sshrl.u32 s26, $0x3;
	s8 =	sadd.s32 s6, s8;
	[dreg:$0x11] =	wrdreg s12  }
0x15: {  	s20 =	sadd.s32 $0x4E2C8, s1;
	s7 =	sadd.s32 s6, s7;
	[dreg:$0x12] =	wrdreg s8  }
0x16: {  	s26 =	sadd.s32 $0x118, s1;
	s15 =	sadd.s32 $0x9C4A, s11;
	[dreg:$0x13] =	wrdreg s7  }
0x17: {  	s16 =	sadd.s32 $0xA, s11;
	s17 =	sadd.s32 $0x9C54, s11;
	[dreg:$0x14] =	wrdreg s15  }
0x18: {  	s9 =	sshrl.u32 s20, $0x3;
	s0 =	sadd.s32 $0x3C800, s0;
	[dreg:$0x15] =	wrdreg s16  }
0x19: {  	s19 =	smax.u32 s3, $0x1;
	s20 =	sadd.s32 $0x14, s11;
	[dreg:$0x18] =	wrdreg s17  }
0x1a: {  	s21 =	sadd.s32 $0x9C5E, s11;
	s22 =	sadd.s32 $0x1E, s11;
	[dreg:$0x1f] =	wrdreg s0  }
0x1b: {  	s23 =	sadd.s32 $0x9C68, s11;
	s24 =	sadd.s32 $0x28, s11;
	[smem:$0x7F7] =	sst s19  }
0x1c: {  	s11 =	simm.s32 $0x80;
	s3 =	simm.s32 $0x2;
	[smem:$0x7F8] =	sst s20  }
0x1d: {  	s25 =	simm.s32 $0x0;
	s8 =	sshrl.u32 s14, $0x3;
	[smem:$0x7F9] =	sst s21  }
0x1e: {  	s7 =	sshrl.u32 s13, $0x3;
	s9 =	sadd.s32 s6, s9;
	[smem:$0x7FA] =	sst s22  }
0x1f: {  	s12 =	sadd.s32 $0x280, s1;
	s13 =	sadd.s32 $0x4E318, s1;
	[smem:$0x7FB] =	sst s23  }
0x20: {  	s14 =	sadd.s32 $0x2A8, s1;
	s15 =	sadd.s32 $0x2D0, s1;
	[smem:$0x7FC] =	sst s24  }
0x21: {  	s16 =	sadd.s32 $0x2F8, s1;
	s17 =	sadd.s32 $0x168, s1;
	[smem:$0x7FD] =	sst s25  }
0x22: {  	s1 =	sadd.s32 $0x4E368, s1;
	s0 =	simm.s32 $0x3;
	[dreg:$0x19] =	wrdreg s9  }
0x23: {  	s19 =	simm.s32 $0x280;
	s20 =	simm.s32 $0x780;
	[dreg:$0xa] =	wrdreg s12  }
0x24: {  	s21 =	simm.s32 $0x300;
	s22 =	simm.s32 $0x800;
	[dreg:$0xb] =	wrdreg s14  }
0x25: {  	s23 =	simm.s32 $0x380;
	s8 =	sadd.s32 s6, s8;
	[dreg:$0xc] =	wrdreg s15  }
0x26: {  	s7 =	sadd.s32 s6, s7;
	s9 =	sshrl.u32 s13, $0x3;
	[dreg:$0xd] =	wrdreg s16  }
0x27: {  	s1 =	sshrl.u32 s1, $0x3;
	s13 =	simm.s32 $0x580;
	s14 =	simm.s32 $0x100  }
0x28: {  	s15 =	simm.s32 $0x600;
	s16 =	simm.s32 $0x180;
	[dreg:$0x16] =	wrdreg s8  }
0x29: {  	s12 =	simm.s32 $0x880;
	[dreg:$0x17] =	wrdreg s7;
	s9 =	sadd.s32 s6, s9  }
0x2a: {  	s7 =	sshrl.u32 s18, $0x3;
	s1 =	sadd.s32 s6, s1;
	[dreg:$0x1b] =	wrdreg s9  }
0x2b: {  	s8 =	sshrl.u32 s26, $0x3;
	s7 =	sadd.s32 s6, s7;
	[dreg:$0x1d] =	wrdreg s1  }
0x2c: {  	s26 =	simm.s32 $0x1;
	s8 =	sadd.s32 s6, s8;
	[dreg:$0x1a] =	wrdreg s7  }
0x2d: {  	s9 =	simm.s32 $0x4600;
	s7 =	sshrl.u32 s17, $0x3;
	[dreg:$0x1c] =	wrdreg s8  }
0x2e: {  	s17 =	simm.s32 $0x680;
	s8 =	simm.s32 $0x5A00;
	s18 =	sadd.s32 s6, s7  }
0x2f: {  	s7 =	simm.s32 $0x500;
	[dreg:$0x1e] =	wrdreg s18;
	s18 =	simm.s32 $0x700  }
.LBB2_1:
0x30: {  	s1 =	rddreg [dreg:$0xe]  }
0x31: {  	s25 =	sshrl.u32 s1, $0x3;
	s1 =	rddreg [dreg:$0x1]  }
0x32: {  	[smem:$0x7F6] =	sst s25  }
0x33: {  	[spmem:s25], [sflag:s10] =	dma.local [hbm:s1], $0x2800  }
0x34: {  	_ =	swait.ge [sflag:s0], $0x2800  }
0x35: {  	[sflag:s0] =	ssyncset.done $0x0  }
0x36: {  	s10 =	rddreg [dreg:$0x11];
	[sflag:s0] =	ssyncadd.s32 $0xFFFFD800  }
0x37: {  	[tilespmem:s4], [sflag:$0x1] =	stream.linear.gather [hbm4b:s10+s4], $0x28, $0x38;
	[tilespmem:$0x1AE00] =	vst v63  }
0x38: {  	s25 =	rddreg [dreg:$0x10]  }
0x39: {  	[tilespmem:s7], [sflag:$0x1] =	stream.linear.gather [hbm4b:s25+s4], $0x28, $0x38;
	[tilespmem:$0x1AE00] =	vst v63  }
0x3a: {  	s10 =	rddreg [dreg:$0x12]  }
0x3b: {  	[tilespmem:s11], [sflag:$0x1] =	stream.linear.gather [hbm4b:s10+s4], $0x28, $0x38;
	[tilespmem:$0x1AE00] =	vst v63  }
0x3c: {  	s25 =	rddreg [dreg:$0x13]  }
0x3d: {  	[tilespmem:s13], [sflag:$0x1] =	stream.linear.gather [hbm4b:s25+s4], $0x28, $0x38;
	[tilespmem:$0x1AE00] =	vst v63  }
0x3e: {  	s10 =	rddreg [dreg:$0x14]  }
0x3f: {  	[tilespmem:s14], [sflag:$0x1] =	stream.linear.gather [hbm4b:s10+s4], $0x28, $0x38;
	[tilespmem:$0x1AE00] =	vst v63  }
0x40: {  	s25 =	rddreg [dreg:$0x15]  }
0x41: {  	[tilespmem:s15], [sflag:$0x1] =	stream.linear.gather [hbm4b:s25+s4], $0x28, $0x38;
	[tilespmem:$0x1AE00] =	vst v63  }
0x42: {  	s10 =	rddreg [dreg:$0x16]  }
0x43: {  	[tilespmem:s16], [sflag:$0x1] =	stream.linear.gather [hbm4b:s10+s4], $0x28, $0x38;
	[tilespmem:$0x1AE00] =	vst v63  }
0x44: {  	s25 =	rddreg [dreg:$0x17]  }
0x45: {  	[tilespmem:s17], [sflag:$0x1] =	stream.linear.gather [hbm4b:s25+s4], $0x28, $0x38;
	[tilespmem:$0x1AE00] =	vst v63  }
0x46: {  	s10 =	rddreg [dreg:$0x18];
	s25 =	simm.s32 $0x200  }
0x47: {  	[tilespmem:s25], [sflag:$0x1] =	stream.linear.gather [hbm4b:s10+s4], $0x28, $0x38;
	[tilespmem:$0x1AE00] =	vst v63  }
0x48: {  	s10 =	sld [smem:$0x7F8];
	_ =	sdelay $0x2  }
0x49: {  	[tilespmem:s18], [sflag:$0x1] =	stream.linear.gather [hbm4b:s10+s4], $0x28, $0x38;
	[tilespmem:$0x1AE00] =	vst v63  }
0x4a: {  	s10 =	rddreg [dreg:$0x19]  }
0x4b: {  	[tilespmem:s19], [sflag:$0x1] =	stream.linear.gather [hbm4b:s10+s4], $0x28, $0x38;
	[tilespmem:$0x1AE00] =	vst v63  }
0x4c: {  	s10 =	rddreg [dreg:$0x1a]  }
0x4d: {  	[tilespmem:s20], [sflag:$0x1] =	stream.linear.gather [hbm4b:s10+s4], $0x28, $0x38;
	[tilespmem:$0x1AE00] =	vst v63  }
0x4e: {  	s10 =	sld [smem:$0x7F9];
	_ =	sdelay $0x2  }
0x4f: {  	[tilespmem:s21], [sflag:$0x1] =	stream.linear.gather [hbm4b:s10+s4], $0x28, $0x38;
	[tilespmem:$0x1AE00] =	vst v63  }
0x50: {  	s10 =	sld [smem:$0x7FA];
	_ =	sdelay $0x2  }
0x51: {  	[tilespmem:s22], [sflag:$0x1] =	stream.linear.gather [hbm4b:s10+s4], $0x28, $0x38;
	[tilespmem:$0x1AE00] =	vst v63  }
0x52: {  	s10 =	rddreg [dreg:$0x1b]  }
0x53: {  	[tilespmem:s23], [sflag:$0x1] =	stream.linear.gather [hbm4b:s10+s4], $0x28, $0x38;
	[tilespmem:$0x1AE00] =	vst v63  }
0x54: {  	s10 =	rddreg [dreg:$0x1c]  }
0x55: {  	[tilespmem:s12], [sflag:$0x1] =	stream.linear.gather [hbm4b:s10+s4], $0x28, $0x38;
	[tilespmem:$0x1AE00] =	vst v63  }
0x56: {  	s10 =	sld [smem:$0x7FB];
	_ =	sdelay $0x1  }
0x57: {  	s24 =	simm.s32 $0x400  }
0x58: {  	[tilespmem:s24], [sflag:$0x1] =	stream.linear.gather [hbm4b:s10+s4], $0x28, $0x38;
	[tilespmem:$0x1AE00] =	vst v63  }
0x59: {  	s10 =	sld [smem:$0x7FC];
	_ =	sdelay $0x1  }
0x5a: {  	s24 =	simm.s32 $0x900  }
0x5b: {  	[tilespmem:s24], [sflag:$0x1] =	stream.linear.gather [hbm4b:s10+s4], $0x28, $0x38;
	[tilespmem:$0x1AE00] =	vst v63  }
0x5c: {  	s10 =	rddreg [dreg:$0x1d];
	s24 =	simm.s32 $0x480  }
0x5d: {  	[tilespmem:s24], [sflag:$0x1] =	stream.linear.gather [hbm4b:s10+s4], $0x28, $0x38;
	[tilespmem:$0x1AE00] =	vst v63  }
0x5e: {  	s1 =	rddreg [dreg:$0x1e];
	s10 =	simm.s32 $0x980  }
0x5f: {  	[tilespmem:s10], [sflag:$0x1] =	stream.linear.gather [hbm4b:s1+s4], $0x28, $0x38;
	[tilespmem:$0x1AE00] =	vst v63  }
0x60: {  	_ =	swait.ge [sflag:s26], $0x28  }
0x61: {  	[sflag:s26] =	ssyncset.done $0x0  }
0x62: {  	[sflag:s26] =	ssyncadd.s32 $0xFFFFFFD8  }
0x63: {  	_ =	swait.ge [sflag:s26], $0x28  }
0x64: {  	[sflag:s26] =	ssyncset.done $0x0  }
0x65: {  	[sflag:s26] =	ssyncadd.s32 $0xFFFFFFD8  }
0x66: {  	_ =	swait.ge [sflag:s26], $0x28  }
0x67: {  	[sflag:s26] =	ssyncset.done $0x0  }
0x68: {  	[sflag:s26] =	ssyncadd.s32 $0xFFFFFFD8  }
0x69: {  	_ =	swait.ge [sflag:s26], $0x28  }
0x6a: {  	[sflag:s26] =	ssyncset.done $0x0  }
0x6b: {  	[sflag:s26] =	ssyncadd.s32 $0xFFFFFFD8  }
0x6c: {  	_ =	swait.ge [sflag:s26], $0x28  }
0x6d: {  	[sflag:s26] =	ssyncset.done $0x0  }
0x6e: {  	[sflag:s26] =	ssyncadd.s32 $0xFFFFFFD8  }
0x6f: {  	_ =	swait.ge [sflag:s26], $0x28  }
0x70: {  	[sflag:s26] =	ssyncset.done $0x0  }
0x71: {  	[sflag:s26] =	ssyncadd.s32 $0xFFFFFFD8  }
0x72: {  	_ =	swait.ge [sflag:s26], $0x28  }
0x73: {  	[sflag:s26] =	ssyncset.done $0x0  }
0x74: {  	[sflag:s26] =	ssyncadd.s32 $0xFFFFFFD8  }
0x75: {  	_ =	swait.ge [sflag:s26], $0x28  }
0x76: {  	[sflag:s26] =	ssyncset.done $0x0  }
0x77: {  	[sflag:s26] =	ssyncadd.s32 $0xFFFFFFD8  }
0x78: {  	_ =	swait.ge [sflag:s26], $0x28  }
0x79: {  	[sflag:s26] =	ssyncset.done $0x0  }
0x7a: {  	[sflag:s26] =	ssyncadd.s32 $0xFFFFFFD8  }
0x7b: {  	_ =	swait.ge [sflag:s26], $0x28  }
0x7c: {  	[sflag:s26] =	ssyncset.done $0x0  }
0x7d: {  	[sflag:s26] =	ssyncadd.s32 $0xFFFFFFD8  }
0x7e: {  	[bflag:$0x0] =	sbarrier.arrive $0xFFFF  }
0x7f: {  	[tilespmem:s29], [sflag:$0x2] =	stream.indirect.gather [hbm4b:s5+s28], $0x80, s4, s28, $0xb8;
	[tilespmem:$0x1AE00] =	vst v63  }
0x80: {  	_ = 	snop  }
0x81: {  	[tilespmem:s30], [sflag:$0x2] =	stream.indirect.gather [hbm4b:s5+s28], $0x80, s11, s28, $0xb8;
	[tilespmem:$0x1AE00] =	vst v63  }
0x82: {  	_ = 	snop  }
0x83: {  	[tilespmem:s31], [sflag:$0x2] =	stream.indirect.gather [hbm4b:s5+s28], $0x80, s14, s28, $0xb8;
	[tilespmem:$0x1AE00] =	vst v63  }
0x84: {  	_ = 	snop  }
0x85: {  	[tilespmem:s9], [sflag:$0x2] =	stream.indirect.gather [hbm4b:s5+s28], $0x80, s16, s28, $0xb8;
	[tilespmem:$0x1AE00] =	vst v63  }
0x86: {  	_ = 	snop  }
0x87: {  	[tilespmem:s8], [sflag:$0x2] =	stream.indirect.gather [hbm4b:s5+s28], $0x80, s25, s28, $0xb8;
	[tilespmem:$0x1AE00] =	vst v63  }
0x88: {  	_ =	swait.ge [sflag:s3], $0x1400  }
0x89: {  	[sflag:s3] =	ssyncset.done $0x0  }
0x8a: {  	s1 =	smin.u32 s4, $0xEF;
	[sflag:s3] =	ssyncadd.s32 $0xFFFFEC00  }
0x8b: {  	[spmem:s2] =	stream.indirect.scatter.add.f32 [tilespmem:s29], [sflag:$0x3], $0x80, s7, s28, $0xb8;
	[tilespmem:$0x1AE00] =	vst v63  }
0x8c: {  	s1 =	smul.u32 $0x28, s1;
	_ =	swait.ge [sflag:s0], $0x1400  }
0x8d: {  	s7 =	rddreg [dreg:$0x4]  }
0x8e: {  	s1 =	sadd.s32 s1, s7  }
0x8f: {  	s1 =	sshrl.u32 s1, $0x3  }
0x90: {  	[sflag:s0] =	ssyncset.done $0x0;
	s1 =	sadd.s32 s6, s1  }
0x91: {  	[sflag:s0] =	ssyncadd.s32 $0xFFFFEC00;
	s7 =	sadd.s32 $0x9C40, s1  }
0x92: {  	[tilespmem:s4], [sflag:$0x1] =	stream.linear.gather [hbm4b:s7+s4], $0x28, $0x38;
	[tilespmem:$0x1AE00] =	vst v63  }
0x93: {  	s10 =	simm.s32 $0x500  }
0x94: {  	[tilespmem:s10], [sflag:$0x1] =	stream.linear.gather [hbm4b:s1+s4], $0x28, $0x38;
	[tilespmem:$0x1AE00] =	vst v63  }
0x95: {  	_ =	swait.ge [sflag:s26], $0x28  }
0x96: {  	[sflag:s26] =	ssyncset.done $0x0  }
0x97: {  	[sflag:s26] =	ssyncadd.s32 $0xFFFFFFD8  }
0x98: {  	_ =	swait.ge [sflag:s26], $0x28  }
0x99: {  	[sflag:s26] =	ssyncset.done $0x0  }
0x9a: {  	[sflag:s26] =	ssyncadd.s32 $0xFFFFFFD8  }
0x9b: {  	[tilespmem:s29], [sflag:$0x2] =	stream.indirect.gather [hbm4b:s5+s28], $0x80, s19, s28, $0xb8;
	[tilespmem:$0x1AE00] =	vst v63  }
0x9c: {  	_ =	swait.ge [sflag:s3], $0x1400  }
0x9d: {  	[sflag:s3] =	ssyncset.done $0x0  }
0x9e: {  	s7 =	smin.u32 s4, $0xEE;
	[sflag:s3] =	ssyncadd.s32 $0xFFFFEC00  }
0x9f: {  	[spmem:s2] =	stream.indirect.scatter.add.f32 [tilespmem:s30], [sflag:$0x3], $0x80, s13, s28, $0xb8;
	[tilespmem:$0x1AE00] =	vst v63  }
0xa0: {  	s1 =	smul.u32 $0x28, s7;
	_ =	swait.ge [sflag:s0], $0x1400  }
0xa1: {  	s10 =	rddreg [dreg:$0x5]  }
0xa2: {  	s1 =	sadd.s32 s1, s10  }
0xa3: {  	s1 =	sshrl.u32 s1, $0x3  }
0xa4: {  	[sflag:s0] =	ssyncset.done $0x0;
	s1 =	sadd.s32 s6, s1  }
0xa5: {  	[sflag:s0] =	ssyncadd.s32 $0xFFFFEC00;
	s10 =	sadd.s32 $0x9C40, s1  }
0xa6: {  	[tilespmem:s11], [sflag:$0x1] =	stream.linear.gather [hbm4b:s10+s4], $0x28, $0x38;
	[tilespmem:$0x1AE00] =	vst v63  }
0xa7: {  	_ = 	snop  }
0xa8: {  	[tilespmem:s13], [sflag:$0x1] =	stream.linear.gather [hbm4b:s1+s4], $0x28, $0x38;
	[tilespmem:$0x1AE00] =	vst v63  }
0xa9: {  	_ =	swait.ge [sflag:s26], $0x28  }
0xaa: {  	[sflag:s26] =	ssyncset.done $0x0  }
0xab: {  	[sflag:s26] =	ssyncadd.s32 $0xFFFFFFD8  }
0xac: {  	_ =	swait.ge [sflag:s26], $0x28  }
0xad: {  	[sflag:s26] =	ssyncset.done $0x0  }
0xae: {  	[sflag:s26] =	ssyncadd.s32 $0xFFFFFFD8  }
0xaf: {  	[tilespmem:s30], [sflag:$0x2] =	stream.indirect.gather [hbm4b:s5+s28], $0x80, s21, s28, $0xb8;
	[tilespmem:$0x1AE00] =	vst v63  }
0xb0: {  	_ =	swait.ge [sflag:s3], $0x1400  }
0xb1: {  	[sflag:s3] =	ssyncset.done $0x0  }
0xb2: {  	s7 =	smin.u32 s4, $0xED;
	[sflag:s3] =	ssyncadd.s32 $0xFFFFEC00  }
0xb3: {  	[spmem:s2] =	stream.indirect.scatter.add.f32 [tilespmem:s31], [sflag:$0x3], $0x80, s15, s28, $0xb8;
	[tilespmem:$0x1AE00] =	vst v63  }
0xb4: {  	s1 =	smul.u32 $0x28, s7;
	_ =	swait.ge [sflag:s0], $0x1400  }
0xb5: {  	s10 =	rddreg [dreg:$0x6]  }
0xb6: {  	s1 =	sadd.s32 s1, s10  }
0xb7: {  	s1 =	sshrl.u32 s1, $0x3  }
0xb8: {  	[sflag:s0] =	ssyncset.done $0x0;
	s1 =	sadd.s32 s6, s1  }
0xb9: {  	[sflag:s0] =	ssyncadd.s32 $0xFFFFEC00;
	s13 =	sadd.s32 $0x9C40, s1  }
0xba: {  	[tilespmem:s14], [sflag:$0x1] =	stream.linear.gather [hbm4b:s13+s4], $0x28, $0x38;
	[tilespmem:$0x1AE00] =	vst v63  }
0xbb: {  	_ = 	snop  }
0xbc: {  	[tilespmem:s15], [sflag:$0x1] =	stream.linear.gather [hbm4b:s1+s4], $0x28, $0x38;
	[tilespmem:$0x1AE00] =	vst v63  }
0xbd: {  	_ =	swait.ge [sflag:s26], $0x28  }
0xbe: {  	[sflag:s26] =	ssyncset.done $0x0  }
0xbf: {  	[sflag:s26] =	ssyncadd.s32 $0xFFFFFFD8  }
0xc0: {  	_ =	swait.ge [sflag:s26], $0x28  }
0xc1: {  	[sflag:s26] =	ssyncset.done $0x0  }
0xc2: {  	[sflag:s26] =	ssyncadd.s32 $0xFFFFFFD8  }
0xc3: {  	[tilespmem:s31], [sflag:$0x2] =	stream.indirect.gather [hbm4b:s5+s28], $0x80, s23, s28, $0xb8;
	[tilespmem:$0x1AE00] =	vst v63  }
0xc4: {  	_ =	swait.ge [sflag:s3], $0x1400  }
0xc5: {  	[sflag:s3] =	ssyncset.done $0x0  }
0xc6: {  	s7 =	smin.u32 s4, $0xEC;
	[sflag:s3] =	ssyncadd.s32 $0xFFFFEC00  }
0xc7: {  	[spmem:s2] =	stream.indirect.scatter.add.f32 [tilespmem:s9], [sflag:$0x3], $0x80, s17, s28, $0xb8;
	[tilespmem:$0x1AE00] =	vst v63  }
0xc8: {  	s1 =	smul.u32 $0x28, s7;
	_ =	swait.ge [sflag:s0], $0x1400  }
0xc9: {  	s10 =	rddreg [dreg:$0x7]  }
0xca: {  	s1 =	sadd.s32 s1, s10  }
0xcb: {  	s1 =	sshrl.u32 s1, $0x3  }
0xcc: {  	[sflag:s0] =	ssyncset.done $0x0;
	s1 =	sadd.s32 s6, s1  }
0xcd: {  	[sflag:s0] =	ssyncadd.s32 $0xFFFFEC00;
	s13 =	sadd.s32 $0x9C40, s1  }
0xce: {  	[tilespmem:s16], [sflag:$0x1] =	stream.linear.gather [hbm4b:s13+s4], $0x28, $0x38;
	[tilespmem:$0x1AE00] =	vst v63  }
0xcf: {  	_ = 	snop  }
0xd0: {  	[tilespmem:s17], [sflag:$0x1] =	stream.linear.gather [hbm4b:s1+s4], $0x28, $0x38;
	[tilespmem:$0x1AE00] =	vst v63  }
0xd1: {  	_ =	swait.ge [sflag:s26], $0x28  }
0xd2: {  	[sflag:s26] =	ssyncset.done $0x0  }
0xd3: {  	[sflag:s26] =	ssyncadd.s32 $0xFFFFFFD8  }
0xd4: {  	_ =	swait.ge [sflag:s26], $0x28  }
0xd5: {  	[sflag:s26] =	ssyncset.done $0x0  }
0xd6: {  	s13 =	simm.s32 $0x400;
	[sflag:s26] =	ssyncadd.s32 $0xFFFFFFD8  }
0xd7: {  	[tilespmem:s9], [sflag:$0x2] =	stream.indirect.gather [hbm4b:s5+s28], $0x80, s13, s28, $0xb8;
	[tilespmem:$0x1AE00] =	vst v63  }
0xd8: {  	_ =	swait.ge [sflag:s3], $0x1400  }
0xd9: {  	[sflag:s3] =	ssyncset.done $0x0  }
0xda: {  	s15 =	smin.u32 s4, $0xEB;
	[sflag:s3] =	ssyncadd.s32 $0xFFFFEC00  }
0xdb: {  	[spmem:s2] =	stream.indirect.scatter.add.f32 [tilespmem:s8], [sflag:$0x3], $0x80, s18, s28, $0xb8;
	[tilespmem:$0x1AE00] =	vst v63  }
0xdc: {  	s1 =	smul.u32 $0x28, s15;
	_ =	swait.ge [sflag:s0], $0x1400  }
0xdd: {  	s17 =	rddreg [dreg:$0x8]  }
0xde: {  	s1 =	sadd.s32 s1, s17  }
0xdf: {  	s1 =	sshrl.u32 s1, $0x3  }
0xe0: {  	[sflag:s0] =	ssyncset.done $0x0;
	s1 =	sadd.s32 s6, s1  }
0xe1: {  	[sflag:s0] =	ssyncadd.s32 $0xFFFFEC00;
	s10 =	sadd.s32 $0x9C40, s1  }
0xe2: {  	[tilespmem:s25], [sflag:$0x1] =	stream.linear.gather [hbm4b:s10+s4], $0x28, $0x38;
	[tilespmem:$0x1AE00] =	vst v63  }
0xe3: {  	_ = 	snop  }
0xe4: {  	[tilespmem:s18], [sflag:$0x1] =	stream.linear.gather [hbm4b:s1+s4], $0x28, $0x38;
	[tilespmem:$0x1AE00] =	vst v63  }
0xe5: {  	_ =	swait.ge [sflag:s26], $0x28  }
0xe6: {  	[sflag:s26] =	ssyncset.done $0x0  }
0xe7: {  	[sflag:s26] =	ssyncadd.s32 $0xFFFFFFD8  }
0xe8: {  	_ =	swait.ge [sflag:s26], $0x28  }
0xe9: {  	[sflag:s26] =	ssyncset.done $0x0  }
0xea: {  	[sflag:s26] =	ssyncadd.s32 $0xFFFFFFD8  }
0xeb: {  	[tilespmem:s8], [sflag:$0x2] =	stream.indirect.gather [hbm4b:s5+s28], $0x80, s24, s28, $0xb8;
	[tilespmem:$0x1AE00] =	vst v63  }
0xec: {  	_ =	swait.ge [sflag:s3], $0x1400  }
0xed: {  	[sflag:s3] =	ssyncset.done $0x0  }
0xee: {  	s15 =	smin.u32 s4, $0xEA;
	[sflag:s3] =	ssyncadd.s32 $0xFFFFEC00  }
0xef: {  	[spmem:s2] =	stream.indirect.scatter.add.f32 [tilespmem:s29], [sflag:$0x3], $0x80, s20, s28, $0xb8;
	[tilespmem:$0x1AE00] =	vst v63  }
0xf0: {  	s1 =	smul.u32 $0x28, s15;
	_ =	swait.ge [sflag:s0], $0x1400  }
0xf1: {  	s17 =	rddreg [dreg:$0x9]  }
0xf2: {  	s1 =	sadd.s32 s1, s17  }
0xf3: {  	s1 =	sshrl.u32 s1, $0x3  }
0xf4: {  	[sflag:s0] =	ssyncset.done $0x0;
	s1 =	sadd.s32 s6, s1  }
0xf5: {  	[sflag:s0] =	ssyncadd.s32 $0xFFFFEC00;
	s18 =	sadd.s32 $0x9C40, s1  }
0xf6: {  	[tilespmem:s19], [sflag:$0x1] =	stream.linear.gather [hbm4b:s18+s4], $0x28, $0x38;
	[tilespmem:$0x1AE00] =	vst v63  }
0xf7: {  	_ = 	snop  }
0xf8: {  	[tilespmem:s20], [sflag:$0x1] =	stream.linear.gather [hbm4b:s1+s4], $0x28, $0x38;
	[tilespmem:$0x1AE00] =	vst v63  }
0xf9: {  	_ =	swait.ge [sflag:s26], $0x28  }
0xfa: {  	[sflag:s26] =	ssyncset.done $0x0  }
0xfb: {  	[sflag:s26] =	ssyncadd.s32 $0xFFFFFFD8  }
0xfc: {  	_ =	swait.ge [sflag:s26], $0x28  }
0xfd: {  	[sflag:s26] =	ssyncset.done $0x0  }
0xfe: {  	[sflag:s26] =	ssyncadd.s32 $0xFFFFFFD8  }
0xff: {  	[tilespmem:s29], [sflag:$0x2] =	stream.indirect.gather [hbm4b:s5+s28], $0x80, s4, s28, $0xb8;
	[tilespmem:$0x1AE00] =	vst v63  }
0x100: {  	_ =	swait.ge [sflag:s3], $0x1400  }
0x101: {  	[sflag:s3] =	ssyncset.done $0x0  }
0x102: {  	s19 =	smin.u32 s4, $0xE9;
	[sflag:s3] =	ssyncadd.s32 $0xFFFFEC00  }
0x103: {  	[spmem:s2] =	stream.indirect.scatter.add.f32 [tilespmem:s30], [sflag:$0x3], $0x80, s22, s28, $0xb8;
	[tilespmem:$0x1AE00] =	vst v63  }
0x104: {  	s1 =	smul.u32 $0x28, s19;
	_ =	swait.ge [sflag:s0], $0x1400  }
0x105: {  	s20 =	rddreg [dreg:$0xa]  }
0x106: {  	s1 =	sadd.s32 s1, s20  }
0x107: {  	s1 =	sshrl.u32 s1, $0x3  }
0x108: {  	[sflag:s0] =	ssyncset.done $0x0;
	s1 =	sadd.s32 s6, s1  }
0x109: {  	[sflag:s0] =	ssyncadd.s32 $0xFFFFEC00;
	s25 =	sadd.s32 $0x9C40, s1  }
0x10a: {  	[tilespmem:s21], [sflag:$0x1] =	stream.linear.gather [hbm4b:s25+s4], $0x28, $0x38;
	[tilespmem:$0x1AE00] =	vst v63  }
0x10b: {  	_ = 	snop  }
0x10c: {  	[tilespmem:s22], [sflag:$0x1] =	stream.linear.gather [hbm4b:s1+s4], $0x28, $0x38;
	[tilespmem:$0x1AE00] =	vst v63  }
0x10d: {  	_ =	swait.ge [sflag:s26], $0x28  }
0x10e: {  	[sflag:s26] =	ssyncset.done $0x0  }
0x10f: {  	[sflag:s26] =	ssyncadd.s32 $0xFFFFFFD8  }
0x110: {  	_ =	swait.ge [sflag:s26], $0x28  }
0x111: {  	[sflag:s26] =	ssyncset.done $0x0  }
0x112: {  	[sflag:s26] =	ssyncadd.s32 $0xFFFFFFD8  }
0x113: {  	[tilespmem:s30], [sflag:$0x2] =	stream.indirect.gather [hbm4b:s5+s28], $0x80, s11, s28, $0xb8;
	[tilespmem:$0x1AE00] =	vst v63  }
0x114: {  	_ =	swait.ge [sflag:s3], $0x1400  }
0x115: {  	[sflag:s3] =	ssyncset.done $0x0  }
0x116: {  	s10 =	smin.u32 s4, $0xE8;
	[sflag:s3] =	ssyncadd.s32 $0xFFFFEC00  }
0x117: {  	[spmem:s2] =	stream.indirect.scatter.add.f32 [tilespmem:s31], [sflag:$0x3], $0x80, s12, s28, $0xb8;
	[tilespmem:$0x1AE00] =	vst v63  }
0x118: {  	s1 =	smul.u32 $0x28, s10;
	_ =	swait.ge [sflag:s0], $0x1400  }
0x119: {  	s11 =	rddreg [dreg:$0xb]  }
0x11a: {  	s1 =	sadd.s32 s1, s11  }
0x11b: {  	s1 =	sshrl.u32 s1, $0x3  }
0x11c: {  	[sflag:s0] =	ssyncset.done $0x0;
	s1 =	sadd.s32 s6, s1  }
0x11d: {  	[sflag:s0] =	ssyncadd.s32 $0xFFFFEC00;
	s15 =	sadd.s32 $0x9C40, s1  }
0x11e: {  	[tilespmem:s23], [sflag:$0x1] =	stream.linear.gather [hbm4b:s15+s4], $0x28, $0x38;
	[tilespmem:$0x1AE00] =	vst v63  }
0x11f: {  	_ = 	snop  }
0x120: {  	[tilespmem:s12], [sflag:$0x1] =	stream.linear.gather [hbm4b:s1+s4], $0x28, $0x38;
	[tilespmem:$0x1AE00] =	vst v63  }
0x121: {  	_ =	swait.ge [sflag:s26], $0x28  }
0x122: {  	[sflag:s26] =	ssyncset.done $0x0  }
0x123: {  	[sflag:s26] =	ssyncadd.s32 $0xFFFFFFD8  }
0x124: {  	_ =	swait.ge [sflag:s26], $0x28  }
0x125: {  	[sflag:s26] =	ssyncset.done $0x0  }
0x126: {  	[sflag:s26] =	ssyncadd.s32 $0xFFFFFFD8  }
0x127: {  	[tilespmem:s31], [sflag:$0x2] =	stream.indirect.gather [hbm4b:s5+s28], $0x80, s14, s28, $0xb8;
	[tilespmem:$0x1AE00] =	vst v63  }
0x128: {  	_ =	swait.ge [sflag:s3], $0x1400  }
0x129: {  	[sflag:s3] =	ssyncset.done $0x0  }
0x12a: {  	s17 =	simm.s32 $0x900;
	s18 =	smin.u32 s4, $0xE7;
	[sflag:s3] =	ssyncadd.s32 $0xFFFFEC00  }
0x12b: {  	[spmem:s2] =	stream.indirect.scatter.add.f32 [tilespmem:s9], [sflag:$0x3], $0x80, s17, s28, $0xb8;
	[tilespmem:$0x1AE00] =	vst v63  }
0x12c: {  	s1 =	smul.u32 $0x28, s18;
	_ =	swait.ge [sflag:s0], $0x1400  }
0x12d: {  	s19 =	rddreg [dreg:$0xc]  }
0x12e: {  	s1 =	sadd.s32 s1, s19  }
0x12f: {  	s1 =	sshrl.u32 s1, $0x3  }
0x130: {  	[sflag:s0] =	ssyncset.done $0x0;
	s1 =	sadd.s32 s6, s1  }
0x131: {  	[sflag:s0] =	ssyncadd.s32 $0xFFFFEC00;
	s20 =	sadd.s32 $0x9C40, s1  }
0x132: {  	[tilespmem:s13], [sflag:$0x1] =	stream.linear.gather [hbm4b:s20+s4], $0x28, $0x38;
	[tilespmem:$0x1AE00] =	vst v63  }
0x133: {  	_ = 	snop  }
0x134: {  	[tilespmem:s17], [sflag:$0x1] =	stream.linear.gather [hbm4b:s1+s4], $0x28, $0x38;
	[tilespmem:$0x1AE00] =	vst v63  }
0x135: {  	_ =	swait.ge [sflag:s26], $0x28  }
0x136: {  	[sflag:s26] =	ssyncset.done $0x0  }
0x137: {  	[sflag:s26] =	ssyncadd.s32 $0xFFFFFFD8  }
0x138: {  	_ =	swait.ge [sflag:s26], $0x28  }
0x139: {  	[sflag:s26] =	ssyncset.done $0x0  }
0x13a: {  	[sflag:s26] =	ssyncadd.s32 $0xFFFFFFD8  }
0x13b: {  	[tilespmem:s9], [sflag:$0x2] =	stream.indirect.gather [hbm4b:s5+s28], $0x80, s16, s28, $0xb8;
	[tilespmem:$0x1AE00] =	vst v63  }
0x13c: {  	_ =	swait.ge [sflag:s3], $0x1400  }
0x13d: {  	[sflag:s3] =	ssyncset.done $0x0  }
0x13e: {  	s21 =	simm.s32 $0x980;
	s22 =	smin.u32 s4, $0xE6;
	[sflag:s3] =	ssyncadd.s32 $0xFFFFEC00  }
0x13f: {  	[spmem:s2] =	stream.indirect.scatter.add.f32 [tilespmem:s8], [sflag:$0x3], $0x80, s21, s28, $0xb8;
	[tilespmem:$0x1AE00] =	vst v63  }
0x140: {  	s1 =	smul.u32 $0x28, s22;
	_ =	swait.ge [sflag:s0], $0x1400  }
0x141: {  	s23 =	rddreg [dreg:$0xd]  }
0x142: {  	s1 =	sadd.s32 s1, s23  }
0x143: {  	s1 =	sshrl.u32 s1, $0x3  }
0x144: {  	[sflag:s0] =	ssyncset.done $0x0;
	s1 =	sadd.s32 s6, s1  }
0x145: {  	[sflag:s0] =	ssyncadd.s32 $0xFFFFEC00;
	s25 =	sadd.s32 $0x9C40, s1  }
0x146: {  	[tilespmem:s24], [sflag:$0x1] =	stream.linear.gather [hbm4b:s25+s4], $0x28, $0x38;
	[tilespmem:$0x1AE00] =	vst v63  }
0x147: {  	_ = 	snop  }
0x148: {  	[tilespmem:s21], [sflag:$0x1] =	stream.linear.gather [hbm4b:s1+s4], $0x28, $0x38;
	[tilespmem:$0x1AE00] =	vst v63  }
0x149: {  	s15 =	simm.s32 $0x100;
	_ =	swait.ge [sflag:s26], $0x28  }
0x14a: {  	s12 =	simm.s32 $0x400;
	s14 =	simm.s32 $0x900;
	[sflag:s26] =	ssyncset.done $0x0  }
0x14b: {  	s13 =	simm.s32 $0x80;
	s22 =	simm.s32 $0x280;
	[sflag:s26] =	ssyncadd.s32 $0xFFFFFFD8  }
0x14c: {  	s17 =	simm.s32 $0x180;
	s23 =	simm.s32 $0x300;
	_ =	swait.ge [sflag:s26], $0x28  }
0x14d: {  	s24 =	simm.s32 $0x800;
	s25 =	simm.s32 $0x380;
	[sflag:s26] =	ssyncset.done $0x0  }
0x14e: {  	s1 =	simm.s32 $0xA;
	s21 =	simm.s32 $0x700;
	[sflag:s26] =	ssyncadd.s32 $0xFFFFFFD8  }
.LBB2_2:
0x14f: {  	s20 =	simm.s32 $0x200  }
0x150: {  	[tilespmem:s8], [sflag:$0x2] =	stream.indirect.gather [hbm4b:s5+s28], $0x80, s20, s28, $0xb8;
	[tilespmem:$0x1AE00] =	vst v63  }
0x151: {  	_ =	swait.ge [sflag:s3], $0x1400  }
0x152: {  	s7 =	smov.u32 s1;
	[sflag:s3] =	ssyncset.done $0x0  }
0x153: {  	s16 =	simm.s32 $0x500;
	s10 =	smin.u32 s7, $0xEF;
	[sflag:s3] =	ssyncadd.s32 $0xFFFFEC00  }
0x154: {  	[spmem:s2] =	stream.indirect.scatter.add.f32 [tilespmem:s29], [sflag:$0x3], $0x80, s16, s28, $0xb8;
	[tilespmem:$0x1AE00] =	vst v63  }
0x155: {  	s10 =	smul.u32 $0x28, s10;
	_ =	swait.ge [sflag:s0], $0x1400  }
0x156: {  	s11 =	rddreg [dreg:$0x4]  }
0x157: {  	s10 =	sadd.s32 s10, s11  }
0x158: {  	s10 =	sshrl.u32 s10, $0x3  }
0x159: {  	[sflag:s0] =	ssyncset.done $0x0;
	s10 =	sadd.s32 s6, s10  }
0x15a: {  	[sflag:s0] =	ssyncadd.s32 $0xFFFFEC00;
	s19 =	sadd.s32 $0x9C40, s10  }
0x15b: {  	[tilespmem:s4], [sflag:$0x1] =	stream.linear.gather [hbm4b:s19+s4], $0x28, $0x38;
	[tilespmem:$0x1AE00] =	vst v63  }
0x15c: {  	_ = 	snop  }
0x15d: {  	[tilespmem:s16], [sflag:$0x1] =	stream.linear.gather [hbm4b:s10+s4], $0x28, $0x38;
	[tilespmem:$0x1AE00] =	vst v63  }
0x15e: {  	_ =	swait.ge [sflag:s26], $0x28  }
0x15f: {  	[sflag:s26] =	ssyncset.done $0x0  }
0x160: {  	[sflag:s26] =	ssyncadd.s32 $0xFFFFFFD8  }
0x161: {  	_ =	swait.ge [sflag:s26], $0x28  }
0x162: {  	[sflag:s26] =	ssyncset.done $0x0  }
0x163: {  	[sflag:s26] =	ssyncadd.s32 $0xFFFFFFD8  }
0x164: {  	[tilespmem:s29], [sflag:$0x2] =	stream.indirect.gather [hbm4b:s5+s28], $0x80, s22, s28, $0xb8;
	[tilespmem:$0x1AE00] =	vst v63  }
0x165: {  	_ =	swait.ge [sflag:s3], $0x1400  }
0x166: {  	[sflag:s3] =	ssyncset.done $0x0  }
0x167: {  	s11 =	smin.u32 s7, $0xEE;
	s16 =	simm.s32 $0x580;
	[sflag:s3] =	ssyncadd.s32 $0xFFFFEC00  }
0x168: {  	[spmem:s2] =	stream.indirect.scatter.add.f32 [tilespmem:s30], [sflag:$0x3], $0x80, s16, s28, $0xb8;
	[tilespmem:$0x1AE00] =	vst v63  }
0x169: {  	s10 =	smul.u32 $0x28, s11;
	_ =	swait.ge [sflag:s0], $0x1400  }
0x16a: {  	s18 =	rddreg [dreg:$0x5]  }
0x16b: {  	s10 =	sadd.s32 s10, s18  }
0x16c: {  	s10 =	sshrl.u32 s10, $0x3  }
0x16d: {  	[sflag:s0] =	ssyncset.done $0x0;
	s10 =	sadd.s32 s6, s10  }
0x16e: {  	[sflag:s0] =	ssyncadd.s32 $0xFFFFEC00;
	s19 =	sadd.s32 $0x9C40, s10  }
0x16f: {  	[tilespmem:s13], [sflag:$0x1] =	stream.linear.gather [hbm4b:s19+s4], $0x28, $0x38;
	[tilespmem:$0x1AE00] =	vst v63  }
0x170: {  	_ = 	snop  }
0x171: {  	[tilespmem:s16], [sflag:$0x1] =	stream.linear.gather [hbm4b:s10+s4], $0x28, $0x38;
	[tilespmem:$0x1AE00] =	vst v63  }
0x172: {  	_ =	swait.ge [sflag:s26], $0x28  }
0x173: {  	[sflag:s26] =	ssyncset.done $0x0  }
0x174: {  	[sflag:s26] =	ssyncadd.s32 $0xFFFFFFD8  }
0x175: {  	_ =	swait.ge [sflag:s26], $0x28  }
0x176: {  	[sflag:s26] =	ssyncset.done $0x0  }
0x177: {  	[sflag:s26] =	ssyncadd.s32 $0xFFFFFFD8  }
0x178: {  	[tilespmem:s30], [sflag:$0x2] =	stream.indirect.gather [hbm4b:s5+s28], $0x80, s23, s28, $0xb8;
	[tilespmem:$0x1AE00] =	vst v63  }
0x179: {  	_ =	swait.ge [sflag:s3], $0x1400  }
0x17a: {  	[sflag:s3] =	ssyncset.done $0x0  }
0x17b: {  	s11 =	smin.u32 s7, $0xED;
	s16 =	simm.s32 $0x600;
	[sflag:s3] =	ssyncadd.s32 $0xFFFFEC00  }
0x17c: {  	[spmem:s2] =	stream.indirect.scatter.add.f32 [tilespmem:s31], [sflag:$0x3], $0x80, s16, s28, $0xb8;
	[tilespmem:$0x1AE00] =	vst v63  }
0x17d: {  	s10 =	smul.u32 $0x28, s11;
	_ =	swait.ge [sflag:s0], $0x1400  }
0x17e: {  	s18 =	rddreg [dreg:$0x6]  }
0x17f: {  	s10 =	sadd.s32 s10, s18  }
0x180: {  	s10 =	sshrl.u32 s10, $0x3  }
0x181: {  	[sflag:s0] =	ssyncset.done $0x0;
	s10 =	sadd.s32 s6, s10  }
0x182: {  	[sflag:s0] =	ssyncadd.s32 $0xFFFFEC00;
	s19 =	sadd.s32 $0x9C40, s10  }
0x183: {  	[tilespmem:s15], [sflag:$0x1] =	stream.linear.gather [hbm4b:s19+s4], $0x28, $0x38;
	[tilespmem:$0x1AE00] =	vst v63  }
0x184: {  	_ = 	snop  }
0x185: {  	[tilespmem:s16], [sflag:$0x1] =	stream.linear.gather [hbm4b:s10+s4], $0x28, $0x38;
	[tilespmem:$0x1AE00] =	vst v63  }
0x186: {  	_ =	swait.ge [sflag:s26], $0x28  }
0x187: {  	[sflag:s26] =	ssyncset.done $0x0  }
0x188: {  	[sflag:s26] =	ssyncadd.s32 $0xFFFFFFD8  }
0x189: {  	_ =	swait.ge [sflag:s26], $0x28  }
0x18a: {  	[sflag:s26] =	ssyncset.done $0x0  }
0x18b: {  	[sflag:s26] =	ssyncadd.s32 $0xFFFFFFD8  }
0x18c: {  	[tilespmem:s31], [sflag:$0x2] =	stream.indirect.gather [hbm4b:s5+s28], $0x80, s25, s28, $0xb8;
	[tilespmem:$0x1AE00] =	vst v63  }
0x18d: {  	_ =	swait.ge [sflag:s3], $0x1400  }
0x18e: {  	[sflag:s3] =	ssyncset.done $0x0  }
0x18f: {  	s11 =	smin.u32 s7, $0xEC;
	s16 =	simm.s32 $0x680;
	[sflag:s3] =	ssyncadd.s32 $0xFFFFEC00  }
0x190: {  	[spmem:s2] =	stream.indirect.scatter.add.f32 [tilespmem:s9], [sflag:$0x3], $0x80, s16, s28, $0xb8;
	[tilespmem:$0x1AE00] =	vst v63  }
0x191: {  	s10 =	smul.u32 $0x28, s11;
	_ =	swait.ge [sflag:s0], $0x1400  }
0x192: {  	s18 =	rddreg [dreg:$0x7]  }
0x193: {  	s10 =	sadd.s32 s10, s18  }
0x194: {  	s10 =	sshrl.u32 s10, $0x3  }
0x195: {  	[sflag:s0] =	ssyncset.done $0x0;
	s10 =	sadd.s32 s6, s10  }
0x196: {  	[sflag:s0] =	ssyncadd.s32 $0xFFFFEC00;
	s19 =	sadd.s32 $0x9C40, s10  }
0x197: {  	[tilespmem:s17], [sflag:$0x1] =	stream.linear.gather [hbm4b:s19+s4], $0x28, $0x38;
	[tilespmem:$0x1AE00] =	vst v63  }
0x198: {  	_ = 	snop  }
0x199: {  	[tilespmem:s16], [sflag:$0x1] =	stream.linear.gather [hbm4b:s10+s4], $0x28, $0x38;
	[tilespmem:$0x1AE00] =	vst v63  }
0x19a: {  	_ =	swait.ge [sflag:s26], $0x28  }
0x19b: {  	[sflag:s26] =	ssyncset.done $0x0  }
0x19c: {  	[sflag:s26] =	ssyncadd.s32 $0xFFFFFFD8  }
0x19d: {  	_ =	swait.ge [sflag:s26], $0x28  }
0x19e: {  	[sflag:s26] =	ssyncset.done $0x0  }
0x19f: {  	[sflag:s26] =	ssyncadd.s32 $0xFFFFFFD8  }
0x1a0: {  	[tilespmem:s9], [sflag:$0x2] =	stream.indirect.gather [hbm4b:s5+s28], $0x80, s12, s28, $0xb8;
	[tilespmem:$0x1AE00] =	vst v63  }
0x1a1: {  	_ =	swait.ge [sflag:s3], $0x1400  }
0x1a2: {  	[sflag:s3] =	ssyncset.done $0x0  }
0x1a3: {  	s11 =	smin.u32 s7, $0xEB;
	[sflag:s3] =	ssyncadd.s32 $0xFFFFEC00  }
0x1a4: {  	[spmem:s2] =	stream.indirect.scatter.add.f32 [tilespmem:s8], [sflag:$0x3], $0x80, s21, s28, $0xb8;
	[tilespmem:$0x1AE00] =	vst v63  }
0x1a5: {  	s10 =	smul.u32 $0x28, s11;
	_ =	swait.ge [sflag:s0], $0x1400  }
0x1a6: {  	s16 =	rddreg [dreg:$0x8]  }
0x1a7: {  	s10 =	sadd.s32 s10, s16  }
0x1a8: {  	s10 =	sshrl.u32 s10, $0x3  }
0x1a9: {  	[sflag:s0] =	ssyncset.done $0x0;
	s10 =	sadd.s32 s6, s10  }
0x1aa: {  	[sflag:s0] =	ssyncadd.s32 $0xFFFFEC00;
	s18 =	sadd.s32 $0x9C40, s10  }
0x1ab: {  	[tilespmem:s20], [sflag:$0x1] =	stream.linear.gather [hbm4b:s18+s4], $0x28, $0x38;
	[tilespmem:$0x1AE00] =	vst v63  }
0x1ac: {  	_ = 	snop  }
0x1ad: {  	[tilespmem:s21], [sflag:$0x1] =	stream.linear.gather [hbm4b:s10+s4], $0x28, $0x38;
	[tilespmem:$0x1AE00] =	vst v63  }
0x1ae: {  	_ =	swait.ge [sflag:s26], $0x28  }
0x1af: {  	[sflag:s26] =	ssyncset.done $0x0  }
0x1b0: {  	[sflag:s26] =	ssyncadd.s32 $0xFFFFFFD8  }
0x1b1: {  	_ =	swait.ge [sflag:s26], $0x28  }
0x1b2: {  	[sflag:s26] =	ssyncset.done $0x0  }
0x1b3: {  	s16 =	simm.s32 $0x480;
	[sflag:s26] =	ssyncadd.s32 $0xFFFFFFD8  }
0x1b4: {  	[tilespmem:s8], [sflag:$0x2] =	stream.indirect.gather [hbm4b:s5+s28], $0x80, s16, s28, $0xb8;
	[tilespmem:$0x1AE00] =	vst v63  }
0x1b5: {  	_ =	swait.ge [sflag:s3], $0x1400  }
0x1b6: {  	[sflag:s3] =	ssyncset.done $0x0  }
0x1b7: {  	s11 =	smin.u32 s7, $0xEA;
	s20 =	simm.s32 $0x780;
	[sflag:s3] =	ssyncadd.s32 $0xFFFFEC00  }
0x1b8: {  	[spmem:s2] =	stream.indirect.scatter.add.f32 [tilespmem:s29], [sflag:$0x3], $0x80, s20, s28, $0xb8;
	[tilespmem:$0x1AE00] =	vst v63  }
0x1b9: {  	s10 =	smul.u32 $0x28, s11;
	_ =	swait.ge [sflag:s0], $0x1400  }
0x1ba: {  	s18 =	rddreg [dreg:$0x9]  }
0x1bb: {  	s10 =	sadd.s32 s10, s18  }
0x1bc: {  	s10 =	sshrl.u32 s10, $0x3  }
0x1bd: {  	[sflag:s0] =	ssyncset.done $0x0;
	s10 =	sadd.s32 s6, s10  }
0x1be: {  	[sflag:s0] =	ssyncadd.s32 $0xFFFFEC00;
	s18 =	sadd.s32 $0x9C40, s10  }
0x1bf: {  	[tilespmem:s22], [sflag:$0x1] =	stream.linear.gather [hbm4b:s18+s4], $0x28, $0x38;
	[tilespmem:$0x1AE00] =	vst v63  }
0x1c0: {  	_ = 	snop  }
0x1c1: {  	[tilespmem:s20], [sflag:$0x1] =	stream.linear.gather [hbm4b:s10+s4], $0x28, $0x38;
	[tilespmem:$0x1AE00] =	vst v63  }
0x1c2: {  	_ =	swait.ge [sflag:s26], $0x28  }
0x1c3: {  	[sflag:s26] =	ssyncset.done $0x0  }
0x1c4: {  	[sflag:s26] =	ssyncadd.s32 $0xFFFFFFD8  }
0x1c5: {  	_ =	swait.ge [sflag:s26], $0x28  }
0x1c6: {  	[sflag:s26] =	ssyncset.done $0x0  }
0x1c7: {  	[sflag:s26] =	ssyncadd.s32 $0xFFFFFFD8  }
0x1c8: {  	[tilespmem:s29], [sflag:$0x2] =	stream.indirect.gather [hbm4b:s5+s28], $0x80, s4, s28, $0xb8;
	[tilespmem:$0x1AE00] =	vst v63  }
0x1c9: {  	_ =	swait.ge [sflag:s3], $0x1400  }
0x1ca: {  	[sflag:s3] =	ssyncset.done $0x0  }
0x1cb: {  	s11 =	smin.u32 s7, $0xE9;
	[sflag:s3] =	ssyncadd.s32 $0xFFFFEC00  }
0x1cc: {  	[spmem:s2] =	stream.indirect.scatter.add.f32 [tilespmem:s30], [sflag:$0x3], $0x80, s24, s28, $0xb8;
	[tilespmem:$0x1AE00] =	vst v63  }
0x1cd: {  	s10 =	smul.u32 $0x28, s11;
	_ =	swait.ge [sflag:s0], $0x1400  }
0x1ce: {  	s18 =	rddreg [dreg:$0xa]  }
0x1cf: {  	s10 =	sadd.s32 s10, s18  }
0x1d0: {  	s10 =	sshrl.u32 s10, $0x3  }
0x1d1: {  	[sflag:s0] =	ssyncset.done $0x0;
	s10 =	sadd.s32 s6, s10  }
0x1d2: {  	[sflag:s0] =	ssyncadd.s32 $0xFFFFEC00;
	s18 =	sadd.s32 $0x9C40, s10  }
0x1d3: {  	[tilespmem:s23], [sflag:$0x1] =	stream.linear.gather [hbm4b:s18+s4], $0x28, $0x38;
	[tilespmem:$0x1AE00] =	vst v63  }
0x1d4: {  	_ = 	snop  }
0x1d5: {  	[tilespmem:s24], [sflag:$0x1] =	stream.linear.gather [hbm4b:s10+s4], $0x28, $0x38;
	[tilespmem:$0x1AE00] =	vst v63  }
0x1d6: {  	_ =	swait.ge [sflag:s26], $0x28  }
0x1d7: {  	[sflag:s26] =	ssyncset.done $0x0  }
0x1d8: {  	[sflag:s26] =	ssyncadd.s32 $0xFFFFFFD8  }
0x1d9: {  	_ =	swait.ge [sflag:s26], $0x28  }
0x1da: {  	[sflag:s26] =	ssyncset.done $0x0  }
0x1db: {  	[sflag:s26] =	ssyncadd.s32 $0xFFFFFFD8  }
0x1dc: {  	[tilespmem:s30], [sflag:$0x2] =	stream.indirect.gather [hbm4b:s5+s28], $0x80, s13, s28, $0xb8;
	[tilespmem:$0x1AE00] =	vst v63  }
0x1dd: {  	_ =	swait.ge [sflag:s3], $0x1400  }
0x1de: {  	[sflag:s3] =	ssyncset.done $0x0  }
0x1df: {  	s18 =	simm.s32 $0x880;
	s10 =	smin.u32 s7, $0xE8;
	[sflag:s3] =	ssyncadd.s32 $0xFFFFEC00  }
0x1e0: {  	[spmem:s2] =	stream.indirect.scatter.add.f32 [tilespmem:s31], [sflag:$0x3], $0x80, s18, s28, $0xb8;
	[tilespmem:$0x1AE00] =	vst v63  }
0x1e1: {  	s10 =	smul.u32 $0x28, s10;
	_ =	swait.ge [sflag:s0], $0x1400  }
0x1e2: {  	s11 =	rddreg [dreg:$0xb]  }
0x1e3: {  	s10 =	sadd.s32 s10, s11  }
0x1e4: {  	s10 =	sshrl.u32 s10, $0x3  }
0x1e5: {  	[sflag:s0] =	ssyncset.done $0x0;
	s10 =	sadd.s32 s6, s10  }
0x1e6: {  	[sflag:s0] =	ssyncadd.s32 $0xFFFFEC00;
	s11 =	sadd.s32 $0x9C40, s10  }
0x1e7: {  	[tilespmem:s25], [sflag:$0x1] =	stream.linear.gather [hbm4b:s11+s4], $0x28, $0x38;
	[tilespmem:$0x1AE00] =	vst v63  }
0x1e8: {  	_ = 	snop  }
0x1e9: {  	[tilespmem:s18], [sflag:$0x1] =	stream.linear.gather [hbm4b:s10+s4], $0x28, $0x38;
	[tilespmem:$0x1AE00] =	vst v63  }
0x1ea: {  	_ =	swait.ge [sflag:s26], $0x28  }
0x1eb: {  	[sflag:s26] =	ssyncset.done $0x0  }
0x1ec: {  	[sflag:s26] =	ssyncadd.s32 $0xFFFFFFD8  }
0x1ed: {  	_ =	swait.ge [sflag:s26], $0x28  }
0x1ee: {  	[sflag:s26] =	ssyncset.done $0x0  }
0x1ef: {  	[sflag:s26] =	ssyncadd.s32 $0xFFFFFFD8  }
0x1f0: {  	[tilespmem:s31], [sflag:$0x2] =	stream.indirect.gather [hbm4b:s5+s28], $0x80, s15, s28, $0xb8;
	[tilespmem:$0x1AE00] =	vst v63  }
0x1f1: {  	_ =	swait.ge [sflag:s3], $0x1400  }
0x1f2: {  	[sflag:s3] =	ssyncset.done $0x0  }
0x1f3: {  	s11 =	smin.u32 s7, $0xE7;
	[sflag:s3] =	ssyncadd.s32 $0xFFFFEC00  }
0x1f4: {  	[spmem:s2] =	stream.indirect.scatter.add.f32 [tilespmem:s9], [sflag:$0x3], $0x80, s14, s28, $0xb8;
	[tilespmem:$0x1AE00] =	vst v63  }
0x1f5: {  	s10 =	smul.u32 $0x28, s11;
	_ =	swait.ge [sflag:s0], $0x1400  }
0x1f6: {  	s18 =	rddreg [dreg:$0xc]  }
0x1f7: {  	s10 =	sadd.s32 s10, s18  }
0x1f8: {  	s10 =	sshrl.u32 s10, $0x3  }
0x1f9: {  	[sflag:s0] =	ssyncset.done $0x0;
	s10 =	sadd.s32 s6, s10  }
0x1fa: {  	[sflag:s0] =	ssyncadd.s32 $0xFFFFEC00;
	s18 =	sadd.s32 $0x9C40, s10  }
0x1fb: {  	[tilespmem:s12], [sflag:$0x1] =	stream.linear.gather [hbm4b:s18+s4], $0x28, $0x38;
	[tilespmem:$0x1AE00] =	vst v63  }
0x1fc: {  	_ = 	snop  }
0x1fd: {  	[tilespmem:s14], [sflag:$0x1] =	stream.linear.gather [hbm4b:s10+s4], $0x28, $0x38;
	[tilespmem:$0x1AE00] =	vst v63  }
0x1fe: {  	_ =	swait.ge [sflag:s26], $0x28  }
0x1ff: {  	[sflag:s26] =	ssyncset.done $0x0  }
0x200: {  	[sflag:s26] =	ssyncadd.s32 $0xFFFFFFD8  }
0x201: {  	_ =	swait.ge [sflag:s26], $0x28  }
0x202: {  	[sflag:s26] =	ssyncset.done $0x0  }
0x203: {  	[sflag:s26] =	ssyncadd.s32 $0xFFFFFFD8  }
0x204: {  	[tilespmem:s9], [sflag:$0x2] =	stream.indirect.gather [hbm4b:s5+s28], $0x80, s17, s28, $0xb8;
	[tilespmem:$0x1AE00] =	vst v63  }
0x205: {  	_ =	swait.ge [sflag:s3], $0x1400  }
0x206: {  	[sflag:s3] =	ssyncset.done $0x0  }
0x207: {  	s7 =	smin.u32 s7, $0xE6;
	s11 =	simm.s32 $0x980;
	[sflag:s3] =	ssyncadd.s32 $0xFFFFEC00  }
0x208: {  	[spmem:s2] =	stream.indirect.scatter.add.f32 [tilespmem:s8], [sflag:$0x3], $0x80, s11, s28, $0xb8;
	[tilespmem:$0x1AE00] =	vst v63  }
0x209: {  	s7 =	smul.u32 $0x28, s7;
	_ =	swait.ge [sflag:s0], $0x1400  }
0x20a: {  	s18 =	rddreg [dreg:$0xd]  }
0x20b: {  	s7 =	sadd.s32 s7, s18  }
0x20c: {  	s7 =	sshrl.u32 s7, $0x3  }
0x20d: {  	[sflag:s0] =	ssyncset.done $0x0;
	s7 =	sadd.s32 s6, s7  }
0x20e: {  	[sflag:s0] =	ssyncadd.s32 $0xFFFFEC00;
	s18 =	sadd.s32 $0x9C40, s7  }
0x20f: {  	[tilespmem:s16], [sflag:$0x1] =	stream.linear.gather [hbm4b:s18+s4], $0x28, $0x38;
	[tilespmem:$0x1AE00] =	vst v63  }
0x210: {  	_ = 	snop  }
0x211: {  	[tilespmem:s11], [sflag:$0x1] =	stream.linear.gather [hbm4b:s7+s4], $0x28, $0x38;
	[tilespmem:$0x1AE00] =	vst v63  }
0x212: {  	p0 =	sne.s32 s1, $0xF0;
	_ =	swait.ge [sflag:s26], $0x28  }
.Ltmp0:
0x213: {  	[sflag:s26] =	ssyncset.done $0x0;
	(pc) =	sbr.rel @p0 .LBB2_2-.Ltmp0, $4  }
0x214: {  	[sflag:s26] =	ssyncadd.s32 $0xFFFFFFD8  }
0x215: {  	_ =	swait.ge [sflag:s26], $0x28  }
0x216: {  	[sflag:s26] =	ssyncset.done $0x0  }
0x217: {  	s1 =	sadd.s32 $0xA, s1;
	s19 =	simm.s32 $0x200;
	[sflag:s26] =	ssyncadd.s32 $0xFFFFFFD8  }
0x218: {  	[tilespmem:s8], [sflag:$0x2] =	stream.indirect.gather [hbm4b:s5+s28], $0x80, s19, s28, $0xb8;
	[tilespmem:$0x1AE00] =	vst v63  }
0x219: {  	_ =	swait.ge [sflag:s3], $0x1400  }
0x21a: {  	[sflag:s3] =	ssyncset.done $0x0  }
0x21b: {  	[sflag:s3] =	ssyncadd.s32 $0xFFFFEC00  }
0x21c: {  	_ =	swait.ge [sflag:s26], $0x28  }
0x21d: {  	[sflag:s26] =	ssyncset.done $0x0  }
0x21e: {  	[sflag:s26] =	ssyncadd.s32 $0xFFFFFFD8  }
0x21f: {  	_ =	swait.ge [sflag:s26], $0x28  }
0x220: {  	[sflag:s26] =	ssyncset.done $0x0  }
0x221: {  	[sflag:s26] =	ssyncadd.s32 $0xFFFFFFD8  }
0x222: {  	_ =	swait.ge [sflag:s3], $0x1400  }
0x223: {  	[sflag:s3] =	ssyncset.done $0x0  }
0x224: {  	[sflag:s3] =	ssyncadd.s32 $0xFFFFEC00  }
0x225: {  	_ =	swait.ge [sflag:s26], $0x28  }
0x226: {  	[sflag:s26] =	ssyncset.done $0x0  }
0x227: {  	[sflag:s26] =	ssyncadd.s32 $0xFFFFFFD8  }
0x228: {  	_ =	swait.ge [sflag:s26], $0x28  }
0x229: {  	[sflag:s26] =	ssyncset.done $0x0  }
0x22a: {  	[sflag:s26] =	ssyncadd.s32 $0xFFFFFFD8  }
0x22b: {  	_ =	swait.ge [sflag:s3], $0x1400  }
0x22c: {  	[sflag:s3] =	ssyncset.done $0x0  }
0x22d: {  	[sflag:s3] =	ssyncadd.s32 $0xFFFFEC00  }
0x22e: {  	_ =	swait.ge [sflag:s26], $0x28  }
0x22f: {  	[sflag:s26] =	ssyncset.done $0x0  }
0x230: {  	[sflag:s26] =	ssyncadd.s32 $0xFFFFFFD8  }
0x231: {  	_ =	swait.ge [sflag:s26], $0x28  }
0x232: {  	[sflag:s26] =	ssyncset.done $0x0  }
0x233: {  	[sflag:s26] =	ssyncadd.s32 $0xFFFFFFD8  }
0x234: {  	_ =	swait.ge [sflag:s3], $0x1400  }
0x235: {  	[sflag:s3] =	ssyncset.done $0x0  }
0x236: {  	[sflag:s3] =	ssyncadd.s32 $0xFFFFEC00  }
0x237: {  	_ =	swait.ge [sflag:s26], $0x28  }
0x238: {  	[sflag:s26] =	ssyncset.done $0x0  }
0x239: {  	[sflag:s26] =	ssyncadd.s32 $0xFFFFFFD8  }
0x23a: {  	_ =	swait.ge [sflag:s26], $0x28  }
0x23b: {  	[sflag:s26] =	ssyncset.done $0x0  }
0x23c: {  	[sflag:s26] =	ssyncadd.s32 $0xFFFFFFD8  }
0x23d: {  	_ =	swait.ge [sflag:s3], $0x1400  }
0x23e: {  	[sflag:s3] =	ssyncset.done $0x0  }
0x23f: {  	[sflag:s3] =	ssyncadd.s32 $0xFFFFEC00  }
0x240: {  	_ =	swait.ge [sflag:s26], $0x28  }
0x241: {  	[sflag:s26] =	ssyncset.done $0x0  }
0x242: {  	[sflag:s26] =	ssyncadd.s32 $0xFFFFFFD8  }
0x243: {  	_ =	swait.ge [sflag:s26], $0x28  }
0x244: {  	[sflag:s26] =	ssyncset.done $0x0  }
0x245: {  	[sflag:s26] =	ssyncadd.s32 $0xFFFFFFD8  }
0x246: {  	[bflag:$0x0] =	sbarrier.arrive $0xFFFF  }
0x247: {  	s7 =	sld [smem:$0x7F6]  }
0x248: {  	s10 =	rddreg [dreg:$0xf]  }
0x249: {  	s1 =	rddreg [dreg:$0x1f]  }
0x24a: {  	[hbm:s1], [sflag:s10] =	dma.local [spmem:s7], $0x2800  }
0x24b: {  	_ =	swait.ge [sflag:s0], $0x2800  }
0x24c: {  	s24 =	sld [smem:$0x7FD]  }
0x24d: {  	s25 =	sld [smem:$0x7F7];
	_ =	sdelay $0x1  }
0x24e: {  	s7 =	sadd.s32 $0x1, s24  }
0x24f: {  	s11 =	simm.s32 $0x80;
	s13 =	simm.s32 $0x580;
	p0 =	sne.s32 s7, s25  }
.Ltmp1:
0x250: {  	s14 =	simm.s32 $0x100;
	s15 =	simm.s32 $0x600;
	(pc) =	sbr.rel @p0 .LBB2_1-.Ltmp1, $4  }
0x251: {  	s16 =	simm.s32 $0x180;
	s17 =	simm.s32 $0x680;
	s18 =	simm.s32 $0x700  }
0x252: {  	s19 =	simm.s32 $0x280;
	s21 =	simm.s32 $0x300;
	s22 =	simm.s32 $0x800  }
0x253: {  	s23 =	simm.s32 $0x380;
	s12 =	simm.s32 $0x880;
	[sflag:s0] =	ssyncset.done $0x0  }
0x254: {  	[sflag:s0] =	ssyncadd.s32 $0xFFFFD800;
	[smem:$0x7FD] =	sst s7;
	s7 =	simm.s32 $0x500  }
0x255: {  	_ =	sfence.sel $0x180000  }
0x256: {  	[bflag:$0x0] =	sbarrier.arrive $0xFFFF  }
0x257: {  	_ =	strace $0x90000047  }
0x258: {  	s0 =	stileid.u32;
	[bflag:$0x2] =	sbarrier.arrive $0xFFFF  }
0x259: {  	p0 =	sne.s32 s0, $0x0;
	s0 =	rddreg [dreg:$0x3]  }
0x25a: {  	s0 =	sadd.s32 @!p0 $0x100000, s0  }
0x25b: {  	[sflag:s0] =	ssyncadd.tile.s32 @!p0 $0x1;
	_ =	shalt  }
.Lfunc_end2:
_tile_overlayer_lowered:
.L_overlay_start_2:
0x25c: {  	(tag) =	ssettag $0x2  }
0x25d: {  	s0 =	rddreg [dreg:$0x0];
	s2 =	stileid.u32  }
0x25e: {  	s1 =	rddreg [dreg:$0x1];
	p0 =	sne.s32 s2, $0x0  }
0x25f: {  	s3 =	rddreg [dreg:$0x2];
	[bflag:$0x3] =	sbarrier.arrive $0xFFFF;
	s2 =	simm.s32 @!p0 $0x1C03  }
0x260: {  	[timem:s3], [sflag:s2] =	dma.local @!p0 [hbm:s0], s1  }
0x261: {  	s0 =	simm.s32 @!p0 $0x3  }
0x262: {  	_ =	swait.ge @!p0 [sflag:s0], s1  }
0x263: {  	s1 =	ssub.s32 @!p0 $0x0, s1;
	[sflag:s0] =	ssyncset.done @!p0 $0x0  }
0x264: {  	[sflag:s0] =	ssyncadd.s32 @!p0 s1  }
0x265: {  	[bflag:$0x3] =	sbarrier.arrive $0xFFFF  }
0x266: {  	_ =	shalt  }

</sc_bundles>
